<compile_context>
chip_gen: v7x
topology: tpu7x:2x2x1
jax: 0.10.2.dev20260603
libtpu: 0.0.44.dev20260713+nightly
codegen_flags: <defaults>
</compile_context>

<pallas_src>
import functools

import jax
import jax.numpy as jnp
from jax import lax
from jax.experimental import pallas as pl
from jax.experimental.pallas import tpu as pltpu
from jax.experimental.pallas import tpu_sc as plsc

N_WORDS = 1000000
D = 64
BATCH = 16384
HIST = 50
B = BATCH * HIST

NC = 2
NS = 16
NW = NC * NS
NBT = BATCH // 128
NUNIT = HIST * NBT
UPW = NUNIT // NW
NBUF = 4

_mesh = plsc.VectorSubcoreMesh(
    core_axis_name="c", subcore_axis_name="s", num_cores=NC, num_subcores=NS
)


@functools.partial(
    pl.kernel,
    out_type=jax.ShapeDtypeStruct((HIST, 8, NBT, 1024), jnp.float32),
    mesh=_mesh,
    compiler_params=pltpu.CompilerParams(
        use_tc_tiling_on_sc=False, needs_layout_passes=False
    ),
    scratch_types=[
        pltpu.VMEM((UPW, 128), jnp.int32),
        pltpu.VMEM((NBUF, 128, D), jnp.float32),
        pltpu.VMEM((NBUF, 8 * 1024), jnp.float32),
    ]
    + [pltpu.SemaphoreType.DMA] * (2 * NBUF),
)
def _emb_lookup(idx_hbm, table_hbm, out_hbm, idx_v, rows_v, tbuf, *sems):
    gsem = sems[:NBUF]
    osem = sems[NBUF:]
    wid = lax.axis_index("s") * NC + lax.axis_index("c")
    pltpu.sync_copy(idx_hbm.at[wid], idx_v)

    def gather(j, b):
        return pltpu.make_async_copy(
            table_hbm.at[idx_v.at[j]], rows_v.at[b], gsem[b]
        )

    def writeback_descs(j, b):
        u = wid * UPW + j
        h = u // NBT
        bt = u % NBT
        return [
            pltpu.make_async_copy(
                tbuf.at[b, pl.ds(dt * 1024, 1024)],
                out_hbm.at[h, dt, bt],
                osem[b],
            )
            for dt in range(8)
        ]

    lane = lax.iota(jnp.int32, 16)
    col_ids = [16 * k + lane for k in range(4)]
    sbase = [2048 * k + 128 * lane for k in range(4)]

    def transpose(b):
        rv = rows_v.at[b]
        tb = tbuf.at[b]

        @plsc.parallel_loop(0, 128, unroll=8)
        def _diag(r0):
            row = (jnp.full((16,), r0, jnp.int32) + lane) & 127
            for k in range(4):
                v = plsc.load_gather(rv, [row, col_ids[k]])
                plsc.store_scatter(tb, [sbase[k] + row], v)

    for b in range(NBUF):
        gather(b, b).start()

    @pl.loop(0, UPW, step=NBUF)
    def _group(j0):
        for b in range(NBUF):
            j = j0 + b
            gather(j, b).wait()

            @pl.when(j >= NBUF)
            def _():
                for d in writeback_descs(j - NBUF, b):
                    d.wait()

            transpose(b)
            for d in writeback_descs(j, b):
                d.start()

            @pl.when(j + NBUF < UPW)
            def _():
                gather(j + NBUF, b).start()

    for b in range(NBUF):
        for d in writeback_descs(UPW - NBUF + b, b):
            d.wait()


def kernel(x, x_0):
    idx = x.T.reshape(NW, UPW, 128)
    out4 = _emb_lookup(idx, x_0)
    out5 = out4.reshape(HIST, 8, NBT, 8, 128)
    return out5.transpose(2, 4, 0, 1, 3).reshape(BATCH, HIST, D)

# --- scband reference (transcript-rebuilt; emitter-appended) ---
"""Pipeline reference for scband-model-17695265260109 (READ-ONLY COPY).

The authoritative reference and input builder live on the scoring server;
editing this copy changes nothing except your own understanding.
"""

import jax, jax.numpy as jnp
import numpy as np

N_WORDS = 1000000
LATENT_DIM = 64
INITIAL_SIGMA = 0.001
BATCH = 16384
HIST = 50


def setup_inputs(seed: int = 0) -> dict:
    key = jax.random.key(seed)
    k_idx, k_tab = jax.random.split(key)
    x = jax.random.randint(k_idx, (BATCH, HIST), 0, N_WORDS, dtype=jnp.int64 if jax.config.jax_enable_x64 else jnp.int32).astype(jnp.int32)
    # embedding table initialized like nn.init.normal_(std=initial_sigma)
    x_0 = jax.random.normal(k_tab, (N_WORDS, LATENT_DIM), dtype=jnp.float32) * INITIAL_SIGMA
    return {"x": x, "x_0": x_0}


def reference(x, x_0):
    # forward: embedding lookup (gather rows of the table)
    return jnp.take(x_0, x, axis=0)

if __name__ == "__main__":
    import jax
    _d = setup_inputs()
    print(jax.jit(kernel)(*tuple(_d.values())))

</pallas_src>

<mosaic_0001>
#map = affine_map<(d0, d1) -> (0, 0, 0)>
#map1 = affine_map<(d0, d1) -> (0, 0)>
#map2 = affine_map<(d0, d1) -> (0, 0, 0, 0)>
module attributes {stable_mosaic.version = 14 : i64} {
  func.func @_emb_lookup(%arg0: i32, %arg1: i32, %arg2: memref<32x200x128xi32, #tpu.memory_space<hbm>>, %arg3: memref<1000000x64xf32, #tpu.memory_space<hbm>>, %arg4: memref<50x8x128x1024xf32, #tpu.memory_space<hbm>>, %arg5: memref<200x128xi32, #tpu.memory_space<vmem>>, %arg6: memref<4x128x64xf32, #tpu.memory_space<vmem>>, %arg7: memref<4x8192xf32, #tpu.memory_space<vmem>>, %arg8: memref<!tpu.dma_semaphore, #tpu.memory_space<semaphore_mem>>, %arg9: memref<!tpu.dma_semaphore, #tpu.memory_space<semaphore_mem>>, %arg10: memref<!tpu.dma_semaphore, #tpu.memory_space<semaphore_mem>>, %arg11: memref<!tpu.dma_semaphore, #tpu.memory_space<semaphore_mem>>, %arg12: memref<!tpu.dma_semaphore, #tpu.memory_space<semaphore_mem>>, %arg13: memref<!tpu.dma_semaphore, #tpu.memory_space<semaphore_mem>>, %arg14: memref<!tpu.dma_semaphore, #tpu.memory_space<semaphore_mem>>, %arg15: memref<!tpu.dma_semaphore, #tpu.memory_space<semaphore_mem>>) attributes {dimension_semantics = [#tpu.dimension_semantics<core_parallel>, #tpu.dimension_semantics<subcore_parallel>], iteration_bounds = array<i64: 2, 16>, scalar_prefetch = 0 : i64, scratch_operands = 11 : i64, tpu.core_type = #tpu.core_type<sc_vector_subcore>, window_params = [{transform_indices = #map}, {transform_indices = #map1}, {transform_indices = #map2}]} {
    %mul3A = arith.constant 2 : i32
    %mul3A_0 = arith.muli %arg1, %mul3A : i32
    %add3A = arith.addi %mul3A_0, %arg0 : i32
    "tpu.region"() ({
      %run_scoped3A = tpu.sem_alloc : memref<!tpu.dma_semaphore, #tpu.memory_space<semaphore_mem>>
      %dma_start3A_701 = arith.constant 0 : i32
      %dma_start3A_702 = arith.constant 0 : i32
      %dma_start3A_703 = tpu.memref_slice %arg2[%add3A, %dma_start3A_701, %dma_start3A_702] : memref<32x200x128xi32, #tpu.memory_space<hbm>> -> memref<1x200x128xi32, #tpu.memory_space<hbm>>
      %dma_start3A_704 = tpu.memref_squeeze %dma_start3A_703 : memref<1x200x128xi32, #tpu.memory_space<hbm>> -> memref<200x128xi32, #tpu.memory_space<hbm>>
      %dma_start3A_705 = arith.constant 0 : i32
      %dma_start3A_706 = arith.constant 0 : i32
      %dma_start3A_707 = tpu.memref_slice %arg2[%add3A, %dma_start3A_705, %dma_start3A_706] : memref<32x200x128xi32, #tpu.memory_space<hbm>> -> memref<1x200x128xi32, #tpu.memory_space<hbm>>
      %dma_start3A_708 = tpu.memref_squeeze %dma_start3A_707 : memref<1x200x128xi32, #tpu.memory_space<hbm>> -> memref<200x128xi32, #tpu.memory_space<hbm>>
      tpu.enqueue_dma source(%dma_start3A_708 : memref<200x128xi32, #tpu.memory_space<hbm>>) target(%arg5 : memref<200x128xi32, #tpu.memory_space<vmem>>) target_semaphore(%run_scoped3A : memref<!tpu.dma_semaphore, #tpu.memory_space<semaphore_mem>>)
      %dma_wait3A_709 = arith.constant 0 : i32
      %dma_wait3A_710 = arith.constant 0 : i32
      %dma_wait3A_711 = tpu.memref_slice %arg2[%add3A, %dma_wait3A_709, %dma_wait3A_710] : memref<32x200x128xi32, #tpu.memory_space<hbm>> -> memref<1x200x128xi32, #tpu.memory_space<hbm>>
      %dma_wait3A_712 = tpu.memref_squeeze %dma_wait3A_711 : memref<1x200x128xi32, #tpu.memory_space<hbm>> -> memref<200x128xi32, #tpu.memory_space<hbm>>
      %dma_wait3A_713 = arith.constant 0 : i32
      %dma_wait3A_714 = arith.constant 0 : i32
      %dma_wait3A_715 = tpu.memref_slice %arg2[%add3A, %dma_wait3A_713, %dma_wait3A_714] : memref<32x200x128xi32, #tpu.memory_space<hbm>> -> memref<1x200x128xi32, #tpu.memory_space<hbm>>
      %dma_wait3A_716 = tpu.memref_squeeze %dma_wait3A_715 : memref<1x200x128xi32, #tpu.memory_space<hbm>> -> memref<200x128xi32, #tpu.memory_space<hbm>>
      tpu.wait_dma2 semaphore(%run_scoped3A : memref<!tpu.dma_semaphore, #tpu.memory_space<semaphore_mem>>) src(%dma_wait3A_716 : memref<200x128xi32, #tpu.memory_space<hbm>>) dst(%arg5 : memref<200x128xi32, #tpu.memory_space<vmem>>)
      tpu.yield
    }) : () -> ()
    %iota3A = tpu.iota {dimensions = array<i32: 0>} : vector<16xi32>
    %add3A_1 = arith.constant 0 : i32
    %add3A_2 = vector.broadcast %add3A_1 : i32 to vector<16xi32>
    %add3A_3 = arith.addi %add3A_2, %iota3A : vector<16xi32>
    %add3A_4 = arith.constant 16 : i32
    %add3A_5 = vector.broadcast %add3A_4 : i32 to vector<16xi32>
    %add3A_6 = arith.addi %add3A_5, %iota3A : vector<16xi32>
    %add3A_7 = arith.constant 32 : i32
    %add3A_8 = vector.broadcast %add3A_7 : i32 to vector<16xi32>
    %add3A_9 = arith.addi %add3A_8, %iota3A : vector<16xi32>
    %add3A_10 = arith.constant 48 : i32
    %add3A_11 = vector.broadcast %add3A_10 : i32 to vector<16xi32>
    %add3A_12 = arith.addi %add3A_11, %iota3A : vector<16xi32>
    %mul3A_13 = arith.constant 128 : i32
    %mul3A_14 = vector.broadcast %mul3A_13 : i32 to vector<16xi32>
    %mul3A_15 = arith.muli %mul3A_14, %iota3A : vector<16xi32>
    %add3A_16 = arith.constant 0 : i32
    %add3A_17 = vector.broadcast %add3A_16 : i32 to vector<16xi32>
    %add3A_18 = arith.addi %add3A_17, %mul3A_15 : vector<16xi32>
    %mul3A_19 = arith.constant 128 : i32
    %mul3A_20 = vector.broadcast %mul3A_19 : i32 to vector<16xi32>
    %mul3A_21 = arith.muli %mul3A_20, %iota3A : vector<16xi32>
    %add3A_22 = arith.constant 2048 : i32
    %add3A_23 = vector.broadcast %add3A_22 : i32 to vector<16xi32>
    %add3A_24 = arith.addi %add3A_23, %mul3A_21 : vector<16xi32>
    %mul3A_25 = arith.constant 128 : i32
    %mul3A_26 = vector.broadcast %mul3A_25 : i32 to vector<16xi32>
    %mul3A_27 = arith.muli %mul3A_26, %iota3A : vector<16xi32>
    %add3A_28 = arith.constant 4096 : i32
    %add3A_29 = vector.broadcast %add3A_28 : i32 to vector<16xi32>
    %add3A_30 = arith.addi %add3A_29, %mul3A_27 : vector<16xi32>
    %mul3A_31 = arith.constant 128 : i32
    %mul3A_32 = vector.broadcast %mul3A_31 : i32 to vector<16xi32>
    %mul3A_33 = arith.muli %mul3A_32, %iota3A : vector<16xi32>
    %add3A_34 = arith.constant 6144 : i32
    %add3A_35 = vector.broadcast %add3A_34 : i32 to vector<16xi32>
    %add3A_36 = arith.addi %add3A_35, %mul3A_33 : vector<16xi32>
    %dma_start3A = arith.constant 0 : i32
    %dma_start3A_37 = arith.constant 0 : i32
    %dma_start3A_38 = arith.constant 0 : i32
    %dma_start3A_39 = arith.constant 0 : i32
    %dma_start3A_40 = tpu.memref_slice %arg6[%dma_start3A_37, %dma_start3A_38, %dma_start3A_39] : memref<4x128x64xf32, #tpu.memory_space<vmem>> -> memref<1x128x64xf32, #tpu.memory_space<vmem>>
    %dma_start3A_41 = tpu.memref_squeeze %dma_start3A_40 : memref<1x128x64xf32, #tpu.memory_space<vmem>> -> memref<128x64xf32, #tpu.memory_space<vmem>>
    %dma_start3A_42 = arith.constant 0 : i32
    %dma_start3A_43 = tpu.memref_slice %arg5[%dma_start3A, %dma_start3A_42] : memref<200x128xi32, #tpu.memory_space<vmem>> -> memref<1x128xi32, #tpu.memory_space<vmem>>
    %dma_start3A_44 = tpu.memref_squeeze %dma_start3A_43 : memref<1x128xi32, #tpu.memory_space<vmem>> -> memref<128xi32, #tpu.memory_space<vmem>>
    %dma_start3A_45 = arith.constant 0 : i32
    %dma_start3A_46 = arith.constant 0 : i32
    %dma_start3A_47 = tpu.memref_slice %arg3[%dma_start3A_45, %dma_start3A_46] : memref<1000000x64xf32, #tpu.memory_space<hbm>> -> memref<1000000x64xf32, #tpu.memory_space<hbm>>
    tpu.enqueue_indirect_dma source(%dma_start3A_47 : memref<1000000x64xf32, #tpu.memory_space<hbm>>) target(%dma_start3A_41 : memref<128x64xf32, #tpu.memory_space<vmem>>) offsets(%dma_start3A_44 : memref<128xi32, #tpu.memory_space<vmem>>) semaphore(%arg8 : memref<!tpu.dma_semaphore, #tpu.memory_space<semaphore_mem>>)
    %dma_start3A_48 = arith.constant 1 : i32
    %dma_start3A_49 = arith.constant 1 : i32
    %dma_start3A_50 = arith.constant 0 : i32
    %dma_start3A_51 = arith.constant 0 : i32
    %dma_start3A_52 = tpu.memref_slice %arg6[%dma_start3A_49, %dma_start3A_50, %dma_start3A_51] : memref<4x128x64xf32, #tpu.memory_space<vmem>> -> memref<1x128x64xf32, #tpu.memory_space<vmem>>
    %dma_start3A_53 = tpu.memref_squeeze %dma_start3A_52 : memref<1x128x64xf32, #tpu.memory_space<vmem>> -> memref<128x64xf32, #tpu.memory_space<vmem>>
    %dma_start3A_54 = arith.constant 0 : i32
    %dma_start3A_55 = tpu.memref_slice %arg5[%dma_start3A_48, %dma_start3A_54] : memref<200x128xi32, #tpu.memory_space<vmem>> -> memref<1x128xi32, #tpu.memory_space<vmem>>
    %dma_start3A_56 = tpu.memref_squeeze %dma_start3A_55 : memref<1x128xi32, #tpu.memory_space<vmem>> -> memref<128xi32, #tpu.memory_space<vmem>>
    %dma_start3A_57 = arith.constant 0 : i32
    %dma_start3A_58 = arith.constant 0 : i32
    %dma_start3A_59 = tpu.memref_slice %arg3[%dma_start3A_57, %dma_start3A_58] : memref<1000000x64xf32, #tpu.memory_space<hbm>> -> memref<1000000x64xf32, #tpu.memory_space<hbm>>
    tpu.enqueue_indirect_dma source(%dma_start3A_59 : memref<1000000x64xf32, #tpu.memory_space<hbm>>) target(%dma_start3A_53 : memref<128x64xf32, #tpu.memory_space<vmem>>) offsets(%dma_start3A_56 : memref<128xi32, #tpu.memory_space<vmem>>) semaphore(%arg9 : memref<!tpu.dma_semaphore, #tpu.memory_space<semaphore_mem>>)
    %dma_start3A_60 = arith.constant 2 : i32
    %dma_start3A_61 = arith.constant 2 : i32
    %dma_start3A_62 = arith.constant 0 : i32
    %dma_start3A_63 = arith.constant 0 : i32
    %dma_start3A_64 = tpu.memref_slice %arg6[%dma_start3A_61, %dma_start3A_62, %dma_start3A_63] : memref<4x128x64xf32, #tpu.memory_space<vmem>> -> memref<1x128x64xf32, #tpu.memory_space<vmem>>
    %dma_start3A_65 = tpu.memref_squeeze %dma_start3A_64 : memref<1x128x64xf32, #tpu.memory_space<vmem>> -> memref<128x64xf32, #tpu.memory_space<vmem>>
    %dma_start3A_66 = arith.constant 0 : i32
    %dma_start3A_67 = tpu.memref_slice %arg5[%dma_start3A_60, %dma_start3A_66] : memref<200x128xi32, #tpu.memory_space<vmem>> -> memref<1x128xi32, #tpu.memory_space<vmem>>
    %dma_start3A_68 = tpu.memref_squeeze %dma_start3A_67 : memref<1x128xi32, #tpu.memory_space<vmem>> -> memref<128xi32, #tpu.memory_space<vmem>>
    %dma_start3A_69 = arith.constant 0 : i32
    %dma_start3A_70 = arith.constant 0 : i32
    %dma_start3A_71 = tpu.memref_slice %arg3[%dma_start3A_69, %dma_start3A_70] : memref<1000000x64xf32, #tpu.memory_space<hbm>> -> memref<1000000x64xf32, #tpu.memory_space<hbm>>
    tpu.enqueue_indirect_dma source(%dma_start3A_71 : memref<1000000x64xf32, #tpu.memory_space<hbm>>) target(%dma_start3A_65 : memref<128x64xf32, #tpu.memory_space<vmem>>) offsets(%dma_start3A_68 : memref<128xi32, #tpu.memory_space<vmem>>) semaphore(%arg10 : memref<!tpu.dma_semaphore, #tpu.memory_space<semaphore_mem>>)
    %dma_start3A_72 = arith.constant 3 : i32
    %dma_start3A_73 = arith.constant 3 : i32
    %dma_start3A_74 = arith.constant 0 : i32
    %dma_start3A_75 = arith.constant 0 : i32
    %dma_start3A_76 = tpu.memref_slice %arg6[%dma_start3A_73, %dma_start3A_74, %dma_start3A_75] : memref<4x128x64xf32, #tpu.memory_space<vmem>> -> memref<1x128x64xf32, #tpu.memory_space<vmem>>
    %dma_start3A_77 = tpu.memref_squeeze %dma_start3A_76 : memref<1x128x64xf32, #tpu.memory_space<vmem>> -> memref<128x64xf32, #tpu.memory_space<vmem>>
    %dma_start3A_78 = arith.constant 0 : i32
    %dma_start3A_79 = tpu.memref_slice %arg5[%dma_start3A_72, %dma_start3A_78] : memref<200x128xi32, #tpu.memory_space<vmem>> -> memref<1x128xi32, #tpu.memory_space<vmem>>
    %dma_start3A_80 = tpu.memref_squeeze %dma_start3A_79 : memref<1x128xi32, #tpu.memory_space<vmem>> -> memref<128xi32, #tpu.memory_space<vmem>>
    %dma_start3A_81 = arith.constant 0 : i32
    %dma_start3A_82 = arith.constant 0 : i32
    %dma_start3A_83 = tpu.memref_slice %arg3[%dma_start3A_81, %dma_start3A_82] : memref<1000000x64xf32, #tpu.memory_space<hbm>> -> memref<1000000x64xf32, #tpu.memory_space<hbm>>
    tpu.enqueue_indirect_dma source(%dma_start3A_83 : memref<1000000x64xf32, #tpu.memory_space<hbm>>) target(%dma_start3A_77 : memref<128x64xf32, #tpu.memory_space<vmem>>) offsets(%dma_start3A_80 : memref<128xi32, #tpu.memory_space<vmem>>) semaphore(%arg11 : memref<!tpu.dma_semaphore, #tpu.memory_space<semaphore_mem>>)
    %scan3A = arith.constant 0 : i32
    %scan3A_84 = arith.constant 50 : i32
    %scan3A_85 = arith.addi %scan3A, %scan3A_84 : i32
    %scan3A_86 = arith.constant 1 : i32
    scf.for %scan3A_701 = %scan3A to %scan3A_85 step %scan3A_86  : i32 {
      %mul3A_702 = arith.constant 4 : i32
      %mul3A_703 = arith.muli %scan3A_701, %mul3A_702 : i32
      %add3A_704 = arith.constant 0 : i32
      %add3A_705 = arith.addi %add3A_704, %mul3A_703 : i32
      %add3A_706 = arith.constant 0 : i32
      %add3A_707 = arith.addi %add3A_705, %add3A_706 : i32
      %dma_wait3A_708 = arith.constant 0 : i32
      %dma_wait3A_709 = arith.constant 0 : i32
      %dma_wait3A_710 = arith.constant 0 : i32
      %dma_wait3A_711 = tpu.memref_slice %arg6[%dma_wait3A_708, %dma_wait3A_709, %dma_wait3A_710] : memref<4x128x64xf32, #tpu.memory_space<vmem>> -> memref<1x128x64xf32, #tpu.memory_space<vmem>>
      %dma_wait3A_712 = tpu.memref_squeeze %dma_wait3A_711 : memref<1x128x64xf32, #tpu.memory_space<vmem>> -> memref<128x64xf32, #tpu.memory_space<vmem>>
      %dma_wait3A_713 = arith.constant 0 : i32
      %dma_wait3A_714 = tpu.memref_slice %arg5[%add3A_707, %dma_wait3A_713] : memref<200x128xi32, #tpu.memory_space<vmem>> -> memref<1x128xi32, #tpu.memory_space<vmem>>
      %dma_wait3A_715 = tpu.memref_squeeze %dma_wait3A_714 : memref<1x128xi32, #tpu.memory_space<vmem>> -> memref<128xi32, #tpu.memory_space<vmem>>
      %dma_wait3A_716 = arith.constant 0 : i32
      %dma_wait3A_717 = arith.constant 0 : i32
      %dma_wait3A_718 = tpu.memref_slice %arg3[%dma_wait3A_716, %dma_wait3A_717] : memref<1000000x64xf32, #tpu.memory_space<hbm>> -> memref<1000000x64xf32, #tpu.memory_space<hbm>>
      tpu.wait_indirect_dma semaphore(%arg8 : memref<!tpu.dma_semaphore, #tpu.memory_space<semaphore_mem>>) src(%dma_wait3A_718 : memref<1000000x64xf32, #tpu.memory_space<hbm>>) dst(%dma_wait3A_712 : memref<128x64xf32, #tpu.memory_space<vmem>>)
      %ge3A = arith.constant 4 : i32
      %ge3A_719 = arith.cmpi sge, %add3A_707, %ge3A : i32
      %convert_element_type3A = arith.extui %ge3A_719 : i1 to i32
      %cond3A = arith.constant 0 : i32
      %cond3A_720 = arith.cmpi ne, %convert_element_type3A, %cond3A : i32
      scf.if %cond3A_720 {
        %sub3A_1442 = arith.constant 4 : i32
        %sub3A_1443 = arith.subi %add3A_707, %sub3A_1442 : i32
        %mul3A_1444 = arith.constant 200 : i32
        %mul3A_1445 = arith.muli %add3A, %mul3A_1444 : i32
        %add3A_1446 = arith.addi %mul3A_1445, %sub3A_1443 : i32
        %jit3A_1447 = arith.constant 128 : i32
        %div3A_1448 = arith.divsi %add3A_1446, %jit3A_1447 : i32
        %sign3A_1449 = arith.constant 0 : i32
        %sign3A_1450 = arith.cmpi sgt, %add3A_1446, %sign3A_1449 : i32
        %sign3A_1451 = arith.extui %sign3A_1450 : i1 to i32
        %sign3A_1452 = arith.constant 0 : i32
        %sign3A_1453 = arith.cmpi slt, %add3A_1446, %sign3A_1452 : i32
        %sign3A_1454 = arith.extui %sign3A_1453 : i1 to i32
        %sign3A_1455 = arith.subi %sign3A_1451, %sign3A_1454 : i32
        %sign3A_1456 = arith.constant 0 : i32
        %sign3A_1457 = arith.cmpi sgt, %jit3A_1447, %sign3A_1456 : i32
        %sign3A_1458 = arith.extui %sign3A_1457 : i1 to i32
        %sign3A_1459 = arith.constant 0 : i32
        %sign3A_1460 = arith.cmpi slt, %jit3A_1447, %sign3A_1459 : i32
        %sign3A_1461 = arith.extui %sign3A_1460 : i1 to i32
        %sign3A_1462 = arith.subi %sign3A_1458, %sign3A_1461 : i32
        %ne3A_1463 = arith.cmpi ne, %sign3A_1455, %sign3A_1462 : i32
        %rem3A_1464 = arith.remsi %add3A_1446, %jit3A_1447 : i32
        %ne3A_1465 = arith.constant 0 : i32
        %ne3A_1466 = arith.cmpi ne, %rem3A_1464, %ne3A_1465 : i32
        %and3A_1467 = arith.andi %ne3A_1463, %ne3A_1466 : i1
        %sub3A_1468 = arith.constant 1 : i32
        %sub3A_1469 = arith.subi %div3A_1448, %sub3A_1468 : i32
        %select_n3A_1470 = arith.select %and3A_1467, %sub3A_1469, %div3A_1448 : i32
        %jit3A_1471 = arith.constant 128 : i32
        %eq3A_1472 = arith.constant 0 : i32
        %eq3A_1473 = arith.cmpi eq, %jit3A_1471, %eq3A_1472 : i32
        %jit3A_1474 = arith.constant 1 : i32
        %select_n3A_1475 = arith.select %eq3A_1473, %jit3A_1474, %jit3A_1471 : i32
        %rem3A_1476 = arith.remsi %add3A_1446, %select_n3A_1475 : i32
        %ne3A_1477 = arith.constant 0 : i32
        %ne3A_1478 = arith.cmpi ne, %rem3A_1476, %ne3A_1477 : i32
        %lt3A_1479 = arith.constant 0 : i32
        %lt3A_1480 = arith.cmpi slt, %rem3A_1476, %lt3A_1479 : i32
        %lt3A_1481 = arith.constant 0 : i32
        %lt3A_1482 = arith.cmpi slt, %select_n3A_1475, %lt3A_1481 : i32
        %ne3A_1483 = arith.xori %lt3A_1480, %lt3A_1482 : i1
        %and3A_1484 = arith.andi %ne3A_1483, %ne3A_1478 : i1
        %add3A_1485 = arith.addi %rem3A_1476, %select_n3A_1475 : i32
        %select_n3A_1486 = arith.select %and3A_1484, %add3A_1485, %rem3A_1476 : i32
        %dma_wait3A_1487 = arith.constant 0 : i32
        %dma_wait3A_1488 = arith.constant 0 : i32
        %dma_wait3A_1489 = arith.constant 0 : i32
        %dma_wait3A_1490 = tpu.memref_slice %arg7[%dma_wait3A_1487, %dma_wait3A_1489] : memref<4x8192xf32, #tpu.memory_space<vmem>> -> memref<1x1024xf32, #tpu.memory_space<vmem>>
        %dma_wait3A_1491 = tpu.memref_squeeze %dma_wait3A_1490 : memref<1x1024xf32, #tpu.memory_space<vmem>> -> memref<1024xf32, #tpu.memory_space<vmem>>
        %dma_wait3A_1492 = arith.constant 0 : i32
        %dma_wait3A_1493 = tpu.memref_slice %arg4[%select_n3A_1470, %dma_wait3A_1488, %select_n3A_1486, %dma_wait3A_1492] : memref<50x8x128x1024xf32, #tpu.memory_space<hbm>> -> memref<1x1x1x1024xf32, #tpu.memory_space<hbm>>
        %dma_wait3A_1494 = tpu.memref_squeeze %dma_wait3A_1493 : memref<1x1x1x1024xf32, #tpu.memory_space<hbm>> -> memref<1024xf32, #tpu.memory_space<hbm>>
        %dma_wait3A_1495 = arith.constant 0 : i32
        %dma_wait3A_1496 = tpu.memref_slice %arg4[%select_n3A_1470, %dma_wait3A_1488, %select_n3A_1486, %dma_wait3A_1495] : memref<50x8x128x1024xf32, #tpu.memory_space<hbm>> -> memref<1x1x1x1024xf32, #tpu.memory_space<hbm>>
        %dma_wait3A_1497 = tpu.memref_squeeze %dma_wait3A_1496 : memref<1x1x1x1024xf32, #tpu.memory_space<hbm>> -> memref<1024xf32, #tpu.memory_space<hbm>>
        %dma_wait3A_1498 = arith.constant 0 : i32
        %dma_wait3A_1499 = tpu.memref_slice %arg7[%dma_wait3A_1487, %dma_wait3A_1498] : memref<4x8192xf32, #tpu.memory_space<vmem>> -> memref<1x1024xf32, #tpu.memory_space<vmem>>
        %dma_wait3A_1500 = tpu.memref_squeeze %dma_wait3A_1499 : memref<1x1024xf32, #tpu.memory_space<vmem>> -> memref<1024xf32, #tpu.memory_space<vmem>>
        tpu.wait_dma2 semaphore(%arg12 : memref<!tpu.dma_semaphore, #tpu.memory_space<semaphore_mem>>) src(%dma_wait3A_1500 : memref<1024xf32, #tpu.memory_space<vmem>>) dst(%dma_wait3A_1497 : memref<1024xf32, #tpu.memory_space<hbm>>)
        %dma_wait3A_1501 = arith.constant 0 : i32
        %dma_wait3A_1502 = arith.constant 1 : i32
        %dma_wait3A_1503 = arith.constant 1024 : i32
        %dma_wait3A_1504 = tpu.memref_slice %arg7[%dma_wait3A_1501, %dma_wait3A_1503] : memref<4x8192xf32, #tpu.memory_space<vmem>> -> memref<1x1024xf32, #tpu.memory_space<vmem>>
        %dma_wait3A_1505 = tpu.memref_squeeze %dma_wait3A_1504 : memref<1x1024xf32, #tpu.memory_space<vmem>> -> memref<1024xf32, #tpu.memory_space<vmem>>
        %dma_wait3A_1506 = arith.constant 0 : i32
        %dma_wait3A_1507 = tpu.memref_slice %arg4[%select_n3A_1470, %dma_wait3A_1502, %select_n3A_1486, %dma_wait3A_1506] : memref<50x8x128x1024xf32, #tpu.memory_space<hbm>> -> memref<1x1x1x1024xf32, #tpu.memory_space<hbm>>
        %dma_wait3A_1508 = tpu.memref_squeeze %dma_wait3A_1507 : memref<1x1x1x1024xf32, #tpu.memory_space<hbm>> -> memref<1024xf32, #tpu.memory_space<hbm>>
        %dma_wait3A_1509 = arith.constant 0 : i32
        %dma_wait3A_1510 = tpu.memref_slice %arg4[%select_n3A_1470, %dma_wait3A_1502, %select_n3A_1486, %dma_wait3A_1509] : memref<50x8x128x1024xf32, #tpu.memory_space<hbm>> -> memref<1x1x1x1024xf32, #tpu.memory_space<hbm>>
        %dma_wait3A_1511 = tpu.memref_squeeze %dma_wait3A_1510 : memref<1x1x1x1024xf32, #tpu.memory_space<hbm>> -> memref<1024xf32, #tpu.memory_space<hbm>>
        %dma_wait3A_1512 = arith.constant 1024 : i32
        %dma_wait3A_1513 = tpu.memref_slice %arg7[%dma_wait3A_1501, %dma_wait3A_1512] : memref<4x8192xf32, #tpu.memory_space<vmem>> -> memref<1x1024xf32, #tpu.memory_space<vmem>>
        %dma_wait3A_1514 = tpu.memref_squeeze %dma_wait3A_1513 : memref<1x1024xf32, #tpu.memory_space<vmem>> -> memref<1024xf32, #tpu.memory_space<vmem>>
        tpu.wait_dma2 semaphore(%arg12 : memref<!tpu.dma_semaphore, #tpu.memory_space<semaphore_mem>>) src(%dma_wait3A_1514 : memref<1024xf32, #tpu.memory_space<vmem>>) dst(%dma_wait3A_1511 : memref<1024xf32, #tpu.memory_space<hbm>>)
        %dma_wait3A_1515 = arith.constant 0 : i32
        %dma_wait3A_1516 = arith.constant 2 : i32
        %dma_wait3A_1517 = arith.constant 2048 : i32
        %dma_wait3A_1518 = tpu.memref_slice %arg7[%dma_wait3A_1515, %dma_wait3A_1517] : memref<4x8192xf32, #tpu.memory_space<vmem>> -> memref<1x1024xf32, #tpu.memory_space<vmem>>
        %dma_wait3A_1519 = tpu.memref_squeeze %dma_wait3A_1518 : memref<1x1024xf32, #tpu.memory_space<vmem>> -> memref<1024xf32, #tpu.memory_space<vmem>>
        %dma_wait3A_1520 = arith.constant 0 : i32
        %dma_wait3A_1521 = tpu.memref_slice %arg4[%select_n3A_1470, %dma_wait3A_1516, %select_n3A_1486, %dma_wait3A_1520] : memref<50x8x128x1024xf32, #tpu.memory_space<hbm>> -> memref<1x1x1x1024xf32, #tpu.memory_space<hbm>>
        %dma_wait3A_1522 = tpu.memref_squeeze %dma_wait3A_1521 : memref<1x1x1x1024xf32, #tpu.memory_space<hbm>> -> memref<1024xf32, #tpu.memory_space<hbm>>
        %dma_wait3A_1523 = arith.constant 0 : i32
        %dma_wait3A_1524 = tpu.memref_slice %arg4[%select_n3A_1470, %dma_wait3A_1516, %select_n3A_1486, %dma_wait3A_1523] : memref<50x8x128x1024xf32, #tpu.memory_space<hbm>> -> memref<1x1x1x1024xf32, #tpu.memory_space<hbm>>
        %dma_wait3A_1525 = tpu.memref_squeeze %dma_wait3A_1524 : memref<1x1x1x1024xf32, #tpu.memory_space<hbm>> -> memref<1024xf32, #tpu.memory_space<hbm>>
        %dma_wait3A_1526 = arith.constant 2048 : i32
        %dma_wait3A_1527 = tpu.memref_slice %arg7[%dma_wait3A_1515, %dma_wait3A_1526] : memref<4x8192xf32, #tpu.memory_space<vmem>> -> memref<1x1024xf32, #tpu.memory_space<vmem>>
        %dma_wait3A_1528 = tpu.memref_squeeze %dma_wait3A_1527 : memref<1x1024xf32, #tpu.memory_space<vmem>> -> memref<1024xf32, #tpu.memory_space<vmem>>
        tpu.wait_dma2 semaphore(%arg12 : memref<!tpu.dma_semaphore, #tpu.memory_space<semaphore_mem>>) src(%dma_wait3A_1528 : memref<1024xf32, #tpu.memory_space<vmem>>) dst(%dma_wait3A_1525 : memref<1024xf32, #tpu.memory_space<hbm>>)
        %dma_wait3A_1529 = arith.constant 0 : i32
        %dma_wait3A_1530 = arith.constant 3 : i32
        %dma_wait3A_1531 = arith.constant 3072 : i32
        %dma_wait3A_1532 = tpu.memref_slice %arg7[%dma_wait3A_1529, %dma_wait3A_1531] : memref<4x8192xf32, #tpu.memory_space<vmem>> -> memref<1x1024xf32, #tpu.memory_space<vmem>>
        %dma_wait3A_1533 = tpu.memref_squeeze %dma_wait3A_1532 : memref<1x1024xf32, #tpu.memory_space<vmem>> -> memref<1024xf32, #tpu.memory_space<vmem>>
        %dma_wait3A_1534 = arith.constant 0 : i32
        %dma_wait3A_1535 = tpu.memref_slice %arg4[%select_n3A_1470, %dma_wait3A_1530, %select_n3A_1486, %dma_wait3A_1534] : memref<50x8x128x1024xf32, #tpu.memory_space<hbm>> -> memref<1x1x1x1024xf32, #tpu.memory_space<hbm>>
        %dma_wait3A_1536 = tpu.memref_squeeze %dma_wait3A_1535 : memref<1x1x1x1024xf32, #tpu.memory_space<hbm>> -> memref<1024xf32, #tpu.memory_space<hbm>>
        %dma_wait3A_1537 = arith.constant 0 : i32
        %dma_wait3A_1538 = tpu.memref_slice %arg4[%select_n3A_1470, %dma_wait3A_1530, %select_n3A_1486, %dma_wait3A_1537] : memref<50x8x128x1024xf32, #tpu.memory_space<hbm>> -> memref<1x1x1x1024xf32, #tpu.memory_space<hbm>>
        %dma_wait3A_1539 = tpu.memref_squeeze %dma_wait3A_1538 : memref<1x1x1x1024xf32, #tpu.memory_space<hbm>> -> memref<1024xf32, #tpu.memory_space<hbm>>
        %dma_wait3A_1540 = arith.constant 3072 : i32
        %dma_wait3A_1541 = tpu.memref_slice %arg7[%dma_wait3A_1529, %dma_wait3A_1540] : memref<4x8192xf32, #tpu.memory_space<vmem>> -> memref<1x1024xf32, #tpu.memory_space<vmem>>
        %dma_wait3A_1542 = tpu.memref_squeeze %dma_wait3A_1541 : memref<1x1024xf32, #tpu.memory_space<vmem>> -> memref<1024xf32, #tpu.memory_space<vmem>>
        tpu.wait_dma2 semaphore(%arg12 : memref<!tpu.dma_semaphore, #tpu.memory_space<semaphore_mem>>) src(%dma_wait3A_1542 : memref<1024xf32, #tpu.memory_space<vmem>>) dst(%dma_wait3A_1539 : memref<1024xf32, #tpu.memory_space<hbm>>)
        %dma_wait3A_1543 = arith.constant 0 : i32
        %dma_wait3A_1544 = arith.constant 4 : i32
        %dma_wait3A_1545 = arith.constant 4096 : i32
        %dma_wait3A_1546 = tpu.memref_slice %arg7[%dma_wait3A_1543, %dma_wait3A_1545] : memref<4x8192xf32, #tpu.memory_space<vmem>> -> memref<1x1024xf32, #tpu.memory_space<vmem>>
        %dma_wait3A_1547 = tpu.memref_squeeze %dma_wait3A_1546 : memref<1x1024xf32, #tpu.memory_space<vmem>> -> memref<1024xf32, #tpu.memory_space<vmem>>
        %dma_wait3A_1548 = arith.constant 0 : i32
        %dma_wait3A_1549 = tpu.memref_slice %arg4[%select_n3A_1470, %dma_wait3A_1544, %select_n3A_1486, %dma_wait3A_1548] : memref<50x8x128x1024xf32, #tpu.memory_space<hbm>> -> memref<1x1x1x1024xf32, #tpu.memory_space<hbm>>
        %dma_wait3A_1550 = tpu.memref_squeeze %dma_wait3A_1549 : memref<1x1x1x1024xf32, #tpu.memory_space<hbm>> -> memref<1024xf32, #tpu.memory_space<hbm>>
        %dma_wait3A_1551 = arith.constant 0 : i32
        %dma_wait3A_1552 = tpu.memref_slice %arg4[%select_n3A_1470, %dma_wait3A_1544, %select_n3A_1486, %dma_wait3A_1551] : memref<50x8x128x1024xf32, #tpu.memory_space<hbm>> -> memref<1x1x1x1024xf32, #tpu.memory_space<hbm>>
        %dma_wait3A_1553 = tpu.memref_squeeze %dma_wait3A_1552 : memref<1x1x1x1024xf32, #tpu.memory_space<hbm>> -> memref<1024xf32, #tpu.memory_space<hbm>>
        %dma_wait3A_1554 = arith.constant 4096 : i32
        %dma_wait3A_1555 = tpu.memref_slice %arg7[%dma_wait3A_1543, %dma_wait3A_1554] : memref<4x8192xf32, #tpu.memory_space<vmem>> -> memref<1x1024xf32, #tpu.memory_space<vmem>>
        %dma_wait3A_1556 = tpu.memref_squeeze %dma_wait3A_1555 : memref<1x1024xf32, #tpu.memory_space<vmem>> -> memref<1024xf32, #tpu.memory_space<vmem>>
        tpu.wait_dma2 semaphore(%arg12 : memref<!tpu.dma_semaphore, #tpu.memory_space<semaphore_mem>>) src(%dma_wait3A_1556 : memref<1024xf32, #tpu.memory_space<vmem>>) dst(%dma_wait3A_1553 : memref<1024xf32, #tpu.memory_space<hbm>>)
        %dma_wait3A_1557 = arith.constant 0 : i32
        %dma_wait3A_1558 = arith.constant 5 : i32
        %dma_wait3A_1559 = arith.constant 5120 : i32
        %dma_wait3A_1560 = tpu.memref_slice %arg7[%dma_wait3A_1557, %dma_wait3A_1559] : memref<4x8192xf32, #tpu.memory_space<vmem>> -> memref<1x1024xf32, #tpu.memory_space<vmem>>
        %dma_wait3A_1561 = tpu.memref_squeeze %dma_wait3A_1560 : memref<1x1024xf32, #tpu.memory_space<vmem>> -> memref<1024xf32, #tpu.memory_space<vmem>>
        %dma_wait3A_1562 = arith.constant 0 : i32
        %dma_wait3A_1563 = tpu.memref_slice %arg4[%select_n3A_1470, %dma_wait3A_1558, %select_n3A_1486, %dma_wait3A_1562] : memref<50x8x128x1024xf32, #tpu.memory_space<hbm>> -> memref<1x1x1x1024xf32, #tpu.memory_space<hbm>>
        %dma_wait3A_1564 = tpu.memref_squeeze %dma_wait3A_1563 : memref<1x1x1x1024xf32, #tpu.memory_space<hbm>> -> memref<1024xf32, #tpu.memory_space<hbm>>
        %dma_wait3A_1565 = arith.constant 0 : i32
        %dma_wait3A_1566 = tpu.memref_slice %arg4[%select_n3A_1470, %dma_wait3A_1558, %select_n3A_1486, %dma_wait3A_1565] : memref<50x8x128x1024xf32, #tpu.memory_space<hbm>> -> memref<1x1x1x1024xf32, #tpu.memory_space<hbm>>
        %dma_wait3A_1567 = tpu.memref_squeeze %dma_wait3A_1566 : memref<1x1x1x1024xf32, #tpu.memory_space<hbm>> -> memref<1024xf32, #tpu.memory_space<hbm>>
        %dma_wait3A_1568 = arith.constant 5120 : i32
        %dma_wait3A_1569 = tpu.memref_slice %arg7[%dma_wait3A_1557, %dma_wait3A_1568] : memref<4x8192xf32, #tpu.memory_space<vmem>> -> memref<1x1024xf32, #tpu.memory_space<vmem>>
        %dma_wait3A_1570 = tpu.memref_squeeze %dma_wait3A_1569 : memref<1x1024xf32, #tpu.memory_space<vmem>> -> memref<1024xf32, #tpu.memory_space<vmem>>
        tpu.wait_dma2 semaphore(%arg12 : memref<!tpu.dma_semaphore, #tpu.memory_space<semaphore_mem>>) src(%dma_wait3A_1570 : memref<1024xf32, #tpu.memory_space<vmem>>) dst(%dma_wait3A_1567 : memref<1024xf32, #tpu.memory_space<hbm>>)
        %dma_wait3A_1571 = arith.constant 0 : i32
        %dma_wait3A_1572 = arith.constant 6 : i32
        %dma_wait3A_1573 = arith.constant 6144 : i32
        %dma_wait3A_1574 = tpu.memref_slice %arg7[%dma_wait3A_1571, %dma_wait3A_1573] : memref<4x8192xf32, #tpu.memory_space<vmem>> -> memref<1x1024xf32, #tpu.memory_space<vmem>>
        %dma_wait3A_1575 = tpu.memref_squeeze %dma_wait3A_1574 : memref<1x1024xf32, #tpu.memory_space<vmem>> -> memref<1024xf32, #tpu.memory_space<vmem>>
        %dma_wait3A_1576 = arith.constant 0 : i32
        %dma_wait3A_1577 = tpu.memref_slice %arg4[%select_n3A_1470, %dma_wait3A_1572, %select_n3A_1486, %dma_wait3A_1576] : memref<50x8x128x1024xf32, #tpu.memory_space<hbm>> -> memref<1x1x1x1024xf32, #tpu.memory_space<hbm>>
        %dma_wait3A_1578 = tpu.memref_squeeze %dma_wait3A_1577 : memref<1x1x1x1024xf32, #tpu.memory_space<hbm>> -> memref<1024xf32, #tpu.memory_space<hbm>>
        %dma_wait3A_1579 = arith.constant 0 : i32
        %dma_wait3A_1580 = tpu.memref_slice %arg4[%select_n3A_1470, %dma_wait3A_1572, %select_n3A_1486, %dma_wait3A_1579] : memref<50x8x128x1024xf32, #tpu.memory_space<hbm>> -> memref<1x1x1x1024xf32, #tpu.memory_space<hbm>>
        %dma_wait3A_1581 = tpu.memref_squeeze %dma_wait3A_1580 : memref<1x1x1x1024xf32, #tpu.memory_space<hbm>> -> memref<1024xf32, #tpu.memory_space<hbm>>
        %dma_wait3A_1582 = arith.constant 6144 : i32
        %dma_wait3A_1583 = tpu.memref_slice %arg7[%dma_wait3A_1571, %dma_wait3A_1582] : memref<4x8192xf32, #tpu.memory_space<vmem>> -> memref<1x1024xf32, #tpu.memory_space<vmem>>
        %dma_wait3A_1584 = tpu.memref_squeeze %dma_wait3A_1583 : memref<1x1024xf32, #tpu.memory_space<vmem>> -> memref<1024xf32, #tpu.memory_space<vmem>>
        tpu.wait_dma2 semaphore(%arg12 : memref<!tpu.dma_semaphore, #tpu.memory_space<semaphore_mem>>) src(%dma_wait3A_1584 : memref<1024xf32, #tpu.memory_space<vmem>>) dst(%dma_wait3A_1581 : memref<1024xf32, #tpu.memory_space<hbm>>)
        %dma_wait3A_1585 = arith.constant 0 : i32
        %dma_wait3A_1586 = arith.constant 7 : i32
        %dma_wait3A_1587 = arith.constant 7168 : i32
        %dma_wait3A_1588 = tpu.memref_slice %arg7[%dma_wait3A_1585, %dma_wait3A_1587] : memref<4x8192xf32, #tpu.memory_space<vmem>> -> memref<1x1024xf32, #tpu.memory_space<vmem>>
        %dma_wait3A_1589 = tpu.memref_squeeze %dma_wait3A_1588 : memref<1x1024xf32, #tpu.memory_space<vmem>> -> memref<1024xf32, #tpu.memory_space<vmem>>
        %dma_wait3A_1590 = arith.constant 0 : i32
        %dma_wait3A_1591 = tpu.memref_slice %arg4[%select_n3A_1470, %dma_wait3A_1586, %select_n3A_1486, %dma_wait3A_1590] : memref<50x8x128x1024xf32, #tpu.memory_space<hbm>> -> memref<1x1x1x1024xf32, #tpu.memory_space<hbm>>
        %dma_wait3A_1592 = tpu.memref_squeeze %dma_wait3A_1591 : memref<1x1x1x1024xf32, #tpu.memory_space<hbm>> -> memref<1024xf32, #tpu.memory_space<hbm>>
        %dma_wait3A_1593 = arith.constant 0 : i32
        %dma_wait3A_1594 = tpu.memref_slice %arg4[%select_n3A_1470, %dma_wait3A_1586, %select_n3A_1486, %dma_wait3A_1593] : memref<50x8x128x1024xf32, #tpu.memory_space<hbm>> -> memref<1x1x1x1024xf32, #tpu.memory_space<hbm>>
        %dma_wait3A_1595 = tpu.memref_squeeze %dma_wait3A_1594 : memref<1x1x1x1024xf32, #tpu.memory_space<hbm>> -> memref<1024xf32, #tpu.memory_space<hbm>>
        %dma_wait3A_1596 = arith.constant 7168 : i32
        %dma_wait3A_1597 = tpu.memref_slice %arg7[%dma_wait3A_1585, %dma_wait3A_1596] : memref<4x8192xf32, #tpu.memory_space<vmem>> -> memref<1x1024xf32, #tpu.memory_space<vmem>>
        %dma_wait3A_1598 = tpu.memref_squeeze %dma_wait3A_1597 : memref<1x1024xf32, #tpu.memory_space<vmem>> -> memref<1024xf32, #tpu.memory_space<vmem>>
        tpu.wait_dma2 semaphore(%arg12 : memref<!tpu.dma_semaphore, #tpu.memory_space<semaphore_mem>>) src(%dma_wait3A_1598 : memref<1024xf32, #tpu.memory_space<vmem>>) dst(%dma_wait3A_1595 : memref<1024xf32, #tpu.memory_space<hbm>>)
      } else {
      }
      %parallel_loop3A = arith.constant 0 : i32
      %parallel_loop3A_721 = arith.constant 128 : i32
      %parallel_loop3A_722 = arith.constant 1 : i32
      %parallel_loop3A_723 = arith.constant 0 : i32
      %parallel_loop3A_724 = arith.constant 0 : i32
      scf.for %parallel_loop3A_1442 = %parallel_loop3A to %parallel_loop3A_721 step %parallel_loop3A_722  : i32 {
        %parallel_loop3A_1443 = vector.broadcast %parallel_loop3A_1442 : i32 to vector<16xi32>
        %parallel_loop3A_1444 = arith.addi %parallel_loop3A_1443, %iota3A : vector<16xi32>
        %parallel_loop3A_1445 = arith.constant 127 : i32
        %parallel_loop3A_1446 = vector.broadcast %parallel_loop3A_1445 : i32 to vector<16xi32>
        %parallel_loop3A_1447 = arith.andi %parallel_loop3A_1444, %parallel_loop3A_1446 : vector<16xi32>
        %parallel_loop3A_1448 = arith.constant 0 : i32
        %parallel_loop3A_1449 = arith.constant 0 : i32
        %parallel_loop3A_1450 = tpu.memref_slice %arg6[%parallel_loop3A_723, %parallel_loop3A_1448, %parallel_loop3A_1449] : memref<4x128x64xf32, #tpu.memory_space<vmem>> -> memref<1x128x64xf32, #tpu.memory_space<vmem>>
        %parallel_loop3A_1451 = tpu.memref_squeeze %parallel_loop3A_1450 : memref<1x128x64xf32, #tpu.memory_space<vmem>> -> memref<128x64xf32, #tpu.memory_space<vmem>>
        %parallel_loop3A_1452 = tpu.vector_load_idx %parallel_loop3A_1451[%parallel_loop3A_1447, %add3A_3] : memref<128x64xf32, #tpu.memory_space<vmem>>[vector<16xi32>, vector<16xi32>], vector<16xf32>,
        %parallel_loop3A_1453 = arith.addi %add3A_18, %parallel_loop3A_1447 : vector<16xi32>
        %parallel_loop3A_1454 = arith.constant 0 : i32
        %parallel_loop3A_1455 = tpu.memref_slice %arg7[%parallel_loop3A_724, %parallel_loop3A_1454] : memref<4x8192xf32, #tpu.memory_space<vmem>> -> memref<1x8192xf32, #tpu.memory_space<vmem>>
        %parallel_loop3A_1456 = tpu.memref_squeeze %parallel_loop3A_1455 : memref<1x8192xf32, #tpu.memory_space<vmem>> -> memref<8192xf32, #tpu.memory_space<vmem>>
        tpu.vector_store_idx %parallel_loop3A_1456[%parallel_loop3A_1453], %parallel_loop3A_1452 : memref<8192xf32, #tpu.memory_space<vmem>>[vector<16xi32>], vector<16xf32>,
        %parallel_loop3A_1457 = arith.constant 0 : i32
        %parallel_loop3A_1458 = arith.constant 0 : i32
        %parallel_loop3A_1459 = tpu.memref_slice %arg6[%parallel_loop3A_723, %parallel_loop3A_1457, %parallel_loop3A_1458] : memref<4x128x64xf32, #tpu.memory_space<vmem>> -> memref<1x128x64xf32, #tpu.memory_space<vmem>>
        %parallel_loop3A_1460 = tpu.memref_squeeze %parallel_loop3A_1459 : memref<1x128x64xf32, #tpu.memory_space<vmem>> -> memref<128x64xf32, #tpu.memory_space<vmem>>
        %parallel_loop3A_1461 = tpu.vector_load_idx %parallel_loop3A_1460[%parallel_loop3A_1447, %add3A_6] : memref<128x64xf32, #tpu.memory_space<vmem>>[vector<16xi32>, vector<16xi32>], vector<16xf32>,
        %parallel_loop3A_1462 = arith.addi %add3A_24, %parallel_loop3A_1447 : vector<16xi32>
        %parallel_loop3A_1463 = arith.constant 0 : i32
        %parallel_loop3A_1464 = tpu.memref_slice %arg7[%parallel_loop3A_724, %parallel_loop3A_1463] : memref<4x8192xf32, #tpu.memory_space<vmem>> -> memref<1x8192xf32, #tpu.memory_space<vmem>>
        %parallel_loop3A_1465 = tpu.memref_squeeze %parallel_loop3A_1464 : memref<1x8192xf32, #tpu.memory_space<vmem>> -> memref<8192xf32, #tpu.memory_space<vmem>>
        tpu.vector_store_idx %parallel_loop3A_1465[%parallel_loop3A_1462], %parallel_loop3A_1461 : memref<8192xf32, #tpu.memory_space<vmem>>[vector<16xi32>], vector<16xf32>,
        %parallel_loop3A_1466 = arith.constant 0 : i32
        %parallel_loop3A_1467 = arith.constant 0 : i32
        %parallel_loop3A_1468 = tpu.memref_slice %arg6[%parallel_loop3A_723, %parallel_loop3A_1466, %parallel_loop3A_1467] : memref<4x128x64xf32, #tpu.memory_space<vmem>> -> memref<1x128x64xf32, #tpu.memory_space<vmem>>
        %parallel_loop3A_1469 = tpu.memref_squeeze %parallel_loop3A_1468 : memref<1x128x64xf32, #tpu.memory_space<vmem>> -> memref<128x64xf32, #tpu.memory_space<vmem>>
        %parallel_loop3A_1470 = tpu.vector_load_idx %parallel_loop3A_1469[%parallel_loop3A_1447, %add3A_9] : memref<128x64xf32, #tpu.memory_space<vmem>>[vector<16xi32>, vector<16xi32>], vector<16xf32>,
        %parallel_loop3A_1471 = arith.addi %add3A_30, %parallel_loop3A_1447 : vector<16xi32>
        %parallel_loop3A_1472 = arith.constant 0 : i32
        %parallel_loop3A_1473 = tpu.memref_slice %arg7[%parallel_loop3A_724, %parallel_loop3A_1472] : memref<4x8192xf32, #tpu.memory_space<vmem>> -> memref<1x8192xf32, #tpu.memory_space<vmem>>
        %parallel_loop3A_1474 = tpu.memref_squeeze %parallel_loop3A_1473 : memref<1x8192xf32, #tpu.memory_space<vmem>> -> memref<8192xf32, #tpu.memory_space<vmem>>
        tpu.vector_store_idx %parallel_loop3A_1474[%parallel_loop3A_1471], %parallel_loop3A_1470 : memref<8192xf32, #tpu.memory_space<vmem>>[vector<16xi32>], vector<16xf32>,
        %parallel_loop3A_1475 = arith.constant 0 : i32
        %parallel_loop3A_1476 = arith.constant 0 : i32
        %parallel_loop3A_1477 = tpu.memref_slice %arg6[%parallel_loop3A_723, %parallel_loop3A_1475, %parallel_loop3A_1476] : memref<4x128x64xf32, #tpu.memory_space<vmem>> -> memref<1x128x64xf32, #tpu.memory_space<vmem>>
        %parallel_loop3A_1478 = tpu.memref_squeeze %parallel_loop3A_1477 : memref<1x128x64xf32, #tpu.memory_space<vmem>> -> memref<128x64xf32, #tpu.memory_space<vmem>>
        %parallel_loop3A_1479 = tpu.vector_load_idx %parallel_loop3A_1478[%parallel_loop3A_1447, %add3A_12] : memref<128x64xf32, #tpu.memory_space<vmem>>[vector<16xi32>, vector<16xi32>], vector<16xf32>,
        %parallel_loop3A_1480 = arith.addi %add3A_36, %parallel_loop3A_1447 : vector<16xi32>
        %parallel_loop3A_1481 = arith.constant 0 : i32
        %parallel_loop3A_1482 = tpu.memref_slice %arg7[%parallel_loop3A_724, %parallel_loop3A_1481] : memref<4x8192xf32, #tpu.memory_space<vmem>> -> memref<1x8192xf32, #tpu.memory_space<vmem>>
        %parallel_loop3A_1483 = tpu.memref_squeeze %parallel_loop3A_1482 : memref<1x8192xf32, #tpu.memory_space<vmem>> -> memref<8192xf32, #tpu.memory_space<vmem>>
        tpu.vector_store_idx %parallel_loop3A_1483[%parallel_loop3A_1480], %parallel_loop3A_1479 : memref<8192xf32, #tpu.memory_space<vmem>>[vector<16xi32>], vector<16xf32>,
      } {sc.loop_unroll_factor = 8 : i64, sc.parallel_access}
      %mul3A_725 = arith.constant 200 : i32
      %mul3A_726 = arith.muli %add3A, %mul3A_725 : i32
      %add3A_727 = arith.addi %mul3A_726, %add3A_707 : i32
      %jit3A_728 = arith.constant 128 : i32
      %div3A_729 = arith.divsi %add3A_727, %jit3A_728 : i32
      %sign3A_730 = arith.constant 0 : i32
      %sign3A_731 = arith.cmpi sgt, %add3A_727, %sign3A_730 : i32
      %sign3A_732 = arith.extui %sign3A_731 : i1 to i32
      %sign3A_733 = arith.constant 0 : i32
      %sign3A_734 = arith.cmpi slt, %add3A_727, %sign3A_733 : i32
      %sign3A_735 = arith.extui %sign3A_734 : i1 to i32
      %sign3A_736 = arith.subi %sign3A_732, %sign3A_735 : i32
      %sign3A_737 = arith.constant 0 : i32
      %sign3A_738 = arith.cmpi sgt, %jit3A_728, %sign3A_737 : i32
      %sign3A_739 = arith.extui %sign3A_738 : i1 to i32
      %sign3A_740 = arith.constant 0 : i32
      %sign3A_741 = arith.cmpi slt, %jit3A_728, %sign3A_740 : i32
      %sign3A_742 = arith.extui %sign3A_741 : i1 to i32
      %sign3A_743 = arith.subi %sign3A_739, %sign3A_742 : i32
      %ne3A_744 = arith.cmpi ne, %sign3A_736, %sign3A_743 : i32
      %rem3A_745 = arith.remsi %add3A_727, %jit3A_728 : i32
      %ne3A_746 = arith.constant 0 : i32
      %ne3A_747 = arith.cmpi ne, %rem3A_745, %ne3A_746 : i32
      %and3A_748 = arith.andi %ne3A_744, %ne3A_747 : i1
      %sub3A_749 = arith.constant 1 : i32
      %sub3A_750 = arith.subi %div3A_729, %sub3A_749 : i32
      %select_n3A_751 = arith.select %and3A_748, %sub3A_750, %div3A_729 : i32
      %jit3A_752 = arith.constant 128 : i32
      %eq3A_753 = arith.constant 0 : i32
      %eq3A_754 = arith.cmpi eq, %jit3A_752, %eq3A_753 : i32
      %jit3A_755 = arith.constant 1 : i32
      %select_n3A_756 = arith.select %eq3A_754, %jit3A_755, %jit3A_752 : i32
      %rem3A_757 = arith.remsi %add3A_727, %select_n3A_756 : i32
      %ne3A_758 = arith.constant 0 : i32
      %ne3A_759 = arith.cmpi ne, %rem3A_757, %ne3A_758 : i32
      %lt3A_760 = arith.constant 0 : i32
      %lt3A_761 = arith.cmpi slt, %rem3A_757, %lt3A_760 : i32
      %lt3A_762 = arith.constant 0 : i32
      %lt3A_763 = arith.cmpi slt, %select_n3A_756, %lt3A_762 : i32
      %ne3A_764 = arith.xori %lt3A_761, %lt3A_763 : i1
      %and3A_765 = arith.andi %ne3A_764, %ne3A_759 : i1
      %add3A_766 = arith.addi %rem3A_757, %select_n3A_756 : i32
      %select_n3A_767 = arith.select %and3A_765, %add3A_766, %rem3A_757 : i32
      %dma_start3A_768 = arith.constant 0 : i32
      %dma_start3A_769 = arith.constant 0 : i32
      %dma_start3A_770 = arith.constant 0 : i32
      %dma_start3A_771 = tpu.memref_slice %arg7[%dma_start3A_768, %dma_start3A_770] : memref<4x8192xf32, #tpu.memory_space<vmem>> -> memref<1x1024xf32, #tpu.memory_space<vmem>>
      %dma_start3A_772 = tpu.memref_squeeze %dma_start3A_771 : memref<1x1024xf32, #tpu.memory_space<vmem>> -> memref<1024xf32, #tpu.memory_space<vmem>>
      %dma_start3A_773 = arith.constant 0 : i32
      %dma_start3A_774 = tpu.memref_slice %arg4[%select_n3A_751, %dma_start3A_769, %select_n3A_767, %dma_start3A_773] : memref<50x8x128x1024xf32, #tpu.memory_space<hbm>> -> memref<1x1x1x1024xf32, #tpu.memory_space<hbm>>
      %dma_start3A_775 = tpu.memref_squeeze %dma_start3A_774 : memref<1x1x1x1024xf32, #tpu.memory_space<hbm>> -> memref<1024xf32, #tpu.memory_space<hbm>>
      %dma_start3A_776 = arith.constant 0 : i32
      %dma_start3A_777 = tpu.memref_slice %arg4[%select_n3A_751, %dma_start3A_769, %select_n3A_767, %dma_start3A_776] : memref<50x8x128x1024xf32, #tpu.memory_space<hbm>> -> memref<1x1x1x1024xf32, #tpu.memory_space<hbm>>
      %dma_start3A_778 = tpu.memref_squeeze %dma_start3A_777 : memref<1x1x1x1024xf32, #tpu.memory_space<hbm>> -> memref<1024xf32, #tpu.memory_space<hbm>>
      %dma_start3A_779 = arith.constant 0 : i32
      %dma_start3A_780 = tpu.memref_slice %arg7[%dma_start3A_768, %dma_start3A_779] : memref<4x8192xf32, #tpu.memory_space<vmem>> -> memref<1x1024xf32, #tpu.memory_space<vmem>>
      %dma_start3A_781 = tpu.memref_squeeze %dma_start3A_780 : memref<1x1024xf32, #tpu.memory_space<vmem>> -> memref<1024xf32, #tpu.memory_space<vmem>>
      tpu.enqueue_dma source(%dma_start3A_781 : memref<1024xf32, #tpu.memory_space<vmem>>) target(%dma_start3A_778 : memref<1024xf32, #tpu.memory_space<hbm>>) target_semaphore(%arg12 : memref<!tpu.dma_semaphore, #tpu.memory_space<semaphore_mem>>)
      %dma_start3A_782 = arith.constant 0 : i32
      %dma_start3A_783 = arith.constant 1 : i32
      %dma_start3A_784 = arith.constant 1024 : i32
      %dma_start3A_785 = tpu.memref_slice %arg7[%dma_start3A_782, %dma_start3A_784] : memref<4x8192xf32, #tpu.memory_space<vmem>> -> memref<1x1024xf32, #tpu.memory_space<vmem>>
      %dma_start3A_786 = tpu.memref_squeeze %dma_start3A_785 : memref<1x1024xf32, #tpu.memory_space<vmem>> -> memref<1024xf32, #tpu.memory_space<vmem>>
      %dma_start3A_787 = arith.constant 0 : i32
      %dma_start3A_788 = tpu.memref_slice %arg4[%select_n3A_751, %dma_start3A_783, %select_n3A_767, %dma_start3A_787] : memref<50x8x128x1024xf32, #tpu.memory_space<hbm>> -> memref<1x1x1x1024xf32, #tpu.memory_space<hbm>>
      %dma_start3A_789 = tpu.memref_squeeze %dma_start3A_788 : memref<1x1x1x1024xf32, #tpu.memory_space<hbm>> -> memref<1024xf32, #tpu.memory_space<hbm>>
      %dma_start3A_790 = arith.constant 0 : i32
      %dma_start3A_791 = tpu.memref_slice %arg4[%select_n3A_751, %dma_start3A_783, %select_n3A_767, %dma_start3A_790] : memref<50x8x128x1024xf32, #tpu.memory_space<hbm>> -> memref<1x1x1x1024xf32, #tpu.memory_space<hbm>>
      %dma_start3A_792 = tpu.memref_squeeze %dma_start3A_791 : memref<1x1x1x1024xf32, #tpu.memory_space<hbm>> -> memref<1024xf32, #tpu.memory_space<hbm>>
      %dma_start3A_793 = arith.constant 1024 : i32
      %dma_start3A_794 = tpu.memref_slice %arg7[%dma_start3A_782, %dma_start3A_793] : memref<4x8192xf32, #tpu.memory_space<vmem>> -> memref<1x1024xf32, #tpu.memory_space<vmem>>
      %dma_start3A_795 = tpu.memref_squeeze %dma_start3A_794 : memref<1x1024xf32, #tpu.memory_space<vmem>> -> memref<1024xf32, #tpu.memory_space<vmem>>
      tpu.enqueue_dma source(%dma_start3A_795 : memref<1024xf32, #tpu.memory_space<vmem>>) target(%dma_start3A_792 : memref<1024xf32, #tpu.memory_space<hbm>>) target_semaphore(%arg12 : memref<!tpu.dma_semaphore, #tpu.memory_space<semaphore_mem>>)
      %dma_start3A_796 = arith.constant 0 : i32
      %dma_start3A_797 = arith.constant 2 : i32
      %dma_start3A_798 = arith.constant 2048 : i32
      %dma_start3A_799 = tpu.memref_slice %arg7[%dma_start3A_796, %dma_start3A_798] : memref<4x8192xf32, #tpu.memory_space<vmem>> -> memref<1x1024xf32, #tpu.memory_space<vmem>>
      %dma_start3A_800 = tpu.memref_squeeze %dma_start3A_799 : memref<1x1024xf32, #tpu.memory_space<vmem>> -> memref<1024xf32, #tpu.memory_space<vmem>>
      %dma_start3A_801 = arith.constant 0 : i32
      %dma_start3A_802 = tpu.memref_slice %arg4[%select_n3A_751, %dma_start3A_797, %select_n3A_767, %dma_start3A_801] : memref<50x8x128x1024xf32, #tpu.memory_space<hbm>> -> memref<1x1x1x1024xf32, #tpu.memory_space<hbm>>
      %dma_start3A_803 = tpu.memref_squeeze %dma_start3A_802 : memref<1x1x1x1024xf32, #tpu.memory_space<hbm>> -> memref<1024xf32, #tpu.memory_space<hbm>>
      %dma_start3A_804 = arith.constant 0 : i32
      %dma_start3A_805 = tpu.memref_slice %arg4[%select_n3A_751, %dma_start3A_797, %select_n3A_767, %dma_start3A_804] : memref<50x8x128x1024xf32, #tpu.memory_space<hbm>> -> memref<1x1x1x1024xf32, #tpu.memory_space<hbm>>
      %dma_start3A_806 = tpu.memref_squeeze %dma_start3A_805 : memref<1x1x1x1024xf32, #tpu.memory_space<hbm>> -> memref<1024xf32, #tpu.memory_space<hbm>>
      %dma_start3A_807 = arith.constant 2048 : i32
      %dma_start3A_808 = tpu.memref_slice %arg7[%dma_start3A_796, %dma_start3A_807] : memref<4x8192xf32, #tpu.memory_space<vmem>> -> memref<1x1024xf32, #tpu.memory_space<vmem>>
      %dma_start3A_809 = tpu.memref_squeeze %dma_start3A_808 : memref<1x1024xf32, #tpu.memory_space<vmem>> -> memref<1024xf32, #tpu.memory_space<vmem>>
      tpu.enqueue_dma source(%dma_start3A_809 : memref<1024xf32, #tpu.memory_space<vmem>>) target(%dma_start3A_806 : memref<1024xf32, #tpu.memory_space<hbm>>) target_semaphore(%arg12 : memref<!tpu.dma_semaphore, #tpu.memory_space<semaphore_mem>>)
      %dma_start3A_810 = arith.constant 0 : i32
      %dma_start3A_811 = arith.constant 3 : i32
      %dma_start3A_812 = arith.constant 3072 : i32
      %dma_start3A_813 = tpu.memref_slice %arg7[%dma_start3A_810, %dma_start3A_812] : memref<4x8192xf32, #tpu.memory_space<vmem>> -> memref<1x1024xf32, #tpu.memory_space<vmem>>
      %dma_start3A_814 = tpu.memref_squeeze %dma_start3A_813 : memref<1x1024xf32, #tpu.memory_space<vmem>> -> memref<1024xf32, #tpu.memory_space<vmem>>
      %dma_start3A_815 = arith.constant 0 : i32
      %dma_start3A_816 = tpu.memref_slice %arg4[%select_n3A_751, %dma_start3A_811, %select_n3A_767, %dma_start3A_815] : memref<50x8x128x1024xf32, #tpu.memory_space<hbm>> -> memref<1x1x1x1024xf32, #tpu.memory_space<hbm>>
      %dma_start3A_817 = tpu.memref_squeeze %dma_start3A_816 : memref<1x1x1x1024xf32, #tpu.memory_space<hbm>> -> memref<1024xf32, #tpu.memory_space<hbm>>
      %dma_start3A_818 = arith.constant 0 : i32
      %dma_start3A_819 = tpu.memref_slice %arg4[%select_n3A_751, %dma_start3A_811, %select_n3A_767, %dma_start3A_818] : memref<50x8x128x1024xf32, #tpu.memory_space<hbm>> -> memref<1x1x1x1024xf32, #tpu.memory_space<hbm>>
      %dma_start3A_820 = tpu.memref_squeeze %dma_start3A_819 : memref<1x1x1x1024xf32, #tpu.memory_space<hbm>> -> memref<1024xf32, #tpu.memory_space<hbm>>
      %dma_start3A_821 = arith.constant 3072 : i32
      %dma_start3A_822 = tpu.memref_slice %arg7[%dma_start3A_810, %dma_start3A_821] : memref<4x8192xf32, #tpu.memory_space<vmem>> -> memref<1x1024xf32, #tpu.memory_space<vmem>>
      %dma_start3A_823 = tpu.memref_squeeze %dma_start3A_822 : memref<1x1024xf32, #tpu.memory_space<vmem>> -> memref<1024xf32, #tpu.memory_space<vmem>>
      tpu.enqueue_dma source(%dma_start3A_823 : memref<1024xf32, #tpu.memory_space<vmem>>) target(%dma_start3A_820 : memref<1024xf32, #tpu.memory_space<hbm>>) target_semaphore(%arg12 : memref<!tpu.dma_semaphore, #tpu.memory_space<semaphore_mem>>)
      %dma_start3A_824 = arith.constant 0 : i32
      %dma_start3A_825 = arith.constant 4 : i32
      %dma_start3A_826 = arith.constant 4096 : i32
      %dma_start3A_827 = tpu.memref_slice %arg7[%dma_start3A_824, %dma_start3A_826] : memref<4x8192xf32, #tpu.memory_space<vmem>> -> memref<1x1024xf32, #tpu.memory_space<vmem>>
      %dma_start3A_828 = tpu.memref_squeeze %dma_start3A_827 : memref<1x1024xf32, #tpu.memory_space<vmem>> -> memref<1024xf32, #tpu.memory_space<vmem>>
      %dma_start3A_829 = arith.constant 0 : i32
      %dma_start3A_830 = tpu.memref_slice %arg4[%select_n3A_751, %dma_start3A_825, %select_n3A_767, %dma_start3A_829] : memref<50x8x128x1024xf32, #tpu.memory_space<hbm>> -> memref<1x1x1x1024xf32, #tpu.memory_space<hbm>>
      %dma_start3A_831 = tpu.memref_squeeze %dma_start3A_830 : memref<1x1x1x1024xf32, #tpu.memory_space<hbm>> -> memref<1024xf32, #tpu.memory_space<hbm>>
      %dma_start3A_832 = arith.constant 0 : i32
      %dma_start3A_833 = tpu.memref_slice %arg4[%select_n3A_751, %dma_start3A_825, %select_n3A_767, %dma_start3A_832] : memref<50x8x128x1024xf32, #tpu.memory_space<hbm>> -> memref<1x1x1x1024xf32, #tpu.memory_space<hbm>>
      %dma_start3A_834 = tpu.memref_squeeze %dma_start3A_833 : memref<1x1x1x1024xf32, #tpu.memory_space<hbm>> -> memref<1024xf32, #tpu.memory_space<hbm>>
      %dma_start3A_835 = arith.constant 4096 : i32
      %dma_start3A_836 = tpu.memref_slice %arg7[%dma_start3A_824, %dma_start3A_835] : memref<4x8192xf32, #tpu.memory_space<vmem>> -> memref<1x1024xf32, #tpu.memory_space<vmem>>
      %dma_start3A_837 = tpu.memref_squeeze %dma_start3A_836 : memref<1x1024xf32, #tpu.memory_space<vmem>> -> memref<1024xf32, #tpu.memory_space<vmem>>
      tpu.enqueue_dma source(%dma_start3A_837 : memref<1024xf32, #tpu.memory_space<vmem>>) target(%dma_start3A_834 : memref<1024xf32, #tpu.memory_space<hbm>>) target_semaphore(%arg12 : memref<!tpu.dma_semaphore, #tpu.memory_space<semaphore_mem>>)
      %dma_start3A_838 = arith.constant 0 : i32
      %dma_start3A_839 = arith.constant 5 : i32
      %dma_start3A_840 = arith.constant 5120 : i32
      %dma_start3A_841 = tpu.memref_slice %arg7[%dma_start3A_838, %dma_start3A_840] : memref<4x8192xf32, #tpu.memory_space<vmem>> -> memref<1x1024xf32, #tpu.memory_space<vmem>>
      %dma_start3A_842 = tpu.memref_squeeze %dma_start3A_841 : memref<1x1024xf32, #tpu.memory_space<vmem>> -> memref<1024xf32, #tpu.memory_space<vmem>>
      %dma_start3A_843 = arith.constant 0 : i32
      %dma_start3A_844 = tpu.memref_slice %arg4[%select_n3A_751, %dma_start3A_839, %select_n3A_767, %dma_start3A_843] : memref<50x8x128x1024xf32, #tpu.memory_space<hbm>> -> memref<1x1x1x1024xf32, #tpu.memory_space<hbm>>
      %dma_start3A_845 = tpu.memref_squeeze %dma_start3A_844 : memref<1x1x1x1024xf32, #tpu.memory_space<hbm>> -> memref<1024xf32, #tpu.memory_space<hbm>>
      %dma_start3A_846 = arith.constant 0 : i32
      %dma_start3A_847 = tpu.memref_slice %arg4[%select_n3A_751, %dma_start3A_839, %select_n3A_767, %dma_start3A_846] : memref<50x8x128x1024xf32, #tpu.memory_space<hbm>> -> memref<1x1x1x1024xf32, #tpu.memory_space<hbm>>
      %dma_start3A_848 = tpu.memref_squeeze %dma_start3A_847 : memref<1x1x1x1024xf32, #tpu.memory_space<hbm>> -> memref<1024xf32, #tpu.memory_space<hbm>>
      %dma_start3A_849 = arith.constant 5120 : i32
      %dma_start3A_850 = tpu.memref_slice %arg7[%dma_start3A_838, %dma_start3A_849] : memref<4x8192xf32, #tpu.memory_space<vmem>> -> memref<1x1024xf32, #tpu.memory_space<vmem>>
      %dma_start3A_851 = tpu.memref_squeeze %dma_start3A_850 : memref<1x1024xf32, #tpu.memory_space<vmem>> -> memref<1024xf32, #tpu.memory_space<vmem>>
      tpu.enqueue_dma source(%dma_start3A_851 : memref<1024xf32, #tpu.memory_space<vmem>>) target(%dma_start3A_848 : memref<1024xf32, #tpu.memory_space<hbm>>) target_semaphore(%arg12 : memref<!tpu.dma_semaphore, #tpu.memory_space<semaphore_mem>>)
      %dma_start3A_852 = arith.constant 0 : i32
      %dma_start3A_853 = arith.constant 6 : i32
      %dma_start3A_854 = arith.constant 6144 : i32
      %dma_start3A_855 = tpu.memref_slice %arg7[%dma_start3A_852, %dma_start3A_854] : memref<4x8192xf32, #tpu.memory_space<vmem>> -> memref<1x1024xf32, #tpu.memory_space<vmem>>
      %dma_start3A_856 = tpu.memref_squeeze %dma_start3A_855 : memref<1x1024xf32, #tpu.memory_space<vmem>> -> memref<1024xf32, #tpu.memory_space<vmem>>
      %dma_start3A_857 = arith.constant 0 : i32
      %dma_start3A_858 = tpu.memref_slice %arg4[%select_n3A_751, %dma_start3A_853, %select_n3A_767, %dma_start3A_857] : memref<50x8x128x1024xf32, #tpu.memory_space<hbm>> -> memref<1x1x1x1024xf32, #tpu.memory_space<hbm>>
      %dma_start3A_859 = tpu.memref_squeeze %dma_start3A_858 : memref<1x1x1x1024xf32, #tpu.memory_space<hbm>> -> memref<1024xf32, #tpu.memory_space<hbm>>
      %dma_start3A_860 = arith.constant 0 : i32
      %dma_start3A_861 = tpu.memref_slice %arg4[%select_n3A_751, %dma_start3A_853, %select_n3A_767, %dma_start3A_860] : memref<50x8x128x1024xf32, #tpu.memory_space<hbm>> -> memref<1x1x1x1024xf32, #tpu.memory_space<hbm>>
      %dma_start3A_862 = tpu.memref_squeeze %dma_start3A_861 : memref<1x1x1x1024xf32, #tpu.memory_space<hbm>> -> memref<1024xf32, #tpu.memory_space<hbm>>
      %dma_start3A_863 = arith.constant 6144 : i32
      %dma_start3A_864 = tpu.memref_slice %arg7[%dma_start3A_852, %dma_start3A_863] : memref<4x8192xf32, #tpu.memory_space<vmem>> -> memref<1x1024xf32, #tpu.memory_space<vmem>>
      %dma_start3A_865 = tpu.memref_squeeze %dma_start3A_864 : memref<1x1024xf32, #tpu.memory_space<vmem>> -> memref<1024xf32, #tpu.memory_space<vmem>>
      tpu.enqueue_dma source(%dma_start3A_865 : memref<1024xf32, #tpu.memory_space<vmem>>) target(%dma_start3A_862 : memref<1024xf32, #tpu.memory_space<hbm>>) target_semaphore(%arg12 : memref<!tpu.dma_semaphore, #tpu.memory_space<semaphore_mem>>)
      %dma_start3A_866 = arith.constant 0 : i32
      %dma_start3A_867 = arith.constant 7 : i32
      %dma_start3A_868 = arith.constant 7168 : i32
      %dma_start3A_869 = tpu.memref_slice %arg7[%dma_start3A_866, %dma_start3A_868] : memref<4x8192xf32, #tpu.memory_space<vmem>> -> memref<1x1024xf32, #tpu.memory_space<vmem>>
      %dma_start3A_870 = tpu.memref_squeeze %dma_start3A_869 : memref<1x1024xf32, #tpu.memory_space<vmem>> -> memref<1024xf32, #tpu.memory_space<vmem>>
      %dma_start3A_871 = arith.constant 0 : i32
      %dma_start3A_872 = tpu.memref_slice %arg4[%select_n3A_751, %dma_start3A_867, %select_n3A_767, %dma_start3A_871] : memref<50x8x128x1024xf32, #tpu.memory_space<hbm>> -> memref<1x1x1x1024xf32, #tpu.memory_space<hbm>>
      %dma_start3A_873 = tpu.memref_squeeze %dma_start3A_872 : memref<1x1x1x1024xf32, #tpu.memory_space<hbm>> -> memref<1024xf32, #tpu.memory_space<hbm>>
      %dma_start3A_874 = arith.constant 0 : i32
      %dma_start3A_875 = tpu.memref_slice %arg4[%select_n3A_751, %dma_start3A_867, %select_n3A_767, %dma_start3A_874] : memref<50x8x128x1024xf32, #tpu.memory_space<hbm>> -> memref<1x1x1x1024xf32, #tpu.memory_space<hbm>>
      %dma_start3A_876 = tpu.memref_squeeze %dma_start3A_875 : memref<1x1x1x1024xf32, #tpu.memory_space<hbm>> -> memref<1024xf32, #tpu.memory_space<hbm>>
      %dma_start3A_877 = arith.constant 7168 : i32
      %dma_start3A_878 = tpu.memref_slice %arg7[%dma_start3A_866, %dma_start3A_877] : memref<4x8192xf32, #tpu.memory_space<vmem>> -> memref<1x1024xf32, #tpu.memory_space<vmem>>
      %dma_start3A_879 = tpu.memref_squeeze %dma_start3A_878 : memref<1x1024xf32, #tpu.memory_space<vmem>> -> memref<1024xf32, #tpu.memory_space<vmem>>
      tpu.enqueue_dma source(%dma_start3A_879 : memref<1024xf32, #tpu.memory_space<vmem>>) target(%dma_start3A_876 : memref<1024xf32, #tpu.memory_space<hbm>>) target_semaphore(%arg12 : memref<!tpu.dma_semaphore, #tpu.memory_space<semaphore_mem>>)
      %add3A_880 = arith.constant 4 : i32
      %add3A_881 = arith.addi %add3A_707, %add3A_880 : i32
      %lt3A_882 = arith.constant 200 : i32
      %lt3A_883 = arith.cmpi slt, %add3A_881, %lt3A_882 : i32
      %convert_element_type3A_884 = arith.extui %lt3A_883 : i1 to i32
      %cond3A_885 = arith.constant 0 : i32
      %cond3A_886 = arith.cmpi ne, %convert_element_type3A_884, %cond3A_885 : i32
      scf.if %cond3A_886 {
        %add3A_1442 = arith.constant 4 : i32
        %add3A_1443 = arith.addi %add3A_707, %add3A_1442 : i32
        %dma_start3A_1444 = arith.constant 0 : i32
        %dma_start3A_1445 = arith.constant 0 : i32
        %dma_start3A_1446 = arith.constant 0 : i32
        %dma_start3A_1447 = tpu.memref_slice %arg6[%dma_start3A_1444, %dma_start3A_1445, %dma_start3A_1446] : memref<4x128x64xf32, #tpu.memory_space<vmem>> -> memref<1x128x64xf32, #tpu.memory_space<vmem>>
        %dma_start3A_1448 = tpu.memref_squeeze %dma_start3A_1447 : memref<1x128x64xf32, #tpu.memory_space<vmem>> -> memref<128x64xf32, #tpu.memory_space<vmem>>
        %dma_start3A_1449 = arith.constant 0 : i32
        %dma_start3A_1450 = tpu.memref_slice %arg5[%add3A_1443, %dma_start3A_1449] : memref<200x128xi32, #tpu.memory_space<vmem>> -> memref<1x128xi32, #tpu.memory_space<vmem>>
        %dma_start3A_1451 = tpu.memref_squeeze %dma_start3A_1450 : memref<1x128xi32, #tpu.memory_space<vmem>> -> memref<128xi32, #tpu.memory_space<vmem>>
        %dma_start3A_1452 = arith.constant 0 : i32
        %dma_start3A_1453 = arith.constant 0 : i32
        %dma_start3A_1454 = tpu.memref_slice %arg3[%dma_start3A_1452, %dma_start3A_1453] : memref<1000000x64xf32, #tpu.memory_space<hbm>> -> memref<1000000x64xf32, #tpu.memory_space<hbm>>
        tpu.enqueue_indirect_dma source(%dma_start3A_1454 : memref<1000000x64xf32, #tpu.memory_space<hbm>>) target(%dma_start3A_1448 : memref<128x64xf32, #tpu.memory_space<vmem>>) offsets(%dma_start3A_1451 : memref<128xi32, #tpu.memory_space<vmem>>) semaphore(%arg8 : memref<!tpu.dma_semaphore, #tpu.memory_space<semaphore_mem>>)
      } else {
      }
      %add3A_887 = arith.constant 1 : i32
      %add3A_888 = arith.addi %add3A_705, %add3A_887 : i32
      %dma_wait3A_889 = arith.constant 1 : i32
      %dma_wait3A_890 = arith.constant 0 : i32
      %dma_wait3A_891 = arith.constant 0 : i32
      %dma_wait3A_892 = tpu.memref_slice %arg6[%dma_wait3A_889, %dma_wait3A_890, %dma_wait3A_891] : memref<4x128x64xf32, #tpu.memory_space<vmem>> -> memref<1x128x64xf32, #tpu.memory_space<vmem>>
      %dma_wait3A_893 = tpu.memref_squeeze %dma_wait3A_892 : memref<1x128x64xf32, #tpu.memory_space<vmem>> -> memref<128x64xf32, #tpu.memory_space<vmem>>
      %dma_wait3A_894 = arith.constant 0 : i32
      %dma_wait3A_895 = tpu.memref_slice %arg5[%add3A_888, %dma_wait3A_894] : memref<200x128xi32, #tpu.memory_space<vmem>> -> memref<1x128xi32, #tpu.memory_space<vmem>>
      %dma_wait3A_896 = tpu.memref_squeeze %dma_wait3A_895 : memref<1x128xi32, #tpu.memory_space<vmem>> -> memref<128xi32, #tpu.memory_space<vmem>>
      %dma_wait3A_897 = arith.constant 0 : i32
      %dma_wait3A_898 = arith.constant 0 : i32
      %dma_wait3A_899 = tpu.memref_slice %arg3[%dma_wait3A_897, %dma_wait3A_898] : memref<1000000x64xf32, #tpu.memory_space<hbm>> -> memref<1000000x64xf32, #tpu.memory_space<hbm>>
      tpu.wait_indirect_dma semaphore(%arg9 : memref<!tpu.dma_semaphore, #tpu.memory_space<semaphore_mem>>) src(%dma_wait3A_899 : memref<1000000x64xf32, #tpu.memory_space<hbm>>) dst(%dma_wait3A_893 : memref<128x64xf32, #tpu.memory_space<vmem>>)
      %ge3A_900 = arith.constant 4 : i32
      %ge3A_901 = arith.cmpi sge, %add3A_888, %ge3A_900 : i32
      %convert_element_type3A_902 = arith.extui %ge3A_901 : i1 to i32
      %cond3A_903 = arith.constant 0 : i32
      %cond3A_904 = arith.cmpi ne, %convert_element_type3A_902, %cond3A_903 : i32
      scf.if %cond3A_904 {
        %sub3A_1442 = arith.constant 4 : i32
        %sub3A_1443 = arith.subi %add3A_888, %sub3A_1442 : i32
        %mul3A_1444 = arith.constant 200 : i32
        %mul3A_1445 = arith.muli %add3A, %mul3A_1444 : i32
        %add3A_1446 = arith.addi %mul3A_1445, %sub3A_1443 : i32
        %jit3A_1447 = arith.constant 128 : i32
        %div3A_1448 = arith.divsi %add3A_1446, %jit3A_1447 : i32
        %sign3A_1449 = arith.constant 0 : i32
        %sign3A_1450 = arith.cmpi sgt, %add3A_1446, %sign3A_1449 : i32
        %sign3A_1451 = arith.extui %sign3A_1450 : i1 to i32
        %sign3A_1452 = arith.constant 0 : i32
        %sign3A_1453 = arith.cmpi slt, %add3A_1446, %sign3A_1452 : i32
        %sign3A_1454 = arith.extui %sign3A_1453 : i1 to i32
        %sign3A_1455 = arith.subi %sign3A_1451, %sign3A_1454 : i32
        %sign3A_1456 = arith.constant 0 : i32
        %sign3A_1457 = arith.cmpi sgt, %jit3A_1447, %sign3A_1456 : i32
        %sign3A_1458 = arith.extui %sign3A_1457 : i1 to i32
        %sign3A_1459 = arith.constant 0 : i32
        %sign3A_1460 = arith.cmpi slt, %jit3A_1447, %sign3A_1459 : i32
        %sign3A_1461 = arith.extui %sign3A_1460 : i1 to i32
        %sign3A_1462 = arith.subi %sign3A_1458, %sign3A_1461 : i32
        %ne3A_1463 = arith.cmpi ne, %sign3A_1455, %sign3A_1462 : i32
        %rem3A_1464 = arith.remsi %add3A_1446, %jit3A_1447 : i32
        %ne3A_1465 = arith.constant 0 : i32
        %ne3A_1466 = arith.cmpi ne, %rem3A_1464, %ne3A_1465 : i32
        %and3A_1467 = arith.andi %ne3A_1463, %ne3A_1466 : i1
        %sub3A_1468 = arith.constant 1 : i32
        %sub3A_1469 = arith.subi %div3A_1448, %sub3A_1468 : i32
        %select_n3A_1470 = arith.select %and3A_1467, %sub3A_1469, %div3A_1448 : i32
        %jit3A_1471 = arith.constant 128 : i32
        %eq3A_1472 = arith.constant 0 : i32
        %eq3A_1473 = arith.cmpi eq, %jit3A_1471, %eq3A_1472 : i32
        %jit3A_1474 = arith.constant 1 : i32
        %select_n3A_1475 = arith.select %eq3A_1473, %jit3A_1474, %jit3A_1471 : i32
        %rem3A_1476 = arith.remsi %add3A_1446, %select_n3A_1475 : i32
        %ne3A_1477 = arith.constant 0 : i32
        %ne3A_1478 = arith.cmpi ne, %rem3A_1476, %ne3A_1477 : i32
        %lt3A_1479 = arith.constant 0 : i32
        %lt3A_1480 = arith.cmpi slt, %rem3A_1476, %lt3A_1479 : i32
        %lt3A_1481 = arith.constant 0 : i32
        %lt3A_1482 = arith.cmpi slt, %select_n3A_1475, %lt3A_1481 : i32
        %ne3A_1483 = arith.xori %lt3A_1480, %lt3A_1482 : i1
        %and3A_1484 = arith.andi %ne3A_1483, %ne3A_1478 : i1
        %add3A_1485 = arith.addi %rem3A_1476, %select_n3A_1475 : i32
        %select_n3A_1486 = arith.select %and3A_1484, %add3A_1485, %rem3A_1476 : i32
        %dma_wait3A_1487 = arith.constant 1 : i32
        %dma_wait3A_1488 = arith.constant 0 : i32
        %dma_wait3A_1489 = arith.constant 0 : i32
        %dma_wait3A_1490 = tpu.memref_slice %arg7[%dma_wait3A_1487, %dma_wait3A_1489] : memref<4x8192xf32, #tpu.memory_space<vmem>> -> memref<1x1024xf32, #tpu.memory_space<vmem>>
        %dma_wait3A_1491 = tpu.memref_squeeze %dma_wait3A_1490 : memref<1x1024xf32, #tpu.memory_space<vmem>> -> memref<1024xf32, #tpu.memory_space<vmem>>
        %dma_wait3A_1492 = arith.constant 0 : i32
        %dma_wait3A_1493 = tpu.memref_slice %arg4[%select_n3A_1470, %dma_wait3A_1488, %select_n3A_1486, %dma_wait3A_1492] : memref<50x8x128x1024xf32, #tpu.memory_space<hbm>> -> memref<1x1x1x1024xf32, #tpu.memory_space<hbm>>
        %dma_wait3A_1494 = tpu.memref_squeeze %dma_wait3A_1493 : memref<1x1x1x1024xf32, #tpu.memory_space<hbm>> -> memref<1024xf32, #tpu.memory_space<hbm>>
        %dma_wait3A_1495 = arith.constant 0 : i32
        %dma_wait3A_1496 = tpu.memref_slice %arg4[%select_n3A_1470, %dma_wait3A_1488, %select_n3A_1486, %dma_wait3A_1495] : memref<50x8x128x1024xf32, #tpu.memory_space<hbm>> -> memref<1x1x1x1024xf32, #tpu.memory_space<hbm>>
        %dma_wait3A_1497 = tpu.memref_squeeze %dma_wait3A_1496 : memref<1x1x1x1024xf32, #tpu.memory_space<hbm>> -> memref<1024xf32, #tpu.memory_space<hbm>>
        %dma_wait3A_1498 = arith.constant 0 : i32
        %dma_wait3A_1499 = tpu.memref_slice %arg7[%dma_wait3A_1487, %dma_wait3A_1498] : memref<4x8192xf32, #tpu.memory_space<vmem>> -> memref<1x1024xf32, #tpu.memory_space<vmem>>
        %dma_wait3A_1500 = tpu.memref_squeeze %dma_wait3A_1499 : memref<1x1024xf32, #tpu.memory_space<vmem>> -> memref<1024xf32, #tpu.memory_space<vmem>>
        tpu.wait_dma2 semaphore(%arg13 : memref<!tpu.dma_semaphore, #tpu.memory_space<semaphore_mem>>) src(%dma_wait3A_1500 : memref<1024xf32, #tpu.memory_space<vmem>>) dst(%dma_wait3A_1497 : memref<1024xf32, #tpu.memory_space<hbm>>)
        %dma_wait3A_1501 = arith.constant 1 : i32
        %dma_wait3A_1502 = arith.constant 1 : i32
        %dma_wait3A_1503 = arith.constant 1024 : i32
        %dma_wait3A_1504 = tpu.memref_slice %arg7[%dma_wait3A_1501, %dma_wait3A_1503] : memref<4x8192xf32, #tpu.memory_space<vmem>> -> memref<1x1024xf32, #tpu.memory_space<vmem>>
        %dma_wait3A_1505 = tpu.memref_squeeze %dma_wait3A_1504 : memref<1x1024xf32, #tpu.memory_space<vmem>> -> memref<1024xf32, #tpu.memory_space<vmem>>
        %dma_wait3A_1506 = arith.constant 0 : i32
        %dma_wait3A_1507 = tpu.memref_slice %arg4[%select_n3A_1470, %dma_wait3A_1502, %select_n3A_1486, %dma_wait3A_1506] : memref<50x8x128x1024xf32, #tpu.memory_space<hbm>> -> memref<1x1x1x1024xf32, #tpu.memory_space<hbm>>
        %dma_wait3A_1508 = tpu.memref_squeeze %dma_wait3A_1507 : memref<1x1x1x1024xf32, #tpu.memory_space<hbm>> -> memref<1024xf32, #tpu.memory_space<hbm>>
        %dma_wait3A_1509 = arith.constant 0 : i32
        %dma_wait3A_1510 = tpu.memref_slice %arg4[%select_n3A_1470, %dma_wait3A_1502, %select_n3A_1486, %dma_wait3A_1509] : memref<50x8x128x1024xf32, #tpu.memory_space<hbm>> -> memref<1x1x1x1024xf32, #tpu.memory_space<hbm>>
        %dma_wait3A_1511 = tpu.memref_squeeze %dma_wait3A_1510 : memref<1x1x1x1024xf32, #tpu.memory_space<hbm>> -> memref<1024xf32, #tpu.memory_space<hbm>>
        %dma_wait3A_1512 = arith.constant 1024 : i32
        %dma_wait3A_1513 = tpu.memref_slice %arg7[%dma_wait3A_1501, %dma_wait3A_1512] : memref<4x8192xf32, #tpu.memory_space<vmem>> -> memref<1x1024xf32, #tpu.memory_space<vmem>>
        %dma_wait3A_1514 = tpu.memref_squeeze %dma_wait3A_1513 : memref<1x1024xf32, #tpu.memory_space<vmem>> -> memref<1024xf32, #tpu.memory_space<vmem>>
        tpu.wait_dma2 semaphore(%arg13 : memref<!tpu.dma_semaphore, #tpu.memory_space<semaphore_mem>>) src(%dma_wait3A_1514 : memref<1024xf32, #tpu.memory_space<vmem>>) dst(%dma_wait3A_1511 : memref<1024xf32, #tpu.memory_space<hbm>>)
        %dma_wait3A_1515 = arith.constant 1 : i32
        %dma_wait3A_1516 = arith.constant 2 : i32
        %dma_wait3A_1517 = arith.constant 2048 : i32
        %dma_wait3A_1518 = tpu.memref_slice %arg7[%dma_wait3A_1515, %dma_wait3A_1517] : memref<4x8192xf32, #tpu.memory_space<vmem>> -> memref<1x1024xf32, #tpu.memory_space<vmem>>
        %dma_wait3A_1519 = tpu.memref_squeeze %dma_wait3A_1518 : memref<1x1024xf32, #tpu.memory_space<vmem>> -> memref<1024xf32, #tpu.memory_space<vmem>>
        %dma_wait3A_1520 = arith.constant 0 : i32
        %dma_wait3A_1521 = tpu.memref_slice %arg4[%select_n3A_1470, %dma_wait3A_1516, %select_n3A_1486, %dma_wait3A_1520] : memref<50x8x128x1024xf32, #tpu.memory_space<hbm>> -> memref<1x1x1x1024xf32, #tpu.memory_space<hbm>>
        %dma_wait3A_1522 = tpu.memref_squeeze %dma_wait3A_1521 : memref<1x1x1x1024xf32, #tpu.memory_space<hbm>> -> memref<1024xf32, #tpu.memory_space<hbm>>
        %dma_wait3A_1523 = arith.constant 0 : i32
        %dma_wait3A_1524 = tpu.memref_slice %arg4[%select_n3A_1470, %dma_wait3A_1516, %select_n3A_1486, %dma_wait3A_1523] : memref<50x8x128x1024xf32, #tpu.memory_space<hbm>> -> memref<1x1x1x1024xf32, #tpu.memory_space<hbm>>
        %dma_wait3A_1525 = tpu.memref_squeeze %dma_wait3A_1524 : memref<1x1x1x1024xf32, #tpu.memory_space<hbm>> -> memref<1024xf32, #tpu.memory_space<hbm>>
        %dma_wait3A_1526 = arith.constant 2048 : i32
        %dma_wait3A_1527 = tpu.memref_slice %arg7[%dma_wait3A_1515, %dma_wait3A_1526] : memref<4x8192xf32, #tpu.memory_space<vmem>> -> memref<1x1024xf32, #tpu.memory_space<vmem>>
        %dma_wait3A_1528 = tpu.memref_squeeze %dma_wait3A_1527 : memref<1x1024xf32, #tpu.memory_space<vmem>> -> memref<1024xf32, #tpu.memory_space<vmem>>
        tpu.wait_dma2 semaphore(%arg13 : memref<!tpu.dma_semaphore, #tpu.memory_space<semaphore_mem>>) src(%dma_wait3A_1528 : memref<1024xf32, #tpu.memory_space<vmem>>) dst(%dma_wait3A_1525 : memref<1024xf32, #tpu.memory_space<hbm>>)
        %dma_wait3A_1529 = arith.constant 1 : i32
        %dma_wait3A_1530 = arith.constant 3 : i32
        %dma_wait3A_1531 = arith.constant 3072 : i32
        %dma_wait3A_1532 = tpu.memref_slice %arg7[%dma_wait3A_1529, %dma_wait3A_1531] : memref<4x8192xf32, #tpu.memory_space<vmem>> -> memref<1x1024xf32, #tpu.memory_space<vmem>>
        %dma_wait3A_1533 = tpu.memref_squeeze %dma_wait3A_1532 : memref<1x1024xf32, #tpu.memory_space<vmem>> -> memref<1024xf32, #tpu.memory_space<vmem>>
        %dma_wait3A_1534 = arith.constant 0 : i32
        %dma_wait3A_1535 = tpu.memref_slice %arg4[%select_n3A_1470, %dma_wait3A_1530, %select_n3A_1486, %dma_wait3A_1534] : memref<50x8x128x1024xf32, #tpu.memory_space<hbm>> -> memref<1x1x1x1024xf32, #tpu.memory_space<hbm>>
        %dma_wait3A_1536 = tpu.memref_squeeze %dma_wait3A_1535 : memref<1x1x1x1024xf32, #tpu.memory_space<hbm>> -> memref<1024xf32, #tpu.memory_space<hbm>>
        %dma_wait3A_1537 = arith.constant 0 : i32
        %dma_wait3A_1538 = tpu.memref_slice %arg4[%select_n3A_1470, %dma_wait3A_1530, %select_n3A_1486, %dma_wait3A_1537] : memref<50x8x128x1024xf32, #tpu.memory_space<hbm>> -> memref<1x1x1x1024xf32, #tpu.memory_space<hbm>>
        %dma_wait3A_1539 = tpu.memref_squeeze %dma_wait3A_1538 : memref<1x1x1x1024xf32, #tpu.memory_space<hbm>> -> memref<1024xf32, #tpu.memory_space<hbm>>
        %dma_wait3A_1540 = arith.constant 3072 : i32
        %dma_wait3A_1541 = tpu.memref_slice %arg7[%dma_wait3A_1529, %dma_wait3A_1540] : memref<4x8192xf32, #tpu.memory_space<vmem>> -> memref<1x1024xf32, #tpu.memory_space<vmem>>
        %dma_wait3A_1542 = tpu.memref_squeeze %dma_wait3A_1541 : memref<1x1024xf32, #tpu.memory_space<vmem>> -> memref<1024xf32, #tpu.memory_space<vmem>>
        tpu.wait_dma2 semaphore(%arg13 : memref<!tpu.dma_semaphore, #tpu.memory_space<semaphore_mem>>) src(%dma_wait3A_1542 : memref<1024xf32, #tpu.memory_space<vmem>>) dst(%dma_wait3A_1539 : memref<1024xf32, #tpu.memory_space<hbm>>)
        %dma_wait3A_1543 = arith.constant 1 : i32
        %dma_wait3A_1544 = arith.constant 4 : i32
        %dma_wait3A_1545 = arith.constant 4096 : i32
        %dma_wait3A_1546 = tpu.memref_slice %arg7[%dma_wait3A_1543, %dma_wait3A_1545] : memref<4x8192xf32, #tpu.memory_space<vmem>> -> memref<1x1024xf32, #tpu.memory_space<vmem>>
        %dma_wait3A_1547 = tpu.memref_squeeze %dma_wait3A_1546 : memref<1x1024xf32, #tpu.memory_space<vmem>> -> memref<1024xf32, #tpu.memory_space<vmem>>
        %dma_wait3A_1548 = arith.constant 0 : i32
        %dma_wait3A_1549 = tpu.memref_slice %arg4[%select_n3A_1470, %dma_wait3A_1544, %select_n3A_1486, %dma_wait3A_1548] : memref<50x8x128x1024xf32, #tpu.memory_space<hbm>> -> memref<1x1x1x1024xf32, #tpu.memory_space<hbm>>
        %dma_wait3A_1550 = tpu.memref_squeeze %dma_wait3A_1549 : memref<1x1x1x1024xf32, #tpu.memory_space<hbm>> -> memref<1024xf32, #tpu.memory_space<hbm>>
        %dma_wait3A_1551 = arith.constant 0 : i32
        %dma_wait3A_1552 = tpu.memref_slice %arg4[%select_n3A_1470, %dma_wait3A_1544, %select_n3A_1486, %dma_wait3A_1551] : memref<50x8x128x1024xf32, #tpu.memory_space<hbm>> -> memref<1x1x1x1024xf32, #tpu.memory_space<hbm>>
        %dma_wait3A_1553 = tpu.memref_squeeze %dma_wait3A_1552 : memref<1x1x1x1024xf32, #tpu.memory_space<hbm>> -> memref<1024xf32, #tpu.memory_space<hbm>>
        %dma_wait3A_1554 = arith.constant 4096 : i32
        %dma_wait3A_1555 = tpu.memref_slice %arg7[%dma_wait3A_1543, %dma_wait3A_1554] : memref<4x8192xf32, #tpu.memory_space<vmem>> -> memref<1x1024xf32, #tpu.memory_space<vmem>>
        %dma_wait3A_1556 = tpu.memref_squeeze %dma_wait3A_1555 : memref<1x1024xf32, #tpu.memory_space<vmem>> -> memref<1024xf32, #tpu.memory_space<vmem>>
        tpu.wait_dma2 semaphore(%arg13 : memref<!tpu.dma_semaphore, #tpu.memory_space<semaphore_mem>>) src(%dma_wait3A_1556 : memref<1024xf32, #tpu.memory_space<vmem>>) dst(%dma_wait3A_1553 : memref<1024xf32, #tpu.memory_space<hbm>>)
        %dma_wait3A_1557 = arith.constant 1 : i32
        %dma_wait3A_1558 = arith.constant 5 : i32
        %dma_wait3A_1559 = arith.constant 5120 : i32
        %dma_wait3A_1560 = tpu.memref_slice %arg7[%dma_wait3A_1557, %dma_wait3A_1559] : memref<4x8192xf32, #tpu.memory_space<vmem>> -> memref<1x1024xf32, #tpu.memory_space<vmem>>
        %dma_wait3A_1561 = tpu.memref_squeeze %dma_wait3A_1560 : memref<1x1024xf32, #tpu.memory_space<vmem>> -> memref<1024xf32, #tpu.memory_space<vmem>>
        %dma_wait3A_1562 = arith.constant 0 : i32
        %dma_wait3A_1563 = tpu.memref_slice %arg4[%select_n3A_1470, %dma_wait3A_1558, %select_n3A_1486, %dma_wait3A_1562] : memref<50x8x128x1024xf32, #tpu.memory_space<hbm>> -> memref<1x1x1x1024xf32, #tpu.memory_space<hbm>>
        %dma_wait3A_1564 = tpu.memref_squeeze %dma_wait3A_1563 : memref<1x1x1x1024xf32, #tpu.memory_space<hbm>> -> memref<1024xf32, #tpu.memory_space<hbm>>
        %dma_wait3A_1565 = arith.constant 0 : i32
        %dma_wait3A_1566 = tpu.memref_slice %arg4[%select_n3A_1470, %dma_wait3A_1558, %select_n3A_1486, %dma_wait3A_1565] : memref<50x8x128x1024xf32, #tpu.memory_space<hbm>> -> memref<1x1x1x1024xf32, #tpu.memory_space<hbm>>
        %dma_wait3A_1567 = tpu.memref_squeeze %dma_wait3A_1566 : memref<1x1x1x1024xf32, #tpu.memory_space<hbm>> -> memref<1024xf32, #tpu.memory_space<hbm>>
        %dma_wait3A_1568 = arith.constant 5120 : i32
        %dma_wait3A_1569 = tpu.memref_slice %arg7[%dma_wait3A_1557, %dma_wait3A_1568] : memref<4x8192xf32, #tpu.memory_space<vmem>> -> memref<1x1024xf32, #tpu.memory_space<vmem>>
        %dma_wait3A_1570 = tpu.memref_squeeze %dma_wait3A_1569 : memref<1x1024xf32, #tpu.memory_space<vmem>> -> memref<1024xf32, #tpu.memory_space<vmem>>
        tpu.wait_dma2 semaphore(%arg13 : memref<!tpu.dma_semaphore, #tpu.memory_space<semaphore_mem>>) src(%dma_wait3A_1570 : memref<1024xf32, #tpu.memory_space<vmem>>) dst(%dma_wait3A_1567 : memref<1024xf32, #tpu.memory_space<hbm>>)
        %dma_wait3A_1571 = arith.constant 1 : i32
        %dma_wait3A_1572 = arith.constant 6 : i32
        %dma_wait3A_1573 = arith.constant 6144 : i32
        %dma_wait3A_1574 = tpu.memref_slice %arg7[%dma_wait3A_1571, %dma_wait3A_1573] : memref<4x8192xf32, #tpu.memory_space<vmem>> -> memref<1x1024xf32, #tpu.memory_space<vmem>>
        %dma_wait3A_1575 = tpu.memref_squeeze %dma_wait3A_1574 : memref<1x1024xf32, #tpu.memory_space<vmem>> -> memref<1024xf32, #tpu.memory_space<vmem>>
        %dma_wait3A_1576 = arith.constant 0 : i32
        %dma_wait3A_1577 = tpu.memref_slice %arg4[%select_n3A_1470, %dma_wait3A_1572, %select_n3A_1486, %dma_wait3A_1576] : memref<50x8x128x1024xf32, #tpu.memory_space<hbm>> -> memref<1x1x1x1024xf32, #tpu.memory_space<hbm>>
        %dma_wait3A_1578 = tpu.memref_squeeze %dma_wait3A_1577 : memref<1x1x1x1024xf32, #tpu.memory_space<hbm>> -> memref<1024xf32, #tpu.memory_space<hbm>>
        %dma_wait3A_1579 = arith.constant 0 : i32
        %dma_wait3A_1580 = tpu.memref_slice %arg4[%select_n3A_1470, %dma_wait3A_1572, %select_n3A_1486, %dma_wait3A_1579] : memref<50x8x128x1024xf32, #tpu.memory_space<hbm>> -> memref<1x1x1x1024xf32, #tpu.memory_space<hbm>>
        %dma_wait3A_1581 = tpu.memref_squeeze %dma_wait3A_1580 : memref<1x1x1x1024xf32, #tpu.memory_space<hbm>> -> memref<1024xf32, #tpu.memory_space<hbm>>
        %dma_wait3A_1582 = arith.constant 6144 : i32
        %dma_wait3A_1583 = tpu.memref_slice %arg7[%dma_wait3A_1571, %dma_wait3A_1582] : memref<4x8192xf32, #tpu.memory_space<vmem>> -> memref<1x1024xf32, #tpu.memory_space<vmem>>
        %dma_wait3A_1584 = tpu.memref_squeeze %dma_wait3A_1583 : memref<1x1024xf32, #tpu.memory_space<vmem>> -> memref<1024xf32, #tpu.memory_space<vmem>>
        tpu.wait_dma2 semaphore(%arg13 : memref<!tpu.dma_semaphore, #tpu.memory_space<semaphore_mem>>) src(%dma_wait3A_1584 : memref<1024xf32, #tpu.memory_space<vmem>>) dst(%dma_wait3A_1581 : memref<1024xf32, #tpu.memory_space<hbm>>)
        %dma_wait3A_1585 = arith.constant 1 : i32
        %dma_wait3A_1586 = arith.constant 7 : i32
        %dma_wait3A_1587 = arith.constant 7168 : i32
        %dma_wait3A_1588 = tpu.memref_slice %arg7[%dma_wait3A_1585, %dma_wait3A_1587] : memref<4x8192xf32, #tpu.memory_space<vmem>> -> memref<1x1024xf32, #tpu.memory_space<vmem>>
        %dma_wait3A_1589 = tpu.memref_squeeze %dma_wait3A_1588 : memref<1x1024xf32, #tpu.memory_space<vmem>> -> memref<1024xf32, #tpu.memory_space<vmem>>
        %dma_wait3A_1590 = arith.constant 0 : i32
        %dma_wait3A_1591 = tpu.memref_slice %arg4[%select_n3A_1470, %dma_wait3A_1586, %select_n3A_1486, %dma_wait3A_1590] : memref<50x8x128x1024xf32, #tpu.memory_space<hbm>> -> memref<1x1x1x1024xf32, #tpu.memory_space<hbm>>
        %dma_wait3A_1592 = tpu.memref_squeeze %dma_wait3A_1591 : memref<1x1x1x1024xf32, #tpu.memory_space<hbm>> -> memref<1024xf32, #tpu.memory_space<hbm>>
        %dma_wait3A_1593 = arith.constant 0 : i32
        %dma_wait3A_1594 = tpu.memref_slice %arg4[%select_n3A_1470, %dma_wait3A_1586, %select_n3A_1486, %dma_wait3A_1593] : memref<50x8x128x1024xf32, #tpu.memory_space<hbm>> -> memref<1x1x1x1024xf32, #tpu.memory_space<hbm>>
        %dma_wait3A_1595 = tpu.memref_squeeze %dma_wait3A_1594 : memref<1x1x1x1024xf32, #tpu.memory_space<hbm>> -> memref<1024xf32, #tpu.memory_space<hbm>>
        %dma_wait3A_1596 = arith.constant 7168 : i32
        %dma_wait3A_1597 = tpu.memref_slice %arg7[%dma_wait3A_1585, %dma_wait3A_1596] : memref<4x8192xf32, #tpu.memory_space<vmem>> -> memref<1x1024xf32, #tpu.memory_space<vmem>>
        %dma_wait3A_1598 = tpu.memref_squeeze %dma_wait3A_1597 : memref<1x1024xf32, #tpu.memory_space<vmem>> -> memref<1024xf32, #tpu.memory_space<vmem>>
        tpu.wait_dma2 semaphore(%arg13 : memref<!tpu.dma_semaphore, #tpu.memory_space<semaphore_mem>>) src(%dma_wait3A_1598 : memref<1024xf32, #tpu.memory_space<vmem>>) dst(%dma_wait3A_1595 : memref<1024xf32, #tpu.memory_space<hbm>>)
      } else {
      }
      %parallel_loop3A_905 = arith.constant 0 : i32
      %parallel_loop3A_906 = arith.constant 128 : i32
      %parallel_loop3A_907 = arith.constant 1 : i32
      %parallel_loop3A_908 = arith.constant 1 : i32
      %parallel_loop3A_909 = arith.constant 1 : i32
      scf.for %parallel_loop3A_1442 = %parallel_loop3A_905 to %parallel_loop3A_906 step %parallel_loop3A_907  : i32 {
        %parallel_loop3A_1443 = vector.broadcast %parallel_loop3A_1442 : i32 to vector<16xi32>
        %parallel_loop3A_1444 = arith.addi %parallel_loop3A_1443, %iota3A : vector<16xi32>
        %parallel_loop3A_1445 = arith.constant 127 : i32
        %parallel_loop3A_1446 = vector.broadcast %parallel_loop3A_1445 : i32 to vector<16xi32>
        %parallel_loop3A_1447 = arith.andi %parallel_loop3A_1444, %parallel_loop3A_1446 : vector<16xi32>
        %parallel_loop3A_1448 = arith.constant 0 : i32
        %parallel_loop3A_1449 = arith.constant 0 : i32
        %parallel_loop3A_1450 = tpu.memref_slice %arg6[%parallel_loop3A_908, %parallel_loop3A_1448, %parallel_loop3A_1449] : memref<4x128x64xf32, #tpu.memory_space<vmem>> -> memref<1x128x64xf32, #tpu.memory_space<vmem>>
        %parallel_loop3A_1451 = tpu.memref_squeeze %parallel_loop3A_1450 : memref<1x128x64xf32, #tpu.memory_space<vmem>> -> memref<128x64xf32, #tpu.memory_space<vmem>>
        %parallel_loop3A_1452 = tpu.vector_load_idx %parallel_loop3A_1451[%parallel_loop3A_1447, %add3A_3] : memref<128x64xf32, #tpu.memory_space<vmem>>[vector<16xi32>, vector<16xi32>], vector<16xf32>,
        %parallel_loop3A_1453 = arith.addi %add3A_18, %parallel_loop3A_1447 : vector<16xi32>
        %parallel_loop3A_1454 = arith.constant 0 : i32
        %parallel_loop3A_1455 = tpu.memref_slice %arg7[%parallel_loop3A_909, %parallel_loop3A_1454] : memref<4x8192xf32, #tpu.memory_space<vmem>> -> memref<1x8192xf32, #tpu.memory_space<vmem>>
        %parallel_loop3A_1456 = tpu.memref_squeeze %parallel_loop3A_1455 : memref<1x8192xf32, #tpu.memory_space<vmem>> -> memref<8192xf32, #tpu.memory_space<vmem>>
        tpu.vector_store_idx %parallel_loop3A_1456[%parallel_loop3A_1453], %parallel_loop3A_1452 : memref<8192xf32, #tpu.memory_space<vmem>>[vector<16xi32>], vector<16xf32>,
        %parallel_loop3A_1457 = arith.constant 0 : i32
        %parallel_loop3A_1458 = arith.constant 0 : i32
        %parallel_loop3A_1459 = tpu.memref_slice %arg6[%parallel_loop3A_908, %parallel_loop3A_1457, %parallel_loop3A_1458] : memref<4x128x64xf32, #tpu.memory_space<vmem>> -> memref<1x128x64xf32, #tpu.memory_space<vmem>>
        %parallel_loop3A_1460 = tpu.memref_squeeze %parallel_loop3A_1459 : memref<1x128x64xf32, #tpu.memory_space<vmem>> -> memref<128x64xf32, #tpu.memory_space<vmem>>
        %parallel_loop3A_1461 = tpu.vector_load_idx %parallel_loop3A_1460[%parallel_loop3A_1447, %add3A_6] : memref<128x64xf32, #tpu.memory_space<vmem>>[vector<16xi32>, vector<16xi32>], vector<16xf32>,
        %parallel_loop3A_1462 = arith.addi %add3A_24, %parallel_loop3A_1447 : vector<16xi32>
        %parallel_loop3A_1463 = arith.constant 0 : i32
        %parallel_loop3A_1464 = tpu.memref_slice %arg7[%parallel_loop3A_909, %parallel_loop3A_1463] : memref<4x8192xf32, #tpu.memory_space<vmem>> -> memref<1x8192xf32, #tpu.memory_space<vmem>>
        %parallel_loop3A_1465 = tpu.memref_squeeze %parallel_loop3A_1464 : memref<1x8192xf32, #tpu.memory_space<vmem>> -> memref<8192xf32, #tpu.memory_space<vmem>>
        tpu.vector_store_idx %parallel_loop3A_1465[%parallel_loop3A_1462], %parallel_loop3A_1461 : memref<8192xf32, #tpu.memory_space<vmem>>[vector<16xi32>], vector<16xf32>,
        %parallel_loop3A_1466 = arith.constant 0 : i32
        %parallel_loop3A_1467 = arith.constant 0 : i32
        %parallel_loop3A_1468 = tpu.memref_slice %arg6[%parallel_loop3A_908, %parallel_loop3A_1466, %parallel_loop3A_1467] : memref<4x128x64xf32, #tpu.memory_space<vmem>> -> memref<1x128x64xf32, #tpu.memory_space<vmem>>
        %parallel_loop3A_1469 = tpu.memref_squeeze %parallel_loop3A_1468 : memref<1x128x64xf32, #tpu.memory_space<vmem>> -> memref<128x64xf32, #tpu.memory_space<vmem>>
        %parallel_loop3A_1470 = tpu.vector_load_idx %parallel_loop3A_1469[%parallel_loop3A_1447, %add3A_9] : memref<128x64xf32, #tpu.memory_space<vmem>>[vector<16xi32>, vector<16xi32>], vector<16xf32>,
        %parallel_loop3A_1471 = arith.addi %add3A_30, %parallel_loop3A_1447 : vector<16xi32>
        %parallel_loop3A_1472 = arith.constant 0 : i32
        %parallel_loop3A_1473 = tpu.memref_slice %arg7[%parallel_loop3A_909, %parallel_loop3A_1472] : memref<4x8192xf32, #tpu.memory_space<vmem>> -> memref<1x8192xf32, #tpu.memory_space<vmem>>
        %parallel_loop3A_1474 = tpu.memref_squeeze %parallel_loop3A_1473 : memref<1x8192xf32, #tpu.memory_space<vmem>> -> memref<8192xf32, #tpu.memory_space<vmem>>
        tpu.vector_store_idx %parallel_loop3A_1474[%parallel_loop3A_1471], %parallel_loop3A_1470 : memref<8192xf32, #tpu.memory_space<vmem>>[vector<16xi32>], vector<16xf32>,
        %parallel_loop3A_1475 = arith.constant 0 : i32
        %parallel_loop3A_1476 = arith.constant 0 : i32
        %parallel_loop3A_1477 = tpu.memref_slice %arg6[%parallel_loop3A_908, %parallel_loop3A_1475, %parallel_loop3A_1476] : memref<4x128x64xf32, #tpu.memory_space<vmem>> -> memref<1x128x64xf32, #tpu.memory_space<vmem>>
        %parallel_loop3A_1478 = tpu.memref_squeeze %parallel_loop3A_1477 : memref<1x128x64xf32, #tpu.memory_space<vmem>> -> memref<128x64xf32, #tpu.memory_space<vmem>>
        %parallel_loop3A_1479 = tpu.vector_load_idx %parallel_loop3A_1478[%parallel_loop3A_1447, %add3A_12] : memref<128x64xf32, #tpu.memory_space<vmem>>[vector<16xi32>, vector<16xi32>], vector<16xf32>,
        %parallel_loop3A_1480 = arith.addi %add3A_36, %parallel_loop3A_1447 : vector<16xi32>
        %parallel_loop3A_1481 = arith.constant 0 : i32
        %parallel_loop3A_1482 = tpu.memref_slice %arg7[%parallel_loop3A_909, %parallel_loop3A_1481] : memref<4x8192xf32, #tpu.memory_space<vmem>> -> memref<1x8192xf32, #tpu.memory_space<vmem>>
        %parallel_loop3A_1483 = tpu.memref_squeeze %parallel_loop3A_1482 : memref<1x8192xf32, #tpu.memory_space<vmem>> -> memref<8192xf32, #tpu.memory_space<vmem>>
        tpu.vector_store_idx %parallel_loop3A_1483[%parallel_loop3A_1480], %parallel_loop3A_1479 : memref<8192xf32, #tpu.memory_space<vmem>>[vector<16xi32>], vector<16xf32>,
      } {sc.loop_unroll_factor = 8 : i64, sc.parallel_access}
      %mul3A_910 = arith.constant 200 : i32
      %mul3A_911 = arith.muli %add3A, %mul3A_910 : i32
      %add3A_912 = arith.addi %mul3A_911, %add3A_888 : i32
      %jit3A_913 = arith.constant 128 : i32
      %div3A_914 = arith.divsi %add3A_912, %jit3A_913 : i32
      %sign3A_915 = arith.constant 0 : i32
      %sign3A_916 = arith.cmpi sgt, %add3A_912, %sign3A_915 : i32
      %sign3A_917 = arith.extui %sign3A_916 : i1 to i32
      %sign3A_918 = arith.constant 0 : i32
      %sign3A_919 = arith.cmpi slt, %add3A_912, %sign3A_918 : i32
      %sign3A_920 = arith.extui %sign3A_919 : i1 to i32
      %sign3A_921 = arith.subi %sign3A_917, %sign3A_920 : i32
      %sign3A_922 = arith.constant 0 : i32
      %sign3A_923 = arith.cmpi sgt, %jit3A_913, %sign3A_922 : i32
      %sign3A_924 = arith.extui %sign3A_923 : i1 to i32
      %sign3A_925 = arith.constant 0 : i32
      %sign3A_926 = arith.cmpi slt, %jit3A_913, %sign3A_925 : i32
      %sign3A_927 = arith.extui %sign3A_926 : i1 to i32
      %sign3A_928 = arith.subi %sign3A_924, %sign3A_927 : i32
      %ne3A_929 = arith.cmpi ne, %sign3A_921, %sign3A_928 : i32
      %rem3A_930 = arith.remsi %add3A_912, %jit3A_913 : i32
      %ne3A_931 = arith.constant 0 : i32
      %ne3A_932 = arith.cmpi ne, %rem3A_930, %ne3A_931 : i32
      %and3A_933 = arith.andi %ne3A_929, %ne3A_932 : i1
      %sub3A_934 = arith.constant 1 : i32
      %sub3A_935 = arith.subi %div3A_914, %sub3A_934 : i32
      %select_n3A_936 = arith.select %and3A_933, %sub3A_935, %div3A_914 : i32
      %jit3A_937 = arith.constant 128 : i32
      %eq3A_938 = arith.constant 0 : i32
      %eq3A_939 = arith.cmpi eq, %jit3A_937, %eq3A_938 : i32
      %jit3A_940 = arith.constant 1 : i32
      %select_n3A_941 = arith.select %eq3A_939, %jit3A_940, %jit3A_937 : i32
      %rem3A_942 = arith.remsi %add3A_912, %select_n3A_941 : i32
      %ne3A_943 = arith.constant 0 : i32
      %ne3A_944 = arith.cmpi ne, %rem3A_942, %ne3A_943 : i32
      %lt3A_945 = arith.constant 0 : i32
      %lt3A_946 = arith.cmpi slt, %rem3A_942, %lt3A_945 : i32
      %lt3A_947 = arith.constant 0 : i32
      %lt3A_948 = arith.cmpi slt, %select_n3A_941, %lt3A_947 : i32
      %ne3A_949 = arith.xori %lt3A_946, %lt3A_948 : i1
      %and3A_950 = arith.andi %ne3A_949, %ne3A_944 : i1
      %add3A_951 = arith.addi %rem3A_942, %select_n3A_941 : i32
      %select_n3A_952 = arith.select %and3A_950, %add3A_951, %rem3A_942 : i32
      %dma_start3A_953 = arith.constant 1 : i32
      %dma_start3A_954 = arith.constant 0 : i32
      %dma_start3A_955 = arith.constant 0 : i32
      %dma_start3A_956 = tpu.memref_slice %arg7[%dma_start3A_953, %dma_start3A_955] : memref<4x8192xf32, #tpu.memory_space<vmem>> -> memref<1x1024xf32, #tpu.memory_space<vmem>>
      %dma_start3A_957 = tpu.memref_squeeze %dma_start3A_956 : memref<1x1024xf32, #tpu.memory_space<vmem>> -> memref<1024xf32, #tpu.memory_space<vmem>>
      %dma_start3A_958 = arith.constant 0 : i32
      %dma_start3A_959 = tpu.memref_slice %arg4[%select_n3A_936, %dma_start3A_954, %select_n3A_952, %dma_start3A_958] : memref<50x8x128x1024xf32, #tpu.memory_space<hbm>> -> memref<1x1x1x1024xf32, #tpu.memory_space<hbm>>
      %dma_start3A_960 = tpu.memref_squeeze %dma_start3A_959 : memref<1x1x1x1024xf32, #tpu.memory_space<hbm>> -> memref<1024xf32, #tpu.memory_space<hbm>>
      %dma_start3A_961 = arith.constant 0 : i32
      %dma_start3A_962 = tpu.memref_slice %arg4[%select_n3A_936, %dma_start3A_954, %select_n3A_952, %dma_start3A_961] : memref<50x8x128x1024xf32, #tpu.memory_space<hbm>> -> memref<1x1x1x1024xf32, #tpu.memory_space<hbm>>
      %dma_start3A_963 = tpu.memref_squeeze %dma_start3A_962 : memref<1x1x1x1024xf32, #tpu.memory_space<hbm>> -> memref<1024xf32, #tpu.memory_space<hbm>>
      %dma_start3A_964 = arith.constant 0 : i32
      %dma_start3A_965 = tpu.memref_slice %arg7[%dma_start3A_953, %dma_start3A_964] : memref<4x8192xf32, #tpu.memory_space<vmem>> -> memref<1x1024xf32, #tpu.memory_space<vmem>>
      %dma_start3A_966 = tpu.memref_squeeze %dma_start3A_965 : memref<1x1024xf32, #tpu.memory_space<vmem>> -> memref<1024xf32, #tpu.memory_space<vmem>>
      tpu.enqueue_dma source(%dma_start3A_966 : memref<1024xf32, #tpu.memory_space<vmem>>) target(%dma_start3A_963 : memref<1024xf32, #tpu.memory_space<hbm>>) target_semaphore(%arg13 : memref<!tpu.dma_semaphore, #tpu.memory_space<semaphore_mem>>)
      %dma_start3A_967 = arith.constant 1 : i32
      %dma_start3A_968 = arith.constant 1 : i32
      %dma_start3A_969 = arith.constant 1024 : i32
      %dma_start3A_970 = tpu.memref_slice %arg7[%dma_start3A_967, %dma_start3A_969] : memref<4x8192xf32, #tpu.memory_space<vmem>> -> memref<1x1024xf32, #tpu.memory_space<vmem>>
      %dma_start3A_971 = tpu.memref_squeeze %dma_start3A_970 : memref<1x1024xf32, #tpu.memory_space<vmem>> -> memref<1024xf32, #tpu.memory_space<vmem>>
      %dma_start3A_972 = arith.constant 0 : i32
      %dma_start3A_973 = tpu.memref_slice %arg4[%select_n3A_936, %dma_start3A_968, %select_n3A_952, %dma_start3A_972] : memref<50x8x128x1024xf32, #tpu.memory_space<hbm>> -> memref<1x1x1x1024xf32, #tpu.memory_space<hbm>>
      %dma_start3A_974 = tpu.memref_squeeze %dma_start3A_973 : memref<1x1x1x1024xf32, #tpu.memory_space<hbm>> -> memref<1024xf32, #tpu.memory_space<hbm>>
      %dma_start3A_975 = arith.constant 0 : i32
      %dma_start3A_976 = tpu.memref_slice %arg4[%select_n3A_936, %dma_start3A_968, %select_n3A_952, %dma_start3A_975] : memref<50x8x128x1024xf32, #tpu.memory_space<hbm>> -> memref<1x1x1x1024xf32, #tpu.memory_space<hbm>>
      %dma_start3A_977 = tpu.memref_squeeze %dma_start3A_976 : memref<1x1x1x1024xf32, #tpu.memory_space<hbm>> -> memref<1024xf32, #tpu.memory_space<hbm>>
      %dma_start3A_978 = arith.constant 1024 : i32
      %dma_start3A_979 = tpu.memref_slice %arg7[%dma_start3A_967, %dma_start3A_978] : memref<4x8192xf32, #tpu.memory_space<vmem>> -> memref<1x1024xf32, #tpu.memory_space<vmem>>
      %dma_start3A_980 = tpu.memref_squeeze %dma_start3A_979 : memref<1x1024xf32, #tpu.memory_space<vmem>> -> memref<1024xf32, #tpu.memory_space<vmem>>
      tpu.enqueue_dma source(%dma_start3A_980 : memref<1024xf32, #tpu.memory_space<vmem>>) target(%dma_start3A_977 : memref<1024xf32, #tpu.memory_space<hbm>>) target_semaphore(%arg13 : memref<!tpu.dma_semaphore, #tpu.memory_space<semaphore_mem>>)
      %dma_start3A_981 = arith.constant 1 : i32
      %dma_start3A_982 = arith.constant 2 : i32
      %dma_start3A_983 = arith.constant 2048 : i32
      %dma_start3A_984 = tpu.memref_slice %arg7[%dma_start3A_981, %dma_start3A_983] : memref<4x8192xf32, #tpu.memory_space<vmem>> -> memref<1x1024xf32, #tpu.memory_space<vmem>>
      %dma_start3A_985 = tpu.memref_squeeze %dma_start3A_984 : memref<1x1024xf32, #tpu.memory_space<vmem>> -> memref<1024xf32, #tpu.memory_space<vmem>>
      %dma_start3A_986 = arith.constant 0 : i32
      %dma_start3A_987 = tpu.memref_slice %arg4[%select_n3A_936, %dma_start3A_982, %select_n3A_952, %dma_start3A_986] : memref<50x8x128x1024xf32, #tpu.memory_space<hbm>> -> memref<1x1x1x1024xf32, #tpu.memory_space<hbm>>
      %dma_start3A_988 = tpu.memref_squeeze %dma_start3A_987 : memref<1x1x1x1024xf32, #tpu.memory_space<hbm>> -> memref<1024xf32, #tpu.memory_space<hbm>>
      %dma_start3A_989 = arith.constant 0 : i32
      %dma_start3A_990 = tpu.memref_slice %arg4[%select_n3A_936, %dma_start3A_982, %select_n3A_952, %dma_start3A_989] : memref<50x8x128x1024xf32, #tpu.memory_space<hbm>> -> memref<1x1x1x1024xf32, #tpu.memory_space<hbm>>
      %dma_start3A_991 = tpu.memref_squeeze %dma_start3A_990 : memref<1x1x1x1024xf32, #tpu.memory_space<hbm>> -> memref<1024xf32, #tpu.memory_space<hbm>>
      %dma_start3A_992 = arith.constant 2048 : i32
      %dma_start3A_993 = tpu.memref_slice %arg7[%dma_start3A_981, %dma_start3A_992] : memref<4x8192xf32, #tpu.memory_space<vmem>> -> memref<1x1024xf32, #tpu.memory_space<vmem>>
      %dma_start3A_994 = tpu.memref_squeeze %dma_start3A_993 : memref<1x1024xf32, #tpu.memory_space<vmem>> -> memref<1024xf32, #tpu.memory_space<vmem>>
      tpu.enqueue_dma source(%dma_start3A_994 : memref<1024xf32, #tpu.memory_space<vmem>>) target(%dma_start3A_991 : memref<1024xf32, #tpu.memory_space<hbm>>) target_semaphore(%arg13 : memref<!tpu.dma_semaphore, #tpu.memory_space<semaphore_mem>>)
      %dma_start3A_995 = arith.constant 1 : i32
      %dma_start3A_996 = arith.constant 3 : i32
      %dma_start3A_997 = arith.constant 3072 : i32
      %dma_start3A_998 = tpu.memref_slice %arg7[%dma_start3A_995, %dma_start3A_997] : memref<4x8192xf32, #tpu.memory_space<vmem>> -> memref<1x1024xf32, #tpu.memory_space<vmem>>
      %dma_start3A_999 = tpu.memref_squeeze %dma_start3A_998 : memref<1x1024xf32, #tpu.memory_space<vmem>> -> memref<1024xf32, #tpu.memory_space<vmem>>
      %dma_start3A_1000 = arith.constant 0 : i32
      %dma_start3A_1001 = tpu.memref_slice %arg4[%select_n3A_936, %dma_start3A_996, %select_n3A_952, %dma_start3A_1000] : memref<50x8x128x1024xf32, #tpu.memory_space<hbm>> -> memref<1x1x1x1024xf32, #tpu.memory_space<hbm>>
      %dma_start3A_1002 = tpu.memref_squeeze %dma_start3A_1001 : memref<1x1x1x1024xf32, #tpu.memory_space<hbm>> -> memref<1024xf32, #tpu.memory_space<hbm>>
      %dma_start3A_1003 = arith.constant 0 : i32
      %dma_start3A_1004 = tpu.memref_slice %arg4[%select_n3A_936, %dma_start3A_996, %select_n3A_952, %dma_start3A_1003] : memref<50x8x128x1024xf32, #tpu.memory_space<hbm>> -> memref<1x1x1x1024xf32, #tpu.memory_space<hbm>>
      %dma_start3A_1005 = tpu.memref_squeeze %dma_start3A_1004 : memref<1x1x1x1024xf32, #tpu.memory_space<hbm>> -> memref<1024xf32, #tpu.memory_space<hbm>>
      %dma_start3A_1006 = arith.constant 3072 : i32
      %dma_start3A_1007 = tpu.memref_slice %arg7[%dma_start3A_995, %dma_start3A_1006] : memref<4x8192xf32, #tpu.memory_space<vmem>> -> memref<1x1024xf32, #tpu.memory_space<vmem>>
      %dma_start3A_1008 = tpu.memref_squeeze %dma_start3A_1007 : memref<1x1024xf32, #tpu.memory_space<vmem>> -> memref<1024xf32, #tpu.memory_space<vmem>>
      tpu.enqueue_dma source(%dma_start3A_1008 : memref<1024xf32, #tpu.memory_space<vmem>>) target(%dma_start3A_1005 : memref<1024xf32, #tpu.memory_space<hbm>>) target_semaphore(%arg13 : memref<!tpu.dma_semaphore, #tpu.memory_space<semaphore_mem>>)
      %dma_start3A_1009 = arith.constant 1 : i32
      %dma_start3A_1010 = arith.constant 4 : i32
      %dma_start3A_1011 = arith.constant 4096 : i32
      %dma_start3A_1012 = tpu.memref_slice %arg7[%dma_start3A_1009, %dma_start3A_1011] : memref<4x8192xf32, #tpu.memory_space<vmem>> -> memref<1x1024xf32, #tpu.memory_space<vmem>>
      %dma_start3A_1013 = tpu.memref_squeeze %dma_start3A_1012 : memref<1x1024xf32, #tpu.memory_space<vmem>> -> memref<1024xf32, #tpu.memory_space<vmem>>
      %dma_start3A_1014 = arith.constant 0 : i32
      %dma_start3A_1015 = tpu.memref_slice %arg4[%select_n3A_936, %dma_start3A_1010, %select_n3A_952, %dma_start3A_1014] : memref<50x8x128x1024xf32, #tpu.memory_space<hbm>> -> memref<1x1x1x1024xf32, #tpu.memory_space<hbm>>
      %dma_start3A_1016 = tpu.memref_squeeze %dma_start3A_1015 : memref<1x1x1x1024xf32, #tpu.memory_space<hbm>> -> memref<1024xf32, #tpu.memory_space<hbm>>
      %dma_start3A_1017 = arith.constant 0 : i32
      %dma_start3A_1018 = tpu.memref_slice %arg4[%select_n3A_936, %dma_start3A_1010, %select_n3A_952, %dma_start3A_1017] : memref<50x8x128x1024xf32, #tpu.memory_space<hbm>> -> memref<1x1x1x1024xf32, #tpu.memory_space<hbm>>
      %dma_start3A_1019 = tpu.memref_squeeze %dma_start3A_1018 : memref<1x1x1x1024xf32, #tpu.memory_space<hbm>> -> memref<1024xf32, #tpu.memory_space<hbm>>
      %dma_start3A_1020 = arith.constant 4096 : i32
      %dma_start3A_1021 = tpu.memref_slice %arg7[%dma_start3A_1009, %dma_start3A_1020] : memref<4x8192xf32, #tpu.memory_space<vmem>> -> memref<1x1024xf32, #tpu.memory_space<vmem>>
      %dma_start3A_1022 = tpu.memref_squeeze %dma_start3A_1021 : memref<1x1024xf32, #tpu.memory_space<vmem>> -> memref<1024xf32, #tpu.memory_space<vmem>>
      tpu.enqueue_dma source(%dma_start3A_1022 : memref<1024xf32, #tpu.memory_space<vmem>>) target(%dma_start3A_1019 : memref<1024xf32, #tpu.memory_space<hbm>>) target_semaphore(%arg13 : memref<!tpu.dma_semaphore, #tpu.memory_space<semaphore_mem>>)
      %dma_start3A_1023 = arith.constant 1 : i32
      %dma_start3A_1024 = arith.constant 5 : i32
      %dma_start3A_1025 = arith.constant 5120 : i32
      %dma_start3A_1026 = tpu.memref_slice %arg7[%dma_start3A_1023, %dma_start3A_1025] : memref<4x8192xf32, #tpu.memory_space<vmem>> -> memref<1x1024xf32, #tpu.memory_space<vmem>>
      %dma_start3A_1027 = tpu.memref_squeeze %dma_start3A_1026 : memref<1x1024xf32, #tpu.memory_space<vmem>> -> memref<1024xf32, #tpu.memory_space<vmem>>
      %dma_start3A_1028 = arith.constant 0 : i32
      %dma_start3A_1029 = tpu.memref_slice %arg4[%select_n3A_936, %dma_start3A_1024, %select_n3A_952, %dma_start3A_1028] : memref<50x8x128x1024xf32, #tpu.memory_space<hbm>> -> memref<1x1x1x1024xf32, #tpu.memory_space<hbm>>
      %dma_start3A_1030 = tpu.memref_squeeze %dma_start3A_1029 : memref<1x1x1x1024xf32, #tpu.memory_space<hbm>> -> memref<1024xf32, #tpu.memory_space<hbm>>
      %dma_start3A_1031 = arith.constant 0 : i32
      %dma_start3A_1032 = tpu.memref_slice %arg4[%select_n3A_936, %dma_start3A_1024, %select_n3A_952, %dma_start3A_1031] : memref<50x8x128x1024xf32, #tpu.memory_space<hbm>> -> memref<1x1x1x1024xf32, #tpu.memory_space<hbm>>
      %dma_start3A_1033 = tpu.memref_squeeze %dma_start3A_1032 : memref<1x1x1x1024xf32, #tpu.memory_space<hbm>> -> memref<1024xf32, #tpu.memory_space<hbm>>
      %dma_start3A_1034 = arith.constant 5120 : i32
      %dma_start3A_1035 = tpu.memref_slice %arg7[%dma_start3A_1023, %dma_start3A_1034] : memref<4x8192xf32, #tpu.memory_space<vmem>> -> memref<1x1024xf32, #tpu.memory_space<vmem>>
      %dma_start3A_1036 = tpu.memref_squeeze %dma_start3A_1035 : memref<1x1024xf32, #tpu.memory_space<vmem>> -> memref<1024xf32, #tpu.memory_space<vmem>>
      tpu.enqueue_dma source(%dma_start3A_1036 : memref<1024xf32, #tpu.memory_space<vmem>>) target(%dma_start3A_1033 : memref<1024xf32, #tpu.memory_space<hbm>>) target_semaphore(%arg13 : memref<!tpu.dma_semaphore, #tpu.memory_space<semaphore_mem>>)
      %dma_start3A_1037 = arith.constant 1 : i32
      %dma_start3A_1038 = arith.constant 6 : i32
      %dma_start3A_1039 = arith.constant 6144 : i32
      %dma_start3A_1040 = tpu.memref_slice %arg7[%dma_start3A_1037, %dma_start3A_1039] : memref<4x8192xf32, #tpu.memory_space<vmem>> -> memref<1x1024xf32, #tpu.memory_space<vmem>>
      %dma_start3A_1041 = tpu.memref_squeeze %dma_start3A_1040 : memref<1x1024xf32, #tpu.memory_space<vmem>> -> memref<1024xf32, #tpu.memory_space<vmem>>
      %dma_start3A_1042 = arith.constant 0 : i32
      %dma_start3A_1043 = tpu.memref_slice %arg4[%select_n3A_936, %dma_start3A_1038, %select_n3A_952, %dma_start3A_1042] : memref<50x8x128x1024xf32, #tpu.memory_space<hbm>> -> memref<1x1x1x1024xf32, #tpu.memory_space<hbm>>
      %dma_start3A_1044 = tpu.memref_squeeze %dma_start3A_1043 : memref<1x1x1x1024xf32, #tpu.memory_space<hbm>> -> memref<1024xf32, #tpu.memory_space<hbm>>
      %dma_start3A_1045 = arith.constant 0 : i32
      %dma_start3A_1046 = tpu.memref_slice %arg4[%select_n3A_936, %dma_start3A_1038, %select_n3A_952, %dma_start3A_1045] : memref<50x8x128x1024xf32, #tpu.memory_space<hbm>> -> memref<1x1x1x1024xf32, #tpu.memory_space<hbm>>
      %dma_start3A_1047 = tpu.memref_squeeze %dma_start3A_1046 : memref<1x1x1x1024xf32, #tpu.memory_space<hbm>> -> memref<1024xf32, #tpu.memory_space<hbm>>
      %dma_start3A_1048 = arith.constant 6144 : i32
      %dma_start3A_1049 = tpu.memref_slice %arg7[%dma_start3A_1037, %dma_start3A_1048] : memref<4x8192xf32, #tpu.memory_space<vmem>> -> memref<1x1024xf32, #tpu.memory_space<vmem>>
      %dma_start3A_1050 = tpu.memref_squeeze %dma_start3A_1049 : memref<1x1024xf32, #tpu.memory_space<vmem>> -> memref<1024xf32, #tpu.memory_space<vmem>>
      tpu.enqueue_dma source(%dma_start3A_1050 : memref<1024xf32, #tpu.memory_space<vmem>>) target(%dma_start3A_1047 : memref<1024xf32, #tpu.memory_space<hbm>>) target_semaphore(%arg13 : memref<!tpu.dma_semaphore, #tpu.memory_space<semaphore_mem>>)
      %dma_start3A_1051 = arith.constant 1 : i32
      %dma_start3A_1052 = arith.constant 7 : i32
      %dma_start3A_1053 = arith.constant 7168 : i32
      %dma_start3A_1054 = tpu.memref_slice %arg7[%dma_start3A_1051, %dma_start3A_1053] : memref<4x8192xf32, #tpu.memory_space<vmem>> -> memref<1x1024xf32, #tpu.memory_space<vmem>>
      %dma_start3A_1055 = tpu.memref_squeeze %dma_start3A_1054 : memref<1x1024xf32, #tpu.memory_space<vmem>> -> memref<1024xf32, #tpu.memory_space<vmem>>
      %dma_start3A_1056 = arith.constant 0 : i32
      %dma_start3A_1057 = tpu.memref_slice %arg4[%select_n3A_936, %dma_start3A_1052, %select_n3A_952, %dma_start3A_1056] : memref<50x8x128x1024xf32, #tpu.memory_space<hbm>> -> memref<1x1x1x1024xf32, #tpu.memory_space<hbm>>
      %dma_start3A_1058 = tpu.memref_squeeze %dma_start3A_1057 : memref<1x1x1x1024xf32, #tpu.memory_space<hbm>> -> memref<1024xf32, #tpu.memory_space<hbm>>
      %dma_start3A_1059 = arith.constant 0 : i32
      %dma_start3A_1060 = tpu.memref_slice %arg4[%select_n3A_936, %dma_start3A_1052, %select_n3A_952, %dma_start3A_1059] : memref<50x8x128x1024xf32, #tpu.memory_space<hbm>> -> memref<1x1x1x1024xf32, #tpu.memory_space<hbm>>
      %dma_start3A_1061 = tpu.memref_squeeze %dma_start3A_1060 : memref<1x1x1x1024xf32, #tpu.memory_space<hbm>> -> memref<1024xf32, #tpu.memory_space<hbm>>
      %dma_start3A_1062 = arith.constant 7168 : i32
      %dma_start3A_1063 = tpu.memref_slice %arg7[%dma_start3A_1051, %dma_start3A_1062] : memref<4x8192xf32, #tpu.memory_space<vmem>> -> memref<1x1024xf32, #tpu.memory_space<vmem>>
      %dma_start3A_1064 = tpu.memref_squeeze %dma_start3A_1063 : memref<1x1024xf32, #tpu.memory_space<vmem>> -> memref<1024xf32, #tpu.memory_space<vmem>>
      tpu.enqueue_dma source(%dma_start3A_1064 : memref<1024xf32, #tpu.memory_space<vmem>>) target(%dma_start3A_1061 : memref<1024xf32, #tpu.memory_space<hbm>>) target_semaphore(%arg13 : memref<!tpu.dma_semaphore, #tpu.memory_space<semaphore_mem>>)
      %add3A_1065 = arith.constant 4 : i32
      %add3A_1066 = arith.addi %add3A_888, %add3A_1065 : i32
      %lt3A_1067 = arith.constant 200 : i32
      %lt3A_1068 = arith.cmpi slt, %add3A_1066, %lt3A_1067 : i32
      %convert_element_type3A_1069 = arith.extui %lt3A_1068 : i1 to i32
      %cond3A_1070 = arith.constant 0 : i32
      %cond3A_1071 = arith.cmpi ne, %convert_element_type3A_1069, %cond3A_1070 : i32
      scf.if %cond3A_1071 {
        %add3A_1442 = arith.constant 4 : i32
        %add3A_1443 = arith.addi %add3A_888, %add3A_1442 : i32
        %dma_start3A_1444 = arith.constant 1 : i32
        %dma_start3A_1445 = arith.constant 0 : i32
        %dma_start3A_1446 = arith.constant 0 : i32
        %dma_start3A_1447 = tpu.memref_slice %arg6[%dma_start3A_1444, %dma_start3A_1445, %dma_start3A_1446] : memref<4x128x64xf32, #tpu.memory_space<vmem>> -> memref<1x128x64xf32, #tpu.memory_space<vmem>>
        %dma_start3A_1448 = tpu.memref_squeeze %dma_start3A_1447 : memref<1x128x64xf32, #tpu.memory_space<vmem>> -> memref<128x64xf32, #tpu.memory_space<vmem>>
        %dma_start3A_1449 = arith.constant 0 : i32
        %dma_start3A_1450 = tpu.memref_slice %arg5[%add3A_1443, %dma_start3A_1449] : memref<200x128xi32, #tpu.memory_space<vmem>> -> memref<1x128xi32, #tpu.memory_space<vmem>>
        %dma_start3A_1451 = tpu.memref_squeeze %dma_start3A_1450 : memref<1x128xi32, #tpu.memory_space<vmem>> -> memref<128xi32, #tpu.memory_space<vmem>>
        %dma_start3A_1452 = arith.constant 0 : i32
        %dma_start3A_1453 = arith.constant 0 : i32
        %dma_start3A_1454 = tpu.memref_slice %arg3[%dma_start3A_1452, %dma_start3A_1453] : memref<1000000x64xf32, #tpu.memory_space<hbm>> -> memref<1000000x64xf32, #tpu.memory_space<hbm>>
        tpu.enqueue_indirect_dma source(%dma_start3A_1454 : memref<1000000x64xf32, #tpu.memory_space<hbm>>) target(%dma_start3A_1448 : memref<128x64xf32, #tpu.memory_space<vmem>>) offsets(%dma_start3A_1451 : memref<128xi32, #tpu.memory_space<vmem>>) semaphore(%arg9 : memref<!tpu.dma_semaphore, #tpu.memory_space<semaphore_mem>>)
      } else {
      }
      %add3A_1072 = arith.constant 2 : i32
      %add3A_1073 = arith.addi %add3A_705, %add3A_1072 : i32
      %dma_wait3A_1074 = arith.constant 2 : i32
      %dma_wait3A_1075 = arith.constant 0 : i32
      %dma_wait3A_1076 = arith.constant 0 : i32
      %dma_wait3A_1077 = tpu.memref_slice %arg6[%dma_wait3A_1074, %dma_wait3A_1075, %dma_wait3A_1076] : memref<4x128x64xf32, #tpu.memory_space<vmem>> -> memref<1x128x64xf32, #tpu.memory_space<vmem>>
      %dma_wait3A_1078 = tpu.memref_squeeze %dma_wait3A_1077 : memref<1x128x64xf32, #tpu.memory_space<vmem>> -> memref<128x64xf32, #tpu.memory_space<vmem>>
      %dma_wait3A_1079 = arith.constant 0 : i32
      %dma_wait3A_1080 = tpu.memref_slice %arg5[%add3A_1073, %dma_wait3A_1079] : memref<200x128xi32, #tpu.memory_space<vmem>> -> memref<1x128xi32, #tpu.memory_space<vmem>>
      %dma_wait3A_1081 = tpu.memref_squeeze %dma_wait3A_1080 : memref<1x128xi32, #tpu.memory_space<vmem>> -> memref<128xi32, #tpu.memory_space<vmem>>
      %dma_wait3A_1082 = arith.constant 0 : i32
      %dma_wait3A_1083 = arith.constant 0 : i32
      %dma_wait3A_1084 = tpu.memref_slice %arg3[%dma_wait3A_1082, %dma_wait3A_1083] : memref<1000000x64xf32, #tpu.memory_space<hbm>> -> memref<1000000x64xf32, #tpu.memory_space<hbm>>
      tpu.wait_indirect_dma semaphore(%arg10 : memref<!tpu.dma_semaphore, #tpu.memory_space<semaphore_mem>>) src(%dma_wait3A_1084 : memref<1000000x64xf32, #tpu.memory_space<hbm>>) dst(%dma_wait3A_1078 : memref<128x64xf32, #tpu.memory_space<vmem>>)
      %ge3A_1085 = arith.constant 4 : i32
      %ge3A_1086 = arith.cmpi sge, %add3A_1073, %ge3A_1085 : i32
      %convert_element_type3A_1087 = arith.extui %ge3A_1086 : i1 to i32
      %cond3A_1088 = arith.constant 0 : i32
      %cond3A_1089 = arith.cmpi ne, %convert_element_type3A_1087, %cond3A_1088 : i32
      scf.if %cond3A_1089 {
        %sub3A_1442 = arith.constant 4 : i32
        %sub3A_1443 = arith.subi %add3A_1073, %sub3A_1442 : i32
        %mul3A_1444 = arith.constant 200 : i32
        %mul3A_1445 = arith.muli %add3A, %mul3A_1444 : i32
        %add3A_1446 = arith.addi %mul3A_1445, %sub3A_1443 : i32
        %jit3A_1447 = arith.constant 128 : i32
        %div3A_1448 = arith.divsi %add3A_1446, %jit3A_1447 : i32
        %sign3A_1449 = arith.constant 0 : i32
        %sign3A_1450 = arith.cmpi sgt, %add3A_1446, %sign3A_1449 : i32
        %sign3A_1451 = arith.extui %sign3A_1450 : i1 to i32
        %sign3A_1452 = arith.constant 0 : i32
        %sign3A_1453 = arith.cmpi slt, %add3A_1446, %sign3A_1452 : i32
        %sign3A_1454 = arith.extui %sign3A_1453 : i1 to i32
        %sign3A_1455 = arith.subi %sign3A_1451, %sign3A_1454 : i32
        %sign3A_1456 = arith.constant 0 : i32
        %sign3A_1457 = arith.cmpi sgt, %jit3A_1447, %sign3A_1456 : i32
        %sign3A_1458 = arith.extui %sign3A_1457 : i1 to i32
        %sign3A_1459 = arith.constant 0 : i32
        %sign3A_1460 = arith.cmpi slt, %jit3A_1447, %sign3A_1459 : i32
        %sign3A_1461 = arith.extui %sign3A_1460 : i1 to i32
        %sign3A_1462 = arith.subi %sign3A_1458, %sign3A_1461 : i32
        %ne3A_1463 = arith.cmpi ne, %sign3A_1455, %sign3A_1462 : i32
        %rem3A_1464 = arith.remsi %add3A_1446, %jit3A_1447 : i32
        %ne3A_1465 = arith.constant 0 : i32
        %ne3A_1466 = arith.cmpi ne, %rem3A_1464, %ne3A_1465 : i32
        %and3A_1467 = arith.andi %ne3A_1463, %ne3A_1466 : i1
        %sub3A_1468 = arith.constant 1 : i32
        %sub3A_1469 = arith.subi %div3A_1448, %sub3A_1468 : i32
        %select_n3A_1470 = arith.select %and3A_1467, %sub3A_1469, %div3A_1448 : i32
        %jit3A_1471 = arith.constant 128 : i32
        %eq3A_1472 = arith.constant 0 : i32
        %eq3A_1473 = arith.cmpi eq, %jit3A_1471, %eq3A_1472 : i32
        %jit3A_1474 = arith.constant 1 : i32
        %select_n3A_1475 = arith.select %eq3A_1473, %jit3A_1474, %jit3A_1471 : i32
        %rem3A_1476 = arith.remsi %add3A_1446, %select_n3A_1475 : i32
        %ne3A_1477 = arith.constant 0 : i32
        %ne3A_1478 = arith.cmpi ne, %rem3A_1476, %ne3A_1477 : i32
        %lt3A_1479 = arith.constant 0 : i32
        %lt3A_1480 = arith.cmpi slt, %rem3A_1476, %lt3A_1479 : i32
        %lt3A_1481 = arith.constant 0 : i32
        %lt3A_1482 = arith.cmpi slt, %select_n3A_1475, %lt3A_1481 : i32
        %ne3A_1483 = arith.xori %lt3A_1480, %lt3A_1482 : i1
        %and3A_1484 = arith.andi %ne3A_1483, %ne3A_1478 : i1
        %add3A_1485 = arith.addi %rem3A_1476, %select_n3A_1475 : i32
        %select_n3A_1486 = arith.select %and3A_1484, %add3A_1485, %rem3A_1476 : i32
        %dma_wait3A_1487 = arith.constant 2 : i32
        %dma_wait3A_1488 = arith.constant 0 : i32
        %dma_wait3A_1489 = arith.constant 0 : i32
        %dma_wait3A_1490 = tpu.memref_slice %arg7[%dma_wait3A_1487, %dma_wait3A_1489] : memref<4x8192xf32, #tpu.memory_space<vmem>> -> memref<1x1024xf32, #tpu.memory_space<vmem>>
        %dma_wait3A_1491 = tpu.memref_squeeze %dma_wait3A_1490 : memref<1x1024xf32, #tpu.memory_space<vmem>> -> memref<1024xf32, #tpu.memory_space<vmem>>
        %dma_wait3A_1492 = arith.constant 0 : i32
        %dma_wait3A_1493 = tpu.memref_slice %arg4[%select_n3A_1470, %dma_wait3A_1488, %select_n3A_1486, %dma_wait3A_1492] : memref<50x8x128x1024xf32, #tpu.memory_space<hbm>> -> memref<1x1x1x1024xf32, #tpu.memory_space<hbm>>
        %dma_wait3A_1494 = tpu.memref_squeeze %dma_wait3A_1493 : memref<1x1x1x1024xf32, #tpu.memory_space<hbm>> -> memref<1024xf32, #tpu.memory_space<hbm>>
        %dma_wait3A_1495 = arith.constant 0 : i32
        %dma_wait3A_1496 = tpu.memref_slice %arg4[%select_n3A_1470, %dma_wait3A_1488, %select_n3A_1486, %dma_wait3A_1495] : memref<50x8x128x1024xf32, #tpu.memory_space<hbm>> -> memref<1x1x1x1024xf32, #tpu.memory_space<hbm>>
        %dma_wait3A_1497 = tpu.memref_squeeze %dma_wait3A_1496 : memref<1x1x1x1024xf32, #tpu.memory_space<hbm>> -> memref<1024xf32, #tpu.memory_space<hbm>>
        %dma_wait3A_1498 = arith.constant 0 : i32
        %dma_wait3A_1499 = tpu.memref_slice %arg7[%dma_wait3A_1487, %dma_wait3A_1498] : memref<4x8192xf32, #tpu.memory_space<vmem>> -> memref<1x1024xf32, #tpu.memory_space<vmem>>
        %dma_wait3A_1500 = tpu.memref_squeeze %dma_wait3A_1499 : memref<1x1024xf32, #tpu.memory_space<vmem>> -> memref<1024xf32, #tpu.memory_space<vmem>>
        tpu.wait_dma2 semaphore(%arg14 : memref<!tpu.dma_semaphore, #tpu.memory_space<semaphore_mem>>) src(%dma_wait3A_1500 : memref<1024xf32, #tpu.memory_space<vmem>>) dst(%dma_wait3A_1497 : memref<1024xf32, #tpu.memory_space<hbm>>)
        %dma_wait3A_1501 = arith.constant 2 : i32
        %dma_wait3A_1502 = arith.constant 1 : i32
        %dma_wait3A_1503 = arith.constant 1024 : i32
        %dma_wait3A_1504 = tpu.memref_slice %arg7[%dma_wait3A_1501, %dma_wait3A_1503] : memref<4x8192xf32, #tpu.memory_space<vmem>> -> memref<1x1024xf32, #tpu.memory_space<vmem>>
        %dma_wait3A_1505 = tpu.memref_squeeze %dma_wait3A_1504 : memref<1x1024xf32, #tpu.memory_space<vmem>> -> memref<1024xf32, #tpu.memory_space<vmem>>
        %dma_wait3A_1506 = arith.constant 0 : i32
        %dma_wait3A_1507 = tpu.memref_slice %arg4[%select_n3A_1470, %dma_wait3A_1502, %select_n3A_1486, %dma_wait3A_1506] : memref<50x8x128x1024xf32, #tpu.memory_space<hbm>> -> memref<1x1x1x1024xf32, #tpu.memory_space<hbm>>
        %dma_wait3A_1508 = tpu.memref_squeeze %dma_wait3A_1507 : memref<1x1x1x1024xf32, #tpu.memory_space<hbm>> -> memref<1024xf32, #tpu.memory_space<hbm>>
        %dma_wait3A_1509 = arith.constant 0 : i32
        %dma_wait3A_1510 = tpu.memref_slice %arg4[%select_n3A_1470, %dma_wait3A_1502, %select_n3A_1486, %dma_wait3A_1509] : memref<50x8x128x1024xf32, #tpu.memory_space<hbm>> -> memref<1x1x1x1024xf32, #tpu.memory_space<hbm>>
        %dma_wait3A_1511 = tpu.memref_squeeze %dma_wait3A_1510 : memref<1x1x1x1024xf32, #tpu.memory_space<hbm>> -> memref<1024xf32, #tpu.memory_space<hbm>>
        %dma_wait3A_1512 = arith.constant 1024 : i32
        %dma_wait3A_1513 = tpu.memref_slice %arg7[%dma_wait3A_1501, %dma_wait3A_1512] : memref<4x8192xf32, #tpu.memory_space<vmem>> -> memref<1x1024xf32, #tpu.memory_space<vmem>>
        %dma_wait3A_1514 = tpu.memref_squeeze %dma_wait3A_1513 : memref<1x1024xf32, #tpu.memory_space<vmem>> -> memref<1024xf32, #tpu.memory_space<vmem>>
        tpu.wait_dma2 semaphore(%arg14 : memref<!tpu.dma_semaphore, #tpu.memory_space<semaphore_mem>>) src(%dma_wait3A_1514 : memref<1024xf32, #tpu.memory_space<vmem>>) dst(%dma_wait3A_1511 : memref<1024xf32, #tpu.memory_space<hbm>>)
        %dma_wait3A_1515 = arith.constant 2 : i32
        %dma_wait3A_1516 = arith.constant 2 : i32
        %dma_wait3A_1517 = arith.constant 2048 : i32
        %dma_wait3A_1518 = tpu.memref_slice %arg7[%dma_wait3A_1515, %dma_wait3A_1517] : memref<4x8192xf32, #tpu.memory_space<vmem>> -> memref<1x1024xf32, #tpu.memory_space<vmem>>
        %dma_wait3A_1519 = tpu.memref_squeeze %dma_wait3A_1518 : memref<1x1024xf32, #tpu.memory_space<vmem>> -> memref<1024xf32, #tpu.memory_space<vmem>>
        %dma_wait3A_1520 = arith.constant 0 : i32
        %dma_wait3A_1521 = tpu.memref_slice %arg4[%select_n3A_1470, %dma_wait3A_1516, %select_n3A_1486, %dma_wait3A_1520] : memref<50x8x128x1024xf32, #tpu.memory_space<hbm>> -> memref<1x1x1x1024xf32, #tpu.memory_space<hbm>>
        %dma_wait3A_1522 = tpu.memref_squeeze %dma_wait3A_1521 : memref<1x1x1x1024xf32, #tpu.memory_space<hbm>> -> memref<1024xf32, #tpu.memory_space<hbm>>
        %dma_wait3A_1523 = arith.constant 0 : i32
        %dma_wait3A_1524 = tpu.memref_slice %arg4[%select_n3A_1470, %dma_wait3A_1516, %select_n3A_1486, %dma_wait3A_1523] : memref<50x8x128x1024xf32, #tpu.memory_space<hbm>> -> memref<1x1x1x1024xf32, #tpu.memory_space<hbm>>
        %dma_wait3A_1525 = tpu.memref_squeeze %dma_wait3A_1524 : memref<1x1x1x1024xf32, #tpu.memory_space<hbm>> -> memref<1024xf32, #tpu.memory_space<hbm>>
        %dma_wait3A_1526 = arith.constant 2048 : i32
        %dma_wait3A_1527 = tpu.memref_slice %arg7[%dma_wait3A_1515, %dma_wait3A_1526] : memref<4x8192xf32, #tpu.memory_space<vmem>> -> memref<1x1024xf32, #tpu.memory_space<vmem>>
        %dma_wait3A_1528 = tpu.memref_squeeze %dma_wait3A_1527 : memref<1x1024xf32, #tpu.memory_space<vmem>> -> memref<1024xf32, #tpu.memory_space<vmem>>
        tpu.wait_dma2 semaphore(%arg14 : memref<!tpu.dma_semaphore, #tpu.memory_space<semaphore_mem>>) src(%dma_wait3A_1528 : memref<1024xf32, #tpu.memory_space<vmem>>) dst(%dma_wait3A_1525 : memref<1024xf32, #tpu.memory_space<hbm>>)
        %dma_wait3A_1529 = arith.constant 2 : i32
        %dma_wait3A_1530 = arith.constant 3 : i32
        %dma_wait3A_1531 = arith.constant 3072 : i32
        %dma_wait3A_1532 = tpu.memref_slice %arg7[%dma_wait3A_1529, %dma_wait3A_1531] : memref<4x8192xf32, #tpu.memory_space<vmem>> -> memref<1x1024xf32, #tpu.memory_space<vmem>>
        %dma_wait3A_1533 = tpu.memref_squeeze %dma_wait3A_1532 : memref<1x1024xf32, #tpu.memory_space<vmem>> -> memref<1024xf32, #tpu.memory_space<vmem>>
        %dma_wait3A_1534 = arith.constant 0 : i32
        %dma_wait3A_1535 = tpu.memref_slice %arg4[%select_n3A_1470, %dma_wait3A_1530, %select_n3A_1486, %dma_wait3A_1534] : memref<50x8x128x1024xf32, #tpu.memory_space<hbm>> -> memref<1x1x1x1024xf32, #tpu.memory_space<hbm>>
        %dma_wait3A_1536 = tpu.memref_squeeze %dma_wait3A_1535 : memref<1x1x1x1024xf32, #tpu.memory_space<hbm>> -> memref<1024xf32, #tpu.memory_space<hbm>>
        %dma_wait3A_1537 = arith.constant 0 : i32
        %dma_wait3A_1538 = tpu.memref_slice %arg4[%select_n3A_1470, %dma_wait3A_1530, %select_n3A_1486, %dma_wait3A_1537] : memref<50x8x128x1024xf32, #tpu.memory_space<hbm>> -> memref<1x1x1x1024xf32, #tpu.memory_space<hbm>>
        %dma_wait3A_1539 = tpu.memref_squeeze %dma_wait3A_1538 : memref<1x1x1x1024xf32, #tpu.memory_space<hbm>> -> memref<1024xf32, #tpu.memory_space<hbm>>
        %dma_wait3A_1540 = arith.constant 3072 : i32
        %dma_wait3A_1541 = tpu.memref_slice %arg7[%dma_wait3A_1529, %dma_wait3A_1540] : memref<4x8192xf32, #tpu.memory_space<vmem>> -> memref<1x1024xf32, #tpu.memory_space<vmem>>
        %dma_wait3A_1542 = tpu.memref_squeeze %dma_wait3A_1541 : memref<1x1024xf32, #tpu.memory_space<vmem>> -> memref<1024xf32, #tpu.memory_space<vmem>>
        tpu.wait_dma2 semaphore(%arg14 : memref<!tpu.dma_semaphore, #tpu.memory_space<semaphore_mem>>) src(%dma_wait3A_1542 : memref<1024xf32, #tpu.memory_space<vmem>>) dst(%dma_wait3A_1539 : memref<1024xf32, #tpu.memory_space<hbm>>)
        %dma_wait3A_1543 = arith.constant 2 : i32
        %dma_wait3A_1544 = arith.constant 4 : i32
        %dma_wait3A_1545 = arith.constant 4096 : i32
        %dma_wait3A_1546 = tpu.memref_slice %arg7[%dma_wait3A_1543, %dma_wait3A_1545] : memref<4x8192xf32, #tpu.memory_space<vmem>> -> memref<1x1024xf32, #tpu.memory_space<vmem>>
        %dma_wait3A_1547 = tpu.memref_squeeze %dma_wait3A_1546 : memref<1x1024xf32, #tpu.memory_space<vmem>> -> memref<1024xf32, #tpu.memory_space<vmem>>
        %dma_wait3A_1548 = arith.constant 0 : i32
        %dma_wait3A_1549 = tpu.memref_slice %arg4[%select_n3A_1470, %dma_wait3A_1544, %select_n3A_1486, %dma_wait3A_1548] : memref<50x8x128x1024xf32, #tpu.memory_space<hbm>> -> memref<1x1x1x1024xf32, #tpu.memory_space<hbm>>
        %dma_wait3A_1550 = tpu.memref_squeeze %dma_wait3A_1549 : memref<1x1x1x1024xf32, #tpu.memory_space<hbm>> -> memref<1024xf32, #tpu.memory_space<hbm>>
        %dma_wait3A_1551 = arith.constant 0 : i32
        %dma_wait3A_1552 = tpu.memref_slice %arg4[%select_n3A_1470, %dma_wait3A_1544, %select_n3A_1486, %dma_wait3A_1551] : memref<50x8x128x1024xf32, #tpu.memory_space<hbm>> -> memref<1x1x1x1024xf32, #tpu.memory_space<hbm>>
        %dma_wait3A_1553 = tpu.memref_squeeze %dma_wait3A_1552 : memref<1x1x1x1024xf32, #tpu.memory_space<hbm>> -> memref<1024xf32, #tpu.memory_space<hbm>>
        %dma_wait3A_1554 = arith.constant 4096 : i32
        %dma_wait3A_1555 = tpu.memref_slice %arg7[%dma_wait3A_1543, %dma_wait3A_1554] : memref<4x8192xf32, #tpu.memory_space<vmem>> -> memref<1x1024xf32, #tpu.memory_space<vmem>>
        %dma_wait3A_1556 = tpu.memref_squeeze %dma_wait3A_1555 : memref<1x1024xf32, #tpu.memory_space<vmem>> -> memref<1024xf32, #tpu.memory_space<vmem>>
        tpu.wait_dma2 semaphore(%arg14 : memref<!tpu.dma_semaphore, #tpu.memory_space<semaphore_mem>>) src(%dma_wait3A_1556 : memref<1024xf32, #tpu.memory_space<vmem>>) dst(%dma_wait3A_1553 : memref<1024xf32, #tpu.memory_space<hbm>>)
        %dma_wait3A_1557 = arith.constant 2 : i32
        %dma_wait3A_1558 = arith.constant 5 : i32
        %dma_wait3A_1559 = arith.constant 5120 : i32
        %dma_wait3A_1560 = tpu.memref_slice %arg7[%dma_wait3A_1557, %dma_wait3A_1559] : memref<4x8192xf32, #tpu.memory_space<vmem>> -> memref<1x1024xf32, #tpu.memory_space<vmem>>
        %dma_wait3A_1561 = tpu.memref_squeeze %dma_wait3A_1560 : memref<1x1024xf32, #tpu.memory_space<vmem>> -> memref<1024xf32, #tpu.memory_space<vmem>>
        %dma_wait3A_1562 = arith.constant 0 : i32
        %dma_wait3A_1563 = tpu.memref_slice %arg4[%select_n3A_1470, %dma_wait3A_1558, %select_n3A_1486, %dma_wait3A_1562] : memref<50x8x128x1024xf32, #tpu.memory_space<hbm>> -> memref<1x1x1x1024xf32, #tpu.memory_space<hbm>>
        %dma_wait3A_1564 = tpu.memref_squeeze %dma_wait3A_1563 : memref<1x1x1x1024xf32, #tpu.memory_space<hbm>> -> memref<1024xf32, #tpu.memory_space<hbm>>
        %dma_wait3A_1565 = arith.constant 0 : i32
        %dma_wait3A_1566 = tpu.memref_slice %arg4[%select_n3A_1470, %dma_wait3A_1558, %select_n3A_1486, %dma_wait3A_1565] : memref<50x8x128x1024xf32, #tpu.memory_space<hbm>> -> memref<1x1x1x1024xf32, #tpu.memory_space<hbm>>
        %dma_wait3A_1567 = tpu.memref_squeeze %dma_wait3A_1566 : memref<1x1x1x1024xf32, #tpu.memory_space<hbm>> -> memref<1024xf32, #tpu.memory_space<hbm>>
        %dma_wait3A_1568 = arith.constant 5120 : i32
        %dma_wait3A_1569 = tpu.memref_slice %arg7[%dma_wait3A_1557, %dma_wait3A_1568] : memref<4x8192xf32, #tpu.memory_space<vmem>> -> memref<1x1024xf32, #tpu.memory_space<vmem>>
        %dma_wait3A_1570 = tpu.memref_squeeze %dma_wait3A_1569 : memref<1x1024xf32, #tpu.memory_space<vmem>> -> memref<1024xf32, #tpu.memory_space<vmem>>
        tpu.wait_dma2 semaphore(%arg14 : memref<!tpu.dma_semaphore, #tpu.memory_space<semaphore_mem>>) src(%dma_wait3A_1570 : memref<1024xf32, #tpu.memory_space<vmem>>) dst(%dma_wait3A_1567 : memref<1024xf32, #tpu.memory_space<hbm>>)
        %dma_wait3A_1571 = arith.constant 2 : i32
        %dma_wait3A_1572 = arith.constant 6 : i32
        %dma_wait3A_1573 = arith.constant 6144 : i32
        %dma_wait3A_1574 = tpu.memref_slice %arg7[%dma_wait3A_1571, %dma_wait3A_1573] : memref<4x8192xf32, #tpu.memory_space<vmem>> -> memref<1x1024xf32, #tpu.memory_space<vmem>>
        %dma_wait3A_1575 = tpu.memref_squeeze %dma_wait3A_1574 : memref<1x1024xf32, #tpu.memory_space<vmem>> -> memref<1024xf32, #tpu.memory_space<vmem>>
        %dma_wait3A_1576 = arith.constant 0 : i32
        %dma_wait3A_1577 = tpu.memref_slice %arg4[%select_n3A_1470, %dma_wait3A_1572, %select_n3A_1486, %dma_wait3A_1576] : memref<50x8x128x1024xf32, #tpu.memory_space<hbm>> -> memref<1x1x1x1024xf32, #tpu.memory_space<hbm>>
        %dma_wait3A_1578 = tpu.memref_squeeze %dma_wait3A_1577 : memref<1x1x1x1024xf32, #tpu.memory_space<hbm>> -> memref<1024xf32, #tpu.memory_space<hbm>>
        %dma_wait3A_1579 = arith.constant 0 : i32
        %dma_wait3A_1580 = tpu.memref_slice %arg4[%select_n3A_1470, %dma_wait3A_1572, %select_n3A_1486, %dma_wait3A_1579] : memref<50x8x128x1024xf32, #tpu.memory_space<hbm>> -> memref<1x1x1x1024xf32, #tpu.memory_space<hbm>>
        %dma_wait3A_1581 = tpu.memref_squeeze %dma_wait3A_1580 : memref<1x1x1x1024xf32, #tpu.memory_space<hbm>> -> memref<1024xf32, #tpu.memory_space<hbm>>
        %dma_wait3A_1582 = arith.constant 6144 : i32
        %dma_wait3A_1583 = tpu.memref_slice %arg7[%dma_wait3A_1571, %dma_wait3A_1582] : memref<4x8192xf32, #tpu.memory_space<vmem>> -> memref<1x1024xf32, #tpu.memory_space<vmem>>
        %dma_wait3A_1584 = tpu.memref_squeeze %dma_wait3A_1583 : memref<1x1024xf32, #tpu.memory_space<vmem>> -> memref<1024xf32, #tpu.memory_space<vmem>>
        tpu.wait_dma2 semaphore(%arg14 : memref<!tpu.dma_semaphore, #tpu.memory_space<semaphore_mem>>) src(%dma_wait3A_1584 : memref<1024xf32, #tpu.memory_space<vmem>>) dst(%dma_wait3A_1581 : memref<1024xf32, #tpu.memory_space<hbm>>)
        %dma_wait3A_1585 = arith.constant 2 : i32
        %dma_wait3A_1586 = arith.constant 7 : i32
        %dma_wait3A_1587 = arith.constant 7168 : i32
        %dma_wait3A_1588 = tpu.memref_slice %arg7[%dma_wait3A_1585, %dma_wait3A_1587] : memref<4x8192xf32, #tpu.memory_space<vmem>> -> memref<1x1024xf32, #tpu.memory_space<vmem>>
        %dma_wait3A_1589 = tpu.memref_squeeze %dma_wait3A_1588 : memref<1x1024xf32, #tpu.memory_space<vmem>> -> memref<1024xf32, #tpu.memory_space<vmem>>
        %dma_wait3A_1590 = arith.constant 0 : i32
        %dma_wait3A_1591 = tpu.memref_slice %arg4[%select_n3A_1470, %dma_wait3A_1586, %select_n3A_1486, %dma_wait3A_1590] : memref<50x8x128x1024xf32, #tpu.memory_space<hbm>> -> memref<1x1x1x1024xf32, #tpu.memory_space<hbm>>
        %dma_wait3A_1592 = tpu.memref_squeeze %dma_wait3A_1591 : memref<1x1x1x1024xf32, #tpu.memory_space<hbm>> -> memref<1024xf32, #tpu.memory_space<hbm>>
        %dma_wait3A_1593 = arith.constant 0 : i32
        %dma_wait3A_1594 = tpu.memref_slice %arg4[%select_n3A_1470, %dma_wait3A_1586, %select_n3A_1486, %dma_wait3A_1593] : memref<50x8x128x1024xf32, #tpu.memory_space<hbm>> -> memref<1x1x1x1024xf32, #tpu.memory_space<hbm>>
        %dma_wait3A_1595 = tpu.memref_squeeze %dma_wait3A_1594 : memref<1x1x1x1024xf32, #tpu.memory_space<hbm>> -> memref<1024xf32, #tpu.memory_space<hbm>>
        %dma_wait3A_1596 = arith.constant 7168 : i32
        %dma_wait3A_1597 = tpu.memref_slice %arg7[%dma_wait3A_1585, %dma_wait3A_1596] : memref<4x8192xf32, #tpu.memory_space<vmem>> -> memref<1x1024xf32, #tpu.memory_space<vmem>>
        %dma_wait3A_1598 = tpu.memref_squeeze %dma_wait3A_1597 : memref<1x1024xf32, #tpu.memory_space<vmem>> -> memref<1024xf32, #tpu.memory_space<vmem>>
        tpu.wait_dma2 semaphore(%arg14 : memref<!tpu.dma_semaphore, #tpu.memory_space<semaphore_mem>>) src(%dma_wait3A_1598 : memref<1024xf32, #tpu.memory_space<vmem>>) dst(%dma_wait3A_1595 : memref<1024xf32, #tpu.memory_space<hbm>>)
      } else {
      }
      %parallel_loop3A_1090 = arith.constant 0 : i32
      %parallel_loop3A_1091 = arith.constant 128 : i32
      %parallel_loop3A_1092 = arith.constant 1 : i32
      %parallel_loop3A_1093 = arith.constant 2 : i32
      %parallel_loop3A_1094 = arith.constant 2 : i32
      scf.for %parallel_loop3A_1442 = %parallel_loop3A_1090 to %parallel_loop3A_1091 step %parallel_loop3A_1092  : i32 {
        %parallel_loop3A_1443 = vector.broadcast %parallel_loop3A_1442 : i32 to vector<16xi32>
        %parallel_loop3A_1444 = arith.addi %parallel_loop3A_1443, %iota3A : vector<16xi32>
        %parallel_loop3A_1445 = arith.constant 127 : i32
        %parallel_loop3A_1446 = vector.broadcast %parallel_loop3A_1445 : i32 to vector<16xi32>
        %parallel_loop3A_1447 = arith.andi %parallel_loop3A_1444, %parallel_loop3A_1446 : vector<16xi32>
        %parallel_loop3A_1448 = arith.constant 0 : i32
        %parallel_loop3A_1449 = arith.constant 0 : i32
        %parallel_loop3A_1450 = tpu.memref_slice %arg6[%parallel_loop3A_1093, %parallel_loop3A_1448, %parallel_loop3A_1449] : memref<4x128x64xf32, #tpu.memory_space<vmem>> -> memref<1x128x64xf32, #tpu.memory_space<vmem>>
        %parallel_loop3A_1451 = tpu.memref_squeeze %parallel_loop3A_1450 : memref<1x128x64xf32, #tpu.memory_space<vmem>> -> memref<128x64xf32, #tpu.memory_space<vmem>>
        %parallel_loop3A_1452 = tpu.vector_load_idx %parallel_loop3A_1451[%parallel_loop3A_1447, %add3A_3] : memref<128x64xf32, #tpu.memory_space<vmem>>[vector<16xi32>, vector<16xi32>], vector<16xf32>,
        %parallel_loop3A_1453 = arith.addi %add3A_18, %parallel_loop3A_1447 : vector<16xi32>
        %parallel_loop3A_1454 = arith.constant 0 : i32
        %parallel_loop3A_1455 = tpu.memref_slice %arg7[%parallel_loop3A_1094, %parallel_loop3A_1454] : memref<4x8192xf32, #tpu.memory_space<vmem>> -> memref<1x8192xf32, #tpu.memory_space<vmem>>
        %parallel_loop3A_1456 = tpu.memref_squeeze %parallel_loop3A_1455 : memref<1x8192xf32, #tpu.memory_space<vmem>> -> memref<8192xf32, #tpu.memory_space<vmem>>
        tpu.vector_store_idx %parallel_loop3A_1456[%parallel_loop3A_1453], %parallel_loop3A_1452 : memref<8192xf32, #tpu.memory_space<vmem>>[vector<16xi32>], vector<16xf32>,
        %parallel_loop3A_1457 = arith.constant 0 : i32
        %parallel_loop3A_1458 = arith.constant 0 : i32
        %parallel_loop3A_1459 = tpu.memref_slice %arg6[%parallel_loop3A_1093, %parallel_loop3A_1457, %parallel_loop3A_1458] : memref<4x128x64xf32, #tpu.memory_space<vmem>> -> memref<1x128x64xf32, #tpu.memory_space<vmem>>
        %parallel_loop3A_1460 = tpu.memref_squeeze %parallel_loop3A_1459 : memref<1x128x64xf32, #tpu.memory_space<vmem>> -> memref<128x64xf32, #tpu.memory_space<vmem>>
        %parallel_loop3A_1461 = tpu.vector_load_idx %parallel_loop3A_1460[%parallel_loop3A_1447, %add3A_6] : memref<128x64xf32, #tpu.memory_space<vmem>>[vector<16xi32>, vector<16xi32>], vector<16xf32>,
        %parallel_loop3A_1462 = arith.addi %add3A_24, %parallel_loop3A_1447 : vector<16xi32>
        %parallel_loop3A_1463 = arith.constant 0 : i32
        %parallel_loop3A_1464 = tpu.memref_slice %arg7[%parallel_loop3A_1094, %parallel_loop3A_1463] : memref<4x8192xf32, #tpu.memory_space<vmem>> -> memref<1x8192xf32, #tpu.memory_space<vmem>>
        %parallel_loop3A_1465 = tpu.memref_squeeze %parallel_loop3A_1464 : memref<1x8192xf32, #tpu.memory_space<vmem>> -> memref<8192xf32, #tpu.memory_space<vmem>>
        tpu.vector_store_idx %parallel_loop3A_1465[%parallel_loop3A_1462], %parallel_loop3A_1461 : memref<8192xf32, #tpu.memory_space<vmem>>[vector<16xi32>], vector<16xf32>,
        %parallel_loop3A_1466 = arith.constant 0 : i32
        %parallel_loop3A_1467 = arith.constant 0 : i32
        %parallel_loop3A_1468 = tpu.memref_slice %arg6[%parallel_loop3A_1093, %parallel_loop3A_1466, %parallel_loop3A_1467] : memref<4x128x64xf32, #tpu.memory_space<vmem>> -> memref<1x128x64xf32, #tpu.memory_space<vmem>>
        %parallel_loop3A_1469 = tpu.memref_squeeze %parallel_loop3A_1468 : memref<1x128x64xf32, #tpu.memory_space<vmem>> -> memref<128x64xf32, #tpu.memory_space<vmem>>
        %parallel_loop3A_1470 = tpu.vector_load_idx %parallel_loop3A_1469[%parallel_loop3A_1447, %add3A_9] : memref<128x64xf32, #tpu.memory_space<vmem>>[vector<16xi32>, vector<16xi32>], vector<16xf32>,
        %parallel_loop3A_1471 = arith.addi %add3A_30, %parallel_loop3A_1447 : vector<16xi32>
        %parallel_loop3A_1472 = arith.constant 0 : i32
        %parallel_loop3A_1473 = tpu.memref_slice %arg7[%parallel_loop3A_1094, %parallel_loop3A_1472] : memref<4x8192xf32, #tpu.memory_space<vmem>> -> memref<1x8192xf32, #tpu.memory_space<vmem>>
        %parallel_loop3A_1474 = tpu.memref_squeeze %parallel_loop3A_1473 : memref<1x8192xf32, #tpu.memory_space<vmem>> -> memref<8192xf32, #tpu.memory_space<vmem>>
        tpu.vector_store_idx %parallel_loop3A_1474[%parallel_loop3A_1471], %parallel_loop3A_1470 : memref<8192xf32, #tpu.memory_space<vmem>>[vector<16xi32>], vector<16xf32>,
        %parallel_loop3A_1475 = arith.constant 0 : i32
        %parallel_loop3A_1476 = arith.constant 0 : i32
        %parallel_loop3A_1477 = tpu.memref_slice %arg6[%parallel_loop3A_1093, %parallel_loop3A_1475, %parallel_loop3A_1476] : memref<4x128x64xf32, #tpu.memory_space<vmem>> -> memref<1x128x64xf32, #tpu.memory_space<vmem>>
        %parallel_loop3A_1478 = tpu.memref_squeeze %parallel_loop3A_1477 : memref<1x128x64xf32, #tpu.memory_space<vmem>> -> memref<128x64xf32, #tpu.memory_space<vmem>>
        %parallel_loop3A_1479 = tpu.vector_load_idx %parallel_loop3A_1478[%parallel_loop3A_1447, %add3A_12] : memref<128x64xf32, #tpu.memory_space<vmem>>[vector<16xi32>, vector<16xi32>], vector<16xf32>,
        %parallel_loop3A_1480 = arith.addi %add3A_36, %parallel_loop3A_1447 : vector<16xi32>
        %parallel_loop3A_1481 = arith.constant 0 : i32
        %parallel_loop3A_1482 = tpu.memref_slice %arg7[%parallel_loop3A_1094, %parallel_loop3A_1481] : memref<4x8192xf32, #tpu.memory_space<vmem>> -> memref<1x8192xf32, #tpu.memory_space<vmem>>
        %parallel_loop3A_1483 = tpu.memref_squeeze %parallel_loop3A_1482 : memref<1x8192xf32, #tpu.memory_space<vmem>> -> memref<8192xf32, #tpu.memory_space<vmem>>
        tpu.vector_store_idx %parallel_loop3A_1483[%parallel_loop3A_1480], %parallel_loop3A_1479 : memref<8192xf32, #tpu.memory_space<vmem>>[vector<16xi32>], vector<16xf32>,
      } {sc.loop_unroll_factor = 8 : i64, sc.parallel_access}
      %mul3A_1095 = arith.constant 200 : i32
      %mul3A_1096 = arith.muli %add3A, %mul3A_1095 : i32
      %add3A_1097 = arith.addi %mul3A_1096, %add3A_1073 : i32
      %jit3A_1098 = arith.constant 128 : i32
      %div3A_1099 = arith.divsi %add3A_1097, %jit3A_1098 : i32
      %sign3A_1100 = arith.constant 0 : i32
      %sign3A_1101 = arith.cmpi sgt, %add3A_1097, %sign3A_1100 : i32
      %sign3A_1102 = arith.extui %sign3A_1101 : i1 to i32
      %sign3A_1103 = arith.constant 0 : i32
      %sign3A_1104 = arith.cmpi slt, %add3A_1097, %sign3A_1103 : i32
      %sign3A_1105 = arith.extui %sign3A_1104 : i1 to i32
      %sign3A_1106 = arith.subi %sign3A_1102, %sign3A_1105 : i32
      %sign3A_1107 = arith.constant 0 : i32
      %sign3A_1108 = arith.cmpi sgt, %jit3A_1098, %sign3A_1107 : i32
      %sign3A_1109 = arith.extui %sign3A_1108 : i1 to i32
      %sign3A_1110 = arith.constant 0 : i32
      %sign3A_1111 = arith.cmpi slt, %jit3A_1098, %sign3A_1110 : i32
      %sign3A_1112 = arith.extui %sign3A_1111 : i1 to i32
      %sign3A_1113 = arith.subi %sign3A_1109, %sign3A_1112 : i32
      %ne3A_1114 = arith.cmpi ne, %sign3A_1106, %sign3A_1113 : i32
      %rem3A_1115 = arith.remsi %add3A_1097, %jit3A_1098 : i32
      %ne3A_1116 = arith.constant 0 : i32
      %ne3A_1117 = arith.cmpi ne, %rem3A_1115, %ne3A_1116 : i32
      %and3A_1118 = arith.andi %ne3A_1114, %ne3A_1117 : i1
      %sub3A_1119 = arith.constant 1 : i32
      %sub3A_1120 = arith.subi %div3A_1099, %sub3A_1119 : i32
      %select_n3A_1121 = arith.select %and3A_1118, %sub3A_1120, %div3A_1099 : i32
      %jit3A_1122 = arith.constant 128 : i32
      %eq3A_1123 = arith.constant 0 : i32
      %eq3A_1124 = arith.cmpi eq, %jit3A_1122, %eq3A_1123 : i32
      %jit3A_1125 = arith.constant 1 : i32
      %select_n3A_1126 = arith.select %eq3A_1124, %jit3A_1125, %jit3A_1122 : i32
      %rem3A_1127 = arith.remsi %add3A_1097, %select_n3A_1126 : i32
      %ne3A_1128 = arith.constant 0 : i32
      %ne3A_1129 = arith.cmpi ne, %rem3A_1127, %ne3A_1128 : i32
      %lt3A_1130 = arith.constant 0 : i32
      %lt3A_1131 = arith.cmpi slt, %rem3A_1127, %lt3A_1130 : i32
      %lt3A_1132 = arith.constant 0 : i32
      %lt3A_1133 = arith.cmpi slt, %select_n3A_1126, %lt3A_1132 : i32
      %ne3A_1134 = arith.xori %lt3A_1131, %lt3A_1133 : i1
      %and3A_1135 = arith.andi %ne3A_1134, %ne3A_1129 : i1
      %add3A_1136 = arith.addi %rem3A_1127, %select_n3A_1126 : i32
      %select_n3A_1137 = arith.select %and3A_1135, %add3A_1136, %rem3A_1127 : i32
      %dma_start3A_1138 = arith.constant 2 : i32
      %dma_start3A_1139 = arith.constant 0 : i32
      %dma_start3A_1140 = arith.constant 0 : i32
      %dma_start3A_1141 = tpu.memref_slice %arg7[%dma_start3A_1138, %dma_start3A_1140] : memref<4x8192xf32, #tpu.memory_space<vmem>> -> memref<1x1024xf32, #tpu.memory_space<vmem>>
      %dma_start3A_1142 = tpu.memref_squeeze %dma_start3A_1141 : memref<1x1024xf32, #tpu.memory_space<vmem>> -> memref<1024xf32, #tpu.memory_space<vmem>>
      %dma_start3A_1143 = arith.constant 0 : i32
      %dma_start3A_1144 = tpu.memref_slice %arg4[%select_n3A_1121, %dma_start3A_1139, %select_n3A_1137, %dma_start3A_1143] : memref<50x8x128x1024xf32, #tpu.memory_space<hbm>> -> memref<1x1x1x1024xf32, #tpu.memory_space<hbm>>
      %dma_start3A_1145 = tpu.memref_squeeze %dma_start3A_1144 : memref<1x1x1x1024xf32, #tpu.memory_space<hbm>> -> memref<1024xf32, #tpu.memory_space<hbm>>
      %dma_start3A_1146 = arith.constant 0 : i32
      %dma_start3A_1147 = tpu.memref_slice %arg4[%select_n3A_1121, %dma_start3A_1139, %select_n3A_1137, %dma_start3A_1146] : memref<50x8x128x1024xf32, #tpu.memory_space<hbm>> -> memref<1x1x1x1024xf32, #tpu.memory_space<hbm>>
      %dma_start3A_1148 = tpu.memref_squeeze %dma_start3A_1147 : memref<1x1x1x1024xf32, #tpu.memory_space<hbm>> -> memref<1024xf32, #tpu.memory_space<hbm>>
      %dma_start3A_1149 = arith.constant 0 : i32
      %dma_start3A_1150 = tpu.memref_slice %arg7[%dma_start3A_1138, %dma_start3A_1149] : memref<4x8192xf32, #tpu.memory_space<vmem>> -> memref<1x1024xf32, #tpu.memory_space<vmem>>
      %dma_start3A_1151 = tpu.memref_squeeze %dma_start3A_1150 : memref<1x1024xf32, #tpu.memory_space<vmem>> -> memref<1024xf32, #tpu.memory_space<vmem>>
      tpu.enqueue_dma source(%dma_start3A_1151 : memref<1024xf32, #tpu.memory_space<vmem>>) target(%dma_start3A_1148 : memref<1024xf32, #tpu.memory_space<hbm>>) target_semaphore(%arg14 : memref<!tpu.dma_semaphore, #tpu.memory_space<semaphore_mem>>)
      %dma_start3A_1152 = arith.constant 2 : i32
      %dma_start3A_1153 = arith.constant 1 : i32
      %dma_start3A_1154 = arith.constant 1024 : i32
      %dma_start3A_1155 = tpu.memref_slice %arg7[%dma_start3A_1152, %dma_start3A_1154] : memref<4x8192xf32, #tpu.memory_space<vmem>> -> memref<1x1024xf32, #tpu.memory_space<vmem>>
      %dma_start3A_1156 = tpu.memref_squeeze %dma_start3A_1155 : memref<1x1024xf32, #tpu.memory_space<vmem>> -> memref<1024xf32, #tpu.memory_space<vmem>>
      %dma_start3A_1157 = arith.constant 0 : i32
      %dma_start3A_1158 = tpu.memref_slice %arg4[%select_n3A_1121, %dma_start3A_1153, %select_n3A_1137, %dma_start3A_1157] : memref<50x8x128x1024xf32, #tpu.memory_space<hbm>> -> memref<1x1x1x1024xf32, #tpu.memory_space<hbm>>
      %dma_start3A_1159 = tpu.memref_squeeze %dma_start3A_1158 : memref<1x1x1x1024xf32, #tpu.memory_space<hbm>> -> memref<1024xf32, #tpu.memory_space<hbm>>
      %dma_start3A_1160 = arith.constant 0 : i32
      %dma_start3A_1161 = tpu.memref_slice %arg4[%select_n3A_1121, %dma_start3A_1153, %select_n3A_1137, %dma_start3A_1160] : memref<50x8x128x1024xf32, #tpu.memory_space<hbm>> -> memref<1x1x1x1024xf32, #tpu.memory_space<hbm>>
      %dma_start3A_1162 = tpu.memref_squeeze %dma_start3A_1161 : memref<1x1x1x1024xf32, #tpu.memory_space<hbm>> -> memref<1024xf32, #tpu.memory_space<hbm>>
      %dma_start3A_1163 = arith.constant 1024 : i32
      %dma_start3A_1164 = tpu.memref_slice %arg7[%dma_start3A_1152, %dma_start3A_1163] : memref<4x8192xf32, #tpu.memory_space<vmem>> -> memref<1x1024xf32, #tpu.memory_space<vmem>>
      %dma_start3A_1165 = tpu.memref_squeeze %dma_start3A_1164 : memref<1x1024xf32, #tpu.memory_space<vmem>> -> memref<1024xf32, #tpu.memory_space<vmem>>
      tpu.enqueue_dma source(%dma_start3A_1165 : memref<1024xf32, #tpu.memory_space<vmem>>) target(%dma_start3A_1162 : memref<1024xf32, #tpu.memory_space<hbm>>) target_semaphore(%arg14 : memref<!tpu.dma_semaphore, #tpu.memory_space<semaphore_mem>>)
      %dma_start3A_1166 = arith.constant 2 : i32
      %dma_start3A_1167 = arith.constant 2 : i32
      %dma_start3A_1168 = arith.constant 2048 : i32
      %dma_start3A_1169 = tpu.memref_slice %arg7[%dma_start3A_1166, %dma_start3A_1168] : memref<4x8192xf32, #tpu.memory_space<vmem>> -> memref<1x1024xf32, #tpu.memory_space<vmem>>
      %dma_start3A_1170 = tpu.memref_squeeze %dma_start3A_1169 : memref<1x1024xf32, #tpu.memory_space<vmem>> -> memref<1024xf32, #tpu.memory_space<vmem>>
      %dma_start3A_1171 = arith.constant 0 : i32
      %dma_start3A_1172 = tpu.memref_slice %arg4[%select_n3A_1121, %dma_start3A_1167, %select_n3A_1137, %dma_start3A_1171] : memref<50x8x128x1024xf32, #tpu.memory_space<hbm>> -> memref<1x1x1x1024xf32, #tpu.memory_space<hbm>>
      %dma_start3A_1173 = tpu.memref_squeeze %dma_start3A_1172 : memref<1x1x1x1024xf32, #tpu.memory_space<hbm>> -> memref<1024xf32, #tpu.memory_space<hbm>>
      %dma_start3A_1174 = arith.constant 0 : i32
      %dma_start3A_1175 = tpu.memref_slice %arg4[%select_n3A_1121, %dma_start3A_1167, %select_n3A_1137, %dma_start3A_1174] : memref<50x8x128x1024xf32, #tpu.memory_space<hbm>> -> memref<1x1x1x1024xf32, #tpu.memory_space<hbm>>
      %dma_start3A_1176 = tpu.memref_squeeze %dma_start3A_1175 : memref<1x1x1x1024xf32, #tpu.memory_space<hbm>> -> memref<1024xf32, #tpu.memory_space<hbm>>
      %dma_start3A_1177 = arith.constant 2048 : i32
      %dma_start3A_1178 = tpu.memref_slice %arg7[%dma_start3A_1166, %dma_start3A_1177] : memref<4x8192xf32, #tpu.memory_space<vmem>> -> memref<1x1024xf32, #tpu.memory_space<vmem>>
      %dma_start3A_1179 = tpu.memref_squeeze %dma_start3A_1178 : memref<1x1024xf32, #tpu.memory_space<vmem>> -> memref<1024xf32, #tpu.memory_space<vmem>>
      tpu.enqueue_dma source(%dma_start3A_1179 : memref<1024xf32, #tpu.memory_space<vmem>>) target(%dma_start3A_1176 : memref<1024xf32, #tpu.memory_space<hbm>>) target_semaphore(%arg14 : memref<!tpu.dma_semaphore, #tpu.memory_space<semaphore_mem>>)
      %dma_start3A_1180 = arith.constant 2 : i32
      %dma_start3A_1181 = arith.constant 3 : i32
      %dma_start3A_1182 = arith.constant 3072 : i32
      %dma_start3A_1183 = tpu.memref_slice %arg7[%dma_start3A_1180, %dma_start3A_1182] : memref<4x8192xf32, #tpu.memory_space<vmem>> -> memref<1x1024xf32, #tpu.memory_space<vmem>>
      %dma_start3A_1184 = tpu.memref_squeeze %dma_start3A_1183 : memref<1x1024xf32, #tpu.memory_space<vmem>> -> memref<1024xf32, #tpu.memory_space<vmem>>
      %dma_start3A_1185 = arith.constant 0 : i32
      %dma_start3A_1186 = tpu.memref_slice %arg4[%select_n3A_1121, %dma_start3A_1181, %select_n3A_1137, %dma_start3A_1185] : memref<50x8x128x1024xf32, #tpu.memory_space<hbm>> -> memref<1x1x1x1024xf32, #tpu.memory_space<hbm>>
      %dma_start3A_1187 = tpu.memref_squeeze %dma_start3A_1186 : memref<1x1x1x1024xf32, #tpu.memory_space<hbm>> -> memref<1024xf32, #tpu.memory_space<hbm>>
      %dma_start3A_1188 = arith.constant 0 : i32
      %dma_start3A_1189 = tpu.memref_slice %arg4[%select_n3A_1121, %dma_start3A_1181, %select_n3A_1137, %dma_start3A_1188] : memref<50x8x128x1024xf32, #tpu.memory_space<hbm>> -> memref<1x1x1x1024xf32, #tpu.memory_space<hbm>>
      %dma_start3A_1190 = tpu.memref_squeeze %dma_start3A_1189 : memref<1x1x1x1024xf32, #tpu.memory_space<hbm>> -> memref<1024xf32, #tpu.memory_space<hbm>>
      %dma_start3A_1191 = arith.constant 3072 : i32
      %dma_start3A_1192 = tpu.memref_slice %arg7[%dma_start3A_1180, %dma_start3A_1191] : memref<4x8192xf32, #tpu.memory_space<vmem>> -> memref<1x1024xf32, #tpu.memory_space<vmem>>
      %dma_start3A_1193 = tpu.memref_squeeze %dma_start3A_1192 : memref<1x1024xf32, #tpu.memory_space<vmem>> -> memref<1024xf32, #tpu.memory_space<vmem>>
      tpu.enqueue_dma source(%dma_start3A_1193 : memref<1024xf32, #tpu.memory_space<vmem>>) target(%dma_start3A_1190 : memref<1024xf32, #tpu.memory_space<hbm>>) target_semaphore(%arg14 : memref<!tpu.dma_semaphore, #tpu.memory_space<semaphore_mem>>)
      %dma_start3A_1194 = arith.constant 2 : i32
      %dma_start3A_1195 = arith.constant 4 : i32
      %dma_start3A_1196 = arith.constant 4096 : i32
      %dma_start3A_1197 = tpu.memref_slice %arg7[%dma_start3A_1194, %dma_start3A_1196] : memref<4x8192xf32, #tpu.memory_space<vmem>> -> memref<1x1024xf32, #tpu.memory_space<vmem>>
      %dma_start3A_1198 = tpu.memref_squeeze %dma_start3A_1197 : memref<1x1024xf32, #tpu.memory_space<vmem>> -> memref<1024xf32, #tpu.memory_space<vmem>>
      %dma_start3A_1199 = arith.constant 0 : i32
      %dma_start3A_1200 = tpu.memref_slice %arg4[%select_n3A_1121, %dma_start3A_1195, %select_n3A_1137, %dma_start3A_1199] : memref<50x8x128x1024xf32, #tpu.memory_space<hbm>> -> memref<1x1x1x1024xf32, #tpu.memory_space<hbm>>
      %dma_start3A_1201 = tpu.memref_squeeze %dma_start3A_1200 : memref<1x1x1x1024xf32, #tpu.memory_space<hbm>> -> memref<1024xf32, #tpu.memory_space<hbm>>
      %dma_start3A_1202 = arith.constant 0 : i32
      %dma_start3A_1203 = tpu.memref_slice %arg4[%select_n3A_1121, %dma_start3A_1195, %select_n3A_1137, %dma_start3A_1202] : memref<50x8x128x1024xf32, #tpu.memory_space<hbm>> -> memref<1x1x1x1024xf32, #tpu.memory_space<hbm>>
      %dma_start3A_1204 = tpu.memref_squeeze %dma_start3A_1203 : memref<1x1x1x1024xf32, #tpu.memory_space<hbm>> -> memref<1024xf32, #tpu.memory_space<hbm>>
      %dma_start3A_1205 = arith.constant 4096 : i32
      %dma_start3A_1206 = tpu.memref_slice %arg7[%dma_start3A_1194, %dma_start3A_1205] : memref<4x8192xf32, #tpu.memory_space<vmem>> -> memref<1x1024xf32, #tpu.memory_space<vmem>>
      %dma_start3A_1207 = tpu.memref_squeeze %dma_start3A_1206 : memref<1x1024xf32, #tpu.memory_space<vmem>> -> memref<1024xf32, #tpu.memory_space<vmem>>
      tpu.enqueue_dma source(%dma_start3A_1207 : memref<1024xf32, #tpu.memory_space<vmem>>) target(%dma_start3A_1204 : memref<1024xf32, #tpu.memory_space<hbm>>) target_semaphore(%arg14 : memref<!tpu.dma_semaphore, #tpu.memory_space<semaphore_mem>>)
      %dma_start3A_1208 = arith.constant 2 : i32
      %dma_start3A_1209 = arith.constant 5 : i32
      %dma_start3A_1210 = arith.constant 5120 : i32
      %dma_start3A_1211 = tpu.memref_slice %arg7[%dma_start3A_1208, %dma_start3A_1210] : memref<4x8192xf32, #tpu.memory_space<vmem>> -> memref<1x1024xf32, #tpu.memory_space<vmem>>
      %dma_start3A_1212 = tpu.memref_squeeze %dma_start3A_1211 : memref<1x1024xf32, #tpu.memory_space<vmem>> -> memref<1024xf32, #tpu.memory_space<vmem>>
      %dma_start3A_1213 = arith.constant 0 : i32
      %dma_start3A_1214 = tpu.memref_slice %arg4[%select_n3A_1121, %dma_start3A_1209, %select_n3A_1137, %dma_start3A_1213] : memref<50x8x128x1024xf32, #tpu.memory_space<hbm>> -> memref<1x1x1x1024xf32, #tpu.memory_space<hbm>>
      %dma_start3A_1215 = tpu.memref_squeeze %dma_start3A_1214 : memref<1x1x1x1024xf32, #tpu.memory_space<hbm>> -> memref<1024xf32, #tpu.memory_space<hbm>>
      %dma_start3A_1216 = arith.constant 0 : i32
      %dma_start3A_1217 = tpu.memref_slice %arg4[%select_n3A_1121, %dma_start3A_1209, %select_n3A_1137, %dma_start3A_1216] : memref<50x8x128x1024xf32, #tpu.memory_space<hbm>> -> memref<1x1x1x1024xf32, #tpu.memory_space<hbm>>
      %dma_start3A_1218 = tpu.memref_squeeze %dma_start3A_1217 : memref<1x1x1x1024xf32, #tpu.memory_space<hbm>> -> memref<1024xf32, #tpu.memory_space<hbm>>
      %dma_start3A_1219 = arith.constant 5120 : i32
      %dma_start3A_1220 = tpu.memref_slice %arg7[%dma_start3A_1208, %dma_start3A_1219] : memref<4x8192xf32, #tpu.memory_space<vmem>> -> memref<1x1024xf32, #tpu.memory_space<vmem>>
      %dma_start3A_1221 = tpu.memref_squeeze %dma_start3A_1220 : memref<1x1024xf32, #tpu.memory_space<vmem>> -> memref<1024xf32, #tpu.memory_space<vmem>>
      tpu.enqueue_dma source(%dma_start3A_1221 : memref<1024xf32, #tpu.memory_space<vmem>>) target(%dma_start3A_1218 : memref<1024xf32, #tpu.memory_space<hbm>>) target_semaphore(%arg14 : memref<!tpu.dma_semaphore, #tpu.memory_space<semaphore_mem>>)
      %dma_start3A_1222 = arith.constant 2 : i32
      %dma_start3A_1223 = arith.constant 6 : i32
      %dma_start3A_1224 = arith.constant 6144 : i32
      %dma_start3A_1225 = tpu.memref_slice %arg7[%dma_start3A_1222, %dma_start3A_1224] : memref<4x8192xf32, #tpu.memory_space<vmem>> -> memref<1x1024xf32, #tpu.memory_space<vmem>>
      %dma_start3A_1226 = tpu.memref_squeeze %dma_start3A_1225 : memref<1x1024xf32, #tpu.memory_space<vmem>> -> memref<1024xf32, #tpu.memory_space<vmem>>
      %dma_start3A_1227 = arith.constant 0 : i32
      %dma_start3A_1228 = tpu.memref_slice %arg4[%select_n3A_1121, %dma_start3A_1223, %select_n3A_1137, %dma_start3A_1227] : memref<50x8x128x1024xf32, #tpu.memory_space<hbm>> -> memref<1x1x1x1024xf32, #tpu.memory_space<hbm>>
      %dma_start3A_1229 = tpu.memref_squeeze %dma_start3A_1228 : memref<1x1x1x1024xf32, #tpu.memory_space<hbm>> -> memref<1024xf32, #tpu.memory_space<hbm>>
      %dma_start3A_1230 = arith.constant 0 : i32
      %dma_start3A_1231 = tpu.memref_slice %arg4[%select_n3A_1121, %dma_start3A_1223, %select_n3A_1137, %dma_start3A_1230] : memref<50x8x128x1024xf32, #tpu.memory_space<hbm>> -> memref<1x1x1x1024xf32, #tpu.memory_space<hbm>>
      %dma_start3A_1232 = tpu.memref_squeeze %dma_start3A_1231 : memref<1x1x1x1024xf32, #tpu.memory_space<hbm>> -> memref<1024xf32, #tpu.memory_space<hbm>>
      %dma_start3A_1233 = arith.constant 6144 : i32
      %dma_start3A_1234 = tpu.memref_slice %arg7[%dma_start3A_1222, %dma_start3A_1233] : memref<4x8192xf32, #tpu.memory_space<vmem>> -> memref<1x1024xf32, #tpu.memory_space<vmem>>
      %dma_start3A_1235 = tpu.memref_squeeze %dma_start3A_1234 : memref<1x1024xf32, #tpu.memory_space<vmem>> -> memref<1024xf32, #tpu.memory_space<vmem>>
      tpu.enqueue_dma source(%dma_start3A_1235 : memref<1024xf32, #tpu.memory_space<vmem>>) target(%dma_start3A_1232 : memref<1024xf32, #tpu.memory_space<hbm>>) target_semaphore(%arg14 : memref<!tpu.dma_semaphore, #tpu.memory_space<semaphore_mem>>)
      %dma_start3A_1236 = arith.constant 2 : i32
      %dma_start3A_1237 = arith.constant 7 : i32
      %dma_start3A_1238 = arith.constant 7168 : i32
      %dma_start3A_1239 = tpu.memref_slice %arg7[%dma_start3A_1236, %dma_start3A_1238] : memref<4x8192xf32, #tpu.memory_space<vmem>> -> memref<1x1024xf32, #tpu.memory_space<vmem>>
      %dma_start3A_1240 = tpu.memref_squeeze %dma_start3A_1239 : memref<1x1024xf32, #tpu.memory_space<vmem>> -> memref<1024xf32, #tpu.memory_space<vmem>>
      %dma_start3A_1241 = arith.constant 0 : i32
      %dma_start3A_1242 = tpu.memref_slice %arg4[%select_n3A_1121, %dma_start3A_1237, %select_n3A_1137, %dma_start3A_1241] : memref<50x8x128x1024xf32, #tpu.memory_space<hbm>> -> memref<1x1x1x1024xf32, #tpu.memory_space<hbm>>
      %dma_start3A_1243 = tpu.memref_squeeze %dma_start3A_1242 : memref<1x1x1x1024xf32, #tpu.memory_space<hbm>> -> memref<1024xf32, #tpu.memory_space<hbm>>
      %dma_start3A_1244 = arith.constant 0 : i32
      %dma_start3A_1245 = tpu.memref_slice %arg4[%select_n3A_1121, %dma_start3A_1237, %select_n3A_1137, %dma_start3A_1244] : memref<50x8x128x1024xf32, #tpu.memory_space<hbm>> -> memref<1x1x1x1024xf32, #tpu.memory_space<hbm>>
      %dma_start3A_1246 = tpu.memref_squeeze %dma_start3A_1245 : memref<1x1x1x1024xf32, #tpu.memory_space<hbm>> -> memref<1024xf32, #tpu.memory_space<hbm>>
      %dma_start3A_1247 = arith.constant 7168 : i32
      %dma_start3A_1248 = tpu.memref_slice %arg7[%dma_start3A_1236, %dma_start3A_1247] : memref<4x8192xf32, #tpu.memory_space<vmem>> -> memref<1x1024xf32, #tpu.memory_space<vmem>>
      %dma_start3A_1249 = tpu.memref_squeeze %dma_start3A_1248 : memref<1x1024xf32, #tpu.memory_space<vmem>> -> memref<1024xf32, #tpu.memory_space<vmem>>
      tpu.enqueue_dma source(%dma_start3A_1249 : memref<1024xf32, #tpu.memory_space<vmem>>) target(%dma_start3A_1246 : memref<1024xf32, #tpu.memory_space<hbm>>) target_semaphore(%arg14 : memref<!tpu.dma_semaphore, #tpu.memory_space<semaphore_mem>>)
      %add3A_1250 = arith.constant 4 : i32
      %add3A_1251 = arith.addi %add3A_1073, %add3A_1250 : i32
      %lt3A_1252 = arith.constant 200 : i32
      %lt3A_1253 = arith.cmpi slt, %add3A_1251, %lt3A_1252 : i32
      %convert_element_type3A_1254 = arith.extui %lt3A_1253 : i1 to i32
      %cond3A_1255 = arith.constant 0 : i32
      %cond3A_1256 = arith.cmpi ne, %convert_element_type3A_1254, %cond3A_1255 : i32
      scf.if %cond3A_1256 {
        %add3A_1442 = arith.constant 4 : i32
        %add3A_1443 = arith.addi %add3A_1073, %add3A_1442 : i32
        %dma_start3A_1444 = arith.constant 2 : i32
        %dma_start3A_1445 = arith.constant 0 : i32
        %dma_start3A_1446 = arith.constant 0 : i32
        %dma_start3A_1447 = tpu.memref_slice %arg6[%dma_start3A_1444, %dma_start3A_1445, %dma_start3A_1446] : memref<4x128x64xf32, #tpu.memory_space<vmem>> -> memref<1x128x64xf32, #tpu.memory_space<vmem>>
        %dma_start3A_1448 = tpu.memref_squeeze %dma_start3A_1447 : memref<1x128x64xf32, #tpu.memory_space<vmem>> -> memref<128x64xf32, #tpu.memory_space<vmem>>
        %dma_start3A_1449 = arith.constant 0 : i32
        %dma_start3A_1450 = tpu.memref_slice %arg5[%add3A_1443, %dma_start3A_1449] : memref<200x128xi32, #tpu.memory_space<vmem>> -> memref<1x128xi32, #tpu.memory_space<vmem>>
        %dma_start3A_1451 = tpu.memref_squeeze %dma_start3A_1450 : memref<1x128xi32, #tpu.memory_space<vmem>> -> memref<128xi32, #tpu.memory_space<vmem>>
        %dma_start3A_1452 = arith.constant 0 : i32
        %dma_start3A_1453 = arith.constant 0 : i32
        %dma_start3A_1454 = tpu.memref_slice %arg3[%dma_start3A_1452, %dma_start3A_1453] : memref<1000000x64xf32, #tpu.memory_space<hbm>> -> memref<1000000x64xf32, #tpu.memory_space<hbm>>
        tpu.enqueue_indirect_dma source(%dma_start3A_1454 : memref<1000000x64xf32, #tpu.memory_space<hbm>>) target(%dma_start3A_1448 : memref<128x64xf32, #tpu.memory_space<vmem>>) offsets(%dma_start3A_1451 : memref<128xi32, #tpu.memory_space<vmem>>) semaphore(%arg10 : memref<!tpu.dma_semaphore, #tpu.memory_space<semaphore_mem>>)
      } else {
      }
      %add3A_1257 = arith.constant 3 : i32
      %add3A_1258 = arith.addi %add3A_705, %add3A_1257 : i32
      %dma_wait3A_1259 = arith.constant 3 : i32
      %dma_wait3A_1260 = arith.constant 0 : i32
      %dma_wait3A_1261 = arith.constant 0 : i32
      %dma_wait3A_1262 = tpu.memref_slice %arg6[%dma_wait3A_1259, %dma_wait3A_1260, %dma_wait3A_1261] : memref<4x128x64xf32, #tpu.memory_space<vmem>> -> memref<1x128x64xf32, #tpu.memory_space<vmem>>
      %dma_wait3A_1263 = tpu.memref_squeeze %dma_wait3A_1262 : memref<1x128x64xf32, #tpu.memory_space<vmem>> -> memref<128x64xf32, #tpu.memory_space<vmem>>
      %dma_wait3A_1264 = arith.constant 0 : i32
      %dma_wait3A_1265 = tpu.memref_slice %arg5[%add3A_1258, %dma_wait3A_1264] : memref<200x128xi32, #tpu.memory_space<vmem>> -> memref<1x128xi32, #tpu.memory_space<vmem>>
      %dma_wait3A_1266 = tpu.memref_squeeze %dma_wait3A_1265 : memref<1x128xi32, #tpu.memory_space<vmem>> -> memref<128xi32, #tpu.memory_space<vmem>>
      %dma_wait3A_1267 = arith.constant 0 : i32
      %dma_wait3A_1268 = arith.constant 0 : i32
      %dma_wait3A_1269 = tpu.memref_slice %arg3[%dma_wait3A_1267, %dma_wait3A_1268] : memref<1000000x64xf32, #tpu.memory_space<hbm>> -> memref<1000000x64xf32, #tpu.memory_space<hbm>>
      tpu.wait_indirect_dma semaphore(%arg11 : memref<!tpu.dma_semaphore, #tpu.memory_space<semaphore_mem>>) src(%dma_wait3A_1269 : memref<1000000x64xf32, #tpu.memory_space<hbm>>) dst(%dma_wait3A_1263 : memref<128x64xf32, #tpu.memory_space<vmem>>)
      %ge3A_1270 = arith.constant 4 : i32
      %ge3A_1271 = arith.cmpi sge, %add3A_1258, %ge3A_1270 : i32
      %convert_element_type3A_1272 = arith.extui %ge3A_1271 : i1 to i32
      %cond3A_1273 = arith.constant 0 : i32
      %cond3A_1274 = arith.cmpi ne, %convert_element_type3A_1272, %cond3A_1273 : i32
      scf.if %cond3A_1274 {
        %sub3A_1442 = arith.constant 4 : i32
        %sub3A_1443 = arith.subi %add3A_1258, %sub3A_1442 : i32
        %mul3A_1444 = arith.constant 200 : i32
        %mul3A_1445 = arith.muli %add3A, %mul3A_1444 : i32
        %add3A_1446 = arith.addi %mul3A_1445, %sub3A_1443 : i32
        %jit3A_1447 = arith.constant 128 : i32
        %div3A_1448 = arith.divsi %add3A_1446, %jit3A_1447 : i32
        %sign3A_1449 = arith.constant 0 : i32
        %sign3A_1450 = arith.cmpi sgt, %add3A_1446, %sign3A_1449 : i32
        %sign3A_1451 = arith.extui %sign3A_1450 : i1 to i32
        %sign3A_1452 = arith.constant 0 : i32
        %sign3A_1453 = arith.cmpi slt, %add3A_1446, %sign3A_1452 : i32
        %sign3A_1454 = arith.extui %sign3A_1453 : i1 to i32
        %sign3A_1455 = arith.subi %sign3A_1451, %sign3A_1454 : i32
        %sign3A_1456 = arith.constant 0 : i32
        %sign3A_1457 = arith.cmpi sgt, %jit3A_1447, %sign3A_1456 : i32
        %sign3A_1458 = arith.extui %sign3A_1457 : i1 to i32
        %sign3A_1459 = arith.constant 0 : i32
        %sign3A_1460 = arith.cmpi slt, %jit3A_1447, %sign3A_1459 : i32
        %sign3A_1461 = arith.extui %sign3A_1460 : i1 to i32
        %sign3A_1462 = arith.subi %sign3A_1458, %sign3A_1461 : i32
        %ne3A_1463 = arith.cmpi ne, %sign3A_1455, %sign3A_1462 : i32
        %rem3A_1464 = arith.remsi %add3A_1446, %jit3A_1447 : i32
        %ne3A_1465 = arith.constant 0 : i32
        %ne3A_1466 = arith.cmpi ne, %rem3A_1464, %ne3A_1465 : i32
        %and3A_1467 = arith.andi %ne3A_1463, %ne3A_1466 : i1
        %sub3A_1468 = arith.constant 1 : i32
        %sub3A_1469 = arith.subi %div3A_1448, %sub3A_1468 : i32
        %select_n3A_1470 = arith.select %and3A_1467, %sub3A_1469, %div3A_1448 : i32
        %jit3A_1471 = arith.constant 128 : i32
        %eq3A_1472 = arith.constant 0 : i32
        %eq3A_1473 = arith.cmpi eq, %jit3A_1471, %eq3A_1472 : i32
        %jit3A_1474 = arith.constant 1 : i32
        %select_n3A_1475 = arith.select %eq3A_1473, %jit3A_1474, %jit3A_1471 : i32
        %rem3A_1476 = arith.remsi %add3A_1446, %select_n3A_1475 : i32
        %ne3A_1477 = arith.constant 0 : i32
        %ne3A_1478 = arith.cmpi ne, %rem3A_1476, %ne3A_1477 : i32
        %lt3A_1479 = arith.constant 0 : i32
        %lt3A_1480 = arith.cmpi slt, %rem3A_1476, %lt3A_1479 : i32
        %lt3A_1481 = arith.constant 0 : i32
        %lt3A_1482 = arith.cmpi slt, %select_n3A_1475, %lt3A_1481 : i32
        %ne3A_1483 = arith.xori %lt3A_1480, %lt3A_1482 : i1
        %and3A_1484 = arith.andi %ne3A_1483, %ne3A_1478 : i1
        %add3A_1485 = arith.addi %rem3A_1476, %select_n3A_1475 : i32
        %select_n3A_1486 = arith.select %and3A_1484, %add3A_1485, %rem3A_1476 : i32
        %dma_wait3A_1487 = arith.constant 3 : i32
        %dma_wait3A_1488 = arith.constant 0 : i32
        %dma_wait3A_1489 = arith.constant 0 : i32
        %dma_wait3A_1490 = tpu.memref_slice %arg7[%dma_wait3A_1487, %dma_wait3A_1489] : memref<4x8192xf32, #tpu.memory_space<vmem>> -> memref<1x1024xf32, #tpu.memory_space<vmem>>
        %dma_wait3A_1491 = tpu.memref_squeeze %dma_wait3A_1490 : memref<1x1024xf32, #tpu.memory_space<vmem>> -> memref<1024xf32, #tpu.memory_space<vmem>>
        %dma_wait3A_1492 = arith.constant 0 : i32
        %dma_wait3A_1493 = tpu.memref_slice %arg4[%select_n3A_1470, %dma_wait3A_1488, %select_n3A_1486, %dma_wait3A_1492] : memref<50x8x128x1024xf32, #tpu.memory_space<hbm>> -> memref<1x1x1x1024xf32, #tpu.memory_space<hbm>>
        %dma_wait3A_1494 = tpu.memref_squeeze %dma_wait3A_1493 : memref<1x1x1x1024xf32, #tpu.memory_space<hbm>> -> memref<1024xf32, #tpu.memory_space<hbm>>
        %dma_wait3A_1495 = arith.constant 0 : i32
        %dma_wait3A_1496 = tpu.memref_slice %arg4[%select_n3A_1470, %dma_wait3A_1488, %select_n3A_1486, %dma_wait3A_1495] : memref<50x8x128x1024xf32, #tpu.memory_space<hbm>> -> memref<1x1x1x1024xf32, #tpu.memory_space<hbm>>
        %dma_wait3A_1497 = tpu.memref_squeeze %dma_wait3A_1496 : memref<1x1x1x1024xf32, #tpu.memory_space<hbm>> -> memref<1024xf32, #tpu.memory_space<hbm>>
        %dma_wait3A_1498 = arith.constant 0 : i32
        %dma_wait3A_1499 = tpu.memref_slice %arg7[%dma_wait3A_1487, %dma_wait3A_1498] : memref<4x8192xf32, #tpu.memory_space<vmem>> -> memref<1x1024xf32, #tpu.memory_space<vmem>>
        %dma_wait3A_1500 = tpu.memref_squeeze %dma_wait3A_1499 : memref<1x1024xf32, #tpu.memory_space<vmem>> -> memref<1024xf32, #tpu.memory_space<vmem>>
        tpu.wait_dma2 semaphore(%arg15 : memref<!tpu.dma_semaphore, #tpu.memory_space<semaphore_mem>>) src(%dma_wait3A_1500 : memref<1024xf32, #tpu.memory_space<vmem>>) dst(%dma_wait3A_1497 : memref<1024xf32, #tpu.memory_space<hbm>>)
        %dma_wait3A_1501 = arith.constant 3 : i32
        %dma_wait3A_1502 = arith.constant 1 : i32
        %dma_wait3A_1503 = arith.constant 1024 : i32
        %dma_wait3A_1504 = tpu.memref_slice %arg7[%dma_wait3A_1501, %dma_wait3A_1503] : memref<4x8192xf32, #tpu.memory_space<vmem>> -> memref<1x1024xf32, #tpu.memory_space<vmem>>
        %dma_wait3A_1505 = tpu.memref_squeeze %dma_wait3A_1504 : memref<1x1024xf32, #tpu.memory_space<vmem>> -> memref<1024xf32, #tpu.memory_space<vmem>>
        %dma_wait3A_1506 = arith.constant 0 : i32
        %dma_wait3A_1507 = tpu.memref_slice %arg4[%select_n3A_1470, %dma_wait3A_1502, %select_n3A_1486, %dma_wait3A_1506] : memref<50x8x128x1024xf32, #tpu.memory_space<hbm>> -> memref<1x1x1x1024xf32, #tpu.memory_space<hbm>>
        %dma_wait3A_1508 = tpu.memref_squeeze %dma_wait3A_1507 : memref<1x1x1x1024xf32, #tpu.memory_space<hbm>> -> memref<1024xf32, #tpu.memory_space<hbm>>
        %dma_wait3A_1509 = arith.constant 0 : i32
        %dma_wait3A_1510 = tpu.memref_slice %arg4[%select_n3A_1470, %dma_wait3A_1502, %select_n3A_1486, %dma_wait3A_1509] : memref<50x8x128x1024xf32, #tpu.memory_space<hbm>> -> memref<1x1x1x1024xf32, #tpu.memory_space<hbm>>
        %dma_wait3A_1511 = tpu.memref_squeeze %dma_wait3A_1510 : memref<1x1x1x1024xf32, #tpu.memory_space<hbm>> -> memref<1024xf32, #tpu.memory_space<hbm>>
        %dma_wait3A_1512 = arith.constant 1024 : i32
        %dma_wait3A_1513 = tpu.memref_slice %arg7[%dma_wait3A_1501, %dma_wait3A_1512] : memref<4x8192xf32, #tpu.memory_space<vmem>> -> memref<1x1024xf32, #tpu.memory_space<vmem>>
        %dma_wait3A_1514 = tpu.memref_squeeze %dma_wait3A_1513 : memref<1x1024xf32, #tpu.memory_space<vmem>> -> memref<1024xf32, #tpu.memory_space<vmem>>
        tpu.wait_dma2 semaphore(%arg15 : memref<!tpu.dma_semaphore, #tpu.memory_space<semaphore_mem>>) src(%dma_wait3A_1514 : memref<1024xf32, #tpu.memory_space<vmem>>) dst(%dma_wait3A_1511 : memref<1024xf32, #tpu.memory_space<hbm>>)
        %dma_wait3A_1515 = arith.constant 3 : i32
        %dma_wait3A_1516 = arith.constant 2 : i32
        %dma_wait3A_1517 = arith.constant 2048 : i32
        %dma_wait3A_1518 = tpu.memref_slice %arg7[%dma_wait3A_1515, %dma_wait3A_1517] : memref<4x8192xf32, #tpu.memory_space<vmem>> -> memref<1x1024xf32, #tpu.memory_space<vmem>>
        %dma_wait3A_1519 = tpu.memref_squeeze %dma_wait3A_1518 : memref<1x1024xf32, #tpu.memory_space<vmem>> -> memref<1024xf32, #tpu.memory_space<vmem>>
        %dma_wait3A_1520 = arith.constant 0 : i32
        %dma_wait3A_1521 = tpu.memref_slice %arg4[%select_n3A_1470, %dma_wait3A_1516, %select_n3A_1486, %dma_wait3A_1520] : memref<50x8x128x1024xf32, #tpu.memory_space<hbm>> -> memref<1x1x1x1024xf32, #tpu.memory_space<hbm>>
        %dma_wait3A_1522 = tpu.memref_squeeze %dma_wait3A_1521 : memref<1x1x1x1024xf32, #tpu.memory_space<hbm>> -> memref<1024xf32, #tpu.memory_space<hbm>>
        %dma_wait3A_1523 = arith.constant 0 : i32
        %dma_wait3A_1524 = tpu.memref_slice %arg4[%select_n3A_1470, %dma_wait3A_1516, %select_n3A_1486, %dma_wait3A_1523] : memref<50x8x128x1024xf32, #tpu.memory_space<hbm>> -> memref<1x1x1x1024xf32, #tpu.memory_space<hbm>>
        %dma_wait3A_1525 = tpu.memref_squeeze %dma_wait3A_1524 : memref<1x1x1x1024xf32, #tpu.memory_space<hbm>> -> memref<1024xf32, #tpu.memory_space<hbm>>
        %dma_wait3A_1526 = arith.constant 2048 : i32
        %dma_wait3A_1527 = tpu.memref_slice %arg7[%dma_wait3A_1515, %dma_wait3A_1526] : memref<4x8192xf32, #tpu.memory_space<vmem>> -> memref<1x1024xf32, #tpu.memory_space<vmem>>
        %dma_wait3A_1528 = tpu.memref_squeeze %dma_wait3A_1527 : memref<1x1024xf32, #tpu.memory_space<vmem>> -> memref<1024xf32, #tpu.memory_space<vmem>>
        tpu.wait_dma2 semaphore(%arg15 : memref<!tpu.dma_semaphore, #tpu.memory_space<semaphore_mem>>) src(%dma_wait3A_1528 : memref<1024xf32, #tpu.memory_space<vmem>>) dst(%dma_wait3A_1525 : memref<1024xf32, #tpu.memory_space<hbm>>)
        %dma_wait3A_1529 = arith.constant 3 : i32
        %dma_wait3A_1530 = arith.constant 3 : i32
        %dma_wait3A_1531 = arith.constant 3072 : i32
        %dma_wait3A_1532 = tpu.memref_slice %arg7[%dma_wait3A_1529, %dma_wait3A_1531] : memref<4x8192xf32, #tpu.memory_space<vmem>> -> memref<1x1024xf32, #tpu.memory_space<vmem>>
        %dma_wait3A_1533 = tpu.memref_squeeze %dma_wait3A_1532 : memref<1x1024xf32, #tpu.memory_space<vmem>> -> memref<1024xf32, #tpu.memory_space<vmem>>
        %dma_wait3A_1534 = arith.constant 0 : i32
        %dma_wait3A_1535 = tpu.memref_slice %arg4[%select_n3A_1470, %dma_wait3A_1530, %select_n3A_1486, %dma_wait3A_1534] : memref<50x8x128x1024xf32, #tpu.memory_space<hbm>> -> memref<1x1x1x1024xf32, #tpu.memory_space<hbm>>
        %dma_wait3A_1536 = tpu.memref_squeeze %dma_wait3A_1535 : memref<1x1x1x1024xf32, #tpu.memory_space<hbm>> -> memref<1024xf32, #tpu.memory_space<hbm>>
        %dma_wait3A_1537 = arith.constant 0 : i32
        %dma_wait3A_1538 = tpu.memref_slice %arg4[%select_n3A_1470, %dma_wait3A_1530, %select_n3A_1486, %dma_wait3A_1537] : memref<50x8x128x1024xf32, #tpu.memory_space<hbm>> -> memref<1x1x1x1024xf32, #tpu.memory_space<hbm>>
        %dma_wait3A_1539 = tpu.memref_squeeze %dma_wait3A_1538 : memref<1x1x1x1024xf32, #tpu.memory_space<hbm>> -> memref<1024xf32, #tpu.memory_space<hbm>>
        %dma_wait3A_1540 = arith.constant 3072 : i32
        %dma_wait3A_1541 = tpu.memref_slice %arg7[%dma_wait3A_1529, %dma_wait3A_1540] : memref<4x8192xf32, #tpu.memory_space<vmem>> -> memref<1x1024xf32, #tpu.memory_space<vmem>>
        %dma_wait3A_1542 = tpu.memref_squeeze %dma_wait3A_1541 : memref<1x1024xf32, #tpu.memory_space<vmem>> -> memref<1024xf32, #tpu.memory_space<vmem>>
        tpu.wait_dma2 semaphore(%arg15 : memref<!tpu.dma_semaphore, #tpu.memory_space<semaphore_mem>>) src(%dma_wait3A_1542 : memref<1024xf32, #tpu.memory_space<vmem>>) dst(%dma_wait3A_1539 : memref<1024xf32, #tpu.memory_space<hbm>>)
        %dma_wait3A_1543 = arith.constant 3 : i32
        %dma_wait3A_1544 = arith.constant 4 : i32
        %dma_wait3A_1545 = arith.constant 4096 : i32
        %dma_wait3A_1546 = tpu.memref_slice %arg7[%dma_wait3A_1543, %dma_wait3A_1545] : memref<4x8192xf32, #tpu.memory_space<vmem>> -> memref<1x1024xf32, #tpu.memory_space<vmem>>
        %dma_wait3A_1547 = tpu.memref_squeeze %dma_wait3A_1546 : memref<1x1024xf32, #tpu.memory_space<vmem>> -> memref<1024xf32, #tpu.memory_space<vmem>>
        %dma_wait3A_1548 = arith.constant 0 : i32
        %dma_wait3A_1549 = tpu.memref_slice %arg4[%select_n3A_1470, %dma_wait3A_1544, %select_n3A_1486, %dma_wait3A_1548] : memref<50x8x128x1024xf32, #tpu.memory_space<hbm>> -> memref<1x1x1x1024xf32, #tpu.memory_space<hbm>>
        %dma_wait3A_1550 = tpu.memref_squeeze %dma_wait3A_1549 : memref<1x1x1x1024xf32, #tpu.memory_space<hbm>> -> memref<1024xf32, #tpu.memory_space<hbm>>
        %dma_wait3A_1551 = arith.constant 0 : i32
        %dma_wait3A_1552 = tpu.memref_slice %arg4[%select_n3A_1470, %dma_wait3A_1544, %select_n3A_1486, %dma_wait3A_1551] : memref<50x8x128x1024xf32, #tpu.memory_space<hbm>> -> memref<1x1x1x1024xf32, #tpu.memory_space<hbm>>
        %dma_wait3A_1553 = tpu.memref_squeeze %dma_wait3A_1552 : memref<1x1x1x1024xf32, #tpu.memory_space<hbm>> -> memref<1024xf32, #tpu.memory_space<hbm>>
        %dma_wait3A_1554 = arith.constant 4096 : i32
        %dma_wait3A_1555 = tpu.memref_slice %arg7[%dma_wait3A_1543, %dma_wait3A_1554] : memref<4x8192xf32, #tpu.memory_space<vmem>> -> memref<1x1024xf32, #tpu.memory_space<vmem>>
        %dma_wait3A_1556 = tpu.memref_squeeze %dma_wait3A_1555 : memref<1x1024xf32, #tpu.memory_space<vmem>> -> memref<1024xf32, #tpu.memory_space<vmem>>
        tpu.wait_dma2 semaphore(%arg15 : memref<!tpu.dma_semaphore, #tpu.memory_space<semaphore_mem>>) src(%dma_wait3A_1556 : memref<1024xf32, #tpu.memory_space<vmem>>) dst(%dma_wait3A_1553 : memref<1024xf32, #tpu.memory_space<hbm>>)
        %dma_wait3A_1557 = arith.constant 3 : i32
        %dma_wait3A_1558 = arith.constant 5 : i32
        %dma_wait3A_1559 = arith.constant 5120 : i32
        %dma_wait3A_1560 = tpu.memref_slice %arg7[%dma_wait3A_1557, %dma_wait3A_1559] : memref<4x8192xf32, #tpu.memory_space<vmem>> -> memref<1x1024xf32, #tpu.memory_space<vmem>>
        %dma_wait3A_1561 = tpu.memref_squeeze %dma_wait3A_1560 : memref<1x1024xf32, #tpu.memory_space<vmem>> -> memref<1024xf32, #tpu.memory_space<vmem>>
        %dma_wait3A_1562 = arith.constant 0 : i32
        %dma_wait3A_1563 = tpu.memref_slice %arg4[%select_n3A_1470, %dma_wait3A_1558, %select_n3A_1486, %dma_wait3A_1562] : memref<50x8x128x1024xf32, #tpu.memory_space<hbm>> -> memref<1x1x1x1024xf32, #tpu.memory_space<hbm>>
        %dma_wait3A_1564 = tpu.memref_squeeze %dma_wait3A_1563 : memref<1x1x1x1024xf32, #tpu.memory_space<hbm>> -> memref<1024xf32, #tpu.memory_space<hbm>>
        %dma_wait3A_1565 = arith.constant 0 : i32
        %dma_wait3A_1566 = tpu.memref_slice %arg4[%select_n3A_1470, %dma_wait3A_1558, %select_n3A_1486, %dma_wait3A_1565] : memref<50x8x128x1024xf32, #tpu.memory_space<hbm>> -> memref<1x1x1x1024xf32, #tpu.memory_space<hbm>>
        %dma_wait3A_1567 = tpu.memref_squeeze %dma_wait3A_1566 : memref<1x1x1x1024xf32, #tpu.memory_space<hbm>> -> memref<1024xf32, #tpu.memory_space<hbm>>
        %dma_wait3A_1568 = arith.constant 5120 : i32
        %dma_wait3A_1569 = tpu.memref_slice %arg7[%dma_wait3A_1557, %dma_wait3A_1568] : memref<4x8192xf32, #tpu.memory_space<vmem>> -> memref<1x1024xf32, #tpu.memory_space<vmem>>
        %dma_wait3A_1570 = tpu.memref_squeeze %dma_wait3A_1569 : memref<1x1024xf32, #tpu.memory_space<vmem>> -> memref<1024xf32, #tpu.memory_space<vmem>>
        tpu.wait_dma2 semaphore(%arg15 : memref<!tpu.dma_semaphore, #tpu.memory_space<semaphore_mem>>) src(%dma_wait3A_1570 : memref<1024xf32, #tpu.memory_space<vmem>>) dst(%dma_wait3A_1567 : memref<1024xf32, #tpu.memory_space<hbm>>)
        %dma_wait3A_1571 = arith.constant 3 : i32
        %dma_wait3A_1572 = arith.constant 6 : i32
        %dma_wait3A_1573 = arith.constant 6144 : i32
        %dma_wait3A_1574 = tpu.memref_slice %arg7[%dma_wait3A_1571, %dma_wait3A_1573] : memref<4x8192xf32, #tpu.memory_space<vmem>> -> memref<1x1024xf32, #tpu.memory_space<vmem>>
        %dma_wait3A_1575 = tpu.memref_squeeze %dma_wait3A_1574 : memref<1x1024xf32, #tpu.memory_space<vmem>> -> memref<1024xf32, #tpu.memory_space<vmem>>
        %dma_wait3A_1576 = arith.constant 0 : i32
        %dma_wait3A_1577 = tpu.memref_slice %arg4[%select_n3A_1470, %dma_wait3A_1572, %select_n3A_1486, %dma_wait3A_1576] : memref<50x8x128x1024xf32, #tpu.memory_space<hbm>> -> memref<1x1x1x1024xf32, #tpu.memory_space<hbm>>
        %dma_wait3A_1578 = tpu.memref_squeeze %dma_wait3A_1577 : memref<1x1x1x1024xf32, #tpu.memory_space<hbm>> -> memref<1024xf32, #tpu.memory_space<hbm>>
        %dma_wait3A_1579 = arith.constant 0 : i32
        %dma_wait3A_1580 = tpu.memref_slice %arg4[%select_n3A_1470, %dma_wait3A_1572, %select_n3A_1486, %dma_wait3A_1579] : memref<50x8x128x1024xf32, #tpu.memory_space<hbm>> -> memref<1x1x1x1024xf32, #tpu.memory_space<hbm>>
        %dma_wait3A_1581 = tpu.memref_squeeze %dma_wait3A_1580 : memref<1x1x1x1024xf32, #tpu.memory_space<hbm>> -> memref<1024xf32, #tpu.memory_space<hbm>>
        %dma_wait3A_1582 = arith.constant 6144 : i32
        %dma_wait3A_1583 = tpu.memref_slice %arg7[%dma_wait3A_1571, %dma_wait3A_1582] : memref<4x8192xf32, #tpu.memory_space<vmem>> -> memref<1x1024xf32, #tpu.memory_space<vmem>>
        %dma_wait3A_1584 = tpu.memref_squeeze %dma_wait3A_1583 : memref<1x1024xf32, #tpu.memory_space<vmem>> -> memref<1024xf32, #tpu.memory_space<vmem>>
        tpu.wait_dma2 semaphore(%arg15 : memref<!tpu.dma_semaphore, #tpu.memory_space<semaphore_mem>>) src(%dma_wait3A_1584 : memref<1024xf32, #tpu.memory_space<vmem>>) dst(%dma_wait3A_1581 : memref<1024xf32, #tpu.memory_space<hbm>>)
        %dma_wait3A_1585 = arith.constant 3 : i32
        %dma_wait3A_1586 = arith.constant 7 : i32
        %dma_wait3A_1587 = arith.constant 7168 : i32
        %dma_wait3A_1588 = tpu.memref_slice %arg7[%dma_wait3A_1585, %dma_wait3A_1587] : memref<4x8192xf32, #tpu.memory_space<vmem>> -> memref<1x1024xf32, #tpu.memory_space<vmem>>
        %dma_wait3A_1589 = tpu.memref_squeeze %dma_wait3A_1588 : memref<1x1024xf32, #tpu.memory_space<vmem>> -> memref<1024xf32, #tpu.memory_space<vmem>>
        %dma_wait3A_1590 = arith.constant 0 : i32
        %dma_wait3A_1591 = tpu.memref_slice %arg4[%select_n3A_1470, %dma_wait3A_1586, %select_n3A_1486, %dma_wait3A_1590] : memref<50x8x128x1024xf32, #tpu.memory_space<hbm>> -> memref<1x1x1x1024xf32, #tpu.memory_space<hbm>>
        %dma_wait3A_1592 = tpu.memref_squeeze %dma_wait3A_1591 : memref<1x1x1x1024xf32, #tpu.memory_space<hbm>> -> memref<1024xf32, #tpu.memory_space<hbm>>
        %dma_wait3A_1593 = arith.constant 0 : i32
        %dma_wait3A_1594 = tpu.memref_slice %arg4[%select_n3A_1470, %dma_wait3A_1586, %select_n3A_1486, %dma_wait3A_1593] : memref<50x8x128x1024xf32, #tpu.memory_space<hbm>> -> memref<1x1x1x1024xf32, #tpu.memory_space<hbm>>
        %dma_wait3A_1595 = tpu.memref_squeeze %dma_wait3A_1594 : memref<1x1x1x1024xf32, #tpu.memory_space<hbm>> -> memref<1024xf32, #tpu.memory_space<hbm>>
        %dma_wait3A_1596 = arith.constant 7168 : i32
        %dma_wait3A_1597 = tpu.memref_slice %arg7[%dma_wait3A_1585, %dma_wait3A_1596] : memref<4x8192xf32, #tpu.memory_space<vmem>> -> memref<1x1024xf32, #tpu.memory_space<vmem>>
        %dma_wait3A_1598 = tpu.memref_squeeze %dma_wait3A_1597 : memref<1x1024xf32, #tpu.memory_space<vmem>> -> memref<1024xf32, #tpu.memory_space<vmem>>
        tpu.wait_dma2 semaphore(%arg15 : memref<!tpu.dma_semaphore, #tpu.memory_space<semaphore_mem>>) src(%dma_wait3A_1598 : memref<1024xf32, #tpu.memory_space<vmem>>) dst(%dma_wait3A_1595 : memref<1024xf32, #tpu.memory_space<hbm>>)
      } else {
      }
      %parallel_loop3A_1275 = arith.constant 0 : i32
      %parallel_loop3A_1276 = arith.constant 128 : i32
      %parallel_loop3A_1277 = arith.constant 1 : i32
      %parallel_loop3A_1278 = arith.constant 3 : i32
      %parallel_loop3A_1279 = arith.constant 3 : i32
      scf.for %parallel_loop3A_1442 = %parallel_loop3A_1275 to %parallel_loop3A_1276 step %parallel_loop3A_1277  : i32 {
        %parallel_loop3A_1443 = vector.broadcast %parallel_loop3A_1442 : i32 to vector<16xi32>
        %parallel_loop3A_1444 = arith.addi %parallel_loop3A_1443, %iota3A : vector<16xi32>
        %parallel_loop3A_1445 = arith.constant 127 : i32
        %parallel_loop3A_1446 = vector.broadcast %parallel_loop3A_1445 : i32 to vector<16xi32>
        %parallel_loop3A_1447 = arith.andi %parallel_loop3A_1444, %parallel_loop3A_1446 : vector<16xi32>
        %parallel_loop3A_1448 = arith.constant 0 : i32
        %parallel_loop3A_1449 = arith.constant 0 : i32
        %parallel_loop3A_1450 = tpu.memref_slice %arg6[%parallel_loop3A_1278, %parallel_loop3A_1448, %parallel_loop3A_1449] : memref<4x128x64xf32, #tpu.memory_space<vmem>> -> memref<1x128x64xf32, #tpu.memory_space<vmem>>
        %parallel_loop3A_1451 = tpu.memref_squeeze %parallel_loop3A_1450 : memref<1x128x64xf32, #tpu.memory_space<vmem>> -> memref<128x64xf32, #tpu.memory_space<vmem>>
        %parallel_loop3A_1452 = tpu.vector_load_idx %parallel_loop3A_1451[%parallel_loop3A_1447, %add3A_3] : memref<128x64xf32, #tpu.memory_space<vmem>>[vector<16xi32>, vector<16xi32>], vector<16xf32>,
        %parallel_loop3A_1453 = arith.addi %add3A_18, %parallel_loop3A_1447 : vector<16xi32>
        %parallel_loop3A_1454 = arith.constant 0 : i32
        %parallel_loop3A_1455 = tpu.memref_slice %arg7[%parallel_loop3A_1279, %parallel_loop3A_1454] : memref<4x8192xf32, #tpu.memory_space<vmem>> -> memref<1x8192xf32, #tpu.memory_space<vmem>>
        %parallel_loop3A_1456 = tpu.memref_squeeze %parallel_loop3A_1455 : memref<1x8192xf32, #tpu.memory_space<vmem>> -> memref<8192xf32, #tpu.memory_space<vmem>>
        tpu.vector_store_idx %parallel_loop3A_1456[%parallel_loop3A_1453], %parallel_loop3A_1452 : memref<8192xf32, #tpu.memory_space<vmem>>[vector<16xi32>], vector<16xf32>,
        %parallel_loop3A_1457 = arith.constant 0 : i32
        %parallel_loop3A_1458 = arith.constant 0 : i32
        %parallel_loop3A_1459 = tpu.memref_slice %arg6[%parallel_loop3A_1278, %parallel_loop3A_1457, %parallel_loop3A_1458] : memref<4x128x64xf32, #tpu.memory_space<vmem>> -> memref<1x128x64xf32, #tpu.memory_space<vmem>>
        %parallel_loop3A_1460 = tpu.memref_squeeze %parallel_loop3A_1459 : memref<1x128x64xf32, #tpu.memory_space<vmem>> -> memref<128x64xf32, #tpu.memory_space<vmem>>
        %parallel_loop3A_1461 = tpu.vector_load_idx %parallel_loop3A_1460[%parallel_loop3A_1447, %add3A_6] : memref<128x64xf32, #tpu.memory_space<vmem>>[vector<16xi32>, vector<16xi32>], vector<16xf32>,
        %parallel_loop3A_1462 = arith.addi %add3A_24, %parallel_loop3A_1447 : vector<16xi32>
        %parallel_loop3A_1463 = arith.constant 0 : i32
        %parallel_loop3A_1464 = tpu.memref_slice %arg7[%parallel_loop3A_1279, %parallel_loop3A_1463] : memref<4x8192xf32, #tpu.memory_space<vmem>> -> memref<1x8192xf32, #tpu.memory_space<vmem>>
        %parallel_loop3A_1465 = tpu.memref_squeeze %parallel_loop3A_1464 : memref<1x8192xf32, #tpu.memory_space<vmem>> -> memref<8192xf32, #tpu.memory_space<vmem>>
        tpu.vector_store_idx %parallel_loop3A_1465[%parallel_loop3A_1462], %parallel_loop3A_1461 : memref<8192xf32, #tpu.memory_space<vmem>>[vector<16xi32>], vector<16xf32>,
        %parallel_loop3A_1466 = arith.constant 0 : i32
        %parallel_loop3A_1467 = arith.constant 0 : i32
        %parallel_loop3A_1468 = tpu.memref_slice %arg6[%parallel_loop3A_1278, %parallel_loop3A_1466, %parallel_loop3A_1467] : memref<4x128x64xf32, #tpu.memory_space<vmem>> -> memref<1x128x64xf32, #tpu.memory_space<vmem>>
        %parallel_loop3A_1469 = tpu.memref_squeeze %parallel_loop3A_1468 : memref<1x128x64xf32, #tpu.memory_space<vmem>> -> memref<128x64xf32, #tpu.memory_space<vmem>>
        %parallel_loop3A_1470 = tpu.vector_load_idx %parallel_loop3A_1469[%parallel_loop3A_1447, %add3A_9] : memref<128x64xf32, #tpu.memory_space<vmem>>[vector<16xi32>, vector<16xi32>], vector<16xf32>,
        %parallel_loop3A_1471 = arith.addi %add3A_30, %parallel_loop3A_1447 : vector<16xi32>
        %parallel_loop3A_1472 = arith.constant 0 : i32
        %parallel_loop3A_1473 = tpu.memref_slice %arg7[%parallel_loop3A_1279, %parallel_loop3A_1472] : memref<4x8192xf32, #tpu.memory_space<vmem>> -> memref<1x8192xf32, #tpu.memory_space<vmem>>
        %parallel_loop3A_1474 = tpu.memref_squeeze %parallel_loop3A_1473 : memref<1x8192xf32, #tpu.memory_space<vmem>> -> memref<8192xf32, #tpu.memory_space<vmem>>
        tpu.vector_store_idx %parallel_loop3A_1474[%parallel_loop3A_1471], %parallel_loop3A_1470 : memref<8192xf32, #tpu.memory_space<vmem>>[vector<16xi32>], vector<16xf32>,
        %parallel_loop3A_1475 = arith.constant 0 : i32
        %parallel_loop3A_1476 = arith.constant 0 : i32
        %parallel_loop3A_1477 = tpu.memref_slice %arg6[%parallel_loop3A_1278, %parallel_loop3A_1475, %parallel_loop3A_1476] : memref<4x128x64xf32, #tpu.memory_space<vmem>> -> memref<1x128x64xf32, #tpu.memory_space<vmem>>
        %parallel_loop3A_1478 = tpu.memref_squeeze %parallel_loop3A_1477 : memref<1x128x64xf32, #tpu.memory_space<vmem>> -> memref<128x64xf32, #tpu.memory_space<vmem>>
        %parallel_loop3A_1479 = tpu.vector_load_idx %parallel_loop3A_1478[%parallel_loop3A_1447, %add3A_12] : memref<128x64xf32, #tpu.memory_space<vmem>>[vector<16xi32>, vector<16xi32>], vector<16xf32>,
        %parallel_loop3A_1480 = arith.addi %add3A_36, %parallel_loop3A_1447 : vector<16xi32>
        %parallel_loop3A_1481 = arith.constant 0 : i32
        %parallel_loop3A_1482 = tpu.memref_slice %arg7[%parallel_loop3A_1279, %parallel_loop3A_1481] : memref<4x8192xf32, #tpu.memory_space<vmem>> -> memref<1x8192xf32, #tpu.memory_space<vmem>>
        %parallel_loop3A_1483 = tpu.memref_squeeze %parallel_loop3A_1482 : memref<1x8192xf32, #tpu.memory_space<vmem>> -> memref<8192xf32, #tpu.memory_space<vmem>>
        tpu.vector_store_idx %parallel_loop3A_1483[%parallel_loop3A_1480], %parallel_loop3A_1479 : memref<8192xf32, #tpu.memory_space<vmem>>[vector<16xi32>], vector<16xf32>,
      } {sc.loop_unroll_factor = 8 : i64, sc.parallel_access}
      %mul3A_1280 = arith.constant 200 : i32
      %mul3A_1281 = arith.muli %add3A, %mul3A_1280 : i32
      %add3A_1282 = arith.addi %mul3A_1281, %add3A_1258 : i32
      %jit3A_1283 = arith.constant 128 : i32
      %div3A_1284 = arith.divsi %add3A_1282, %jit3A_1283 : i32
      %sign3A_1285 = arith.constant 0 : i32
      %sign3A_1286 = arith.cmpi sgt, %add3A_1282, %sign3A_1285 : i32
      %sign3A_1287 = arith.extui %sign3A_1286 : i1 to i32
      %sign3A_1288 = arith.constant 0 : i32
      %sign3A_1289 = arith.cmpi slt, %add3A_1282, %sign3A_1288 : i32
      %sign3A_1290 = arith.extui %sign3A_1289 : i1 to i32
      %sign3A_1291 = arith.subi %sign3A_1287, %sign3A_1290 : i32
      %sign3A_1292 = arith.constant 0 : i32
      %sign3A_1293 = arith.cmpi sgt, %jit3A_1283, %sign3A_1292 : i32
      %sign3A_1294 = arith.extui %sign3A_1293 : i1 to i32
      %sign3A_1295 = arith.constant 0 : i32
      %sign3A_1296 = arith.cmpi slt, %jit3A_1283, %sign3A_1295 : i32
      %sign3A_1297 = arith.extui %sign3A_1296 : i1 to i32
      %sign3A_1298 = arith.subi %sign3A_1294, %sign3A_1297 : i32
      %ne3A_1299 = arith.cmpi ne, %sign3A_1291, %sign3A_1298 : i32
      %rem3A_1300 = arith.remsi %add3A_1282, %jit3A_1283 : i32
      %ne3A_1301 = arith.constant 0 : i32
      %ne3A_1302 = arith.cmpi ne, %rem3A_1300, %ne3A_1301 : i32
      %and3A_1303 = arith.andi %ne3A_1299, %ne3A_1302 : i1
      %sub3A_1304 = arith.constant 1 : i32
      %sub3A_1305 = arith.subi %div3A_1284, %sub3A_1304 : i32
      %select_n3A_1306 = arith.select %and3A_1303, %sub3A_1305, %div3A_1284 : i32
      %jit3A_1307 = arith.constant 128 : i32
      %eq3A_1308 = arith.constant 0 : i32
      %eq3A_1309 = arith.cmpi eq, %jit3A_1307, %eq3A_1308 : i32
      %jit3A_1310 = arith.constant 1 : i32
      %select_n3A_1311 = arith.select %eq3A_1309, %jit3A_1310, %jit3A_1307 : i32
      %rem3A_1312 = arith.remsi %add3A_1282, %select_n3A_1311 : i32
      %ne3A_1313 = arith.constant 0 : i32
      %ne3A_1314 = arith.cmpi ne, %rem3A_1312, %ne3A_1313 : i32
      %lt3A_1315 = arith.constant 0 : i32
      %lt3A_1316 = arith.cmpi slt, %rem3A_1312, %lt3A_1315 : i32
      %lt3A_1317 = arith.constant 0 : i32
      %lt3A_1318 = arith.cmpi slt, %select_n3A_1311, %lt3A_1317 : i32
      %ne3A_1319 = arith.xori %lt3A_1316, %lt3A_1318 : i1
      %and3A_1320 = arith.andi %ne3A_1319, %ne3A_1314 : i1
      %add3A_1321 = arith.addi %rem3A_1312, %select_n3A_1311 : i32
      %select_n3A_1322 = arith.select %and3A_1320, %add3A_1321, %rem3A_1312 : i32
      %dma_start3A_1323 = arith.constant 3 : i32
      %dma_start3A_1324 = arith.constant 0 : i32
      %dma_start3A_1325 = arith.constant 0 : i32
      %dma_start3A_1326 = tpu.memref_slice %arg7[%dma_start3A_1323, %dma_start3A_1325] : memref<4x8192xf32, #tpu.memory_space<vmem>> -> memref<1x1024xf32, #tpu.memory_space<vmem>>
      %dma_start3A_1327 = tpu.memref_squeeze %dma_start3A_1326 : memref<1x1024xf32, #tpu.memory_space<vmem>> -> memref<1024xf32, #tpu.memory_space<vmem>>
      %dma_start3A_1328 = arith.constant 0 : i32
      %dma_start3A_1329 = tpu.memref_slice %arg4[%select_n3A_1306, %dma_start3A_1324, %select_n3A_1322, %dma_start3A_1328] : memref<50x8x128x1024xf32, #tpu.memory_space<hbm>> -> memref<1x1x1x1024xf32, #tpu.memory_space<hbm>>
      %dma_start3A_1330 = tpu.memref_squeeze %dma_start3A_1329 : memref<1x1x1x1024xf32, #tpu.memory_space<hbm>> -> memref<1024xf32, #tpu.memory_space<hbm>>
      %dma_start3A_1331 = arith.constant 0 : i32
      %dma_start3A_1332 = tpu.memref_slice %arg4[%select_n3A_1306, %dma_start3A_1324, %select_n3A_1322, %dma_start3A_1331] : memref<50x8x128x1024xf32, #tpu.memory_space<hbm>> -> memref<1x1x1x1024xf32, #tpu.memory_space<hbm>>
      %dma_start3A_1333 = tpu.memref_squeeze %dma_start3A_1332 : memref<1x1x1x1024xf32, #tpu.memory_space<hbm>> -> memref<1024xf32, #tpu.memory_space<hbm>>
      %dma_start3A_1334 = arith.constant 0 : i32
      %dma_start3A_1335 = tpu.memref_slice %arg7[%dma_start3A_1323, %dma_start3A_1334] : memref<4x8192xf32, #tpu.memory_space<vmem>> -> memref<1x1024xf32, #tpu.memory_space<vmem>>
      %dma_start3A_1336 = tpu.memref_squeeze %dma_start3A_1335 : memref<1x1024xf32, #tpu.memory_space<vmem>> -> memref<1024xf32, #tpu.memory_space<vmem>>
      tpu.enqueue_dma source(%dma_start3A_1336 : memref<1024xf32, #tpu.memory_space<vmem>>) target(%dma_start3A_1333 : memref<1024xf32, #tpu.memory_space<hbm>>) target_semaphore(%arg15 : memref<!tpu.dma_semaphore, #tpu.memory_space<semaphore_mem>>)
      %dma_start3A_1337 = arith.constant 3 : i32
      %dma_start3A_1338 = arith.constant 1 : i32
      %dma_start3A_1339 = arith.constant 1024 : i32
      %dma_start3A_1340 = tpu.memref_slice %arg7[%dma_start3A_1337, %dma_start3A_1339] : memref<4x8192xf32, #tpu.memory_space<vmem>> -> memref<1x1024xf32, #tpu.memory_space<vmem>>
      %dma_start3A_1341 = tpu.memref_squeeze %dma_start3A_1340 : memref<1x1024xf32, #tpu.memory_space<vmem>> -> memref<1024xf32, #tpu.memory_space<vmem>>
      %dma_start3A_1342 = arith.constant 0 : i32
      %dma_start3A_1343 = tpu.memref_slice %arg4[%select_n3A_1306, %dma_start3A_1338, %select_n3A_1322, %dma_start3A_1342] : memref<50x8x128x1024xf32, #tpu.memory_space<hbm>> -> memref<1x1x1x1024xf32, #tpu.memory_space<hbm>>
      %dma_start3A_1344 = tpu.memref_squeeze %dma_start3A_1343 : memref<1x1x1x1024xf32, #tpu.memory_space<hbm>> -> memref<1024xf32, #tpu.memory_space<hbm>>
      %dma_start3A_1345 = arith.constant 0 : i32
      %dma_start3A_1346 = tpu.memref_slice %arg4[%select_n3A_1306, %dma_start3A_1338, %select_n3A_1322, %dma_start3A_1345] : memref<50x8x128x1024xf32, #tpu.memory_space<hbm>> -> memref<1x1x1x1024xf32, #tpu.memory_space<hbm>>
      %dma_start3A_1347 = tpu.memref_squeeze %dma_start3A_1346 : memref<1x1x1x1024xf32, #tpu.memory_space<hbm>> -> memref<1024xf32, #tpu.memory_space<hbm>>
      %dma_start3A_1348 = arith.constant 1024 : i32
      %dma_start3A_1349 = tpu.memref_slice %arg7[%dma_start3A_1337, %dma_start3A_1348] : memref<4x8192xf32, #tpu.memory_space<vmem>> -> memref<1x1024xf32, #tpu.memory_space<vmem>>
      %dma_start3A_1350 = tpu.memref_squeeze %dma_start3A_1349 : memref<1x1024xf32, #tpu.memory_space<vmem>> -> memref<1024xf32, #tpu.memory_space<vmem>>
      tpu.enqueue_dma source(%dma_start3A_1350 : memref<1024xf32, #tpu.memory_space<vmem>>) target(%dma_start3A_1347 : memref<1024xf32, #tpu.memory_space<hbm>>) target_semaphore(%arg15 : memref<!tpu.dma_semaphore, #tpu.memory_space<semaphore_mem>>)
      %dma_start3A_1351 = arith.constant 3 : i32
      %dma_start3A_1352 = arith.constant 2 : i32
      %dma_start3A_1353 = arith.constant 2048 : i32
      %dma_start3A_1354 = tpu.memref_slice %arg7[%dma_start3A_1351, %dma_start3A_1353] : memref<4x8192xf32, #tpu.memory_space<vmem>> -> memref<1x1024xf32, #tpu.memory_space<vmem>>
      %dma_start3A_1355 = tpu.memref_squeeze %dma_start3A_1354 : memref<1x1024xf32, #tpu.memory_space<vmem>> -> memref<1024xf32, #tpu.memory_space<vmem>>
      %dma_start3A_1356 = arith.constant 0 : i32
      %dma_start3A_1357 = tpu.memref_slice %arg4[%select_n3A_1306, %dma_start3A_1352, %select_n3A_1322, %dma_start3A_1356] : memref<50x8x128x1024xf32, #tpu.memory_space<hbm>> -> memref<1x1x1x1024xf32, #tpu.memory_space<hbm>>
      %dma_start3A_1358 = tpu.memref_squeeze %dma_start3A_1357 : memref<1x1x1x1024xf32, #tpu.memory_space<hbm>> -> memref<1024xf32, #tpu.memory_space<hbm>>
      %dma_start3A_1359 = arith.constant 0 : i32
      %dma_start3A_1360 = tpu.memref_slice %arg4[%select_n3A_1306, %dma_start3A_1352, %select_n3A_1322, %dma_start3A_1359] : memref<50x8x128x1024xf32, #tpu.memory_space<hbm>> -> memref<1x1x1x1024xf32, #tpu.memory_space<hbm>>
      %dma_start3A_1361 = tpu.memref_squeeze %dma_start3A_1360 : memref<1x1x1x1024xf32, #tpu.memory_space<hbm>> -> memref<1024xf32, #tpu.memory_space<hbm>>
      %dma_start3A_1362 = arith.constant 2048 : i32
      %dma_start3A_1363 = tpu.memref_slice %arg7[%dma_start3A_1351, %dma_start3A_1362] : memref<4x8192xf32, #tpu.memory_space<vmem>> -> memref<1x1024xf32, #tpu.memory_space<vmem>>
      %dma_start3A_1364 = tpu.memref_squeeze %dma_start3A_1363 : memref<1x1024xf32, #tpu.memory_space<vmem>> -> memref<1024xf32, #tpu.memory_space<vmem>>
      tpu.enqueue_dma source(%dma_start3A_1364 : memref<1024xf32, #tpu.memory_space<vmem>>) target(%dma_start3A_1361 : memref<1024xf32, #tpu.memory_space<hbm>>) target_semaphore(%arg15 : memref<!tpu.dma_semaphore, #tpu.memory_space<semaphore_mem>>)
      %dma_start3A_1365 = arith.constant 3 : i32
      %dma_start3A_1366 = arith.constant 3 : i32
      %dma_start3A_1367 = arith.constant 3072 : i32
      %dma_start3A_1368 = tpu.memref_slice %arg7[%dma_start3A_1365, %dma_start3A_1367] : memref<4x8192xf32, #tpu.memory_space<vmem>> -> memref<1x1024xf32, #tpu.memory_space<vmem>>
      %dma_start3A_1369 = tpu.memref_squeeze %dma_start3A_1368 : memref<1x1024xf32, #tpu.memory_space<vmem>> -> memref<1024xf32, #tpu.memory_space<vmem>>
      %dma_start3A_1370 = arith.constant 0 : i32
      %dma_start3A_1371 = tpu.memref_slice %arg4[%select_n3A_1306, %dma_start3A_1366, %select_n3A_1322, %dma_start3A_1370] : memref<50x8x128x1024xf32, #tpu.memory_space<hbm>> -> memref<1x1x1x1024xf32, #tpu.memory_space<hbm>>
      %dma_start3A_1372 = tpu.memref_squeeze %dma_start3A_1371 : memref<1x1x1x1024xf32, #tpu.memory_space<hbm>> -> memref<1024xf32, #tpu.memory_space<hbm>>
      %dma_start3A_1373 = arith.constant 0 : i32
      %dma_start3A_1374 = tpu.memref_slice %arg4[%select_n3A_1306, %dma_start3A_1366, %select_n3A_1322, %dma_start3A_1373] : memref<50x8x128x1024xf32, #tpu.memory_space<hbm>> -> memref<1x1x1x1024xf32, #tpu.memory_space<hbm>>
      %dma_start3A_1375 = tpu.memref_squeeze %dma_start3A_1374 : memref<1x1x1x1024xf32, #tpu.memory_space<hbm>> -> memref<1024xf32, #tpu.memory_space<hbm>>
      %dma_start3A_1376 = arith.constant 3072 : i32
      %dma_start3A_1377 = tpu.memref_slice %arg7[%dma_start3A_1365, %dma_start3A_1376] : memref<4x8192xf32, #tpu.memory_space<vmem>> -> memref<1x1024xf32, #tpu.memory_space<vmem>>
      %dma_start3A_1378 = tpu.memref_squeeze %dma_start3A_1377 : memref<1x1024xf32, #tpu.memory_space<vmem>> -> memref<1024xf32, #tpu.memory_space<vmem>>
      tpu.enqueue_dma source(%dma_start3A_1378 : memref<1024xf32, #tpu.memory_space<vmem>>) target(%dma_start3A_1375 : memref<1024xf32, #tpu.memory_space<hbm>>) target_semaphore(%arg15 : memref<!tpu.dma_semaphore, #tpu.memory_space<semaphore_mem>>)
      %dma_start3A_1379 = arith.constant 3 : i32
      %dma_start3A_1380 = arith.constant 4 : i32
      %dma_start3A_1381 = arith.constant 4096 : i32
      %dma_start3A_1382 = tpu.memref_slice %arg7[%dma_start3A_1379, %dma_start3A_1381] : memref<4x8192xf32, #tpu.memory_space<vmem>> -> memref<1x1024xf32, #tpu.memory_space<vmem>>
      %dma_start3A_1383 = tpu.memref_squeeze %dma_start3A_1382 : memref<1x1024xf32, #tpu.memory_space<vmem>> -> memref<1024xf32, #tpu.memory_space<vmem>>
      %dma_start3A_1384 = arith.constant 0 : i32
      %dma_start3A_1385 = tpu.memref_slice %arg4[%select_n3A_1306, %dma_start3A_1380, %select_n3A_1322, %dma_start3A_1384] : memref<50x8x128x1024xf32, #tpu.memory_space<hbm>> -> memref<1x1x1x1024xf32, #tpu.memory_space<hbm>>
      %dma_start3A_1386 = tpu.memref_squeeze %dma_start3A_1385 : memref<1x1x1x1024xf32, #tpu.memory_space<hbm>> -> memref<1024xf32, #tpu.memory_space<hbm>>
      %dma_start3A_1387 = arith.constant 0 : i32
      %dma_start3A_1388 = tpu.memref_slice %arg4[%select_n3A_1306, %dma_start3A_1380, %select_n3A_1322, %dma_start3A_1387] : memref<50x8x128x1024xf32, #tpu.memory_space<hbm>> -> memref<1x1x1x1024xf32, #tpu.memory_space<hbm>>
      %dma_start3A_1389 = tpu.memref_squeeze %dma_start3A_1388 : memref<1x1x1x1024xf32, #tpu.memory_space<hbm>> -> memref<1024xf32, #tpu.memory_space<hbm>>
      %dma_start3A_1390 = arith.constant 4096 : i32
      %dma_start3A_1391 = tpu.memref_slice %arg7[%dma_start3A_1379, %dma_start3A_1390] : memref<4x8192xf32, #tpu.memory_space<vmem>> -> memref<1x1024xf32, #tpu.memory_space<vmem>>
      %dma_start3A_1392 = tpu.memref_squeeze %dma_start3A_1391 : memref<1x1024xf32, #tpu.memory_space<vmem>> -> memref<1024xf32, #tpu.memory_space<vmem>>
      tpu.enqueue_dma source(%dma_start3A_1392 : memref<1024xf32, #tpu.memory_space<vmem>>) target(%dma_start3A_1389 : memref<1024xf32, #tpu.memory_space<hbm>>) target_semaphore(%arg15 : memref<!tpu.dma_semaphore, #tpu.memory_space<semaphore_mem>>)
      %dma_start3A_1393 = arith.constant 3 : i32
      %dma_start3A_1394 = arith.constant 5 : i32
      %dma_start3A_1395 = arith.constant 5120 : i32
      %dma_start3A_1396 = tpu.memref_slice %arg7[%dma_start3A_1393, %dma_start3A_1395] : memref<4x8192xf32, #tpu.memory_space<vmem>> -> memref<1x1024xf32, #tpu.memory_space<vmem>>
      %dma_start3A_1397 = tpu.memref_squeeze %dma_start3A_1396 : memref<1x1024xf32, #tpu.memory_space<vmem>> -> memref<1024xf32, #tpu.memory_space<vmem>>
      %dma_start3A_1398 = arith.constant 0 : i32
      %dma_start3A_1399 = tpu.memref_slice %arg4[%select_n3A_1306, %dma_start3A_1394, %select_n3A_1322, %dma_start3A_1398] : memref<50x8x128x1024xf32, #tpu.memory_space<hbm>> -> memref<1x1x1x1024xf32, #tpu.memory_space<hbm>>
      %dma_start3A_1400 = tpu.memref_squeeze %dma_start3A_1399 : memref<1x1x1x1024xf32, #tpu.memory_space<hbm>> -> memref<1024xf32, #tpu.memory_space<hbm>>
      %dma_start3A_1401 = arith.constant 0 : i32
      %dma_start3A_1402 = tpu.memref_slice %arg4[%select_n3A_1306, %dma_start3A_1394, %select_n3A_1322, %dma_start3A_1401] : memref<50x8x128x1024xf32, #tpu.memory_space<hbm>> -> memref<1x1x1x1024xf32, #tpu.memory_space<hbm>>
      %dma_start3A_1403 = tpu.memref_squeeze %dma_start3A_1402 : memref<1x1x1x1024xf32, #tpu.memory_space<hbm>> -> memref<1024xf32, #tpu.memory_space<hbm>>
      %dma_start3A_1404 = arith.constant 5120 : i32
      %dma_start3A_1405 = tpu.memref_slice %arg7[%dma_start3A_1393, %dma_start3A_1404] : memref<4x8192xf32, #tpu.memory_space<vmem>> -> memref<1x1024xf32, #tpu.memory_space<vmem>>
      %dma_start3A_1406 = tpu.memref_squeeze %dma_start3A_1405 : memref<1x1024xf32, #tpu.memory_space<vmem>> -> memref<1024xf32, #tpu.memory_space<vmem>>
      tpu.enqueue_dma source(%dma_start3A_1406 : memref<1024xf32, #tpu.memory_space<vmem>>) target(%dma_start3A_1403 : memref<1024xf32, #tpu.memory_space<hbm>>) target_semaphore(%arg15 : memref<!tpu.dma_semaphore, #tpu.memory_space<semaphore_mem>>)
      %dma_start3A_1407 = arith.constant 3 : i32
      %dma_start3A_1408 = arith.constant 6 : i32
      %dma_start3A_1409 = arith.constant 6144 : i32
      %dma_start3A_1410 = tpu.memref_slice %arg7[%dma_start3A_1407, %dma_start3A_1409] : memref<4x8192xf32, #tpu.memory_space<vmem>> -> memref<1x1024xf32, #tpu.memory_space<vmem>>
      %dma_start3A_1411 = tpu.memref_squeeze %dma_start3A_1410 : memref<1x1024xf32, #tpu.memory_space<vmem>> -> memref<1024xf32, #tpu.memory_space<vmem>>
      %dma_start3A_1412 = arith.constant 0 : i32
      %dma_start3A_1413 = tpu.memref_slice %arg4[%select_n3A_1306, %dma_start3A_1408, %select_n3A_1322, %dma_start3A_1412] : memref<50x8x128x1024xf32, #tpu.memory_space<hbm>> -> memref<1x1x1x1024xf32, #tpu.memory_space<hbm>>
      %dma_start3A_1414 = tpu.memref_squeeze %dma_start3A_1413 : memref<1x1x1x1024xf32, #tpu.memory_space<hbm>> -> memref<1024xf32, #tpu.memory_space<hbm>>
      %dma_start3A_1415 = arith.constant 0 : i32
      %dma_start3A_1416 = tpu.memref_slice %arg4[%select_n3A_1306, %dma_start3A_1408, %select_n3A_1322, %dma_start3A_1415] : memref<50x8x128x1024xf32, #tpu.memory_space<hbm>> -> memref<1x1x1x1024xf32, #tpu.memory_space<hbm>>
      %dma_start3A_1417 = tpu.memref_squeeze %dma_start3A_1416 : memref<1x1x1x1024xf32, #tpu.memory_space<hbm>> -> memref<1024xf32, #tpu.memory_space<hbm>>
      %dma_start3A_1418 = arith.constant 6144 : i32
      %dma_start3A_1419 = tpu.memref_slice %arg7[%dma_start3A_1407, %dma_start3A_1418] : memref<4x8192xf32, #tpu.memory_space<vmem>> -> memref<1x1024xf32, #tpu.memory_space<vmem>>
      %dma_start3A_1420 = tpu.memref_squeeze %dma_start3A_1419 : memref<1x1024xf32, #tpu.memory_space<vmem>> -> memref<1024xf32, #tpu.memory_space<vmem>>
      tpu.enqueue_dma source(%dma_start3A_1420 : memref<1024xf32, #tpu.memory_space<vmem>>) target(%dma_start3A_1417 : memref<1024xf32, #tpu.memory_space<hbm>>) target_semaphore(%arg15 : memref<!tpu.dma_semaphore, #tpu.memory_space<semaphore_mem>>)
      %dma_start3A_1421 = arith.constant 3 : i32
      %dma_start3A_1422 = arith.constant 7 : i32
      %dma_start3A_1423 = arith.constant 7168 : i32
      %dma_start3A_1424 = tpu.memref_slice %arg7[%dma_start3A_1421, %dma_start3A_1423] : memref<4x8192xf32, #tpu.memory_space<vmem>> -> memref<1x1024xf32, #tpu.memory_space<vmem>>
      %dma_start3A_1425 = tpu.memref_squeeze %dma_start3A_1424 : memref<1x1024xf32, #tpu.memory_space<vmem>> -> memref<1024xf32, #tpu.memory_space<vmem>>
      %dma_start3A_1426 = arith.constant 0 : i32
      %dma_start3A_1427 = tpu.memref_slice %arg4[%select_n3A_1306, %dma_start3A_1422, %select_n3A_1322, %dma_start3A_1426] : memref<50x8x128x1024xf32, #tpu.memory_space<hbm>> -> memref<1x1x1x1024xf32, #tpu.memory_space<hbm>>
      %dma_start3A_1428 = tpu.memref_squeeze %dma_start3A_1427 : memref<1x1x1x1024xf32, #tpu.memory_space<hbm>> -> memref<1024xf32, #tpu.memory_space<hbm>>
      %dma_start3A_1429 = arith.constant 0 : i32
      %dma_start3A_1430 = tpu.memref_slice %arg4[%select_n3A_1306, %dma_start3A_1422, %select_n3A_1322, %dma_start3A_1429] : memref<50x8x128x1024xf32, #tpu.memory_space<hbm>> -> memref<1x1x1x1024xf32, #tpu.memory_space<hbm>>
      %dma_start3A_1431 = tpu.memref_squeeze %dma_start3A_1430 : memref<1x1x1x1024xf32, #tpu.memory_space<hbm>> -> memref<1024xf32, #tpu.memory_space<hbm>>
      %dma_start3A_1432 = arith.constant 7168 : i32
      %dma_start3A_1433 = tpu.memref_slice %arg7[%dma_start3A_1421, %dma_start3A_1432] : memref<4x8192xf32, #tpu.memory_space<vmem>> -> memref<1x1024xf32, #tpu.memory_space<vmem>>
      %dma_start3A_1434 = tpu.memref_squeeze %dma_start3A_1433 : memref<1x1024xf32, #tpu.memory_space<vmem>> -> memref<1024xf32, #tpu.memory_space<vmem>>
      tpu.enqueue_dma source(%dma_start3A_1434 : memref<1024xf32, #tpu.memory_space<vmem>>) target(%dma_start3A_1431 : memref<1024xf32, #tpu.memory_space<hbm>>) target_semaphore(%arg15 : memref<!tpu.dma_semaphore, #tpu.memory_space<semaphore_mem>>)
      %add3A_1435 = arith.constant 4 : i32
      %add3A_1436 = arith.addi %add3A_1258, %add3A_1435 : i32
      %lt3A_1437 = arith.constant 200 : i32
      %lt3A_1438 = arith.cmpi slt, %add3A_1436, %lt3A_1437 : i32
      %convert_element_type3A_1439 = arith.extui %lt3A_1438 : i1 to i32
      %cond3A_1440 = arith.constant 0 : i32
      %cond3A_1441 = arith.cmpi ne, %convert_element_type3A_1439, %cond3A_1440 : i32
      scf.if %cond3A_1441 {
        %add3A_1442 = arith.constant 4 : i32
        %add3A_1443 = arith.addi %add3A_1258, %add3A_1442 : i32
        %dma_start3A_1444 = arith.constant 3 : i32
        %dma_start3A_1445 = arith.constant 0 : i32
        %dma_start3A_1446 = arith.constant 0 : i32
        %dma_start3A_1447 = tpu.memref_slice %arg6[%dma_start3A_1444, %dma_start3A_1445, %dma_start3A_1446] : memref<4x128x64xf32, #tpu.memory_space<vmem>> -> memref<1x128x64xf32, #tpu.memory_space<vmem>>
        %dma_start3A_1448 = tpu.memref_squeeze %dma_start3A_1447 : memref<1x128x64xf32, #tpu.memory_space<vmem>> -> memref<128x64xf32, #tpu.memory_space<vmem>>
        %dma_start3A_1449 = arith.constant 0 : i32
        %dma_start3A_1450 = tpu.memref_slice %arg5[%add3A_1443, %dma_start3A_1449] : memref<200x128xi32, #tpu.memory_space<vmem>> -> memref<1x128xi32, #tpu.memory_space<vmem>>
        %dma_start3A_1451 = tpu.memref_squeeze %dma_start3A_1450 : memref<1x128xi32, #tpu.memory_space<vmem>> -> memref<128xi32, #tpu.memory_space<vmem>>
        %dma_start3A_1452 = arith.constant 0 : i32
        %dma_start3A_1453 = arith.constant 0 : i32
        %dma_start3A_1454 = tpu.memref_slice %arg3[%dma_start3A_1452, %dma_start3A_1453] : memref<1000000x64xf32, #tpu.memory_space<hbm>> -> memref<1000000x64xf32, #tpu.memory_space<hbm>>
        tpu.enqueue_indirect_dma source(%dma_start3A_1454 : memref<1000000x64xf32, #tpu.memory_space<hbm>>) target(%dma_start3A_1448 : memref<128x64xf32, #tpu.memory_space<vmem>>) offsets(%dma_start3A_1451 : memref<128xi32, #tpu.memory_space<vmem>>) semaphore(%arg11 : memref<!tpu.dma_semaphore, #tpu.memory_space<semaphore_mem>>)
      } else {
      }
    }
    %scan3A_87 = arith.constant 50 : i32
    %mul3A_88 = arith.constant 200 : i32
    %mul3A_89 = arith.muli %add3A, %mul3A_88 : i32
    %add3A_90 = arith.constant 196 : i32
    %add3A_91 = arith.addi %mul3A_89, %add3A_90 : i32
    %jit3A = arith.constant 128 : i32
    %div3A = arith.divsi %add3A_91, %jit3A : i32
    %sign3A = arith.constant 0 : i32
    %sign3A_92 = arith.cmpi sgt, %add3A_91, %sign3A : i32
    %sign3A_93 = arith.extui %sign3A_92 : i1 to i32
    %sign3A_94 = arith.constant 0 : i32
    %sign3A_95 = arith.cmpi slt, %add3A_91, %sign3A_94 : i32
    %sign3A_96 = arith.extui %sign3A_95 : i1 to i32
    %sign3A_97 = arith.subi %sign3A_93, %sign3A_96 : i32
    %sign3A_98 = arith.constant 0 : i32
    %sign3A_99 = arith.cmpi sgt, %jit3A, %sign3A_98 : i32
    %sign3A_100 = arith.extui %sign3A_99 : i1 to i32
    %sign3A_101 = arith.constant 0 : i32
    %sign3A_102 = arith.cmpi slt, %jit3A, %sign3A_101 : i32
    %sign3A_103 = arith.extui %sign3A_102 : i1 to i32
    %sign3A_104 = arith.subi %sign3A_100, %sign3A_103 : i32
    %ne3A = arith.cmpi ne, %sign3A_97, %sign3A_104 : i32
    %rem3A = arith.remsi %add3A_91, %jit3A : i32
    %ne3A_105 = arith.constant 0 : i32
    %ne3A_106 = arith.cmpi ne, %rem3A, %ne3A_105 : i32
    %and3A = arith.andi %ne3A, %ne3A_106 : i1
    %sub3A = arith.constant 1 : i32
    %sub3A_107 = arith.subi %div3A, %sub3A : i32
    %select_n3A = arith.select %and3A, %sub3A_107, %div3A : i32
    %jit3A_108 = arith.constant 128 : i32
    %eq3A = arith.constant 0 : i32
    %eq3A_109 = arith.cmpi eq, %jit3A_108, %eq3A : i32
    %jit3A_110 = arith.constant 1 : i32
    %select_n3A_111 = arith.select %eq3A_109, %jit3A_110, %jit3A_108 : i32
    %rem3A_112 = arith.remsi %add3A_91, %select_n3A_111 : i32
    %ne3A_113 = arith.constant 0 : i32
    %ne3A_114 = arith.cmpi ne, %rem3A_112, %ne3A_113 : i32
    %lt3A = arith.constant 0 : i32
    %lt3A_115 = arith.cmpi slt, %rem3A_112, %lt3A : i32
    %lt3A_116 = arith.constant 0 : i32
    %lt3A_117 = arith.cmpi slt, %select_n3A_111, %lt3A_116 : i32
    %ne3A_118 = arith.xori %lt3A_115, %lt3A_117 : i1
    %and3A_119 = arith.andi %ne3A_118, %ne3A_114 : i1
    %add3A_120 = arith.addi %rem3A_112, %select_n3A_111 : i32
    %select_n3A_121 = arith.select %and3A_119, %add3A_120, %rem3A_112 : i32
    %dma_wait3A = arith.constant 0 : i32
    %dma_wait3A_122 = arith.constant 0 : i32
    %dma_wait3A_123 = arith.constant 0 : i32
    %dma_wait3A_124 = tpu.memref_slice %arg7[%dma_wait3A, %dma_wait3A_123] : memref<4x8192xf32, #tpu.memory_space<vmem>> -> memref<1x1024xf32, #tpu.memory_space<vmem>>
    %dma_wait3A_125 = tpu.memref_squeeze %dma_wait3A_124 : memref<1x1024xf32, #tpu.memory_space<vmem>> -> memref<1024xf32, #tpu.memory_space<vmem>>
    %dma_wait3A_126 = arith.constant 0 : i32
    %dma_wait3A_127 = tpu.memref_slice %arg4[%select_n3A, %dma_wait3A_122, %select_n3A_121, %dma_wait3A_126] : memref<50x8x128x1024xf32, #tpu.memory_space<hbm>> -> memref<1x1x1x1024xf32, #tpu.memory_space<hbm>>
    %dma_wait3A_128 = tpu.memref_squeeze %dma_wait3A_127 : memref<1x1x1x1024xf32, #tpu.memory_space<hbm>> -> memref<1024xf32, #tpu.memory_space<hbm>>
    %dma_wait3A_129 = arith.constant 0 : i32
    %dma_wait3A_130 = tpu.memref_slice %arg4[%select_n3A, %dma_wait3A_122, %select_n3A_121, %dma_wait3A_129] : memref<50x8x128x1024xf32, #tpu.memory_space<hbm>> -> memref<1x1x1x1024xf32, #tpu.memory_space<hbm>>
    %dma_wait3A_131 = tpu.memref_squeeze %dma_wait3A_130 : memref<1x1x1x1024xf32, #tpu.memory_space<hbm>> -> memref<1024xf32, #tpu.memory_space<hbm>>
    %dma_wait3A_132 = arith.constant 0 : i32
    %dma_wait3A_133 = tpu.memref_slice %arg7[%dma_wait3A, %dma_wait3A_132] : memref<4x8192xf32, #tpu.memory_space<vmem>> -> memref<1x1024xf32, #tpu.memory_space<vmem>>
    %dma_wait3A_134 = tpu.memref_squeeze %dma_wait3A_133 : memref<1x1024xf32, #tpu.memory_space<vmem>> -> memref<1024xf32, #tpu.memory_space<vmem>>
    tpu.wait_dma2 semaphore(%arg12 : memref<!tpu.dma_semaphore, #tpu.memory_space<semaphore_mem>>) src(%dma_wait3A_134 : memref<1024xf32, #tpu.memory_space<vmem>>) dst(%dma_wait3A_131 : memref<1024xf32, #tpu.memory_space<hbm>>)
    %dma_wait3A_135 = arith.constant 0 : i32
    %dma_wait3A_136 = arith.constant 1 : i32
    %dma_wait3A_137 = arith.constant 1024 : i32
    %dma_wait3A_138 = tpu.memref_slice %arg7[%dma_wait3A_135, %dma_wait3A_137] : memref<4x8192xf32, #tpu.memory_space<vmem>> -> memref<1x1024xf32, #tpu.memory_space<vmem>>
    %dma_wait3A_139 = tpu.memref_squeeze %dma_wait3A_138 : memref<1x1024xf32, #tpu.memory_space<vmem>> -> memref<1024xf32, #tpu.memory_space<vmem>>
    %dma_wait3A_140 = arith.constant 0 : i32
    %dma_wait3A_141 = tpu.memref_slice %arg4[%select_n3A, %dma_wait3A_136, %select_n3A_121, %dma_wait3A_140] : memref<50x8x128x1024xf32, #tpu.memory_space<hbm>> -> memref<1x1x1x1024xf32, #tpu.memory_space<hbm>>
    %dma_wait3A_142 = tpu.memref_squeeze %dma_wait3A_141 : memref<1x1x1x1024xf32, #tpu.memory_space<hbm>> -> memref<1024xf32, #tpu.memory_space<hbm>>
    %dma_wait3A_143 = arith.constant 0 : i32
    %dma_wait3A_144 = tpu.memref_slice %arg4[%select_n3A, %dma_wait3A_136, %select_n3A_121, %dma_wait3A_143] : memref<50x8x128x1024xf32, #tpu.memory_space<hbm>> -> memref<1x1x1x1024xf32, #tpu.memory_space<hbm>>
    %dma_wait3A_145 = tpu.memref_squeeze %dma_wait3A_144 : memref<1x1x1x1024xf32, #tpu.memory_space<hbm>> -> memref<1024xf32, #tpu.memory_space<hbm>>
    %dma_wait3A_146 = arith.constant 1024 : i32
    %dma_wait3A_147 = tpu.memref_slice %arg7[%dma_wait3A_135, %dma_wait3A_146] : memref<4x8192xf32, #tpu.memory_space<vmem>> -> memref<1x1024xf32, #tpu.memory_space<vmem>>
    %dma_wait3A_148 = tpu.memref_squeeze %dma_wait3A_147 : memref<1x1024xf32, #tpu.memory_space<vmem>> -> memref<1024xf32, #tpu.memory_space<vmem>>
    tpu.wait_dma2 semaphore(%arg12 : memref<!tpu.dma_semaphore, #tpu.memory_space<semaphore_mem>>) src(%dma_wait3A_148 : memref<1024xf32, #tpu.memory_space<vmem>>) dst(%dma_wait3A_145 : memref<1024xf32, #tpu.memory_space<hbm>>)
    %dma_wait3A_149 = arith.constant 0 : i32
    %dma_wait3A_150 = arith.constant 2 : i32
    %dma_wait3A_151 = arith.constant 2048 : i32
    %dma_wait3A_152 = tpu.memref_slice %arg7[%dma_wait3A_149, %dma_wait3A_151] : memref<4x8192xf32, #tpu.memory_space<vmem>> -> memref<1x1024xf32, #tpu.memory_space<vmem>>
    %dma_wait3A_153 = tpu.memref_squeeze %dma_wait3A_152 : memref<1x1024xf32, #tpu.memory_space<vmem>> -> memref<1024xf32, #tpu.memory_space<vmem>>
    %dma_wait3A_154 = arith.constant 0 : i32
    %dma_wait3A_155 = tpu.memref_slice %arg4[%select_n3A, %dma_wait3A_150, %select_n3A_121, %dma_wait3A_154] : memref<50x8x128x1024xf32, #tpu.memory_space<hbm>> -> memref<1x1x1x1024xf32, #tpu.memory_space<hbm>>
    %dma_wait3A_156 = tpu.memref_squeeze %dma_wait3A_155 : memref<1x1x1x1024xf32, #tpu.memory_space<hbm>> -> memref<1024xf32, #tpu.memory_space<hbm>>
    %dma_wait3A_157 = arith.constant 0 : i32
    %dma_wait3A_158 = tpu.memref_slice %arg4[%select_n3A, %dma_wait3A_150, %select_n3A_121, %dma_wait3A_157] : memref<50x8x128x1024xf32, #tpu.memory_space<hbm>> -> memref<1x1x1x1024xf32, #tpu.memory_space<hbm>>
    %dma_wait3A_159 = tpu.memref_squeeze %dma_wait3A_158 : memref<1x1x1x1024xf32, #tpu.memory_space<hbm>> -> memref<1024xf32, #tpu.memory_space<hbm>>
    %dma_wait3A_160 = arith.constant 2048 : i32
    %dma_wait3A_161 = tpu.memref_slice %arg7[%dma_wait3A_149, %dma_wait3A_160] : memref<4x8192xf32, #tpu.memory_space<vmem>> -> memref<1x1024xf32, #tpu.memory_space<vmem>>
    %dma_wait3A_162 = tpu.memref_squeeze %dma_wait3A_161 : memref<1x1024xf32, #tpu.memory_space<vmem>> -> memref<1024xf32, #tpu.memory_space<vmem>>
    tpu.wait_dma2 semaphore(%arg12 : memref<!tpu.dma_semaphore, #tpu.memory_space<semaphore_mem>>) src(%dma_wait3A_162 : memref<1024xf32, #tpu.memory_space<vmem>>) dst(%dma_wait3A_159 : memref<1024xf32, #tpu.memory_space<hbm>>)
    %dma_wait3A_163 = arith.constant 0 : i32
    %dma_wait3A_164 = arith.constant 3 : i32
    %dma_wait3A_165 = arith.constant 3072 : i32
    %dma_wait3A_166 = tpu.memref_slice %arg7[%dma_wait3A_163, %dma_wait3A_165] : memref<4x8192xf32, #tpu.memory_space<vmem>> -> memref<1x1024xf32, #tpu.memory_space<vmem>>
    %dma_wait3A_167 = tpu.memref_squeeze %dma_wait3A_166 : memref<1x1024xf32, #tpu.memory_space<vmem>> -> memref<1024xf32, #tpu.memory_space<vmem>>
    %dma_wait3A_168 = arith.constant 0 : i32
    %dma_wait3A_169 = tpu.memref_slice %arg4[%select_n3A, %dma_wait3A_164, %select_n3A_121, %dma_wait3A_168] : memref<50x8x128x1024xf32, #tpu.memory_space<hbm>> -> memref<1x1x1x1024xf32, #tpu.memory_space<hbm>>
    %dma_wait3A_170 = tpu.memref_squeeze %dma_wait3A_169 : memref<1x1x1x1024xf32, #tpu.memory_space<hbm>> -> memref<1024xf32, #tpu.memory_space<hbm>>
    %dma_wait3A_171 = arith.constant 0 : i32
    %dma_wait3A_172 = tpu.memref_slice %arg4[%select_n3A, %dma_wait3A_164, %select_n3A_121, %dma_wait3A_171] : memref<50x8x128x1024xf32, #tpu.memory_space<hbm>> -> memref<1x1x1x1024xf32, #tpu.memory_space<hbm>>
    %dma_wait3A_173 = tpu.memref_squeeze %dma_wait3A_172 : memref<1x1x1x1024xf32, #tpu.memory_space<hbm>> -> memref<1024xf32, #tpu.memory_space<hbm>>
    %dma_wait3A_174 = arith.constant 3072 : i32
    %dma_wait3A_175 = tpu.memref_slice %arg7[%dma_wait3A_163, %dma_wait3A_174] : memref<4x8192xf32, #tpu.memory_space<vmem>> -> memref<1x1024xf32, #tpu.memory_space<vmem>>
    %dma_wait3A_176 = tpu.memref_squeeze %dma_wait3A_175 : memref<1x1024xf32, #tpu.memory_space<vmem>> -> memref<1024xf32, #tpu.memory_space<vmem>>
    tpu.wait_dma2 semaphore(%arg12 : memref<!tpu.dma_semaphore, #tpu.memory_space<semaphore_mem>>) src(%dma_wait3A_176 : memref<1024xf32, #tpu.memory_space<vmem>>) dst(%dma_wait3A_173 : memref<1024xf32, #tpu.memory_space<hbm>>)
    %dma_wait3A_177 = arith.constant 0 : i32
    %dma_wait3A_178 = arith.constant 4 : i32
    %dma_wait3A_179 = arith.constant 4096 : i32
    %dma_wait3A_180 = tpu.memref_slice %arg7[%dma_wait3A_177, %dma_wait3A_179] : memref<4x8192xf32, #tpu.memory_space<vmem>> -> memref<1x1024xf32, #tpu.memory_space<vmem>>
    %dma_wait3A_181 = tpu.memref_squeeze %dma_wait3A_180 : memref<1x1024xf32, #tpu.memory_space<vmem>> -> memref<1024xf32, #tpu.memory_space<vmem>>
    %dma_wait3A_182 = arith.constant 0 : i32
    %dma_wait3A_183 = tpu.memref_slice %arg4[%select_n3A, %dma_wait3A_178, %select_n3A_121, %dma_wait3A_182] : memref<50x8x128x1024xf32, #tpu.memory_space<hbm>> -> memref<1x1x1x1024xf32, #tpu.memory_space<hbm>>
    %dma_wait3A_184 = tpu.memref_squeeze %dma_wait3A_183 : memref<1x1x1x1024xf32, #tpu.memory_space<hbm>> -> memref<1024xf32, #tpu.memory_space<hbm>>
    %dma_wait3A_185 = arith.constant 0 : i32
    %dma_wait3A_186 = tpu.memref_slice %arg4[%select_n3A, %dma_wait3A_178, %select_n3A_121, %dma_wait3A_185] : memref<50x8x128x1024xf32, #tpu.memory_space<hbm>> -> memref<1x1x1x1024xf32, #tpu.memory_space<hbm>>
    %dma_wait3A_187 = tpu.memref_squeeze %dma_wait3A_186 : memref<1x1x1x1024xf32, #tpu.memory_space<hbm>> -> memref<1024xf32, #tpu.memory_space<hbm>>
    %dma_wait3A_188 = arith.constant 4096 : i32
    %dma_wait3A_189 = tpu.memref_slice %arg7[%dma_wait3A_177, %dma_wait3A_188] : memref<4x8192xf32, #tpu.memory_space<vmem>> -> memref<1x1024xf32, #tpu.memory_space<vmem>>
    %dma_wait3A_190 = tpu.memref_squeeze %dma_wait3A_189 : memref<1x1024xf32, #tpu.memory_space<vmem>> -> memref<1024xf32, #tpu.memory_space<vmem>>
    tpu.wait_dma2 semaphore(%arg12 : memref<!tpu.dma_semaphore, #tpu.memory_space<semaphore_mem>>) src(%dma_wait3A_190 : memref<1024xf32, #tpu.memory_space<vmem>>) dst(%dma_wait3A_187 : memref<1024xf32, #tpu.memory_space<hbm>>)
    %dma_wait3A_191 = arith.constant 0 : i32
    %dma_wait3A_192 = arith.constant 5 : i32
    %dma_wait3A_193 = arith.constant 5120 : i32
    %dma_wait3A_194 = tpu.memref_slice %arg7[%dma_wait3A_191, %dma_wait3A_193] : memref<4x8192xf32, #tpu.memory_space<vmem>> -> memref<1x1024xf32, #tpu.memory_space<vmem>>
    %dma_wait3A_195 = tpu.memref_squeeze %dma_wait3A_194 : memref<1x1024xf32, #tpu.memory_space<vmem>> -> memref<1024xf32, #tpu.memory_space<vmem>>
    %dma_wait3A_196 = arith.constant 0 : i32
    %dma_wait3A_197 = tpu.memref_slice %arg4[%select_n3A, %dma_wait3A_192, %select_n3A_121, %dma_wait3A_196] : memref<50x8x128x1024xf32, #tpu.memory_space<hbm>> -> memref<1x1x1x1024xf32, #tpu.memory_space<hbm>>
    %dma_wait3A_198 = tpu.memref_squeeze %dma_wait3A_197 : memref<1x1x1x1024xf32, #tpu.memory_space<hbm>> -> memref<1024xf32, #tpu.memory_space<hbm>>
    %dma_wait3A_199 = arith.constant 0 : i32
    %dma_wait3A_200 = tpu.memref_slice %arg4[%select_n3A, %dma_wait3A_192, %select_n3A_121, %dma_wait3A_199] : memref<50x8x128x1024xf32, #tpu.memory_space<hbm>> -> memref<1x1x1x1024xf32, #tpu.memory_space<hbm>>
    %dma_wait3A_201 = tpu.memref_squeeze %dma_wait3A_200 : memref<1x1x1x1024xf32, #tpu.memory_space<hbm>> -> memref<1024xf32, #tpu.memory_space<hbm>>
    %dma_wait3A_202 = arith.constant 5120 : i32
    %dma_wait3A_203 = tpu.memref_slice %arg7[%dma_wait3A_191, %dma_wait3A_202] : memref<4x8192xf32, #tpu.memory_space<vmem>> -> memref<1x1024xf32, #tpu.memory_space<vmem>>
    %dma_wait3A_204 = tpu.memref_squeeze %dma_wait3A_203 : memref<1x1024xf32, #tpu.memory_space<vmem>> -> memref<1024xf32, #tpu.memory_space<vmem>>
    tpu.wait_dma2 semaphore(%arg12 : memref<!tpu.dma_semaphore, #tpu.memory_space<semaphore_mem>>) src(%dma_wait3A_204 : memref<1024xf32, #tpu.memory_space<vmem>>) dst(%dma_wait3A_201 : memref<1024xf32, #tpu.memory_space<hbm>>)
    %dma_wait3A_205 = arith.constant 0 : i32
    %dma_wait3A_206 = arith.constant 6 : i32
    %dma_wait3A_207 = arith.constant 6144 : i32
    %dma_wait3A_208 = tpu.memref_slice %arg7[%dma_wait3A_205, %dma_wait3A_207] : memref<4x8192xf32, #tpu.memory_space<vmem>> -> memref<1x1024xf32, #tpu.memory_space<vmem>>
    %dma_wait3A_209 = tpu.memref_squeeze %dma_wait3A_208 : memref<1x1024xf32, #tpu.memory_space<vmem>> -> memref<1024xf32, #tpu.memory_space<vmem>>
    %dma_wait3A_210 = arith.constant 0 : i32
    %dma_wait3A_211 = tpu.memref_slice %arg4[%select_n3A, %dma_wait3A_206, %select_n3A_121, %dma_wait3A_210] : memref<50x8x128x1024xf32, #tpu.memory_space<hbm>> -> memref<1x1x1x1024xf32, #tpu.memory_space<hbm>>
    %dma_wait3A_212 = tpu.memref_squeeze %dma_wait3A_211 : memref<1x1x1x1024xf32, #tpu.memory_space<hbm>> -> memref<1024xf32, #tpu.memory_space<hbm>>
    %dma_wait3A_213 = arith.constant 0 : i32
    %dma_wait3A_214 = tpu.memref_slice %arg4[%select_n3A, %dma_wait3A_206, %select_n3A_121, %dma_wait3A_213] : memref<50x8x128x1024xf32, #tpu.memory_space<hbm>> -> memref<1x1x1x1024xf32, #tpu.memory_space<hbm>>
    %dma_wait3A_215 = tpu.memref_squeeze %dma_wait3A_214 : memref<1x1x1x1024xf32, #tpu.memory_space<hbm>> -> memref<1024xf32, #tpu.memory_space<hbm>>
    %dma_wait3A_216 = arith.constant 6144 : i32
    %dma_wait3A_217 = tpu.memref_slice %arg7[%dma_wait3A_205, %dma_wait3A_216] : memref<4x8192xf32, #tpu.memory_space<vmem>> -> memref<1x1024xf32, #tpu.memory_space<vmem>>
    %dma_wait3A_218 = tpu.memref_squeeze %dma_wait3A_217 : memref<1x1024xf32, #tpu.memory_space<vmem>> -> memref<1024xf32, #tpu.memory_space<vmem>>
    tpu.wait_dma2 semaphore(%arg12 : memref<!tpu.dma_semaphore, #tpu.memory_space<semaphore_mem>>) src(%dma_wait3A_218 : memref<1024xf32, #tpu.memory_space<vmem>>) dst(%dma_wait3A_215 : memref<1024xf32, #tpu.memory_space<hbm>>)
    %dma_wait3A_219 = arith.constant 0 : i32
    %dma_wait3A_220 = arith.constant 7 : i32
    %dma_wait3A_221 = arith.constant 7168 : i32
    %dma_wait3A_222 = tpu.memref_slice %arg7[%dma_wait3A_219, %dma_wait3A_221] : memref<4x8192xf32, #tpu.memory_space<vmem>> -> memref<1x1024xf32, #tpu.memory_space<vmem>>
    %dma_wait3A_223 = tpu.memref_squeeze %dma_wait3A_222 : memref<1x1024xf32, #tpu.memory_space<vmem>> -> memref<1024xf32, #tpu.memory_space<vmem>>
    %dma_wait3A_224 = arith.constant 0 : i32
    %dma_wait3A_225 = tpu.memref_slice %arg4[%select_n3A, %dma_wait3A_220, %select_n3A_121, %dma_wait3A_224] : memref<50x8x128x1024xf32, #tpu.memory_space<hbm>> -> memref<1x1x1x1024xf32, #tpu.memory_space<hbm>>
    %dma_wait3A_226 = tpu.memref_squeeze %dma_wait3A_225 : memref<1x1x1x1024xf32, #tpu.memory_space<hbm>> -> memref<1024xf32, #tpu.memory_space<hbm>>
    %dma_wait3A_227 = arith.constant 0 : i32
    %dma_wait3A_228 = tpu.memref_slice %arg4[%select_n3A, %dma_wait3A_220, %select_n3A_121, %dma_wait3A_227] : memref<50x8x128x1024xf32, #tpu.memory_space<hbm>> -> memref<1x1x1x1024xf32, #tpu.memory_space<hbm>>
    %dma_wait3A_229 = tpu.memref_squeeze %dma_wait3A_228 : memref<1x1x1x1024xf32, #tpu.memory_space<hbm>> -> memref<1024xf32, #tpu.memory_space<hbm>>
    %dma_wait3A_230 = arith.constant 7168 : i32
    %dma_wait3A_231 = tpu.memref_slice %arg7[%dma_wait3A_219, %dma_wait3A_230] : memref<4x8192xf32, #tpu.memory_space<vmem>> -> memref<1x1024xf32, #tpu.memory_space<vmem>>
    %dma_wait3A_232 = tpu.memref_squeeze %dma_wait3A_231 : memref<1x1024xf32, #tpu.memory_space<vmem>> -> memref<1024xf32, #tpu.memory_space<vmem>>
    tpu.wait_dma2 semaphore(%arg12 : memref<!tpu.dma_semaphore, #tpu.memory_space<semaphore_mem>>) src(%dma_wait3A_232 : memref<1024xf32, #tpu.memory_space<vmem>>) dst(%dma_wait3A_229 : memref<1024xf32, #tpu.memory_space<hbm>>)
    %mul3A_233 = arith.constant 200 : i32
    %mul3A_234 = arith.muli %add3A, %mul3A_233 : i32
    %add3A_235 = arith.constant 197 : i32
    %add3A_236 = arith.addi %mul3A_234, %add3A_235 : i32
    %jit3A_237 = arith.constant 128 : i32
    %div3A_238 = arith.divsi %add3A_236, %jit3A_237 : i32
    %sign3A_239 = arith.constant 0 : i32
    %sign3A_240 = arith.cmpi sgt, %add3A_236, %sign3A_239 : i32
    %sign3A_241 = arith.extui %sign3A_240 : i1 to i32
    %sign3A_242 = arith.constant 0 : i32
    %sign3A_243 = arith.cmpi slt, %add3A_236, %sign3A_242 : i32
    %sign3A_244 = arith.extui %sign3A_243 : i1 to i32
    %sign3A_245 = arith.subi %sign3A_241, %sign3A_244 : i32
    %sign3A_246 = arith.constant 0 : i32
    %sign3A_247 = arith.cmpi sgt, %jit3A_237, %sign3A_246 : i32
    %sign3A_248 = arith.extui %sign3A_247 : i1 to i32
    %sign3A_249 = arith.constant 0 : i32
    %sign3A_250 = arith.cmpi slt, %jit3A_237, %sign3A_249 : i32
    %sign3A_251 = arith.extui %sign3A_250 : i1 to i32
    %sign3A_252 = arith.subi %sign3A_248, %sign3A_251 : i32
    %ne3A_253 = arith.cmpi ne, %sign3A_245, %sign3A_252 : i32
    %rem3A_254 = arith.remsi %add3A_236, %jit3A_237 : i32
    %ne3A_255 = arith.constant 0 : i32
    %ne3A_256 = arith.cmpi ne, %rem3A_254, %ne3A_255 : i32
    %and3A_257 = arith.andi %ne3A_253, %ne3A_256 : i1
    %sub3A_258 = arith.constant 1 : i32
    %sub3A_259 = arith.subi %div3A_238, %sub3A_258 : i32
    %select_n3A_260 = arith.select %and3A_257, %sub3A_259, %div3A_238 : i32
    %jit3A_261 = arith.constant 128 : i32
    %eq3A_262 = arith.constant 0 : i32
    %eq3A_263 = arith.cmpi eq, %jit3A_261, %eq3A_262 : i32
    %jit3A_264 = arith.constant 1 : i32
    %select_n3A_265 = arith.select %eq3A_263, %jit3A_264, %jit3A_261 : i32
    %rem3A_266 = arith.remsi %add3A_236, %select_n3A_265 : i32
    %ne3A_267 = arith.constant 0 : i32
    %ne3A_268 = arith.cmpi ne, %rem3A_266, %ne3A_267 : i32
    %lt3A_269 = arith.constant 0 : i32
    %lt3A_270 = arith.cmpi slt, %rem3A_266, %lt3A_269 : i32
    %lt3A_271 = arith.constant 0 : i32
    %lt3A_272 = arith.cmpi slt, %select_n3A_265, %lt3A_271 : i32
    %ne3A_273 = arith.xori %lt3A_270, %lt3A_272 : i1
    %and3A_274 = arith.andi %ne3A_273, %ne3A_268 : i1
    %add3A_275 = arith.addi %rem3A_266, %select_n3A_265 : i32
    %select_n3A_276 = arith.select %and3A_274, %add3A_275, %rem3A_266 : i32
    %dma_wait3A_277 = arith.constant 1 : i32
    %dma_wait3A_278 = arith.constant 0 : i32
    %dma_wait3A_279 = arith.constant 0 : i32
    %dma_wait3A_280 = tpu.memref_slice %arg7[%dma_wait3A_277, %dma_wait3A_279] : memref<4x8192xf32, #tpu.memory_space<vmem>> -> memref<1x1024xf32, #tpu.memory_space<vmem>>
    %dma_wait3A_281 = tpu.memref_squeeze %dma_wait3A_280 : memref<1x1024xf32, #tpu.memory_space<vmem>> -> memref<1024xf32, #tpu.memory_space<vmem>>
    %dma_wait3A_282 = arith.constant 0 : i32
    %dma_wait3A_283 = tpu.memref_slice %arg4[%select_n3A_260, %dma_wait3A_278, %select_n3A_276, %dma_wait3A_282] : memref<50x8x128x1024xf32, #tpu.memory_space<hbm>> -> memref<1x1x1x1024xf32, #tpu.memory_space<hbm>>
    %dma_wait3A_284 = tpu.memref_squeeze %dma_wait3A_283 : memref<1x1x1x1024xf32, #tpu.memory_space<hbm>> -> memref<1024xf32, #tpu.memory_space<hbm>>
    %dma_wait3A_285 = arith.constant 0 : i32
    %dma_wait3A_286 = tpu.memref_slice %arg4[%select_n3A_260, %dma_wait3A_278, %select_n3A_276, %dma_wait3A_285] : memref<50x8x128x1024xf32, #tpu.memory_space<hbm>> -> memref<1x1x1x1024xf32, #tpu.memory_space<hbm>>
    %dma_wait3A_287 = tpu.memref_squeeze %dma_wait3A_286 : memref<1x1x1x1024xf32, #tpu.memory_space<hbm>> -> memref<1024xf32, #tpu.memory_space<hbm>>
    %dma_wait3A_288 = arith.constant 0 : i32
    %dma_wait3A_289 = tpu.memref_slice %arg7[%dma_wait3A_277, %dma_wait3A_288] : memref<4x8192xf32, #tpu.memory_space<vmem>> -> memref<1x1024xf32, #tpu.memory_space<vmem>>
    %dma_wait3A_290 = tpu.memref_squeeze %dma_wait3A_289 : memref<1x1024xf32, #tpu.memory_space<vmem>> -> memref<1024xf32, #tpu.memory_space<vmem>>
    tpu.wait_dma2 semaphore(%arg13 : memref<!tpu.dma_semaphore, #tpu.memory_space<semaphore_mem>>) src(%dma_wait3A_290 : memref<1024xf32, #tpu.memory_space<vmem>>) dst(%dma_wait3A_287 : memref<1024xf32, #tpu.memory_space<hbm>>)
    %dma_wait3A_291 = arith.constant 1 : i32
    %dma_wait3A_292 = arith.constant 1 : i32
    %dma_wait3A_293 = arith.constant 1024 : i32
    %dma_wait3A_294 = tpu.memref_slice %arg7[%dma_wait3A_291, %dma_wait3A_293] : memref<4x8192xf32, #tpu.memory_space<vmem>> -> memref<1x1024xf32, #tpu.memory_space<vmem>>
    %dma_wait3A_295 = tpu.memref_squeeze %dma_wait3A_294 : memref<1x1024xf32, #tpu.memory_space<vmem>> -> memref<1024xf32, #tpu.memory_space<vmem>>
    %dma_wait3A_296 = arith.constant 0 : i32
    %dma_wait3A_297 = tpu.memref_slice %arg4[%select_n3A_260, %dma_wait3A_292, %select_n3A_276, %dma_wait3A_296] : memref<50x8x128x1024xf32, #tpu.memory_space<hbm>> -> memref<1x1x1x1024xf32, #tpu.memory_space<hbm>>
    %dma_wait3A_298 = tpu.memref_squeeze %dma_wait3A_297 : memref<1x1x1x1024xf32, #tpu.memory_space<hbm>> -> memref<1024xf32, #tpu.memory_space<hbm>>
    %dma_wait3A_299 = arith.constant 0 : i32
    %dma_wait3A_300 = tpu.memref_slice %arg4[%select_n3A_260, %dma_wait3A_292, %select_n3A_276, %dma_wait3A_299] : memref<50x8x128x1024xf32, #tpu.memory_space<hbm>> -> memref<1x1x1x1024xf32, #tpu.memory_space<hbm>>
    %dma_wait3A_301 = tpu.memref_squeeze %dma_wait3A_300 : memref<1x1x1x1024xf32, #tpu.memory_space<hbm>> -> memref<1024xf32, #tpu.memory_space<hbm>>
    %dma_wait3A_302 = arith.constant 1024 : i32
    %dma_wait3A_303 = tpu.memref_slice %arg7[%dma_wait3A_291, %dma_wait3A_302] : memref<4x8192xf32, #tpu.memory_space<vmem>> -> memref<1x1024xf32, #tpu.memory_space<vmem>>
    %dma_wait3A_304 = tpu.memref_squeeze %dma_wait3A_303 : memref<1x1024xf32, #tpu.memory_space<vmem>> -> memref<1024xf32, #tpu.memory_space<vmem>>
    tpu.wait_dma2 semaphore(%arg13 : memref<!tpu.dma_semaphore, #tpu.memory_space<semaphore_mem>>) src(%dma_wait3A_304 : memref<1024xf32, #tpu.memory_space<vmem>>) dst(%dma_wait3A_301 : memref<1024xf32, #tpu.memory_space<hbm>>)
    %dma_wait3A_305 = arith.constant 1 : i32
    %dma_wait3A_306 = arith.constant 2 : i32
    %dma_wait3A_307 = arith.constant 2048 : i32
    %dma_wait3A_308 = tpu.memref_slice %arg7[%dma_wait3A_305, %dma_wait3A_307] : memref<4x8192xf32, #tpu.memory_space<vmem>> -> memref<1x1024xf32, #tpu.memory_space<vmem>>
    %dma_wait3A_309 = tpu.memref_squeeze %dma_wait3A_308 : memref<1x1024xf32, #tpu.memory_space<vmem>> -> memref<1024xf32, #tpu.memory_space<vmem>>
    %dma_wait3A_310 = arith.constant 0 : i32
    %dma_wait3A_311 = tpu.memref_slice %arg4[%select_n3A_260, %dma_wait3A_306, %select_n3A_276, %dma_wait3A_310] : memref<50x8x128x1024xf32, #tpu.memory_space<hbm>> -> memref<1x1x1x1024xf32, #tpu.memory_space<hbm>>
    %dma_wait3A_312 = tpu.memref_squeeze %dma_wait3A_311 : memref<1x1x1x1024xf32, #tpu.memory_space<hbm>> -> memref<1024xf32, #tpu.memory_space<hbm>>
    %dma_wait3A_313 = arith.constant 0 : i32
    %dma_wait3A_314 = tpu.memref_slice %arg4[%select_n3A_260, %dma_wait3A_306, %select_n3A_276, %dma_wait3A_313] : memref<50x8x128x1024xf32, #tpu.memory_space<hbm>> -> memref<1x1x1x1024xf32, #tpu.memory_space<hbm>>
    %dma_wait3A_315 = tpu.memref_squeeze %dma_wait3A_314 : memref<1x1x1x1024xf32, #tpu.memory_space<hbm>> -> memref<1024xf32, #tpu.memory_space<hbm>>
    %dma_wait3A_316 = arith.constant 2048 : i32
    %dma_wait3A_317 = tpu.memref_slice %arg7[%dma_wait3A_305, %dma_wait3A_316] : memref<4x8192xf32, #tpu.memory_space<vmem>> -> memref<1x1024xf32, #tpu.memory_space<vmem>>
    %dma_wait3A_318 = tpu.memref_squeeze %dma_wait3A_317 : memref<1x1024xf32, #tpu.memory_space<vmem>> -> memref<1024xf32, #tpu.memory_space<vmem>>
    tpu.wait_dma2 semaphore(%arg13 : memref<!tpu.dma_semaphore, #tpu.memory_space<semaphore_mem>>) src(%dma_wait3A_318 : memref<1024xf32, #tpu.memory_space<vmem>>) dst(%dma_wait3A_315 : memref<1024xf32, #tpu.memory_space<hbm>>)
    %dma_wait3A_319 = arith.constant 1 : i32
    %dma_wait3A_320 = arith.constant 3 : i32
    %dma_wait3A_321 = arith.constant 3072 : i32
    %dma_wait3A_322 = tpu.memref_slice %arg7[%dma_wait3A_319, %dma_wait3A_321] : memref<4x8192xf32, #tpu.memory_space<vmem>> -> memref<1x1024xf32, #tpu.memory_space<vmem>>
    %dma_wait3A_323 = tpu.memref_squeeze %dma_wait3A_322 : memref<1x1024xf32, #tpu.memory_space<vmem>> -> memref<1024xf32, #tpu.memory_space<vmem>>
    %dma_wait3A_324 = arith.constant 0 : i32
    %dma_wait3A_325 = tpu.memref_slice %arg4[%select_n3A_260, %dma_wait3A_320, %select_n3A_276, %dma_wait3A_324] : memref<50x8x128x1024xf32, #tpu.memory_space<hbm>> -> memref<1x1x1x1024xf32, #tpu.memory_space<hbm>>
    %dma_wait3A_326 = tpu.memref_squeeze %dma_wait3A_325 : memref<1x1x1x1024xf32, #tpu.memory_space<hbm>> -> memref<1024xf32, #tpu.memory_space<hbm>>
    %dma_wait3A_327 = arith.constant 0 : i32
    %dma_wait3A_328 = tpu.memref_slice %arg4[%select_n3A_260, %dma_wait3A_320, %select_n3A_276, %dma_wait3A_327] : memref<50x8x128x1024xf32, #tpu.memory_space<hbm>> -> memref<1x1x1x1024xf32, #tpu.memory_space<hbm>>
    %dma_wait3A_329 = tpu.memref_squeeze %dma_wait3A_328 : memref<1x1x1x1024xf32, #tpu.memory_space<hbm>> -> memref<1024xf32, #tpu.memory_space<hbm>>
    %dma_wait3A_330 = arith.constant 3072 : i32
    %dma_wait3A_331 = tpu.memref_slice %arg7[%dma_wait3A_319, %dma_wait3A_330] : memref<4x8192xf32, #tpu.memory_space<vmem>> -> memref<1x1024xf32, #tpu.memory_space<vmem>>
    %dma_wait3A_332 = tpu.memref_squeeze %dma_wait3A_331 : memref<1x1024xf32, #tpu.memory_space<vmem>> -> memref<1024xf32, #tpu.memory_space<vmem>>
    tpu.wait_dma2 semaphore(%arg13 : memref<!tpu.dma_semaphore, #tpu.memory_space<semaphore_mem>>) src(%dma_wait3A_332 : memref<1024xf32, #tpu.memory_space<vmem>>) dst(%dma_wait3A_329 : memref<1024xf32, #tpu.memory_space<hbm>>)
    %dma_wait3A_333 = arith.constant 1 : i32
    %dma_wait3A_334 = arith.constant 4 : i32
    %dma_wait3A_335 = arith.constant 4096 : i32
    %dma_wait3A_336 = tpu.memref_slice %arg7[%dma_wait3A_333, %dma_wait3A_335] : memref<4x8192xf32, #tpu.memory_space<vmem>> -> memref<1x1024xf32, #tpu.memory_space<vmem>>
    %dma_wait3A_337 = tpu.memref_squeeze %dma_wait3A_336 : memref<1x1024xf32, #tpu.memory_space<vmem>> -> memref<1024xf32, #tpu.memory_space<vmem>>
    %dma_wait3A_338 = arith.constant 0 : i32
    %dma_wait3A_339 = tpu.memref_slice %arg4[%select_n3A_260, %dma_wait3A_334, %select_n3A_276, %dma_wait3A_338] : memref<50x8x128x1024xf32, #tpu.memory_space<hbm>> -> memref<1x1x1x1024xf32, #tpu.memory_space<hbm>>
    %dma_wait3A_340 = tpu.memref_squeeze %dma_wait3A_339 : memref<1x1x1x1024xf32, #tpu.memory_space<hbm>> -> memref<1024xf32, #tpu.memory_space<hbm>>
    %dma_wait3A_341 = arith.constant 0 : i32
    %dma_wait3A_342 = tpu.memref_slice %arg4[%select_n3A_260, %dma_wait3A_334, %select_n3A_276, %dma_wait3A_341] : memref<50x8x128x1024xf32, #tpu.memory_space<hbm>> -> memref<1x1x1x1024xf32, #tpu.memory_space<hbm>>
    %dma_wait3A_343 = tpu.memref_squeeze %dma_wait3A_342 : memref<1x1x1x1024xf32, #tpu.memory_space<hbm>> -> memref<1024xf32, #tpu.memory_space<hbm>>
    %dma_wait3A_344 = arith.constant 4096 : i32
    %dma_wait3A_345 = tpu.memref_slice %arg7[%dma_wait3A_333, %dma_wait3A_344] : memref<4x8192xf32, #tpu.memory_space<vmem>> -> memref<1x1024xf32, #tpu.memory_space<vmem>>
    %dma_wait3A_346 = tpu.memref_squeeze %dma_wait3A_345 : memref<1x1024xf32, #tpu.memory_space<vmem>> -> memref<1024xf32, #tpu.memory_space<vmem>>
    tpu.wait_dma2 semaphore(%arg13 : memref<!tpu.dma_semaphore, #tpu.memory_space<semaphore_mem>>) src(%dma_wait3A_346 : memref<1024xf32, #tpu.memory_space<vmem>>) dst(%dma_wait3A_343 : memref<1024xf32, #tpu.memory_space<hbm>>)
    %dma_wait3A_347 = arith.constant 1 : i32
    %dma_wait3A_348 = arith.constant 5 : i32
    %dma_wait3A_349 = arith.constant 5120 : i32
    %dma_wait3A_350 = tpu.memref_slice %arg7[%dma_wait3A_347, %dma_wait3A_349] : memref<4x8192xf32, #tpu.memory_space<vmem>> -> memref<1x1024xf32, #tpu.memory_space<vmem>>
    %dma_wait3A_351 = tpu.memref_squeeze %dma_wait3A_350 : memref<1x1024xf32, #tpu.memory_space<vmem>> -> memref<1024xf32, #tpu.memory_space<vmem>>
    %dma_wait3A_352 = arith.constant 0 : i32
    %dma_wait3A_353 = tpu.memref_slice %arg4[%select_n3A_260, %dma_wait3A_348, %select_n3A_276, %dma_wait3A_352] : memref<50x8x128x1024xf32, #tpu.memory_space<hbm>> -> memref<1x1x1x1024xf32, #tpu.memory_space<hbm>>
    %dma_wait3A_354 = tpu.memref_squeeze %dma_wait3A_353 : memref<1x1x1x1024xf32, #tpu.memory_space<hbm>> -> memref<1024xf32, #tpu.memory_space<hbm>>
    %dma_wait3A_355 = arith.constant 0 : i32
    %dma_wait3A_356 = tpu.memref_slice %arg4[%select_n3A_260, %dma_wait3A_348, %select_n3A_276, %dma_wait3A_355] : memref<50x8x128x1024xf32, #tpu.memory_space<hbm>> -> memref<1x1x1x1024xf32, #tpu.memory_space<hbm>>
    %dma_wait3A_357 = tpu.memref_squeeze %dma_wait3A_356 : memref<1x1x1x1024xf32, #tpu.memory_space<hbm>> -> memref<1024xf32, #tpu.memory_space<hbm>>
    %dma_wait3A_358 = arith.constant 5120 : i32
    %dma_wait3A_359 = tpu.memref_slice %arg7[%dma_wait3A_347, %dma_wait3A_358] : memref<4x8192xf32, #tpu.memory_space<vmem>> -> memref<1x1024xf32, #tpu.memory_space<vmem>>
    %dma_wait3A_360 = tpu.memref_squeeze %dma_wait3A_359 : memref<1x1024xf32, #tpu.memory_space<vmem>> -> memref<1024xf32, #tpu.memory_space<vmem>>
    tpu.wait_dma2 semaphore(%arg13 : memref<!tpu.dma_semaphore, #tpu.memory_space<semaphore_mem>>) src(%dma_wait3A_360 : memref<1024xf32, #tpu.memory_space<vmem>>) dst(%dma_wait3A_357 : memref<1024xf32, #tpu.memory_space<hbm>>)
    %dma_wait3A_361 = arith.constant 1 : i32
    %dma_wait3A_362 = arith.constant 6 : i32
    %dma_wait3A_363 = arith.constant 6144 : i32
    %dma_wait3A_364 = tpu.memref_slice %arg7[%dma_wait3A_361, %dma_wait3A_363] : memref<4x8192xf32, #tpu.memory_space<vmem>> -> memref<1x1024xf32, #tpu.memory_space<vmem>>
    %dma_wait3A_365 = tpu.memref_squeeze %dma_wait3A_364 : memref<1x1024xf32, #tpu.memory_space<vmem>> -> memref<1024xf32, #tpu.memory_space<vmem>>
    %dma_wait3A_366 = arith.constant 0 : i32
    %dma_wait3A_367 = tpu.memref_slice %arg4[%select_n3A_260, %dma_wait3A_362, %select_n3A_276, %dma_wait3A_366] : memref<50x8x128x1024xf32, #tpu.memory_space<hbm>> -> memref<1x1x1x1024xf32, #tpu.memory_space<hbm>>
    %dma_wait3A_368 = tpu.memref_squeeze %dma_wait3A_367 : memref<1x1x1x1024xf32, #tpu.memory_space<hbm>> -> memref<1024xf32, #tpu.memory_space<hbm>>
    %dma_wait3A_369 = arith.constant 0 : i32
    %dma_wait3A_370 = tpu.memref_slice %arg4[%select_n3A_260, %dma_wait3A_362, %select_n3A_276, %dma_wait3A_369] : memref<50x8x128x1024xf32, #tpu.memory_space<hbm>> -> memref<1x1x1x1024xf32, #tpu.memory_space<hbm>>
    %dma_wait3A_371 = tpu.memref_squeeze %dma_wait3A_370 : memref<1x1x1x1024xf32, #tpu.memory_space<hbm>> -> memref<1024xf32, #tpu.memory_space<hbm>>
    %dma_wait3A_372 = arith.constant 6144 : i32
    %dma_wait3A_373 = tpu.memref_slice %arg7[%dma_wait3A_361, %dma_wait3A_372] : memref<4x8192xf32, #tpu.memory_space<vmem>> -> memref<1x1024xf32, #tpu.memory_space<vmem>>
    %dma_wait3A_374 = tpu.memref_squeeze %dma_wait3A_373 : memref<1x1024xf32, #tpu.memory_space<vmem>> -> memref<1024xf32, #tpu.memory_space<vmem>>
    tpu.wait_dma2 semaphore(%arg13 : memref<!tpu.dma_semaphore, #tpu.memory_space<semaphore_mem>>) src(%dma_wait3A_374 : memref<1024xf32, #tpu.memory_space<vmem>>) dst(%dma_wait3A_371 : memref<1024xf32, #tpu.memory_space<hbm>>)
    %dma_wait3A_375 = arith.constant 1 : i32
    %dma_wait3A_376 = arith.constant 7 : i32
    %dma_wait3A_377 = arith.constant 7168 : i32
    %dma_wait3A_378 = tpu.memref_slice %arg7[%dma_wait3A_375, %dma_wait3A_377] : memref<4x8192xf32, #tpu.memory_space<vmem>> -> memref<1x1024xf32, #tpu.memory_space<vmem>>
    %dma_wait3A_379 = tpu.memref_squeeze %dma_wait3A_378 : memref<1x1024xf32, #tpu.memory_space<vmem>> -> memref<1024xf32, #tpu.memory_space<vmem>>
    %dma_wait3A_380 = arith.constant 0 : i32
    %dma_wait3A_381 = tpu.memref_slice %arg4[%select_n3A_260, %dma_wait3A_376, %select_n3A_276, %dma_wait3A_380] : memref<50x8x128x1024xf32, #tpu.memory_space<hbm>> -> memref<1x1x1x1024xf32, #tpu.memory_space<hbm>>
    %dma_wait3A_382 = tpu.memref_squeeze %dma_wait3A_381 : memref<1x1x1x1024xf32, #tpu.memory_space<hbm>> -> memref<1024xf32, #tpu.memory_space<hbm>>
    %dma_wait3A_383 = arith.constant 0 : i32
    %dma_wait3A_384 = tpu.memref_slice %arg4[%select_n3A_260, %dma_wait3A_376, %select_n3A_276, %dma_wait3A_383] : memref<50x8x128x1024xf32, #tpu.memory_space<hbm>> -> memref<1x1x1x1024xf32, #tpu.memory_space<hbm>>
    %dma_wait3A_385 = tpu.memref_squeeze %dma_wait3A_384 : memref<1x1x1x1024xf32, #tpu.memory_space<hbm>> -> memref<1024xf32, #tpu.memory_space<hbm>>
    %dma_wait3A_386 = arith.constant 7168 : i32
    %dma_wait3A_387 = tpu.memref_slice %arg7[%dma_wait3A_375, %dma_wait3A_386] : memref<4x8192xf32, #tpu.memory_space<vmem>> -> memref<1x1024xf32, #tpu.memory_space<vmem>>
    %dma_wait3A_388 = tpu.memref_squeeze %dma_wait3A_387 : memref<1x1024xf32, #tpu.memory_space<vmem>> -> memref<1024xf32, #tpu.memory_space<vmem>>
    tpu.wait_dma2 semaphore(%arg13 : memref<!tpu.dma_semaphore, #tpu.memory_space<semaphore_mem>>) src(%dma_wait3A_388 : memref<1024xf32, #tpu.memory_space<vmem>>) dst(%dma_wait3A_385 : memref<1024xf32, #tpu.memory_space<hbm>>)
    %mul3A_389 = arith.constant 200 : i32
    %mul3A_390 = arith.muli %add3A, %mul3A_389 : i32
    %add3A_391 = arith.constant 198 : i32
    %add3A_392 = arith.addi %mul3A_390, %add3A_391 : i32
    %jit3A_393 = arith.constant 128 : i32
    %div3A_394 = arith.divsi %add3A_392, %jit3A_393 : i32
    %sign3A_395 = arith.constant 0 : i32
    %sign3A_396 = arith.cmpi sgt, %add3A_392, %sign3A_395 : i32
    %sign3A_397 = arith.extui %sign3A_396 : i1 to i32
    %sign3A_398 = arith.constant 0 : i32
    %sign3A_399 = arith.cmpi slt, %add3A_392, %sign3A_398 : i32
    %sign3A_400 = arith.extui %sign3A_399 : i1 to i32
    %sign3A_401 = arith.subi %sign3A_397, %sign3A_400 : i32
    %sign3A_402 = arith.constant 0 : i32
    %sign3A_403 = arith.cmpi sgt, %jit3A_393, %sign3A_402 : i32
    %sign3A_404 = arith.extui %sign3A_403 : i1 to i32
    %sign3A_405 = arith.constant 0 : i32
    %sign3A_406 = arith.cmpi slt, %jit3A_393, %sign3A_405 : i32
    %sign3A_407 = arith.extui %sign3A_406 : i1 to i32
    %sign3A_408 = arith.subi %sign3A_404, %sign3A_407 : i32
    %ne3A_409 = arith.cmpi ne, %sign3A_401, %sign3A_408 : i32
    %rem3A_410 = arith.remsi %add3A_392, %jit3A_393 : i32
    %ne3A_411 = arith.constant 0 : i32
    %ne3A_412 = arith.cmpi ne, %rem3A_410, %ne3A_411 : i32
    %and3A_413 = arith.andi %ne3A_409, %ne3A_412 : i1
    %sub3A_414 = arith.constant 1 : i32
    %sub3A_415 = arith.subi %div3A_394, %sub3A_414 : i32
    %select_n3A_416 = arith.select %and3A_413, %sub3A_415, %div3A_394 : i32
    %jit3A_417 = arith.constant 128 : i32
    %eq3A_418 = arith.constant 0 : i32
    %eq3A_419 = arith.cmpi eq, %jit3A_417, %eq3A_418 : i32
    %jit3A_420 = arith.constant 1 : i32
    %select_n3A_421 = arith.select %eq3A_419, %jit3A_420, %jit3A_417 : i32
    %rem3A_422 = arith.remsi %add3A_392, %select_n3A_421 : i32
    %ne3A_423 = arith.constant 0 : i32
    %ne3A_424 = arith.cmpi ne, %rem3A_422, %ne3A_423 : i32
    %lt3A_425 = arith.constant 0 : i32
    %lt3A_426 = arith.cmpi slt, %rem3A_422, %lt3A_425 : i32
    %lt3A_427 = arith.constant 0 : i32
    %lt3A_428 = arith.cmpi slt, %select_n3A_421, %lt3A_427 : i32
    %ne3A_429 = arith.xori %lt3A_426, %lt3A_428 : i1
    %and3A_430 = arith.andi %ne3A_429, %ne3A_424 : i1
    %add3A_431 = arith.addi %rem3A_422, %select_n3A_421 : i32
    %select_n3A_432 = arith.select %and3A_430, %add3A_431, %rem3A_422 : i32
    %dma_wait3A_433 = arith.constant 2 : i32
    %dma_wait3A_434 = arith.constant 0 : i32
    %dma_wait3A_435 = arith.constant 0 : i32
    %dma_wait3A_436 = tpu.memref_slice %arg7[%dma_wait3A_433, %dma_wait3A_435] : memref<4x8192xf32, #tpu.memory_space<vmem>> -> memref<1x1024xf32, #tpu.memory_space<vmem>>
    %dma_wait3A_437 = tpu.memref_squeeze %dma_wait3A_436 : memref<1x1024xf32, #tpu.memory_space<vmem>> -> memref<1024xf32, #tpu.memory_space<vmem>>
    %dma_wait3A_438 = arith.constant 0 : i32
    %dma_wait3A_439 = tpu.memref_slice %arg4[%select_n3A_416, %dma_wait3A_434, %select_n3A_432, %dma_wait3A_438] : memref<50x8x128x1024xf32, #tpu.memory_space<hbm>> -> memref<1x1x1x1024xf32, #tpu.memory_space<hbm>>
    %dma_wait3A_440 = tpu.memref_squeeze %dma_wait3A_439 : memref<1x1x1x1024xf32, #tpu.memory_space<hbm>> -> memref<1024xf32, #tpu.memory_space<hbm>>
    %dma_wait3A_441 = arith.constant 0 : i32
    %dma_wait3A_442 = tpu.memref_slice %arg4[%select_n3A_416, %dma_wait3A_434, %select_n3A_432, %dma_wait3A_441] : memref<50x8x128x1024xf32, #tpu.memory_space<hbm>> -> memref<1x1x1x1024xf32, #tpu.memory_space<hbm>>
    %dma_wait3A_443 = tpu.memref_squeeze %dma_wait3A_442 : memref<1x1x1x1024xf32, #tpu.memory_space<hbm>> -> memref<1024xf32, #tpu.memory_space<hbm>>
    %dma_wait3A_444 = arith.constant 0 : i32
    %dma_wait3A_445 = tpu.memref_slice %arg7[%dma_wait3A_433, %dma_wait3A_444] : memref<4x8192xf32, #tpu.memory_space<vmem>> -> memref<1x1024xf32, #tpu.memory_space<vmem>>
    %dma_wait3A_446 = tpu.memref_squeeze %dma_wait3A_445 : memref<1x1024xf32, #tpu.memory_space<vmem>> -> memref<1024xf32, #tpu.memory_space<vmem>>
    tpu.wait_dma2 semaphore(%arg14 : memref<!tpu.dma_semaphore, #tpu.memory_space<semaphore_mem>>) src(%dma_wait3A_446 : memref<1024xf32, #tpu.memory_space<vmem>>) dst(%dma_wait3A_443 : memref<1024xf32, #tpu.memory_space<hbm>>)
    %dma_wait3A_447 = arith.constant 2 : i32
    %dma_wait3A_448 = arith.constant 1 : i32
    %dma_wait3A_449 = arith.constant 1024 : i32
    %dma_wait3A_450 = tpu.memref_slice %arg7[%dma_wait3A_447, %dma_wait3A_449] : memref<4x8192xf32, #tpu.memory_space<vmem>> -> memref<1x1024xf32, #tpu.memory_space<vmem>>
    %dma_wait3A_451 = tpu.memref_squeeze %dma_wait3A_450 : memref<1x1024xf32, #tpu.memory_space<vmem>> -> memref<1024xf32, #tpu.memory_space<vmem>>
    %dma_wait3A_452 = arith.constant 0 : i32
    %dma_wait3A_453 = tpu.memref_slice %arg4[%select_n3A_416, %dma_wait3A_448, %select_n3A_432, %dma_wait3A_452] : memref<50x8x128x1024xf32, #tpu.memory_space<hbm>> -> memref<1x1x1x1024xf32, #tpu.memory_space<hbm>>
    %dma_wait3A_454 = tpu.memref_squeeze %dma_wait3A_453 : memref<1x1x1x1024xf32, #tpu.memory_space<hbm>> -> memref<1024xf32, #tpu.memory_space<hbm>>
    %dma_wait3A_455 = arith.constant 0 : i32
    %dma_wait3A_456 = tpu.memref_slice %arg4[%select_n3A_416, %dma_wait3A_448, %select_n3A_432, %dma_wait3A_455] : memref<50x8x128x1024xf32, #tpu.memory_space<hbm>> -> memref<1x1x1x1024xf32, #tpu.memory_space<hbm>>
    %dma_wait3A_457 = tpu.memref_squeeze %dma_wait3A_456 : memref<1x1x1x1024xf32, #tpu.memory_space<hbm>> -> memref<1024xf32, #tpu.memory_space<hbm>>
    %dma_wait3A_458 = arith.constant 1024 : i32
    %dma_wait3A_459 = tpu.memref_slice %arg7[%dma_wait3A_447, %dma_wait3A_458] : memref<4x8192xf32, #tpu.memory_space<vmem>> -> memref<1x1024xf32, #tpu.memory_space<vmem>>
    %dma_wait3A_460 = tpu.memref_squeeze %dma_wait3A_459 : memref<1x1024xf32, #tpu.memory_space<vmem>> -> memref<1024xf32, #tpu.memory_space<vmem>>
    tpu.wait_dma2 semaphore(%arg14 : memref<!tpu.dma_semaphore, #tpu.memory_space<semaphore_mem>>) src(%dma_wait3A_460 : memref<1024xf32, #tpu.memory_space<vmem>>) dst(%dma_wait3A_457 : memref<1024xf32, #tpu.memory_space<hbm>>)
    %dma_wait3A_461 = arith.constant 2 : i32
    %dma_wait3A_462 = arith.constant 2 : i32
    %dma_wait3A_463 = arith.constant 2048 : i32
    %dma_wait3A_464 = tpu.memref_slice %arg7[%dma_wait3A_461, %dma_wait3A_463] : memref<4x8192xf32, #tpu.memory_space<vmem>> -> memref<1x1024xf32, #tpu.memory_space<vmem>>
    %dma_wait3A_465 = tpu.memref_squeeze %dma_wait3A_464 : memref<1x1024xf32, #tpu.memory_space<vmem>> -> memref<1024xf32, #tpu.memory_space<vmem>>
    %dma_wait3A_466 = arith.constant 0 : i32
    %dma_wait3A_467 = tpu.memref_slice %arg4[%select_n3A_416, %dma_wait3A_462, %select_n3A_432, %dma_wait3A_466] : memref<50x8x128x1024xf32, #tpu.memory_space<hbm>> -> memref<1x1x1x1024xf32, #tpu.memory_space<hbm>>
    %dma_wait3A_468 = tpu.memref_squeeze %dma_wait3A_467 : memref<1x1x1x1024xf32, #tpu.memory_space<hbm>> -> memref<1024xf32, #tpu.memory_space<hbm>>
    %dma_wait3A_469 = arith.constant 0 : i32
    %dma_wait3A_470 = tpu.memref_slice %arg4[%select_n3A_416, %dma_wait3A_462, %select_n3A_432, %dma_wait3A_469] : memref<50x8x128x1024xf32, #tpu.memory_space<hbm>> -> memref<1x1x1x1024xf32, #tpu.memory_space<hbm>>
    %dma_wait3A_471 = tpu.memref_squeeze %dma_wait3A_470 : memref<1x1x1x1024xf32, #tpu.memory_space<hbm>> -> memref<1024xf32, #tpu.memory_space<hbm>>
    %dma_wait3A_472 = arith.constant 2048 : i32
    %dma_wait3A_473 = tpu.memref_slice %arg7[%dma_wait3A_461, %dma_wait3A_472] : memref<4x8192xf32, #tpu.memory_space<vmem>> -> memref<1x1024xf32, #tpu.memory_space<vmem>>
    %dma_wait3A_474 = tpu.memref_squeeze %dma_wait3A_473 : memref<1x1024xf32, #tpu.memory_space<vmem>> -> memref<1024xf32, #tpu.memory_space<vmem>>
    tpu.wait_dma2 semaphore(%arg14 : memref<!tpu.dma_semaphore, #tpu.memory_space<semaphore_mem>>) src(%dma_wait3A_474 : memref<1024xf32, #tpu.memory_space<vmem>>) dst(%dma_wait3A_471 : memref<1024xf32, #tpu.memory_space<hbm>>)
    %dma_wait3A_475 = arith.constant 2 : i32
    %dma_wait3A_476 = arith.constant 3 : i32
    %dma_wait3A_477 = arith.constant 3072 : i32
    %dma_wait3A_478 = tpu.memref_slice %arg7[%dma_wait3A_475, %dma_wait3A_477] : memref<4x8192xf32, #tpu.memory_space<vmem>> -> memref<1x1024xf32, #tpu.memory_space<vmem>>
    %dma_wait3A_479 = tpu.memref_squeeze %dma_wait3A_478 : memref<1x1024xf32, #tpu.memory_space<vmem>> -> memref<1024xf32, #tpu.memory_space<vmem>>
    %dma_wait3A_480 = arith.constant 0 : i32
    %dma_wait3A_481 = tpu.memref_slice %arg4[%select_n3A_416, %dma_wait3A_476, %select_n3A_432, %dma_wait3A_480] : memref<50x8x128x1024xf32, #tpu.memory_space<hbm>> -> memref<1x1x1x1024xf32, #tpu.memory_space<hbm>>
    %dma_wait3A_482 = tpu.memref_squeeze %dma_wait3A_481 : memref<1x1x1x1024xf32, #tpu.memory_space<hbm>> -> memref<1024xf32, #tpu.memory_space<hbm>>
    %dma_wait3A_483 = arith.constant 0 : i32
    %dma_wait3A_484 = tpu.memref_slice %arg4[%select_n3A_416, %dma_wait3A_476, %select_n3A_432, %dma_wait3A_483] : memref<50x8x128x1024xf32, #tpu.memory_space<hbm>> -> memref<1x1x1x1024xf32, #tpu.memory_space<hbm>>
    %dma_wait3A_485 = tpu.memref_squeeze %dma_wait3A_484 : memref<1x1x1x1024xf32, #tpu.memory_space<hbm>> -> memref<1024xf32, #tpu.memory_space<hbm>>
    %dma_wait3A_486 = arith.constant 3072 : i32
    %dma_wait3A_487 = tpu.memref_slice %arg7[%dma_wait3A_475, %dma_wait3A_486] : memref<4x8192xf32, #tpu.memory_space<vmem>> -> memref<1x1024xf32, #tpu.memory_space<vmem>>
    %dma_wait3A_488 = tpu.memref_squeeze %dma_wait3A_487 : memref<1x1024xf32, #tpu.memory_space<vmem>> -> memref<1024xf32, #tpu.memory_space<vmem>>
    tpu.wait_dma2 semaphore(%arg14 : memref<!tpu.dma_semaphore, #tpu.memory_space<semaphore_mem>>) src(%dma_wait3A_488 : memref<1024xf32, #tpu.memory_space<vmem>>) dst(%dma_wait3A_485 : memref<1024xf32, #tpu.memory_space<hbm>>)
    %dma_wait3A_489 = arith.constant 2 : i32
    %dma_wait3A_490 = arith.constant 4 : i32
    %dma_wait3A_491 = arith.constant 4096 : i32
    %dma_wait3A_492 = tpu.memref_slice %arg7[%dma_wait3A_489, %dma_wait3A_491] : memref<4x8192xf32, #tpu.memory_space<vmem>> -> memref<1x1024xf32, #tpu.memory_space<vmem>>
    %dma_wait3A_493 = tpu.memref_squeeze %dma_wait3A_492 : memref<1x1024xf32, #tpu.memory_space<vmem>> -> memref<1024xf32, #tpu.memory_space<vmem>>
    %dma_wait3A_494 = arith.constant 0 : i32
    %dma_wait3A_495 = tpu.memref_slice %arg4[%select_n3A_416, %dma_wait3A_490, %select_n3A_432, %dma_wait3A_494] : memref<50x8x128x1024xf32, #tpu.memory_space<hbm>> -> memref<1x1x1x1024xf32, #tpu.memory_space<hbm>>
    %dma_wait3A_496 = tpu.memref_squeeze %dma_wait3A_495 : memref<1x1x1x1024xf32, #tpu.memory_space<hbm>> -> memref<1024xf32, #tpu.memory_space<hbm>>
    %dma_wait3A_497 = arith.constant 0 : i32
    %dma_wait3A_498 = tpu.memref_slice %arg4[%select_n3A_416, %dma_wait3A_490, %select_n3A_432, %dma_wait3A_497] : memref<50x8x128x1024xf32, #tpu.memory_space<hbm>> -> memref<1x1x1x1024xf32, #tpu.memory_space<hbm>>
    %dma_wait3A_499 = tpu.memref_squeeze %dma_wait3A_498 : memref<1x1x1x1024xf32, #tpu.memory_space<hbm>> -> memref<1024xf32, #tpu.memory_space<hbm>>
    %dma_wait3A_500 = arith.constant 4096 : i32
    %dma_wait3A_501 = tpu.memref_slice %arg7[%dma_wait3A_489, %dma_wait3A_500] : memref<4x8192xf32, #tpu.memory_space<vmem>> -> memref<1x1024xf32, #tpu.memory_space<vmem>>
    %dma_wait3A_502 = tpu.memref_squeeze %dma_wait3A_501 : memref<1x1024xf32, #tpu.memory_space<vmem>> -> memref<1024xf32, #tpu.memory_space<vmem>>
    tpu.wait_dma2 semaphore(%arg14 : memref<!tpu.dma_semaphore, #tpu.memory_space<semaphore_mem>>) src(%dma_wait3A_502 : memref<1024xf32, #tpu.memory_space<vmem>>) dst(%dma_wait3A_499 : memref<1024xf32, #tpu.memory_space<hbm>>)
    %dma_wait3A_503 = arith.constant 2 : i32
    %dma_wait3A_504 = arith.constant 5 : i32
    %dma_wait3A_505 = arith.constant 5120 : i32
    %dma_wait3A_506 = tpu.memref_slice %arg7[%dma_wait3A_503, %dma_wait3A_505] : memref<4x8192xf32, #tpu.memory_space<vmem>> -> memref<1x1024xf32, #tpu.memory_space<vmem>>
    %dma_wait3A_507 = tpu.memref_squeeze %dma_wait3A_506 : memref<1x1024xf32, #tpu.memory_space<vmem>> -> memref<1024xf32, #tpu.memory_space<vmem>>
    %dma_wait3A_508 = arith.constant 0 : i32
    %dma_wait3A_509 = tpu.memref_slice %arg4[%select_n3A_416, %dma_wait3A_504, %select_n3A_432, %dma_wait3A_508] : memref<50x8x128x1024xf32, #tpu.memory_space<hbm>> -> memref<1x1x1x1024xf32, #tpu.memory_space<hbm>>
    %dma_wait3A_510 = tpu.memref_squeeze %dma_wait3A_509 : memref<1x1x1x1024xf32, #tpu.memory_space<hbm>> -> memref<1024xf32, #tpu.memory_space<hbm>>
    %dma_wait3A_511 = arith.constant 0 : i32
    %dma_wait3A_512 = tpu.memref_slice %arg4[%select_n3A_416, %dma_wait3A_504, %select_n3A_432, %dma_wait3A_511] : memref<50x8x128x1024xf32, #tpu.memory_space<hbm>> -> memref<1x1x1x1024xf32, #tpu.memory_space<hbm>>
    %dma_wait3A_513 = tpu.memref_squeeze %dma_wait3A_512 : memref<1x1x1x1024xf32, #tpu.memory_space<hbm>> -> memref<1024xf32, #tpu.memory_space<hbm>>
    %dma_wait3A_514 = arith.constant 5120 : i32
    %dma_wait3A_515 = tpu.memref_slice %arg7[%dma_wait3A_503, %dma_wait3A_514] : memref<4x8192xf32, #tpu.memory_space<vmem>> -> memref<1x1024xf32, #tpu.memory_space<vmem>>
    %dma_wait3A_516 = tpu.memref_squeeze %dma_wait3A_515 : memref<1x1024xf32, #tpu.memory_space<vmem>> -> memref<1024xf32, #tpu.memory_space<vmem>>
    tpu.wait_dma2 semaphore(%arg14 : memref<!tpu.dma_semaphore, #tpu.memory_space<semaphore_mem>>) src(%dma_wait3A_516 : memref<1024xf32, #tpu.memory_space<vmem>>) dst(%dma_wait3A_513 : memref<1024xf32, #tpu.memory_space<hbm>>)
    %dma_wait3A_517 = arith.constant 2 : i32
    %dma_wait3A_518 = arith.constant 6 : i32
    %dma_wait3A_519 = arith.constant 6144 : i32
    %dma_wait3A_520 = tpu.memref_slice %arg7[%dma_wait3A_517, %dma_wait3A_519] : memref<4x8192xf32, #tpu.memory_space<vmem>> -> memref<1x1024xf32, #tpu.memory_space<vmem>>
    %dma_wait3A_521 = tpu.memref_squeeze %dma_wait3A_520 : memref<1x1024xf32, #tpu.memory_space<vmem>> -> memref<1024xf32, #tpu.memory_space<vmem>>
    %dma_wait3A_522 = arith.constant 0 : i32
    %dma_wait3A_523 = tpu.memref_slice %arg4[%select_n3A_416, %dma_wait3A_518, %select_n3A_432, %dma_wait3A_522] : memref<50x8x128x1024xf32, #tpu.memory_space<hbm>> -> memref<1x1x1x1024xf32, #tpu.memory_space<hbm>>
    %dma_wait3A_524 = tpu.memref_squeeze %dma_wait3A_523 : memref<1x1x1x1024xf32, #tpu.memory_space<hbm>> -> memref<1024xf32, #tpu.memory_space<hbm>>
    %dma_wait3A_525 = arith.constant 0 : i32
    %dma_wait3A_526 = tpu.memref_slice %arg4[%select_n3A_416, %dma_wait3A_518, %select_n3A_432, %dma_wait3A_525] : memref<50x8x128x1024xf32, #tpu.memory_space<hbm>> -> memref<1x1x1x1024xf32, #tpu.memory_space<hbm>>
    %dma_wait3A_527 = tpu.memref_squeeze %dma_wait3A_526 : memref<1x1x1x1024xf32, #tpu.memory_space<hbm>> -> memref<1024xf32, #tpu.memory_space<hbm>>
    %dma_wait3A_528 = arith.constant 6144 : i32
    %dma_wait3A_529 = tpu.memref_slice %arg7[%dma_wait3A_517, %dma_wait3A_528] : memref<4x8192xf32, #tpu.memory_space<vmem>> -> memref<1x1024xf32, #tpu.memory_space<vmem>>
    %dma_wait3A_530 = tpu.memref_squeeze %dma_wait3A_529 : memref<1x1024xf32, #tpu.memory_space<vmem>> -> memref<1024xf32, #tpu.memory_space<vmem>>
    tpu.wait_dma2 semaphore(%arg14 : memref<!tpu.dma_semaphore, #tpu.memory_space<semaphore_mem>>) src(%dma_wait3A_530 : memref<1024xf32, #tpu.memory_space<vmem>>) dst(%dma_wait3A_527 : memref<1024xf32, #tpu.memory_space<hbm>>)
    %dma_wait3A_531 = arith.constant 2 : i32
    %dma_wait3A_532 = arith.constant 7 : i32
    %dma_wait3A_533 = arith.constant 7168 : i32
    %dma_wait3A_534 = tpu.memref_slice %arg7[%dma_wait3A_531, %dma_wait3A_533] : memref<4x8192xf32, #tpu.memory_space<vmem>> -> memref<1x1024xf32, #tpu.memory_space<vmem>>
    %dma_wait3A_535 = tpu.memref_squeeze %dma_wait3A_534 : memref<1x1024xf32, #tpu.memory_space<vmem>> -> memref<1024xf32, #tpu.memory_space<vmem>>
    %dma_wait3A_536 = arith.constant 0 : i32
    %dma_wait3A_537 = tpu.memref_slice %arg4[%select_n3A_416, %dma_wait3A_532, %select_n3A_432, %dma_wait3A_536] : memref<50x8x128x1024xf32, #tpu.memory_space<hbm>> -> memref<1x1x1x1024xf32, #tpu.memory_space<hbm>>
    %dma_wait3A_538 = tpu.memref_squeeze %dma_wait3A_537 : memref<1x1x1x1024xf32, #tpu.memory_space<hbm>> -> memref<1024xf32, #tpu.memory_space<hbm>>
    %dma_wait3A_539 = arith.constant 0 : i32
    %dma_wait3A_540 = tpu.memref_slice %arg4[%select_n3A_416, %dma_wait3A_532, %select_n3A_432, %dma_wait3A_539] : memref<50x8x128x1024xf32, #tpu.memory_space<hbm>> -> memref<1x1x1x1024xf32, #tpu.memory_space<hbm>>
    %dma_wait3A_541 = tpu.memref_squeeze %dma_wait3A_540 : memref<1x1x1x1024xf32, #tpu.memory_space<hbm>> -> memref<1024xf32, #tpu.memory_space<hbm>>
    %dma_wait3A_542 = arith.constant 7168 : i32
    %dma_wait3A_543 = tpu.memref_slice %arg7[%dma_wait3A_531, %dma_wait3A_542] : memref<4x8192xf32, #tpu.memory_space<vmem>> -> memref<1x1024xf32, #tpu.memory_space<vmem>>
    %dma_wait3A_544 = tpu.memref_squeeze %dma_wait3A_543 : memref<1x1024xf32, #tpu.memory_space<vmem>> -> memref<1024xf32, #tpu.memory_space<vmem>>
    tpu.wait_dma2 semaphore(%arg14 : memref<!tpu.dma_semaphore, #tpu.memory_space<semaphore_mem>>) src(%dma_wait3A_544 : memref<1024xf32, #tpu.memory_space<vmem>>) dst(%dma_wait3A_541 : memref<1024xf32, #tpu.memory_space<hbm>>)
    %mul3A_545 = arith.constant 200 : i32
    %mul3A_546 = arith.muli %add3A, %mul3A_545 : i32
    %add3A_547 = arith.constant 199 : i32
    %add3A_548 = arith.addi %mul3A_546, %add3A_547 : i32
    %jit3A_549 = arith.constant 128 : i32
    %div3A_550 = arith.divsi %add3A_548, %jit3A_549 : i32
    %sign3A_551 = arith.constant 0 : i32
    %sign3A_552 = arith.cmpi sgt, %add3A_548, %sign3A_551 : i32
    %sign3A_553 = arith.extui %sign3A_552 : i1 to i32
    %sign3A_554 = arith.constant 0 : i32
    %sign3A_555 = arith.cmpi slt, %add3A_548, %sign3A_554 : i32
    %sign3A_556 = arith.extui %sign3A_555 : i1 to i32
    %sign3A_557 = arith.subi %sign3A_553, %sign3A_556 : i32
    %sign3A_558 = arith.constant 0 : i32
    %sign3A_559 = arith.cmpi sgt, %jit3A_549, %sign3A_558 : i32
    %sign3A_560 = arith.extui %sign3A_559 : i1 to i32
    %sign3A_561 = arith.constant 0 : i32
    %sign3A_562 = arith.cmpi slt, %jit3A_549, %sign3A_561 : i32
    %sign3A_563 = arith.extui %sign3A_562 : i1 to i32
    %sign3A_564 = arith.subi %sign3A_560, %sign3A_563 : i32
    %ne3A_565 = arith.cmpi ne, %sign3A_557, %sign3A_564 : i32
    %rem3A_566 = arith.remsi %add3A_548, %jit3A_549 : i32
    %ne3A_567 = arith.constant 0 : i32
    %ne3A_568 = arith.cmpi ne, %rem3A_566, %ne3A_567 : i32
    %and3A_569 = arith.andi %ne3A_565, %ne3A_568 : i1
    %sub3A_570 = arith.constant 1 : i32
    %sub3A_571 = arith.subi %div3A_550, %sub3A_570 : i32
    %select_n3A_572 = arith.select %and3A_569, %sub3A_571, %div3A_550 : i32
    %jit3A_573 = arith.constant 128 : i32
    %eq3A_574 = arith.constant 0 : i32
    %eq3A_575 = arith.cmpi eq, %jit3A_573, %eq3A_574 : i32
    %jit3A_576 = arith.constant 1 : i32
    %select_n3A_577 = arith.select %eq3A_575, %jit3A_576, %jit3A_573 : i32
    %rem3A_578 = arith.remsi %add3A_548, %select_n3A_577 : i32
    %ne3A_579 = arith.constant 0 : i32
    %ne3A_580 = arith.cmpi ne, %rem3A_578, %ne3A_579 : i32
    %lt3A_581 = arith.constant 0 : i32
    %lt3A_582 = arith.cmpi slt, %rem3A_578, %lt3A_581 : i32
    %lt3A_583 = arith.constant 0 : i32
    %lt3A_584 = arith.cmpi slt, %select_n3A_577, %lt3A_583 : i32
    %ne3A_585 = arith.xori %lt3A_582, %lt3A_584 : i1
    %and3A_586 = arith.andi %ne3A_585, %ne3A_580 : i1
    %add3A_587 = arith.addi %rem3A_578, %select_n3A_577 : i32
    %select_n3A_588 = arith.select %and3A_586, %add3A_587, %rem3A_578 : i32
    %dma_wait3A_589 = arith.constant 3 : i32
    %dma_wait3A_590 = arith.constant 0 : i32
    %dma_wait3A_591 = arith.constant 0 : i32
    %dma_wait3A_592 = tpu.memref_slice %arg7[%dma_wait3A_589, %dma_wait3A_591] : memref<4x8192xf32, #tpu.memory_space<vmem>> -> memref<1x1024xf32, #tpu.memory_space<vmem>>
    %dma_wait3A_593 = tpu.memref_squeeze %dma_wait3A_592 : memref<1x1024xf32, #tpu.memory_space<vmem>> -> memref<1024xf32, #tpu.memory_space<vmem>>
    %dma_wait3A_594 = arith.constant 0 : i32
    %dma_wait3A_595 = tpu.memref_slice %arg4[%select_n3A_572, %dma_wait3A_590, %select_n3A_588, %dma_wait3A_594] : memref<50x8x128x1024xf32, #tpu.memory_space<hbm>> -> memref<1x1x1x1024xf32, #tpu.memory_space<hbm>>
    %dma_wait3A_596 = tpu.memref_squeeze %dma_wait3A_595 : memref<1x1x1x1024xf32, #tpu.memory_space<hbm>> -> memref<1024xf32, #tpu.memory_space<hbm>>
    %dma_wait3A_597 = arith.constant 0 : i32
    %dma_wait3A_598 = tpu.memref_slice %arg4[%select_n3A_572, %dma_wait3A_590, %select_n3A_588, %dma_wait3A_597] : memref<50x8x128x1024xf32, #tpu.memory_space<hbm>> -> memref<1x1x1x1024xf32, #tpu.memory_space<hbm>>
    %dma_wait3A_599 = tpu.memref_squeeze %dma_wait3A_598 : memref<1x1x1x1024xf32, #tpu.memory_space<hbm>> -> memref<1024xf32, #tpu.memory_space<hbm>>
    %dma_wait3A_600 = arith.constant 0 : i32
    %dma_wait3A_601 = tpu.memref_slice %arg7[%dma_wait3A_589, %dma_wait3A_600] : memref<4x8192xf32, #tpu.memory_space<vmem>> -> memref<1x1024xf32, #tpu.memory_space<vmem>>
    %dma_wait3A_602 = tpu.memref_squeeze %dma_wait3A_601 : memref<1x1024xf32, #tpu.memory_space<vmem>> -> memref<1024xf32, #tpu.memory_space<vmem>>
    tpu.wait_dma2 semaphore(%arg15 : memref<!tpu.dma_semaphore, #tpu.memory_space<semaphore_mem>>) src(%dma_wait3A_602 : memref<1024xf32, #tpu.memory_space<vmem>>) dst(%dma_wait3A_599 : memref<1024xf32, #tpu.memory_space<hbm>>)
    %dma_wait3A_603 = arith.constant 3 : i32
    %dma_wait3A_604 = arith.constant 1 : i32
    %dma_wait3A_605 = arith.constant 1024 : i32
    %dma_wait3A_606 = tpu.memref_slice %arg7[%dma_wait3A_603, %dma_wait3A_605] : memref<4x8192xf32, #tpu.memory_space<vmem>> -> memref<1x1024xf32, #tpu.memory_space<vmem>>
    %dma_wait3A_607 = tpu.memref_squeeze %dma_wait3A_606 : memref<1x1024xf32, #tpu.memory_space<vmem>> -> memref<1024xf32, #tpu.memory_space<vmem>>
    %dma_wait3A_608 = arith.constant 0 : i32
    %dma_wait3A_609 = tpu.memref_slice %arg4[%select_n3A_572, %dma_wait3A_604, %select_n3A_588, %dma_wait3A_608] : memref<50x8x128x1024xf32, #tpu.memory_space<hbm>> -> memref<1x1x1x1024xf32, #tpu.memory_space<hbm>>
    %dma_wait3A_610 = tpu.memref_squeeze %dma_wait3A_609 : memref<1x1x1x1024xf32, #tpu.memory_space<hbm>> -> memref<1024xf32, #tpu.memory_space<hbm>>
    %dma_wait3A_611 = arith.constant 0 : i32
    %dma_wait3A_612 = tpu.memref_slice %arg4[%select_n3A_572, %dma_wait3A_604, %select_n3A_588, %dma_wait3A_611] : memref<50x8x128x1024xf32, #tpu.memory_space<hbm>> -> memref<1x1x1x1024xf32, #tpu.memory_space<hbm>>
    %dma_wait3A_613 = tpu.memref_squeeze %dma_wait3A_612 : memref<1x1x1x1024xf32, #tpu.memory_space<hbm>> -> memref<1024xf32, #tpu.memory_space<hbm>>
    %dma_wait3A_614 = arith.constant 1024 : i32
    %dma_wait3A_615 = tpu.memref_slice %arg7[%dma_wait3A_603, %dma_wait3A_614] : memref<4x8192xf32, #tpu.memory_space<vmem>> -> memref<1x1024xf32, #tpu.memory_space<vmem>>
    %dma_wait3A_616 = tpu.memref_squeeze %dma_wait3A_615 : memref<1x1024xf32, #tpu.memory_space<vmem>> -> memref<1024xf32, #tpu.memory_space<vmem>>
    tpu.wait_dma2 semaphore(%arg15 : memref<!tpu.dma_semaphore, #tpu.memory_space<semaphore_mem>>) src(%dma_wait3A_616 : memref<1024xf32, #tpu.memory_space<vmem>>) dst(%dma_wait3A_613 : memref<1024xf32, #tpu.memory_space<hbm>>)
    %dma_wait3A_617 = arith.constant 3 : i32
    %dma_wait3A_618 = arith.constant 2 : i32
    %dma_wait3A_619 = arith.constant 2048 : i32
    %dma_wait3A_620 = tpu.memref_slice %arg7[%dma_wait3A_617, %dma_wait3A_619] : memref<4x8192xf32, #tpu.memory_space<vmem>> -> memref<1x1024xf32, #tpu.memory_space<vmem>>
    %dma_wait3A_621 = tpu.memref_squeeze %dma_wait3A_620 : memref<1x1024xf32, #tpu.memory_space<vmem>> -> memref<1024xf32, #tpu.memory_space<vmem>>
    %dma_wait3A_622 = arith.constant 0 : i32
    %dma_wait3A_623 = tpu.memref_slice %arg4[%select_n3A_572, %dma_wait3A_618, %select_n3A_588, %dma_wait3A_622] : memref<50x8x128x1024xf32, #tpu.memory_space<hbm>> -> memref<1x1x1x1024xf32, #tpu.memory_space<hbm>>
    %dma_wait3A_624 = tpu.memref_squeeze %dma_wait3A_623 : memref<1x1x1x1024xf32, #tpu.memory_space<hbm>> -> memref<1024xf32, #tpu.memory_space<hbm>>
    %dma_wait3A_625 = arith.constant 0 : i32
    %dma_wait3A_626 = tpu.memref_slice %arg4[%select_n3A_572, %dma_wait3A_618, %select_n3A_588, %dma_wait3A_625] : memref<50x8x128x1024xf32, #tpu.memory_space<hbm>> -> memref<1x1x1x1024xf32, #tpu.memory_space<hbm>>
    %dma_wait3A_627 = tpu.memref_squeeze %dma_wait3A_626 : memref<1x1x1x1024xf32, #tpu.memory_space<hbm>> -> memref<1024xf32, #tpu.memory_space<hbm>>
    %dma_wait3A_628 = arith.constant 2048 : i32
    %dma_wait3A_629 = tpu.memref_slice %arg7[%dma_wait3A_617, %dma_wait3A_628] : memref<4x8192xf32, #tpu.memory_space<vmem>> -> memref<1x1024xf32, #tpu.memory_space<vmem>>
    %dma_wait3A_630 = tpu.memref_squeeze %dma_wait3A_629 : memref<1x1024xf32, #tpu.memory_space<vmem>> -> memref<1024xf32, #tpu.memory_space<vmem>>
    tpu.wait_dma2 semaphore(%arg15 : memref<!tpu.dma_semaphore, #tpu.memory_space<semaphore_mem>>) src(%dma_wait3A_630 : memref<1024xf32, #tpu.memory_space<vmem>>) dst(%dma_wait3A_627 : memref<1024xf32, #tpu.memory_space<hbm>>)
    %dma_wait3A_631 = arith.constant 3 : i32
    %dma_wait3A_632 = arith.constant 3 : i32
    %dma_wait3A_633 = arith.constant 3072 : i32
    %dma_wait3A_634 = tpu.memref_slice %arg7[%dma_wait3A_631, %dma_wait3A_633] : memref<4x8192xf32, #tpu.memory_space<vmem>> -> memref<1x1024xf32, #tpu.memory_space<vmem>>
    %dma_wait3A_635 = tpu.memref_squeeze %dma_wait3A_634 : memref<1x1024xf32, #tpu.memory_space<vmem>> -> memref<1024xf32, #tpu.memory_space<vmem>>
    %dma_wait3A_636 = arith.constant 0 : i32
    %dma_wait3A_637 = tpu.memref_slice %arg4[%select_n3A_572, %dma_wait3A_632, %select_n3A_588, %dma_wait3A_636] : memref<50x8x128x1024xf32, #tpu.memory_space<hbm>> -> memref<1x1x1x1024xf32, #tpu.memory_space<hbm>>
    %dma_wait3A_638 = tpu.memref_squeeze %dma_wait3A_637 : memref<1x1x1x1024xf32, #tpu.memory_space<hbm>> -> memref<1024xf32, #tpu.memory_space<hbm>>
    %dma_wait3A_639 = arith.constant 0 : i32
    %dma_wait3A_640 = tpu.memref_slice %arg4[%select_n3A_572, %dma_wait3A_632, %select_n3A_588, %dma_wait3A_639] : memref<50x8x128x1024xf32, #tpu.memory_space<hbm>> -> memref<1x1x1x1024xf32, #tpu.memory_space<hbm>>
    %dma_wait3A_641 = tpu.memref_squeeze %dma_wait3A_640 : memref<1x1x1x1024xf32, #tpu.memory_space<hbm>> -> memref<1024xf32, #tpu.memory_space<hbm>>
    %dma_wait3A_642 = arith.constant 3072 : i32
    %dma_wait3A_643 = tpu.memref_slice %arg7[%dma_wait3A_631, %dma_wait3A_642] : memref<4x8192xf32, #tpu.memory_space<vmem>> -> memref<1x1024xf32, #tpu.memory_space<vmem>>
    %dma_wait3A_644 = tpu.memref_squeeze %dma_wait3A_643 : memref<1x1024xf32, #tpu.memory_space<vmem>> -> memref<1024xf32, #tpu.memory_space<vmem>>
    tpu.wait_dma2 semaphore(%arg15 : memref<!tpu.dma_semaphore, #tpu.memory_space<semaphore_mem>>) src(%dma_wait3A_644 : memref<1024xf32, #tpu.memory_space<vmem>>) dst(%dma_wait3A_641 : memref<1024xf32, #tpu.memory_space<hbm>>)
    %dma_wait3A_645 = arith.constant 3 : i32
    %dma_wait3A_646 = arith.constant 4 : i32
    %dma_wait3A_647 = arith.constant 4096 : i32
    %dma_wait3A_648 = tpu.memref_slice %arg7[%dma_wait3A_645, %dma_wait3A_647] : memref<4x8192xf32, #tpu.memory_space<vmem>> -> memref<1x1024xf32, #tpu.memory_space<vmem>>
    %dma_wait3A_649 = tpu.memref_squeeze %dma_wait3A_648 : memref<1x1024xf32, #tpu.memory_space<vmem>> -> memref<1024xf32, #tpu.memory_space<vmem>>
    %dma_wait3A_650 = arith.constant 0 : i32
    %dma_wait3A_651 = tpu.memref_slice %arg4[%select_n3A_572, %dma_wait3A_646, %select_n3A_588, %dma_wait3A_650] : memref<50x8x128x1024xf32, #tpu.memory_space<hbm>> -> memref<1x1x1x1024xf32, #tpu.memory_space<hbm>>
    %dma_wait3A_652 = tpu.memref_squeeze %dma_wait3A_651 : memref<1x1x1x1024xf32, #tpu.memory_space<hbm>> -> memref<1024xf32, #tpu.memory_space<hbm>>
    %dma_wait3A_653 = arith.constant 0 : i32
    %dma_wait3A_654 = tpu.memref_slice %arg4[%select_n3A_572, %dma_wait3A_646, %select_n3A_588, %dma_wait3A_653] : memref<50x8x128x1024xf32, #tpu.memory_space<hbm>> -> memref<1x1x1x1024xf32, #tpu.memory_space<hbm>>
    %dma_wait3A_655 = tpu.memref_squeeze %dma_wait3A_654 : memref<1x1x1x1024xf32, #tpu.memory_space<hbm>> -> memref<1024xf32, #tpu.memory_space<hbm>>
    %dma_wait3A_656 = arith.constant 4096 : i32
    %dma_wait3A_657 = tpu.memref_slice %arg7[%dma_wait3A_645, %dma_wait3A_656] : memref<4x8192xf32, #tpu.memory_space<vmem>> -> memref<1x1024xf32, #tpu.memory_space<vmem>>
    %dma_wait3A_658 = tpu.memref_squeeze %dma_wait3A_657 : memref<1x1024xf32, #tpu.memory_space<vmem>> -> memref<1024xf32, #tpu.memory_space<vmem>>
    tpu.wait_dma2 semaphore(%arg15 : memref<!tpu.dma_semaphore, #tpu.memory_space<semaphore_mem>>) src(%dma_wait3A_658 : memref<1024xf32, #tpu.memory_space<vmem>>) dst(%dma_wait3A_655 : memref<1024xf32, #tpu.memory_space<hbm>>)
    %dma_wait3A_659 = arith.constant 3 : i32
    %dma_wait3A_660 = arith.constant 5 : i32
    %dma_wait3A_661 = arith.constant 5120 : i32
    %dma_wait3A_662 = tpu.memref_slice %arg7[%dma_wait3A_659, %dma_wait3A_661] : memref<4x8192xf32, #tpu.memory_space<vmem>> -> memref<1x1024xf32, #tpu.memory_space<vmem>>
    %dma_wait3A_663 = tpu.memref_squeeze %dma_wait3A_662 : memref<1x1024xf32, #tpu.memory_space<vmem>> -> memref<1024xf32, #tpu.memory_space<vmem>>
    %dma_wait3A_664 = arith.constant 0 : i32
    %dma_wait3A_665 = tpu.memref_slice %arg4[%select_n3A_572, %dma_wait3A_660, %select_n3A_588, %dma_wait3A_664] : memref<50x8x128x1024xf32, #tpu.memory_space<hbm>> -> memref<1x1x1x1024xf32, #tpu.memory_space<hbm>>
    %dma_wait3A_666 = tpu.memref_squeeze %dma_wait3A_665 : memref<1x1x1x1024xf32, #tpu.memory_space<hbm>> -> memref<1024xf32, #tpu.memory_space<hbm>>
    %dma_wait3A_667 = arith.constant 0 : i32
    %dma_wait3A_668 = tpu.memref_slice %arg4[%select_n3A_572, %dma_wait3A_660, %select_n3A_588, %dma_wait3A_667] : memref<50x8x128x1024xf32, #tpu.memory_space<hbm>> -> memref<1x1x1x1024xf32, #tpu.memory_space<hbm>>
    %dma_wait3A_669 = tpu.memref_squeeze %dma_wait3A_668 : memref<1x1x1x1024xf32, #tpu.memory_space<hbm>> -> memref<1024xf32, #tpu.memory_space<hbm>>
    %dma_wait3A_670 = arith.constant 5120 : i32
    %dma_wait3A_671 = tpu.memref_slice %arg7[%dma_wait3A_659, %dma_wait3A_670] : memref<4x8192xf32, #tpu.memory_space<vmem>> -> memref<1x1024xf32, #tpu.memory_space<vmem>>
    %dma_wait3A_672 = tpu.memref_squeeze %dma_wait3A_671 : memref<1x1024xf32, #tpu.memory_space<vmem>> -> memref<1024xf32, #tpu.memory_space<vmem>>
    tpu.wait_dma2 semaphore(%arg15 : memref<!tpu.dma_semaphore, #tpu.memory_space<semaphore_mem>>) src(%dma_wait3A_672 : memref<1024xf32, #tpu.memory_space<vmem>>) dst(%dma_wait3A_669 : memref<1024xf32, #tpu.memory_space<hbm>>)
    %dma_wait3A_673 = arith.constant 3 : i32
    %dma_wait3A_674 = arith.constant 6 : i32
    %dma_wait3A_675 = arith.constant 6144 : i32
    %dma_wait3A_676 = tpu.memref_slice %arg7[%dma_wait3A_673, %dma_wait3A_675] : memref<4x8192xf32, #tpu.memory_space<vmem>> -> memref<1x1024xf32, #tpu.memory_space<vmem>>
    %dma_wait3A_677 = tpu.memref_squeeze %dma_wait3A_676 : memref<1x1024xf32, #tpu.memory_space<vmem>> -> memref<1024xf32, #tpu.memory_space<vmem>>
    %dma_wait3A_678 = arith.constant 0 : i32
    %dma_wait3A_679 = tpu.memref_slice %arg4[%select_n3A_572, %dma_wait3A_674, %select_n3A_588, %dma_wait3A_678] : memref<50x8x128x1024xf32, #tpu.memory_space<hbm>> -> memref<1x1x1x1024xf32, #tpu.memory_space<hbm>>
    %dma_wait3A_680 = tpu.memref_squeeze %dma_wait3A_679 : memref<1x1x1x1024xf32, #tpu.memory_space<hbm>> -> memref<1024xf32, #tpu.memory_space<hbm>>
    %dma_wait3A_681 = arith.constant 0 : i32
    %dma_wait3A_682 = tpu.memref_slice %arg4[%select_n3A_572, %dma_wait3A_674, %select_n3A_588, %dma_wait3A_681] : memref<50x8x128x1024xf32, #tpu.memory_space<hbm>> -> memref<1x1x1x1024xf32, #tpu.memory_space<hbm>>
    %dma_wait3A_683 = tpu.memref_squeeze %dma_wait3A_682 : memref<1x1x1x1024xf32, #tpu.memory_space<hbm>> -> memref<1024xf32, #tpu.memory_space<hbm>>
    %dma_wait3A_684 = arith.constant 6144 : i32
    %dma_wait3A_685 = tpu.memref_slice %arg7[%dma_wait3A_673, %dma_wait3A_684] : memref<4x8192xf32, #tpu.memory_space<vmem>> -> memref<1x1024xf32, #tpu.memory_space<vmem>>
    %dma_wait3A_686 = tpu.memref_squeeze %dma_wait3A_685 : memref<1x1024xf32, #tpu.memory_space<vmem>> -> memref<1024xf32, #tpu.memory_space<vmem>>
    tpu.wait_dma2 semaphore(%arg15 : memref<!tpu.dma_semaphore, #tpu.memory_space<semaphore_mem>>) src(%dma_wait3A_686 : memref<1024xf32, #tpu.memory_space<vmem>>) dst(%dma_wait3A_683 : memref<1024xf32, #tpu.memory_space<hbm>>)
    %dma_wait3A_687 = arith.constant 3 : i32
    %dma_wait3A_688 = arith.constant 7 : i32
    %dma_wait3A_689 = arith.constant 7168 : i32
    %dma_wait3A_690 = tpu.memref_slice %arg7[%dma_wait3A_687, %dma_wait3A_689] : memref<4x8192xf32, #tpu.memory_space<vmem>> -> memref<1x1024xf32, #tpu.memory_space<vmem>>
    %dma_wait3A_691 = tpu.memref_squeeze %dma_wait3A_690 : memref<1x1024xf32, #tpu.memory_space<vmem>> -> memref<1024xf32, #tpu.memory_space<vmem>>
    %dma_wait3A_692 = arith.constant 0 : i32
    %dma_wait3A_693 = tpu.memref_slice %arg4[%select_n3A_572, %dma_wait3A_688, %select_n3A_588, %dma_wait3A_692] : memref<50x8x128x1024xf32, #tpu.memory_space<hbm>> -> memref<1x1x1x1024xf32, #tpu.memory_space<hbm>>
    %dma_wait3A_694 = tpu.memref_squeeze %dma_wait3A_693 : memref<1x1x1x1024xf32, #tpu.memory_space<hbm>> -> memref<1024xf32, #tpu.memory_space<hbm>>
    %dma_wait3A_695 = arith.constant 0 : i32
    %dma_wait3A_696 = tpu.memref_slice %arg4[%select_n3A_572, %dma_wait3A_688, %select_n3A_588, %dma_wait3A_695] : memref<50x8x128x1024xf32, #tpu.memory_space<hbm>> -> memref<1x1x1x1024xf32, #tpu.memory_space<hbm>>
    %dma_wait3A_697 = tpu.memref_squeeze %dma_wait3A_696 : memref<1x1x1x1024xf32, #tpu.memory_space<hbm>> -> memref<1024xf32, #tpu.memory_space<hbm>>
    %dma_wait3A_698 = arith.constant 7168 : i32
    %dma_wait3A_699 = tpu.memref_slice %arg7[%dma_wait3A_687, %dma_wait3A_698] : memref<4x8192xf32, #tpu.memory_space<vmem>> -> memref<1x1024xf32, #tpu.memory_space<vmem>>
    %dma_wait3A_700 = tpu.memref_squeeze %dma_wait3A_699 : memref<1x1024xf32, #tpu.memory_space<vmem>> -> memref<1024xf32, #tpu.memory_space<vmem>>
    tpu.wait_dma2 semaphore(%arg15 : memref<!tpu.dma_semaphore, #tpu.memory_space<semaphore_mem>>) src(%dma_wait3A_700 : memref<1024xf32, #tpu.memory_space<vmem>>) dst(%dma_wait3A_697 : memref<1024xf32, #tpu.memory_space<hbm>>)
    return
  }
}

</mosaic_0001>

<sc_bundles>
// kernel: kernel.3.cloned.1.call-start
scs
__scs_entry_jumppad:
0x0: {  	(pc) =	sbr.rel $0x88, $3  }
0x1: {  	(tag) =	ssettag $0x0;
	lr =	simm.s32 $0x1  }
0x2: {  	[smem:$0x3F9F] =	sst lr;
	_ =	strace $0xD0000000  }
0x3: {  	_ = 	snop  }
0x4: {  	_ = 	snop  }
0x5: {  	_ = 	snop  }
0x6: {  	_ = 	snop  }
0x7: {  	_ = 	snop  }
__scs_overlays_trampoline_lowered:
0x8: {  	[smem:$0x3FAE] =	sst s0  }
0x9: {  	[smem:$0x3FAF] =	sst s1  }
0xa: {  	[smem:$0x3FB0] =	sst s2  }
0xb: {  	[smem:$0x3FB1] =	sst s3  }
0xc: {  	[smem:$0x3FB2] =	sst s4  }
0xd: {  	[smem:$0x3FB3] =	sst s5  }
0xe: {  	[smem:$0x3FB4] =	sst s6  }
0xf: {  	[smem:$0x3FB5] =	sst s7  }
0x10: {  	[smem:$0x3FB6] =	sst s8  }
0x11: {  	[smem:$0x3FB7] =	sst s9;
	s0 =	simm.s32 @!p0 $0x0  }
0x12: {  	s1 =	sld [smem:$0x3F9D];
	s0 =	simm.s32 @p0 $0x1  }
0x13: {  	[smem:$0x3FB8] =	sst s0;
	s0 =	simm.s32 @!p1 $0x0  }
0x14: {  	s2 =	sld [smem:$0x3F9C];
	s0 =	simm.s32 @p1 $0x1  }
0x15: {  	[smem:$0x3FB9] =	sst s0;
	s0 =	simm.s32 @!p2 $0x0  }
0x16: {  	s3 =	sld [smem:$0x3FDB];
	s0 =	simm.s32 @p2 $0x1  }
0x17: {  	s4 =	simm.s32 $0x1BF5;
	[smem:$0x3FBB] =	sst s0  }
0x18: {  	s0 =	sld [smem:$0x3F9E];
	_ =	swait.ge [sflag:s4], $0x0  }
0x19: {  	s7 =	sld [smem:$0x3F9F]  }
0x1a: {  	s8 =	sadd.s32 $0xFFFFE003, lr  }
0x1b: {  	s9 =	sadd.s32 $0xFFFFFEF7, lr;
	s5 =	simm.s32 $0xFFFFFFFF;
	p2 =	slt.u32 s8, $0xFFFFF086  }
0x1c: {  	p1 =	slt.u32 s9, $0xF7A;
	s5 =	simm.s32 @!p2 $0x0  }
0x1d: {  	s5 =	simm.s32 @p1 $0x1;
	p0 =	seq.s32 s7, s2  }
0x1e: {  	s7 =	smul.u32 @!p0 $0xF7A, s2;
	p2 =	seq.s32 @!p0 s5, $0x0  }
0x1f: {  	s9 =	smul.u32 $0xF7A, s1;
	s8 =	simm.s32 @!p0 $0x1BF5;
	p2 =	por !p2, p0  }
0x20: {  	[sflag:s8] =	ssyncset.s32 @!p0 $0xFFFFF086;
	s6 =	sadd.s32 @!p0 s3, s7;
	s7 =	simm.s32 @!p0 $0x108  }
0x21: {  	s3 =	sadd.s32 s3, s9;
	s6 =	sadd.s32 @!p0 $0x88, s6;
	s7 =	simm.s32 @p2 $0x1082  }
0x22: {  	[simem:s7], [sflag:s8] =	dma.local @!p0 [hbm:s6], $0xF7A  }
0x23: {  	s9 =	sor.u32 $0xD0000000, s2;
	s6 =	simm.s32 $0x108;
	_ =	swait.ge @!p0 [sflag:s8], $0x0  }
0x24: {  	s3 =	sadd.s32 $0x88, s3;
	s6 =	simm.s32 @!p1 $0x1082;
	[sflag:s4] =	ssyncset.s32 $0xFFFFF086  }
0x25: {  	[simem:s6], [sflag:s4] =	dma.local [hbm:s3], $0xF7A  }
0x26: {  	[smem:$0x3F9F] =	sst s1;
	(tag) =	ssettag s2;
	_ =	strace s9  }
0x27: {  	s1 =	sld [smem:$0x3FAF]  }
0x28: {  	s2 =	sld [smem:$0x3FB0]  }
0x29: {  	s4 =	sld [smem:$0x3FB2]  }
0x2a: {  	p0 =	seq.s32 s5, $0x0;
	s5 =	sld [smem:$0x3FB3]  }
0x2b: {  	s6 =	sld [smem:$0x3FB4]  }
0x2c: {  	s7 =	sld [smem:$0x3FB5]  }
0x2d: {  	s3 =	simm.s32 $0x108;
	s8 =	sld [smem:$0x3FB6]  }
0x2e: {  	s3 =	simm.s32 @!p0 $0x1082;
	s9 =	sld [smem:$0x3FB7]  }
0x2f: {  	lr =	sadd.s32 s0, s3;
	s0 =	sld [smem:$0x3FAE]  }
0x30: {  	s3 =	sld [smem:$0x3FB1]  }
0x31: {  	[smem:$0x3FBA] =	sst s10  }
0x32: {  	s10 =	sld [smem:$0x3FB8];
	_ =	sdelay $0x3  }
0x33: {  	p0 =	seq.s32 s10, $0x1;
	s10 =	sld [smem:$0x3FBA];
	_ =	sdelay $0x3  }
0x34: {  	[smem:$0x3FBA] =	sst s10  }
0x35: {  	s10 =	sld [smem:$0x3FB9];
	_ =	sdelay $0x3  }
0x36: {  	p1 =	seq.s32 s10, $0x1;
	s10 =	sld [smem:$0x3FBA];
	_ =	sdelay $0x3  }
0x37: {  	[smem:$0x3FBA] =	sst s10  }
0x38: {  	s10 =	sld [smem:$0x3FBB]  }
0x39: {  	_ = 	snop;
	(pc) =	sbr.ind lr, $3  }
0x3a: {  	_ = 	snop  }
0x3b: {  	_ = 	snop  }
0x3c: {  	p2 =	seq.s32 s10, $0x1;
	s10 =	sld [smem:$0x3FBA]  }
0x3d: {  	_ =	shalt  }
0x3e: {  	_ =	shalt  }
0x3f: {  	_ =	shalt  }
0x40: {  	_ =	shalt  }
0x41: {  	_ =	shalt  }
0x42: {  	_ =	shalt  }
0x43: {  	_ =	shalt  }
0x44: {  	_ =	shalt  }
0x45: {  	_ =	shalt  }
0x46: {  	_ =	shalt  }
0x47: {  	_ =	shalt  }
0x48: {  	_ =	shalt  }
0x49: {  	_ =	shalt  }
0x4a: {  	_ =	shalt  }
0x4b: {  	_ =	shalt  }
0x4c: {  	_ =	shalt  }
0x4d: {  	_ =	shalt  }
0x4e: {  	_ =	shalt  }
0x4f: {  	_ =	shalt  }
0x50: {  	_ =	shalt  }
0x51: {  	_ =	shalt  }
0x52: {  	_ =	shalt  }
0x53: {  	_ =	shalt  }
0x54: {  	_ =	shalt  }
0x55: {  	_ =	shalt  }
0x56: {  	_ =	shalt  }
0x57: {  	_ =	shalt  }
0x58: {  	_ =	shalt  }
0x59: {  	_ =	shalt  }
0x5a: {  	_ =	shalt  }
0x5b: {  	_ =	shalt  }
0x5c: {  	_ =	shalt  }
0x5d: {  	_ =	shalt  }
0x5e: {  	_ =	shalt  }
0x5f: {  	_ =	shalt  }
0x60: {  	_ =	shalt  }
0x61: {  	_ =	shalt  }
0x62: {  	_ =	shalt  }
0x63: {  	_ =	shalt  }
0x64: {  	_ =	shalt  }
0x65: {  	_ =	shalt  }
0x66: {  	_ =	shalt  }
0x67: {  	_ =	shalt  }
0x68: {  	_ =	shalt  }
0x69: {  	_ =	shalt  }
0x6a: {  	_ =	shalt  }
0x6b: {  	_ =	shalt  }
0x6c: {  	_ =	shalt  }
0x6d: {  	_ =	shalt  }
0x6e: {  	_ =	shalt  }
0x6f: {  	_ =	shalt  }
0x70: {  	_ =	shalt  }
0x71: {  	_ =	shalt  }
0x72: {  	_ =	shalt  }
0x73: {  	_ =	shalt  }
0x74: {  	_ =	shalt  }
0x75: {  	_ =	shalt  }
0x76: {  	_ =	shalt  }
0x77: {  	_ =	shalt  }
0x78: {  	_ =	shalt  }
0x79: {  	_ =	shalt  }
0x7a: {  	_ =	shalt  }
0x7b: {  	_ =	shalt  }
0x7c: {  	_ =	shalt  }
0x7d: {  	_ =	shalt  }
0x7e: {  	_ =	shalt  }
0x7f: {  	_ =	shalt  }
0x80: {  	_ =	shalt  }
0x81: {  	_ =	shalt  }
0x82: {  	_ =	shalt  }
0x83: {  	_ =	shalt  }
0x84: {  	_ =	shalt  }
0x85: {  	_ =	shalt  }
0x86: {  	_ =	shalt  }
0x87: {  	_ =	shalt  }
.Lfunc_end0:
.L_simem_size_0:
called_computation_lowered:
.L_overlay_start_0:
0x88: {  	s2 =	sld [smem:$0x3FD9]  }
0x89: {  	s3 =	sld [smem:$0x3FFE];
	_ =	sdelay $0x1  }
0x8a: {  	s1 =	srdreg.scid  }
0x8b: {  	s0 =	sand.u32 $0x1, s1  }
0x8c: {  	s17 =	sshll.u32 s0, $0xA;
	s2 =	sadd.s32 s3, s2  }
0x8d: {  	s2 =	sadd.s32 s2, s17  }
0x8e: {  	[smem:$0x3FC6] =	sst s2  }
0x8f: {  	_ = 	snop  }
0x90: {  	s2 =	sld [smem:$0x3FD0];
	(tm) =	ssettm $0x1  }
0x91: {  	s18 =	sld [smem:$0x3FFB];
	_ =	sdelay $0x3  }
0x92: {  	_ =	strace s18  }
0x93: {  	s3 =	sld [smem:$0x3FFC];
	_ =	sdelay $0x3  }
0x94: {  	_ =	strace s3  }
0x95: {  	s3 =	sld [smem:$0x3FFD];
	_ =	sdelay $0x3  }
0x96: {  	_ =	strace s3  }
0x97: {  	_ =	strace $0x8FFFFFFF  }
0x98: {  	s19 =	sld [smem:$0x3FDB];
	_ =	sdelay $0x1  }
0x99: {  	s4 =	simm.s32 $_scs_section_size  }
0x9a: {  	s5 =	simm.s32 $_size__tile_overlayer_lowered;
	s6 =	simm.s32 $_tile_overlayer_lowered  }
0x9b: {  	s22 =	simm.s32 $0x1BFF;
	s21 =	sshll.u32 s6, $0x1;
	s3 =	sadd.s32 s4, s19  }
0x9c: {  	s7 =	simm.s32 $0x0;
	s20 =	sshll.u32 s5, $0x1;
	s5 =	sadd.s32 s21, s3  }
0x9d: {  	[timem:s7], [sflag:s22] =	dma.local [hbm:s5], s20  }
0x9e: {  	_ =	swait.ge [sflag:s22], s20  }
0x9f: {  	s4 =	ssub.s32 $0x0, s20;
	[sflag:s22] =	ssyncset.done $0x0  }
0xa0: {  	[sflag:s22] =	ssyncadd.s32 s4;
	_ =	sdelay $0x1  }
0xa1: {  	s23 =	simm.s32 $0x1B8B  }
0xa2: {  	_ =	swait.ge [sflag:s23], $0x1  }
0xa3: {  	[sflag:s23] =	ssyncset.done $0x0  }
0xa4: {  	s25 =	simm.s32 $0x1B8E;
	s24 =	sld [smem:$0x3FFE];
	[sflag:s23] =	ssyncadd.s32 $0xFFFFFFFF  }
0xa5: {  	s26 =	simm.s32 $execute0_lowered;
	[smem:$0x3FD2] =	sst s25  }
0xa6: {  	s5 =	sshll.u32 s26, $0x1;
	_ =	strace $0x80000046;
	[dreg:$0x1] =	wrdreg $0xFFFFFFFF  }
0xa7: {  	s28 =	simm.s32 $_size_execute0_lowered;
	s3 =	sadd.s32 s3, s5;
	[dreg:$0x0] =	wrdreg $0x0  }
0xa8: {  	s5 =	sshll.u32 s28, $0x1;
	[dreg:$0x2] =	wrdreg s3  }
0xa9: {  	[dreg:$0x3] =	wrdreg s5  }
0xaa: {  	[dreg:$0x4] =	wrdreg $0xC0  }
0xab: {  	_ =	task [dreg:s7], $0x5FFFF  }
0xac: {  	[dreg:$0x1] =	wrdreg $0xFFFFFFFF  }
0xad: {  	[dreg:$0x0] =	wrdreg $0x60  }
0xae: {  	[dreg:$0x2] =	wrdreg s24  }
0xaf: {  	[dreg:$0x3] =	wrdreg s2  }
0xb0: {  	[dreg:$0x4] =	wrdreg $0x9  }
0xb1: {  	_ =	task.clear_ibuf [dreg:s7], $0x5FFFF;
	_ =	strace $0x90000046  }
0xb2: {  	s29 =	simm.s32 $0x9;
	_ =	strace $0x80000048  }
0xb3: {  	_ =	swait.ge [sflag:s29], $0x1  }
0xb4: {  	[sflag:s29] =	ssyncadd.s32 $0xFFFFFFFF  }
0xb5: {  	_ =	strace $0x90000048  }
0xb6: {  	_ =	sfence  }
0xb7: {  	s30 =	sld [smem:$0x0];
	_ =	sdelay $0x2  }
0xb8: {  	s31 =	sshll.u32 s1, $0xD;
	s1 =	sshrl.u32 s1, $0x2  }
0xb9: {  	s3 =	sand.u32 $0x4000, s31;
	s1 =	sadd.s32 s1, s30  }
0xba: {  	s0 =	sor.u32 s3, s0;
	s1 =	sshll.u32 s1, $0x11  }
0xbb: {  	s0 =	sor.u32 s1, s0  }
0xbc: {  	s0 =	sadd.s32 $0x8F2B, s0  }
0xbd: {  	[sflag:s0] =	ssyncadd.remote.s32 $0x1  }
0xbe: {  	_ =	sfence.sel $0xFFFF  }
0xbf: {  	[dreg:$0x0] =	wrdreg $0xFFFFFFFF;
	(pc) =	sbr.abs _section_cstart, $3  }
0xc0: {  	[dreg:$0x1] =	wrdreg $0xFFFFFFFF  }
0xc1: {  	_ =	task.clear_ibuf [dreg:s7], $0x2FFFF;
	_ =	strace $0x9FFFFFFF  }
0xc2: {  	(tm) =	ssettm $0x7FFFFFFF  }
0xc3: {  	_ =	shalt  }
tec
execute0_lowered:
.L_overlay_start_1:
0x0: {  	(tag) =	ssettag $0x1  }
0x1: {  	s0 =	rddreg [dreg:$0x0];
	s1 =	srdreg.scid  }
0x2: {  	s3 =	stileid.u32;
	s2 =	rddreg [dreg:$0x1];
	s17 =	simm.s32 $0x6400  }
0x3: {  	s18 =	simm.s32 $0x8400;
	s20 =	simm.s32 $0xA400;
	s22 =	simm.s32 $0xC400  }
0x4: {  	s24 =	simm.s32 $0xE400;
	s19 =	simm.s32 $0x10400;
	s29 =	simm.s32 $0x3  }
0x5: {  	s30 =	simm.s32 $0x12400;
	v30 =	vlaneseq.u32;
	s4 =	sshll.u32 s3, $0x1;
	s3 =	simm.s32 $0x0  }
0x6: {  	s28 =	simm.s32 $0x14400;
	s14 =	simm.s32 $0x0;
	v62 =	vor.u32 $0x30, v30;
	[smem:$0x7FF] =	sst s3  }
0x7: {  	s1 =	sand.u32 $0x1, s1;
	s7 =	sadd.s32 $0x4000, s2;
	v4 =	vmul.u32 $0x80, v30;
	v5 =	vand.u32 $0x7, v30;
	_ =	strace $0x80000047;
	[tilespmem:$0x1FF90] =	vst v62  }
0x8: {  	s8 =	sadd.s32 $0x8000, s2;
	s9 =	sadd.s32 $0xC000, s2;
	s5 =	sor.u32 s1, s4;
	[tilespmem:$0x1FFB0] =	vst v5  }
0x9: {  	s10 =	sadd.s32 $0x10000, s2;
	s11 =	sadd.s32 $0x14000, s2;
	v6 =	vor.u32 $0x10, v30;
	s4 =	smul.u32 $0xC80, s5;
	[tilespmem:$0x1FFD0] =	vst v4  }
.Ltmp0:
0xa: {  	s12 =	sadd.s32 $0x18000, s2;
	s1 =	ssub.s32 $0x2, s1;
	v0 =	vor.u32 $0x800, v4;
	[tilespmem:$0x1FFE0] =	vst v6;
	(pc) =	sbr.rel .LBB2_1-.Ltmp0, $4  }
0xb: {  	s13 =	sadd.s32 $0x1C000, s2;
	s26 =	sshrl.u32 s1, $0x1;
	v34 =	vor.u32 $0x1800, v4;
	[tilespmem:$0x1FF80] =	vst v0;
	s6 =	sadd.s32 s4, s0  }
0xc: {  	v8 =	vor.u32 $0x1000, v4;
	[tilespmem:$0x1FFA0] =	vst v34;
	s4 =	sadd.s32 $0xF42A00, s0;
	s0 =	ssub.s32 s1, s26;
	s31 =	sadd.s32 $0x600, s6  }
0xd: {  	v0 =	vor.u32 $0x20, v30;
	[tilespmem:$0x1FFF0] =	vst v8;
	s26 =	simm.s32 $0x4;
	s0 =	smax.u32 s0, $0x1;
	[dreg:$0x3] =	wrdreg s31  }
0xe: {  	[tilespmem:$0x1FFC0] =	vst v0;
	s6 =	smul.u32 $0xC8, s5;
	[dreg:$0x4] =	wrdreg s0;
	s0 =	simm.s32 $0x2  }
.LBB2_12:
0xf: {  	s1 =	simm.s32 $0x5  }
0x10: {  	_ =	swait.ge [sflag:s1], $0x400  }
0x11: {  	[sflag:s1] =	ssyncset.done $0x0  }
0x12: {  	[sflag:s1] =	ssyncadd.s32 $0xFFFFFC00  }
0x13: {  	_ =	swait.ge [sflag:s1], $0x400  }
0x14: {  	[sflag:s1] =	ssyncset.done $0x0  }
0x15: {  	[sflag:s1] =	ssyncadd.s32 $0xFFFFFC00  }
0x16: {  	_ =	swait.ge [sflag:s1], $0x400  }
0x17: {  	[sflag:s1] =	ssyncset.done $0x0  }
0x18: {  	[sflag:s1] =	ssyncadd.s32 $0xFFFFFC00  }
0x19: {  	_ =	swait.ge [sflag:s1], $0x400  }
0x1a: {  	[sflag:s1] =	ssyncset.done $0x0  }
0x1b: {  	[sflag:s1] =	ssyncadd.s32 $0xFFFFFC00  }
0x1c: {  	_ =	swait.ge [sflag:s1], $0x400  }
0x1d: {  	[sflag:s1] =	ssyncset.done $0x0  }
0x1e: {  	[sflag:s1] =	ssyncadd.s32 $0xFFFFFC00  }
0x1f: {  	_ =	swait.ge [sflag:s1], $0x400  }
0x20: {  	[sflag:s1] =	ssyncset.done $0x0  }
0x21: {  	[sflag:s1] =	ssyncadd.s32 $0xFFFFFC00  }
0x22: {  	_ =	swait.ge [sflag:s1], $0x400  }
0x23: {  	[sflag:s1] =	ssyncset.done $0x0  }
0x24: {  	[sflag:s1] =	ssyncadd.s32 $0xFFFFFC00  }
0x25: {  	_ =	swait.ge [sflag:s1], $0x400  }
0x26: {  	[sflag:s1] =	ssyncset.done $0x0  }
0x27: {  	s23 =	simm.s32 $0x6;
	[sflag:s1] =	ssyncadd.s32 $0xFFFFFC00  }
0x28: {  	_ =	swait.ge [sflag:s23], $0x400  }
0x29: {  	[sflag:s23] =	ssyncset.done $0x0  }
0x2a: {  	[sflag:s23] =	ssyncadd.s32 $0xFFFFFC00  }
0x2b: {  	_ =	swait.ge [sflag:s23], $0x400  }
0x2c: {  	[sflag:s23] =	ssyncset.done $0x0  }
0x2d: {  	[sflag:s23] =	ssyncadd.s32 $0xFFFFFC00  }
0x2e: {  	_ =	swait.ge [sflag:s23], $0x400  }
0x2f: {  	[sflag:s23] =	ssyncset.done $0x0  }
0x30: {  	[sflag:s23] =	ssyncadd.s32 $0xFFFFFC00  }
0x31: {  	_ =	swait.ge [sflag:s23], $0x400  }
0x32: {  	[sflag:s23] =	ssyncset.done $0x0  }
0x33: {  	[sflag:s23] =	ssyncadd.s32 $0xFFFFFC00  }
0x34: {  	_ =	swait.ge [sflag:s23], $0x400  }
0x35: {  	[sflag:s23] =	ssyncset.done $0x0  }
0x36: {  	[sflag:s23] =	ssyncadd.s32 $0xFFFFFC00  }
0x37: {  	_ =	swait.ge [sflag:s23], $0x400  }
0x38: {  	[sflag:s23] =	ssyncset.done $0x0  }
0x39: {  	[sflag:s23] =	ssyncadd.s32 $0xFFFFFC00  }
0x3a: {  	_ =	swait.ge [sflag:s23], $0x400  }
0x3b: {  	[sflag:s23] =	ssyncset.done $0x0  }
0x3c: {  	[sflag:s23] =	ssyncadd.s32 $0xFFFFFC00  }
0x3d: {  	_ =	swait.ge [sflag:s23], $0x400  }
0x3e: {  	[sflag:s23] =	ssyncset.done $0x0  }
0x3f: {  	s25 =	simm.s32 $0x7;
	[sflag:s23] =	ssyncadd.s32 $0xFFFFFC00  }
0x40: {  	_ =	swait.ge [sflag:s25], $0x400  }
0x41: {  	[sflag:s25] =	ssyncset.done $0x0  }
0x42: {  	[sflag:s25] =	ssyncadd.s32 $0xFFFFFC00  }
0x43: {  	_ =	swait.ge [sflag:s25], $0x400  }
0x44: {  	[sflag:s25] =	ssyncset.done $0x0  }
0x45: {  	[sflag:s25] =	ssyncadd.s32 $0xFFFFFC00  }
0x46: {  	_ =	swait.ge [sflag:s25], $0x400  }
0x47: {  	[sflag:s25] =	ssyncset.done $0x0  }
0x48: {  	[sflag:s25] =	ssyncadd.s32 $0xFFFFFC00  }
0x49: {  	_ =	swait.ge [sflag:s25], $0x400  }
0x4a: {  	[sflag:s25] =	ssyncset.done $0x0  }
0x4b: {  	[sflag:s25] =	ssyncadd.s32 $0xFFFFFC00  }
0x4c: {  	_ =	swait.ge [sflag:s25], $0x400  }
0x4d: {  	[sflag:s25] =	ssyncset.done $0x0  }
0x4e: {  	[sflag:s25] =	ssyncadd.s32 $0xFFFFFC00  }
0x4f: {  	_ =	swait.ge [sflag:s25], $0x400  }
0x50: {  	[sflag:s25] =	ssyncset.done $0x0  }
0x51: {  	[sflag:s25] =	ssyncadd.s32 $0xFFFFFC00  }
0x52: {  	_ =	swait.ge [sflag:s25], $0x400  }
0x53: {  	[sflag:s25] =	ssyncset.done $0x0  }
0x54: {  	[sflag:s25] =	ssyncadd.s32 $0xFFFFFC00  }
0x55: {  	_ =	swait.ge [sflag:s25], $0x400  }
0x56: {  	[sflag:s25] =	ssyncset.done $0x0  }
0x57: {  	s5 =	simm.s32 $0x8;
	[sflag:s25] =	ssyncadd.s32 $0xFFFFFC00  }
0x58: {  	_ =	swait.ge [sflag:s5], $0x400  }
0x59: {  	[sflag:s5] =	ssyncset.done $0x0  }
0x5a: {  	[sflag:s5] =	ssyncadd.s32 $0xFFFFFC00  }
0x5b: {  	_ =	swait.ge [sflag:s5], $0x400  }
0x5c: {  	[sflag:s5] =	ssyncset.done $0x0  }
0x5d: {  	[sflag:s5] =	ssyncadd.s32 $0xFFFFFC00  }
0x5e: {  	_ =	swait.ge [sflag:s5], $0x400  }
0x5f: {  	[sflag:s5] =	ssyncset.done $0x0  }
0x60: {  	[sflag:s5] =	ssyncadd.s32 $0xFFFFFC00  }
0x61: {  	_ =	swait.ge [sflag:s5], $0x400  }
0x62: {  	[sflag:s5] =	ssyncset.done $0x0  }
0x63: {  	[sflag:s5] =	ssyncadd.s32 $0xFFFFFC00  }
0x64: {  	_ =	swait.ge [sflag:s5], $0x400  }
0x65: {  	[sflag:s5] =	ssyncset.done $0x0  }
0x66: {  	[sflag:s5] =	ssyncadd.s32 $0xFFFFFC00  }
0x67: {  	_ =	swait.ge [sflag:s5], $0x400  }
0x68: {  	[sflag:s5] =	ssyncset.done $0x0  }
0x69: {  	[sflag:s5] =	ssyncadd.s32 $0xFFFFFC00  }
0x6a: {  	_ =	swait.ge [sflag:s5], $0x400  }
0x6b: {  	[sflag:s5] =	ssyncset.done $0x0  }
0x6c: {  	[sflag:s5] =	ssyncadd.s32 $0xFFFFFC00  }
0x6d: {  	_ =	swait.ge [sflag:s5], $0x400  }
0x6e: {  	s14 =	rddreg [dreg:$0x5]  }
0x6f: {  	s31 =	rddreg [dreg:$0x4];
	s14 =	sadd.s32 $0x1, s14  }
0x70: {  	p0 =	sne.s32 s14, s31  }
.Ltmp1:
0x71: {  	_ = 	snop;
	(pc) =	sbr.rel @!p0 .LBB2_13-.Ltmp1, $3  }
0x72: {  	_ =	sdelay $0x1  }
0x73: {  	[sflag:s5] =	ssyncset.done $0x0  }
0x74: {  	v30 =	vlaneseq.u32;
	v0 =	vmov v13;
	[sflag:s5] =	ssyncadd.s32 $0xFFFFFC00  }
.LBB2_1:
0x75: {  	[dreg:$0x5] =	wrdreg s14  }
0x76: {  	s1 =	rddreg [dreg:$0x3];
	s21 =	simm.s32 $0x9  }
0x77: {  	[tilespmem:s3], [sflag:$0x9] =	stream.linear.gather [hbm4b:s1+s3], $0x6400, $0x38;
	[tilespmem:$0x16400] =	vst v63  }
0x78: {  	_ =	swait.ge [sflag:s21], $0x6400  }
0x79: {  	[sflag:s21] =	ssyncset.done $0x0  }
0x7a: {  	s23 =	simm.s32 $0x80;
	[sflag:s21] =	ssyncadd.s32 $0xFFFF9C00  }
0x7b: {  	[tilespmem:s17], [sflag:$0x1] =	stream.indirect.gather [hbm4b:s4+s23], $0x40, s3, s23, $0xb8;
	[tilespmem:$0x16400] =	vst v63  }
0x7c: {  	_ = 	snop  }
0x7d: {  	[tilespmem:s18], [sflag:$0x2] =	stream.indirect.gather [hbm4b:s4+s23], $0x40, s23, s23, $0xb8;
	[tilespmem:$0x16400] =	vst v63  }
0x7e: {  	s5 =	simm.s32 $0x100  }
0x7f: {  	[tilespmem:s20], [sflag:$0x3] =	stream.indirect.gather [hbm4b:s4+s23], $0x40, s5, s23, $0xb8;
	[tilespmem:$0x16400] =	vst v63  }
0x80: {  	s25 =	simm.s32 $0x180;
	s31 =	simm.s32 $0x0  }
0x81: {  	[tilespmem:s22], [sflag:$0x4] =	stream.indirect.gather [hbm4b:s4+s23], $0x40, s25, s23, $0xb8;
	[tilespmem:$0x16400] =	vst v63  }
.LBB2_2:
0x82: {  	s1 =	simm.s32 $0x1  }
0x83: {  	v1 =	vld [tilespmem:$0x1FF80];
	_ =	swait.ge [sflag:s1], $0x2000  }
0x84: {  	p0 =	seq.s32 s31, $0x0;
	[sflag:s1] =	ssyncset.done $0x0  }
0x85: {  	[sflag:s1] =	ssyncadd.s32 $0xFFFFE000;
	s1 =	simm.s32 @!p0 $0x5  }
0x86: {  	_ =	swait.ge @!p0 [sflag:s1], $0x400  }
0x87: {  	[sflag:s1] =	ssyncset.done @!p0 $0x0  }
0x88: {  	s21 =	simm.s32 $0x3;
	[sflag:s1] =	ssyncadd.s32 @!p0 $0xFFFFFC00  }
0x89: {  	v13 =	vadd.s32 s21, v30;
	s21 =	simm.s32 $0x7;
	_ =	swait.ge @!p0 [sflag:s1], $0x400  }
0x8a: {  	v15 =	vadd.s32 s21, v30;
	[sflag:s1] =	ssyncset.done @!p0 $0x0  }
0x8b: {  	v17 =	vand.u32 $0x7F, v15;
	[sflag:s1] =	ssyncadd.s32 @!p0 $0xFFFFFC00  }
0x8c: {  	v22 =	vshll.u32 v17, $0x6;
	_ =	swait.ge @!p0 [sflag:s1], $0x400  }
0x8d: {  	s5 =	simm.s32 $0x1;
	v2 =	vor.u32 v30, v22;
	[sflag:s1] =	ssyncset.done @!p0 $0x0  }
0x8e: {  	v10 =	vadd.s32 s5, v30;
	[tilespmem:$0x1FF60] =	vst v2;
	[sflag:s1] =	ssyncadd.s32 @!p0 $0xFFFFFC00  }
0x8f: {  	v26 =	vand.u32 $0x7F, v10;
	_ =	swait.ge @!p0 [sflag:s1], $0x400  }
0x90: {  	v63 =	vor.u32 v34, v26;
	[sflag:s1] =	ssyncset.done @!p0 $0x0  }
0x91: {  	s14 =	simm.s32 $0x2;
	s15 =	simm.s32 $0x5;
	[tilespmem:$0x1FF70] =	vst v63;
	[sflag:s1] =	ssyncadd.s32 @!p0 $0xFFFFFC00  }
0x92: {  	s16 =	simm.s32 $0x4;
	v11 =	vadd.s32 s14, v30;
	v12 =	vadd.s32 s15, v30;
	_ =	swait.ge @!p0 [sflag:s1], $0x400  }
0x93: {  	v14 =	vadd.s32 s16, v30;
	v18 =	vand.u32 $0x7F, v12;
	v16 =	vand.u32 $0x7, v10;
	[sflag:s1] =	ssyncset.done @!p0 $0x0  }
0x94: {  	v23 =	vand.u32 $0x7, v12;
	v25 =	vand.u32 $0x7F, v11;
	v31 =	vand.u32 $0x7F, v13;
	[sflag:s1] =	ssyncadd.s32 @!p0 $0xFFFFFC00  }
0x95: {  	s25 =	simm.s32 $0x0;
	v42 =	vand.u32 $0x7F, v14;
	v50 =	vand.u32 $0x7, v13;
	v52 =	vand.u32 $0x7, v14;
	_ =	swait.ge @!p0 [sflag:s1], $0x400  }
0x96: {  	v14 =	vadd.s32 s25, v30;
	v24 =	vshll.u32 v18, $0x6;
	v37 =	vshll.u32 v31, $0x6;
	[sflag:s1] =	ssyncset.done @!p0 $0x0  }
0x97: {  	v35 =	vand.u32 $0x7, v15;
	v10 =	vor.u32 v4, v25;
	v39 =	vor.u32 v4, v31;
	[sflag:s1] =	ssyncadd.s32 @!p0 $0xFFFFFC00  }
0x98: {  	v45 =	vshll.u32 v42, $0x6;
	v49 =	vor.u32 v4, v42;
	v54 =	vand.u32 $0x7F, v14;
	_ =	swait.ge @!p0 [sflag:s1], $0x400  }
0x99: {  	v19 =	vor.u32 v30, v24;
	v15 =	vor.u32 v30, v37;
	v48 =	vor.u32 v30, v45;
	[sflag:s1] =	ssyncset.done @!p0 $0x0  }
0x9a: {  	v49 =	vand.u32 $0x7F8, v49;
	v39 =	vand.u32 $0x7F8, v39;
	v12 =	vor.u32 v1, v17;
	[sflag:s1] =	ssyncadd.s32 @!p0 $0xFFFFFC00  }
0x9b: {  	v33 =	vor.u32 v1, v18;
	v36 =	vor.u32 v1, v26;
	v12 =	vand.u32 $0xFF8, v12;
	_ =	swait.ge @!p0 [sflag:s1], $0x400  }
0x9c: {  	v46 =	vor.u32 v1, v42;
	v55 =	vor.u32 v1, v31;
	v5 =	vor.u32 v35, v12;
	[sflag:s1] =	ssyncset.done @!p0 $0x0  }
0x9d: {  	v14 =	vor.u32 v1, v25;
	v39 =	vor.u32 v50, v39;
	v13 =	vand.u32 $0xFF8, v46;
	[tilespmem:$0x1FF30] =	vst v5;
	[sflag:s1] =	ssyncadd.s32 @!p0 $0xFFFFFC00  }
0x9e: {  	v53 =	vor.u32 v52, v13;
	v13 =	vor.u32 v1, v54;
	v1 =	vor.u32 v4, v18;
	v15 =	vld.idx.msk [tilespmem:v15+s17+$0x0], $0xffff  }
0x9f: {  	v49 =	vor.u32 v52, v49;
	v61 =	vand.u32 $0xFF8, v13;
	v13 =	vand.u32 $0x7F8, v1;
	v48 =	vld.idx.msk [tilespmem:v48+s17+$0x0], $0xffff  }
0xa0: {  	v29 =	vand.u32 $0x7F8, v10;
	v10 =	vor.u32 v23, v13;
	v63 =	vld.idx.msk [tilespmem:v19+s17+$0x0], $0xffff  }
0xa1: {  	s23 =	simm.s32 $0x6  }
0xa2: {  	v40 =	vadd.s32 s23, v30;
	v27 =	vor.u32 v34, v18;
	v28 =	vshll.u32 v25, $0x6  }
0xa3: {  	v32 =	vand.u32 $0x7, v11;
	v43 =	vor.u32 v4, v26;
	v21 =	vor.u32 v30, v28;
	[tilespmem:v39+s24+$0x0] =	vst.idx.msk $0xffff, v15  }
0xa4: {  	v41 =	vor.u32 v6, v37;
	v3 =	vor.u32 v62, v37;
	v62 =	vand.u32 $0x7F, v40;
	[tilespmem:v49+s24+$0x0] =	vst.idx.msk $0xffff, v48  }
0xa5: {  	v51 =	vor.u32 v8, v31;
	v9 =	vshll.u32 v54, $0x6;
	v1 =	vor.u32 v4, v62;
	[tilespmem:v10+s24+$0x0] =	vst.idx.msk $0xffff, v63  }
0xa6: {  	v38 =	vor.u32 v34, v17;
	v57 =	vor.u32 v30, v9;
	v48 =	vand.u32 $0x7F8, v1;
	v1 =	vld [tilespmem:$0x1FFB0]  }
0xa7: {  	v56 =	vor.u32 v0, v28;
	v47 =	vor.u32 v6, v24;
	v20 =	vshll.u32 v62, $0x6  }
0xa8: {  	v29 =	vor.u32 v32, v29;
	v21 =	vld.idx.msk [tilespmem:v21+s17+$0x0], $0xffff;
	v19 =	vand.u32 $0xFF8, v55;
	v15 =	vor.u32 v30, v20  }
0xa9: {  	v11 =	vshll.u32 v26, $0x6;
	v60 =	vor.u32 v4, v54;
	v2 =	vmovc v34;
	v49 =	vor.u32 v50, v19;
	v41 =	vld.idx.msk [tilespmem:v41+s17+$0x0], $0xffff  }
0xaa: {  	v46 =	vor.u32 v4, v17;
	v44 =	vor.u32 v2, v25;
	v10 =	vand.u32 $0x7F8, v60  }
0xab: {  	v17 =	vor.u32 v8, v17;
	v59 =	vand.u32 $0x1FF8, v44;
	v57 =	vld.idx.msk [tilespmem:v57+s17+$0x0], $0xffff;
	v10 =	vor.u32 v1, v10  }
0xac: {  	v44 =	vand.u32 $0xFF8, v14;
	v14 =	vor.u32 v8, v42;
	v42 =	vor.u32 v2, v42  }
0xad: {  	v19 =	vand.u32 $0x7, v40;
	v60 =	vor.u32 v6, v45;
	[tilespmem:v29+s24+$0x0] =	vst.idx.msk $0xffff, v21;
	v63 =	vld.idx.msk [tilespmem:v15+s17+$0x0], $0xffff;
	v15 =	vand.u32 $0x1FF8, v42  }
0xae: {  	v14 =	vand.u32 $0x17F8, v14;
	v48 =	vor.u32 v19, v48;
	[tilespmem:v49+s24+$0x0] =	vst.idx.msk $0xffff, v41;
	v42 =	vor.u32 v52, v15  }
0xaf: {  	v17 =	vand.u32 $0x17F8, v17;
	v14 =	vor.u32 v52, v14;
	v5 =	vmovc v0;
	v39 =	vor.u32 v30, v11;
	[tilespmem:$0x1FF40] =	vst v42  }
0xb0: {  	v52 =	vor.u32 v35, v17;
	v42 =	vor.u32 v5, v37;
	[tilespmem:v10+s24+$0x0] =	vst.idx.msk $0xffff, v57  }
0xb1: {  	v43 =	vand.u32 $0x7F8, v43;
	v27 =	vand.u32 $0x1FF8, v27;
	v33 =	vand.u32 $0xFF8, v33;
	[tilespmem:$0x1FF50] =	vst v52  }
0xb2: {  	v18 =	vor.u32 v8, v18;
	v40 =	vor.u32 v8, v54;
	v49 =	vor.u32 v2, v54;
	v54 =	vld.idx.msk [tilespmem:v60+s17+$0x0], $0xffff  }
0xb3: {  	v41 =	vor.u32 v16, v43;
	[tilespmem:v48+s24+$0x0] =	vst.idx.msk $0xffff, v63;
	v43 =	vld.idx.msk [tilespmem:v47+s17+$0x0], $0xffff;
	v48 =	vor.u32 v23, v33  }
0xb4: {  	v51 =	vand.u32 $0x17F8, v51;
	v60 =	vand.u32 $0x17F8, v18;
	v18 =	vor.u32 v23, v27;
	v27 =	vld.idx.msk [tilespmem:v39+s17+$0x0], $0xffff  }
0xb5: {  	v13 =	vor.u32 v0, v22;
	v21 =	vor.u32 v0, v45;
	v0 =	vor.u32 v50, v51;
	v42 =	vld.idx.msk [tilespmem:v42+s17+$0x0], $0xffff  }
0xb6: {  	v7 =	vld [tilespmem:$0x1FF80]  }
0xb7: {  	v63 =	vld [tilespmem:$0x1FF90];
	[tilespmem:v53+s24+$0x0] =	vst.idx.msk $0xffff, v54  }
0xb8: {  	v34 =	vor.u32 v6, v28;
	[tilespmem:v48+s24+$0x0] =	vst.idx.msk $0xffff, v43  }
0xb9: {  	v58 =	vor.u32 v6, v9;
	v26 =	vor.u32 v8, v26;
	[tilespmem:v41+s24+$0x0] =	vst.idx.msk $0xffff, v27  }
0xba: {  	v55 =	vor.u32 v6, v11;
	v29 =	vor.u32 v6, v20;
	[tilespmem:v0+s24+$0x0] =	vst.idx.msk $0xffff, v42  }
0xbb: {  	v51 =	vand.u32 $0x17F8, v40;
	v40 =	vor.u32 v6, v22;
	v27 =	vor.u32 v8, v25;
	v54 =	vld [tilespmem:$0x1FF90]  }
0xbc: {  	v17 =	vand.u32 $0xFF8, v36;
	v37 =	vor.u32 v23, v60;
	v27 =	vand.u32 $0x17F8, v27;
	v60 =	vld [tilespmem:$0x1FF60]  }
0xbd: {  	v57 =	vor.u32 v32, v44;
	v42 =	vor.u32 v32, v27;
	v27 =	vor.u32 v2, v31;
	v31 =	vld.idx.msk [tilespmem:v34+s17+$0x0], $0xffff  }
0xbe: {  	v52 =	vand.u32 $0x1FF8, v49;
	v33 =	vor.u32 v5, v9;
	v39 =	vor.u32 v16, v17  }
0xbf: {  	v17 =	vand.u32 $0x1FF8, v38;
	v38 =	vor.u32 v5, v24;
	v53 =	vand.u32 $0x7F8, v46  }
0xc0: {  	v17 =	vor.u32 v35, v17;
	v49 =	vor.u32 v7, v62;
	v53 =	vor.u32 v35, v53  }
0xc1: {  	v35 =	vor.u32 v8, v62;
	v25 =	vor.u32 v54, v9;
	v9 =	vor.u32 v2, v62;
	v62 =	vld [tilespmem:$0x1FF90]  }
0xc2: {  	v51 =	vor.u32 v1, v51;
	v44 =	vor.u32 v1, v61;
	v61 =	vand.u32 $0x17F8, v26;
	[tilespmem:v57+s24+$0x0] =	vst.idx.msk $0xffff, v31  }
0xc3: {  	v47 =	vor.u32 v16, v61;
	v23 =	vor.u32 v63, v45;
	v27 =	vand.u32 $0x1FF8, v27;
	v63 =	vld [tilespmem:$0x1FF70]  }
0xc4: {  	v36 =	vand.u32 $0xFF8, v49;
	v45 =	vor.u32 v50, v27;
	v27 =	vand.u32 $0x17F8, v35;
	v35 =	vld.idx.msk [tilespmem:v58+s17+$0x0], $0xffff  }
0xc5: {  	v43 =	vor.u32 v5, v20;
	v41 =	vor.u32 v19, v36;
	v36 =	vor.u32 v32, v59;
	v49 =	vld.idx.msk [tilespmem:v60+s17+$0x0], $0xffff  }
0xc6: {  	v48 =	vor.u32 v19, v27;
	v27 =	vor.u32 v1, v52;
	v50 =	vor.u32 v62, v28;
	v28 =	vld.idx.msk [tilespmem:v38+s17+$0x0], $0xffff  }
0xc7: {  	v54 =	vor.u32 v5, v11;
	v26 =	vor.u32 v62, v24;
	v46 =	vor.u32 v62, v22;
	v22 =	vld.idx.msk [tilespmem:v55+s17+$0x0], $0xffff  }
0xc8: {  	s5 =	simm.s32 $0x8;
	s1 =	sshll.u32 s31, $0x2;
	v52 =	vor.u32 v62, v20;
	v55 =	vld.idx.msk [tilespmem:v3+s17+$0x0], $0xffff;
	v24 =	vand.u32 $0x1FF8, v9;
	v20 =	vand.u32 $0x1FF8, v63  }
.LBB2_3:
0xc9: {  	v29 =	vld.idx.msk [tilespmem:v29+s17+$0x0], $0xffff  }
0xca: {  	v21 =	vld.idx.msk [tilespmem:v21+s17+$0x0], $0xffff  }
0xcb: {  	v63 =	vld [tilespmem:$0x1FFA0]  }
0xcc: {  	v57 =	vor.u32 v62, v11;
	v62 =	vld [tilespmem:$0x1FF80]  }
0xcd: {  	v32 =	vld [tilespmem:$0x1FF30]  }
0xce: {  	v1 =	vld [tilespmem:$0x1FFD0]  }
0xcf: {  	[tilespmem:v37+s24+$0x0] =	vst.idx.msk $0xffff, v28;
	v7 =	vld [tilespmem:$0x1FFC0]  }
0xd0: {  	s15 =	sadd.s32 $0x1, s5;
	s21 =	sadd.s32 $0x2, s5;
	v8 =	vld [tilespmem:$0x1FFF0];
	[tilespmem:v53+s24+$0x0] =	vst.idx.msk $0xffff, v49  }
0xd1: {  	s25 =	sadd.s32 $0x3, s5;
	s23 =	sadd.s32 $0x4, s5;
	v11 =	vadd.s32 s15, v30;
	v34 =	vadd.s32 s21, v30;
	v61 =	vld.idx.msk [tilespmem:v26+s17+$0x0], $0xffff;
	[tilespmem:v44+s24+$0x0] =	vst.idx.msk $0xffff, v35  }
0xd2: {  	v19 =	vor.u32 v19, v24;
	s14 =	smov.u32 s5;
	v58 =	vadd.s32 s25, v30;
	s25 =	sadd.s32 $0x5, s5;
	v59 =	vadd.s32 s23, v30;
	v10 =	vld.idx.msk [tilespmem:v56+s17+$0x0], $0xffff;
	[tilespmem:v39+s24+$0x0] =	vst.idx.msk $0xffff, v22  }
0xd3: {  	s23 =	sadd.s32 $0x7, s14;
	v31 =	vadd.s32 s25, v30;
	v15 =	vand.u32 $0x7F, v59;
	[tilespmem:v45+s24+$0x0] =	vst.idx.msk $0xffff, v55;
	v55 =	vand.u32 $0x7, v59;
	v59 =	vld [tilespmem:$0x1FF40]  }
0xd4: {  	v4 =	vand.u32 $0x7, v11;
	v38 =	vadd.s32 s23, v30;
	v3 =	vand.u32 $0x7F, v31;
	v24 =	vld.idx.msk [tilespmem:v40+s17+$0x0], $0xffff;
	[tilespmem:v41+s24+$0x0] =	vst.idx.msk $0xffff, v29  }
0xd5: {  	v26 =	vand.u32 $0x7F, v11;
	v28 =	vand.u32 $0x7, v31;
	v0 =	vor.u32 v63, v3;
	v11 =	vld.idx.msk [tilespmem:v33+s17+$0x0], $0xffff;
	[tilespmem:v14+s24+$0x0] =	vst.idx.msk $0xffff, v21  }
0xd6: {  	v31 =	vand.u32 $0x7, v38;
	v40 =	vand.u32 $0x7F, v34;
	v37 =	vor.u32 v63, v26;
	v12 =	vld.idx.msk [tilespmem:v54+s17+$0x0], $0xffff;
	[tilespmem:$0x1FEF0] =	vst v0  }
0xd7: {  	v53 =	vand.u32 $0x7F, v38;
	v38 =	vand.u32 $0x7, v34;
	v34 =	vld [tilespmem:$0x1FF90];
	[tilespmem:$0x1FF10] =	vst v37;
	v37 =	vshll.u32 v40, $0x6  }
0xd8: {  	v41 =	vld.idx.msk [tilespmem:v43+s17+$0x0], $0xffff;
	[tilespmem:v18+s24+$0x0] =	vst.idx.msk $0xffff, v61;
	v56 =	vor.u32 v7, v37  }
0xd9: {  	v49 =	vor.u32 v16, v20;
	v20 =	vshll.u32 v3, $0x6;
	[tilespmem:$0x1FF00] =	vst v56;
	v56 =	vld [tilespmem:$0x1FF50]  }
0xda: {  	v60 =	vor.u32 v30, v20;
	v14 =	vld.idx.msk [tilespmem:v23+s17+$0x0], $0xffff;
	[tilespmem:v32+s24+$0x0] =	vst.idx.msk $0xffff, v24  }
0xdb: {  	v44 =	vor.u32 v62, v3;
	v39 =	vor.u32 v62, v26;
	[tilespmem:v47+s24+$0x0] =	vst.idx.msk $0xffff, v12;
	v47 =	vld [tilespmem:$0x1FF80]  }
0xdc: {  	v33 =	vor.u32 v62, v53;
	[tilespmem:v42+s24+$0x0] =	vst.idx.msk $0xffff, v10;
	v32 =	vand.u32 $0x7F, v58;
	v13 =	vld.idx.msk [tilespmem:v13+s17+$0x0], $0xffff  }
0xdd: {  	v10 =	vor.u32 v1, v40;
	[tilespmem:v51+s24+$0x0] =	vst.idx.msk $0xffff, v11;
	v50 =	vld.idx.msk [tilespmem:v50+s17+$0x0], $0xffff;
	v62 =	vshll.u32 v32, $0x6  }
0xde: {  	v33 =	vand.u32 $0xFF8, v33;
	v5 =	vand.u32 $0x7F8, v10;
	[tilespmem:v48+s24+$0x0] =	vst.idx.msk $0xffff, v41;
	v25 =	vld.idx.msk [tilespmem:v25+s17+$0x0], $0xffff;
	v29 =	vor.u32 v30, v62  }
0xdf: {  	v10 =	vor.u32 v1, v26;
	v2 =	vor.u32 v1, v32;
	v0 =	vor.u32 v34, v62;
	v41 =	vld.idx.msk [tilespmem:v52+s17+$0x0], $0xffff  }
0xe0: {  	v12 =	vshll.u32 v15, $0x6;
	v34 =	vor.u32 v8, v32;
	[tilespmem:v59+s24+$0x0] =	vst.idx.msk $0xffff, v14;
	v59 =	vld [tilespmem:$0x1FF80];
	v16 =	vor.u32 v47, v15  }
0xe1: {  	v2 =	vand.u32 $0x7F8, v2;
	[tilespmem:v56+s24+$0x0] =	vst.idx.msk $0xffff, v13;
	v16 =	vand.u32 $0xFF8, v16;
	v56 =	vand.u32 $0x17F8, v34;
	v34 =	vld [tilespmem:$0x1FF80]  }
0xe2: {  	v47 =	vand.u32 $0x7, v58;
	v13 =	vor.u32 v30, v12;
	v45 =	vor.u32 v55, v16;
	v16 =	vld.idx.msk [tilespmem:v46+s17+$0x0], $0xffff  }
0xe3: {  	s16 =	sadd.s32 $0x6, s5;
	v23 =	vor.u32 v6, v62;
	[tilespmem:v27+s24+$0x0] =	vst.idx.msk $0xffff, v25;
	v25 =	vor.u32 v47, v2;
	v29 =	vld.idx.msk [tilespmem:v29+s17+$0x0], $0xffff  }
0xe4: {  	v21 =	vadd.s32 s16, v30;
	v14 =	vadd.s32 s14, v30;
	[tilespmem:v36+s24+$0x0] =	vst.idx.msk $0xffff, v50;
	v36 =	vor.u32 v31, v33;
	v33 =	vld.idx.msk [tilespmem:v57+s17+$0x0], $0xffff  }
0xe5: {  	[tilespmem:$0x1FF20] =	vst v0;
	v0 =	vor.u32 v1, v15;
	v58 =	vor.u32 v1, v53;
	v46 =	vand.u32 $0x7F, v14  }
0xe6: {  	v48 =	vand.u32 $0x7F8, v0;
	[tilespmem:v19+s24+$0x0] =	vst.idx.msk $0xffff, v41;
	v41 =	vor.u32 v1, v3;
	v18 =	vor.u32 v1, v46  }
0xe7: {  	v50 =	vor.u32 v34, v32;
	v34 =	vor.u32 v59, v40;
	v59 =	vld.idx.msk [tilespmem:v13+s17+$0x0], $0xffff;
	[tilespmem:v17+s24+$0x0] =	vst.idx.msk $0xffff, v16  }
0xe8: {  	v0 =	vand.u32 $0x7F, v21;
	v17 =	vor.u32 v55, v48;
	v48 =	vld.idx.msk [tilespmem:v60+s17+$0x0], $0xffff;
	[tilespmem:v25+s24+$0x0] =	vst.idx.msk $0xffff, v29;
	v25 =	vand.u32 $0x7F8, v41  }
0xe9: {  	[tilespmem:v49+s24+$0x0] =	vst.idx.msk $0xffff, v33;
	v49 =	vor.u32 v1, v0;
	v1 =	vld.idx.msk [tilespmem:v23+s17+$0x0], $0xffff;
	v23 =	vor.u32 v28, v25  }
0xea: {  	v52 =	vld [tilespmem:$0x1FF80]  }
0xeb: {  	v22 =	vshll.u32 v53, $0x6;
	v54 =	vor.u32 v30, v37  }
0xec: {  	v11 =	vshll.u32 v26, $0x6;
	v25 =	vand.u32 $0x7F8, v49;
	v49 =	vor.u32 v8, v53  }
0xed: {  	v27 =	vor.u32 v30, v11;
	v19 =	vor.u32 v8, v15;
	[tilespmem:v17+s24+$0x0] =	vst.idx.msk $0xffff, v59;
	v17 =	vand.u32 $0x17F8, v49  }
0xee: {  	v15 =	vor.u32 v63, v15;
	v57 =	vshll.u32 v46, $0x6;
	v17 =	vor.u32 v31, v17;
	[tilespmem:v23+s24+$0x0] =	vst.idx.msk $0xffff, v48  }
0xef: {  	v14 =	vor.u32 v52, v46;
	v15 =	vand.u32 $0x1FF8, v15;
	v23 =	vld [tilespmem:$0x1FF90];
	[tilespmem:$0x1FF50] =	vst v17;
	v17 =	vor.u32 v63, v46  }
0xf0: {  	v15 =	vor.u32 v55, v15;
	v59 =	vand.u32 $0x1FF8, v17;
	v17 =	vor.u32 v38, v5;
	v5 =	vld [tilespmem:$0x1FF80]  }
0xf1: {  	v19 =	vand.u32 $0x17F8, v19;
	v61 =	vand.u32 $0xFF8, v14;
	[tilespmem:$0x1FF40] =	vst v15;
	v15 =	vand.u32 $0xFF8, v39  }
0xf2: {  	v13 =	vor.u32 v30, v57;
	v39 =	vor.u32 v4, v15;
	v14 =	vand.u32 $0xFF8, v34  }
0xf3: {  	v34 =	vor.u32 v55, v19;
	v19 =	vand.u32 $0x7, v21;
	v16 =	vor.u32 v6, v12  }
0xf4: {  	v21 =	vor.u32 v7, v12;
	v15 =	vand.u32 $0xFF8, v50;
	v23 =	vor.u32 v23, v12  }
0xf5: {  	v12 =	vor.u32 v38, v14;
	v14 =	vor.u32 v47, v15;
	v15 =	vor.u32 v5, v0;
	v5 =	vld [tilespmem:$0x1FFB0]  }
0xf6: {  	v9 =	vor.u32 v6, v20;
	v35 =	vor.u32 v30, v22;
	v54 =	vld.idx.msk [tilespmem:v54+s17+$0x0], $0xffff;
	v52 =	vshll.u32 v0, $0x6  }
0xf7: {  	v43 =	vor.u32 v6, v37;
	v60 =	vor.u32 v8, v46;
	v46 =	vld.idx.msk [tilespmem:v27+s17+$0x0], $0xffff;
	v27 =	vor.u32 v30, v52  }
0xf8: {  	v42 =	vor.u32 v63, v53;
	v51 =	vor.u32 v63, v40;
	v10 =	vand.u32 $0x7F8, v10  }
0xf9: {  	v24 =	vor.u32 v6, v11;
	v10 =	vor.u32 v4, v10;
	[tilespmem:$0x1FF30] =	vst v36;
	v18 =	vand.u32 $0x7F8, v18;
	v50 =	vld [tilespmem:$0x1FEF0]  }
0xfa: {  	v2 =	vor.u32 v7, v22;
	v36 =	vor.u32 v6, v57;
	v13 =	vld.idx.msk [tilespmem:v13+s17+$0x0], $0xffff;
	v18 =	vor.u32 v5, v18  }
0xfb: {  	v33 =	vor.u32 v7, v57;
	v29 =	vor.u32 v6, v52;
	v48 =	vor.u32 v19, v25;
	v25 =	vld [tilespmem:$0x1FF90]  }
0xfc: {  	v55 =	vor.u32 v47, v56;
	v27 =	vld.idx.msk [tilespmem:v27+s17+$0x0], $0xffff;
	[tilespmem:v17+s24+$0x0] =	vst.idx.msk $0xffff, v54;
	v15 =	vand.u32 $0xFF8, v15  }
0xfd: {  	v17 =	vand.u32 $0xFF8, v44;
	v41 =	vor.u32 v19, v15;
	v15 =	vand.u32 $0x17F8, v60;
	v60 =	vld.idx.msk [tilespmem:v43+s17+$0x0], $0xffff  }
0xfe: {  	v53 =	vor.u32 v7, v62;
	v9 =	vld.idx.msk [tilespmem:v9+s17+$0x0], $0xffff;
	v44 =	vor.u32 v5, v61;
	v61 =	vor.u32 v28, v17  }
0xff: {  	v56 =	vor.u32 v8, v0;
	v62 =	vor.u32 v7, v20;
	[tilespmem:v18+s24+$0x0] =	vst.idx.msk $0xffff, v13;
	v18 =	vld [tilespmem:$0x1FF90]  }
0x100: {  	v58 =	vand.u32 $0x7F8, v58;
	v25 =	vor.u32 v25, v57;
	v0 =	vor.u32 v63, v0;
	[tilespmem:v14+s24+$0x0] =	vst.idx.msk $0xffff, v1  }
0x101: {  	v16 =	vld.idx.msk [tilespmem:v16+s17+$0x0], $0xffff;
	v54 =	vor.u32 v7, v11;
	v43 =	vor.u32 v7, v52;
	[tilespmem:v48+s24+$0x0] =	vst.idx.msk $0xffff, v27  }
0x102: {  	v7 =	vor.u32 v8, v3;
	v1 =	vand.u32 $0x1FF8, v50;
	[tilespmem:v12+s24+$0x0] =	vst.idx.msk $0xffff, v60;
	v12 =	vor.u32 v63, v32;
	v63 =	vld [tilespmem:$0x1FF20]  }
0x103: {  	v3 =	vand.u32 $0x17F8, v7;
	v14 =	vld.idx.msk [tilespmem:v53+s17+$0x0], $0xffff;
	v53 =	vand.u32 $0x17F8, v56;
	v17 =	vor.u32 v8, v40;
	[tilespmem:v61+s24+$0x0] =	vst.idx.msk $0xffff, v9  }
0x104: {  	v50 =	vor.u32 v18, v37;
	v18 =	vor.u32 v28, v1;
	v37 =	vor.u32 v28, v3;
	v28 =	vld.idx.msk [tilespmem:v62+s17+$0x0], $0xffff  }
0x105: {  	v40 =	vor.u32 v6, v22;
	v48 =	vor.u32 v19, v53;
	v27 =	vor.u32 v5, v59;
	v62 =	vld [tilespmem:$0x1FF90]  }
0x106: {  	p1 =	slt.u32 s5, $0x78;
	[tilespmem:v45+s24+$0x0] =	vst.idx.msk $0xffff, v16;
	v53 =	vor.u32 v31, v58;
	v59 =	vor.u32 v8, v26;
	v12 =	vand.u32 $0x1FF8, v12;
	v61 =	vld [tilespmem:$0x1FF10]  }
.Ltmp2:
0x107: {  	v49 =	vld.idx.msk [tilespmem:v35+s17+$0x0], $0xffff;
	[tilespmem:v10+s24+$0x0] =	vst.idx.msk $0xffff, v46;
	v45 =	vor.u32 v47, v12;
	v13 =	vand.u32 $0x17F8, v17;
	v17 =	vand.u32 $0x1FF8, v42;
	(pc) =	sbr.rel @p1 .LBB2_3-.Ltmp2, $4  }
0x108: {  	v51 =	vand.u32 $0x1FF8, v51;
	v56 =	vld [tilespmem:$0x1FF00];
	[tilespmem:v55+s24+$0x0] =	vst.idx.msk $0xffff, v14;
	v42 =	vor.u32 v38, v13;
	v17 =	vor.u32 v31, v17  }
0x109: {  	v16 =	vmovc v4;
	v35 =	vld.idx.msk [tilespmem:v36+s17+$0x0], $0xffff;
	v36 =	vor.u32 v38, v51;
	v51 =	vor.u32 v5, v15;
	v1 =	vand.u32 $0x17F8, v59  }
0x10a: {  	v55 =	vld.idx.msk [tilespmem:v63+s17+$0x0], $0xffff;
	v47 =	vor.u32 v4, v1;
	v26 =	vor.u32 v62, v20;
	v46 =	vor.u32 v62, v22  }
0x10b: {  	s5 =	sadd.s32 $0x8, s5;
	v14 =	vmovc v34;
	v13 =	vmovc v2;
	v22 =	vld.idx.msk [tilespmem:v24+s17+$0x0], $0xffff;
	v52 =	vor.u32 v62, v52;
	v20 =	vand.u32 $0x1FF8, v61;
	v24 =	vand.u32 $0x1FF8, v0  }
0x10c: {  	_ =	sdelay $0x3  }
0x10d: {  	v0 =	vld.idx.msk [tilespmem:v29+s17+$0x0], $0xffff  }
0x10e: {  	[tilespmem:v53+s24+$0x0] =	vst.idx.msk $0xffff, v49  }
0x10f: {  	[tilespmem:v37+s24+$0x0] =	vst.idx.msk $0xffff, v28  }
0x110: {  	v9 =	vld.idx.msk [tilespmem:v21+s17+$0x0], $0xffff;
	[tilespmem:v44+s24+$0x0] =	vst.idx.msk $0xffff, v35  }
0x111: {  	v2 =	vld.idx.msk [tilespmem:v56+s17+$0x0], $0xffff;
	[tilespmem:v39+s24+$0x0] =	vst.idx.msk $0xffff, v22  }
0x112: {  	v10 =	vld.idx.msk [tilespmem:v33+s17+$0x0], $0xffff;
	[tilespmem:v41+s24+$0x0] =	vst.idx.msk $0xffff, v0  }
0x113: {  	v0 =	vld [tilespmem:$0x1FF30]  }
0x114: {  	v12 =	vld.idx.msk [tilespmem:v54+s17+$0x0], $0xffff  }
0x115: {  	v43 =	vld.idx.msk [tilespmem:v43+s17+$0x0], $0xffff  }
0x116: {  	v1 =	vld.idx.msk [tilespmem:v40+s17+$0x0], $0xffff;
	[tilespmem:v42+s24+$0x0] =	vst.idx.msk $0xffff, v2  }
0x117: {  	[tilespmem:v14+s24+$0x0] =	vst.idx.msk $0xffff, v9  }
0x118: {  	[tilespmem:v51+s24+$0x0] =	vst.idx.msk $0xffff, v10  }
0x119: {  	[tilespmem:v47+s24+$0x0] =	vst.idx.msk $0xffff, v12  }
0x11a: {  	[tilespmem:v48+s24+$0x0] =	vst.idx.msk $0xffff, v43  }
0x11b: {  	[tilespmem:v0+s24+$0x0] =	vst.idx.msk $0xffff, v1  }
0x11c: {  	v3 =	vld [tilespmem:$0x1FF50];
	_ =	sdelay $0x2  }
0x11d: {  	v1 =	vld.idx.msk [tilespmem:v13+s17+$0x0], $0xffff;
	_ =	sdelay $0x1  }
0x11e: {  	v9 =	vor.u32 v62, v11;
	v11 =	vld.idx.msk [tilespmem:v26+s17+$0x0], $0xffff  }
0x11f: {  	v10 =	vld.idx.msk [tilespmem:v50+s17+$0x0], $0xffff  }
0x120: {  	v12 =	vld.idx.msk [tilespmem:v25+s17+$0x0], $0xffff;
	[tilespmem:v45+s24+$0x0] =	vst.idx.msk $0xffff, v55  }
0x121: {  	v49 =	vor.u32 v19, v24;
	v50 =	vld.idx.msk [tilespmem:v52+s17+$0x0], $0xffff;
	[tilespmem:v3+s24+$0x0] =	vst.idx.msk $0xffff, v1  }
0x122: {  	v3 =	vld [tilespmem:$0x1FF40]  }
0x123: {  	v9 =	vld.idx.msk [tilespmem:v9+s17+$0x0], $0xffff;
	v13 =	vor.u32 v16, v20  }
0x124: {  	v51 =	vld.idx.msk [tilespmem:v46+s17+$0x0], $0xffff;
	[tilespmem:v36+s24+$0x0] =	vst.idx.msk $0xffff, v10  }
0x125: {  	v44 =	vld.idx.msk [tilespmem:v23+s17+$0x0], $0xffff;
	[tilespmem:v18+s24+$0x0] =	vst.idx.msk $0xffff, v11  }
0x126: {  	s5 =	sadd.s32 s6, s1;
	[tilespmem:v49+s24+$0x0] =	vst.idx.msk $0xffff, v50  }
0x127: {  	s14 =	sshll.u32 s5, $0xA;
	s5 =	sshll.u32 s5, $0x7;
	[tilespmem:v27+s24+$0x0] =	vst.idx.msk $0xffff, v12  }
0x128: {  	s14 =	sand.u32 $0xFFE0000, s14;
	s5 =	sand.u32 $0x3E00, s5;
	[tilespmem:v13+s24+$0x0] =	vst.idx.msk $0xffff, v9  }
0x129: {  	s5 =	sor.u32 s5, s14;
	[tilespmem:v17+s24+$0x0] =	vst.idx.msk $0xffff, v51  }
0x12a: {  	s14 =	sadd.s32 s2, s5;
	[tilespmem:v3+s24+$0x0] =	vst.idx.msk $0xffff, v44  }
0x12b: {  	[hbm4b:s14+s3] =	stream.linear.scatter [tilespmem:s24], [sflag:$0x5], $0x400, $0x38;
	[tilespmem:$0x16400] =	vst v63  }
0x12c: {  	s15 =	simm.s32 $0xE800;
	s21 =	sadd.s32 s5, s7  }
0x12d: {  	[hbm4b:s21+s3] =	stream.linear.scatter [tilespmem:s15], [sflag:$0x5], $0x400, $0x38;
	[tilespmem:$0x16400] =	vst v63  }
0x12e: {  	s25 =	simm.s32 $0xEC00;
	s23 =	sadd.s32 s5, s8  }
0x12f: {  	[hbm4b:s23+s3] =	stream.linear.scatter [tilespmem:s25], [sflag:$0x5], $0x400, $0x38;
	[tilespmem:$0x16400] =	vst v63  }
0x130: {  	s16 =	sadd.s32 s5, s9;
	s21 =	simm.s32 $0xF000  }
0x131: {  	[hbm4b:s16+s3] =	stream.linear.scatter [tilespmem:s21], [sflag:$0x5], $0x400, $0x38;
	[tilespmem:$0x16400] =	vst v63  }
0x132: {  	s23 =	sadd.s32 s5, s10;
	s25 =	simm.s32 $0xF400  }
0x133: {  	[hbm4b:s23+s3] =	stream.linear.scatter [tilespmem:s25], [sflag:$0x5], $0x400, $0x38;
	[tilespmem:$0x16400] =	vst v63  }
0x134: {  	s15 =	sadd.s32 s5, s11;
	s16 =	simm.s32 $0xF800  }
0x135: {  	[hbm4b:s15+s3] =	stream.linear.scatter [tilespmem:s16], [sflag:$0x5], $0x400, $0x38;
	[tilespmem:$0x16400] =	vst v63  }
0x136: {  	s21 =	sadd.s32 s5, s12;
	s23 =	simm.s32 $0xFC00  }
0x137: {  	[hbm4b:s21+s3] =	stream.linear.scatter [tilespmem:s23], [sflag:$0x5], $0x400, $0x38;
	[tilespmem:$0x16400] =	vst v63  }
0x138: {  	p1 =	seq.s32 s31, $0x31;
	s5 =	sadd.s32 s5, s13;
	s25 =	simm.s32 $0x10000  }
0x139: {  	[hbm4b:s5+s3] =	stream.linear.scatter [tilespmem:s25], [sflag:$0x5], $0x400, $0x38;
	[tilespmem:$0x16400] =	vst v63  }
0x13a: {  	s5 =	sshll.u32 @!p1 s31, $0x9  }
0x13b: {  	s21 =	sand.u32 @!p1 $0x3FFFFE00, s5  }
0x13c: {  	s14 =	simm.s32 @!p1 $0x80;
	s15 =	simm.s32 @!p1 $0x6400;
	s5 =	sadd.s32 @!p1 $0x200, s21  }
0x13d: {  	[tilespmem:s15], [sflag:$0x1] =	stream.indirect.gather @!p1 [hbm4b:s4+s14], $0x40, s5, s14, $0xb8;
	[tilespmem:$0x16400] =	vst v63  }
0x13e: {  	_ =	swait.ge [sflag:s0], $0x2000  }
0x13f: {  	[sflag:s0] =	ssyncset.done $0x0  }
0x140: {  	s5 =	simm.s32 @!p0 $0x6;
	[sflag:s0] =	ssyncadd.s32 $0xFFFFE000  }
0x141: {  	_ =	swait.ge @!p0 [sflag:s5], $0x400  }
0x142: {  	[sflag:s5] =	ssyncset.done @!p0 $0x0  }
0x143: {  	[sflag:s5] =	ssyncadd.s32 @!p0 $0xFFFFFC00  }
0x144: {  	_ =	swait.ge @!p0 [sflag:s5], $0x400  }
0x145: {  	[sflag:s5] =	ssyncset.done @!p0 $0x0  }
0x146: {  	[sflag:s5] =	ssyncadd.s32 @!p0 $0xFFFFFC00  }
0x147: {  	s16 =	simm.s32 $0x2;
	_ =	swait.ge @!p0 [sflag:s5], $0x400  }
0x148: {  	v53 =	vadd.s32 s16, v30;
	s16 =	simm.s32 $0x7;
	[sflag:s5] =	ssyncset.done @!p0 $0x0  }
0x149: {  	s23 =	simm.s32 $0x3;
	v10 =	vadd.s32 s16, v30;
	v25 =	vand.u32 $0x7F, v53;
	v32 =	vand.u32 $0x7, v53;
	v34 =	vld [tilespmem:$0x1FFA0];
	[sflag:s5] =	ssyncadd.s32 @!p0 $0xFFFFFC00  }
0x14a: {  	v12 =	vadd.s32 s23, v30;
	v2 =	vand.u32 $0x7F, v10;
	v28 =	vshll.u32 v25, $0x6;
	v63 =	vld [tilespmem:$0x1FF80];
	_ =	swait.ge @!p0 [sflag:s5], $0x400  }
0x14b: {  	v35 =	vand.u32 $0x7, v10;
	s25 =	simm.s32 $0x5;
	v22 =	vshll.u32 v2, $0x6;
	v31 =	vand.u32 $0x7F, v12;
	[sflag:s5] =	ssyncset.done @!p0 $0x0  }
0x14c: {  	v16 =	vor.u32 v30, v28;
	v47 =	vand.u32 $0x7, v12;
	v60 =	vadd.s32 s25, v30;
	s25 =	simm.s32 $0x4;
	[sflag:s5] =	ssyncadd.s32 @!p0 $0xFFFFFC00  }
0x14d: {  	v27 =	vor.u32 v30, v22;
	v36 =	vshll.u32 v31, $0x6;
	v13 =	vadd.s32 s25, v30;
	v4 =	vld [tilespmem:$0x1FFD0];
	_ =	swait.ge @!p0 [sflag:s5], $0x400  }
0x14e: {  	v17 =	vand.u32 $0x7F, v60;
	v23 =	vand.u32 $0x7, v60;
	v19 =	vor.u32 v30, v36;
	v7 =	vld [tilespmem:$0x1FFC0]  }
0x14f: {  	v37 =	vor.u32 v6, v36;
	v3 =	vor.u32 v62, v36;
	s25 =	simm.s32 $0x0;
	v20 =	vshll.u32 v17, $0x6  }
0x150: {  	s15 =	simm.s32 $0x1;
	v39 =	vand.u32 $0x7F, v13;
	v49 =	vand.u32 $0x7, v13;
	v13 =	vadd.s32 s25, v30  }
0x151: {  	v52 =	vadd.s32 s15, v30;
	v14 =	vor.u32 v30, v20;
	v42 =	vshll.u32 v39, $0x6  }
0x152: {  	v44 =	vor.u32 v6, v20;
	v51 =	vand.u32 $0x7F, v13;
	v56 =	vand.u32 $0x7, v52  }
0x153: {  	v26 =	vand.u32 $0x7F, v52;
	v54 =	vshll.u32 v51, $0x6;
	[sflag:s5] =	ssyncset.done @!p0 $0x0;
	v5 =	vor.u32 v7, v28  }
0x154: {  	v58 =	vor.u32 v30, v42;
	v11 =	vshll.u32 v26, $0x6;
	v53 =	vor.u32 v30, v54;
	[sflag:s5] =	ssyncadd.s32 @!p0 $0xFFFFFC00;
	[tilespmem:$0x1FED0] =	vst v5  }
0x155: {  	v55 =	vor.u32 v6, v54;
	v18 =	vor.u32 v34, v17;
	v0 =	vor.u32 v63, v17;
	_ =	swait.ge @!p0 [sflag:s5], $0x400  }
0x156: {  	v33 =	vor.u32 v63, v26;
	v15 =	vor.u32 v63, v2;
	v24 =	vor.u32 v34, v26;
	[sflag:s5] =	ssyncset.done @!p0 $0x0  }
0x157: {  	v38 =	vor.u32 v34, v2;
	v61 =	vor.u32 v34, v25;
	v57 =	vor.u32 v63, v39;
	[sflag:s5] =	ssyncadd.s32 @!p0 $0xFFFFFC00  }
0x158: {  	v52 =	vor.u32 v63, v31;
	v13 =	vor.u32 v63, v51;
	v15 =	vand.u32 $0xFF8, v15;
	_ =	swait.ge @!p0 [sflag:s5], $0x400  }
0x159: {  	v12 =	vand.u32 $0xFF8, v57;
	v9 =	vand.u32 $0x1FF8, v61;
	v0 =	vand.u32 $0xFF8, v0;
	[sflag:s5] =	ssyncset.done @!p0 $0x0  }
0x15a: {  	v18 =	vand.u32 $0x1FF8, v18;
	v50 =	vor.u32 v49, v12;
	v12 =	vor.u32 v30, v11;
	v8 =	vld [tilespmem:$0x1FFF0];
	[sflag:s5] =	ssyncadd.s32 @!p0 $0xFFFFFC00  }
0x15b: {  	v0 =	vor.u32 v23, v0;
	v18 =	vor.u32 v23, v18;
	v10 =	vor.u32 v4, v25;
	_ =	swait.ge @!p0 [sflag:s5], $0x400  }
0x15c: {  	v29 =	vor.u32 v4, v31;
	v59 =	vor.u32 v4, v39;
	v5 =	vor.u32 v35, v15;
	[sflag:s5] =	ssyncset.done @!p0 $0x0  }
0x15d: {  	v61 =	vor.u32 v4, v17;
	v46 =	vand.u32 $0x7F8, v59;
	v29 =	vand.u32 $0x7F8, v29;
	[tilespmem:$0x1FEE0] =	vst v5;
	[sflag:s5] =	ssyncadd.s32 @!p0 $0xFFFFFC00  }
0x15e: {  	v29 =	vor.u32 v47, v29;
	v46 =	vor.u32 v49, v46;
	v15 =	vor.u32 v63, v25;
	v19 =	vld.idx.msk [tilespmem:v19+s18+$0x0], $0xffff  }
0x15f: {  	v60 =	vor.u32 v8, v31;
	v45 =	vld.idx.msk [tilespmem:v58+s18+$0x0], $0xffff;
	v58 =	vand.u32 $0xFF8, v13;
	v13 =	vand.u32 $0x7F8, v61  }
0x160: {  	v41 =	vand.u32 $0xFF8, v15;
	v15 =	vld.idx.msk [tilespmem:v14+s18+$0x0], $0xffff;
	v48 =	vand.u32 $0x17F8, v60;
	v60 =	vor.u32 v23, v13  }
0x161: {  	v40 =	vor.u32 v4, v26;
	v43 =	vor.u32 v4, v2;
	v57 =	vor.u32 v4, v51  }
0x162: {  	s23 =	simm.s32 $0x6;
	v21 =	vand.u32 $0x7F8, v10;
	v10 =	vor.u32 v6, v28;
	v40 =	vand.u32 $0x7F8, v40  }
0x163: {  	v1 =	vadd.s32 s23, v30;
	v21 =	vor.u32 v32, v21;
	v40 =	vor.u32 v56, v40;
	[tilespmem:v29+s19+$0x0] =	vst.idx.msk $0xffff, v19  }
0x164: {  	v59 =	vand.u32 $0x7F, v1;
	v36 =	vor.u32 v7, v36;
	v14 =	vor.u32 v8, v39;
	[tilespmem:v46+s19+$0x0] =	vst.idx.msk $0xffff, v45  }
0x165: {  	v61 =	vshll.u32 v59, $0x6;
	v2 =	vor.u32 v8, v2;
	v17 =	vor.u32 v8, v17;
	[tilespmem:v60+s19+$0x0] =	vst.idx.msk $0xffff, v15  }
0x166: {  	v31 =	vor.u32 v34, v31;
	v26 =	vor.u32 v8, v26;
	v13 =	vor.u32 v7, v22;
	v5 =	vld [tilespmem:$0x1FFB0]  }
0x167: {  	v16 =	vld.idx.msk [tilespmem:v16+s18+$0x0], $0xffff;
	v14 =	vand.u32 $0x17F8, v14;
	v2 =	vand.u32 $0x17F8, v2;
	v29 =	vor.u32 v30, v61  }
0x168: {  	v14 =	vor.u32 v49, v14;
	v48 =	vor.u32 v47, v48;
	v19 =	vand.u32 $0xFF8, v52  }
0x169: {  	v45 =	vor.u32 v4, v59;
	v37 =	vld.idx.msk [tilespmem:v37+s18+$0x0], $0xffff;
	v46 =	vor.u32 v47, v19;
	v19 =	vand.u32 $0x7, v1  }
0x16a: {  	v1 =	vor.u32 v8, v51;
	v15 =	vand.u32 $0x7F8, v57;
	v57 =	vor.u32 v6, v42;
	v44 =	vld.idx.msk [tilespmem:v44+s18+$0x0], $0xffff  }
0x16b: {  	v53 =	vld.idx.msk [tilespmem:v53+s18+$0x0], $0xffff;
	v45 =	vand.u32 $0x7F8, v45;
	v51 =	vor.u32 v34, v51;
	v60 =	vor.u32 v5, v15  }
0x16c: {  	[tilespmem:v21+s19+$0x0] =	vst.idx.msk $0xffff, v16;
	v15 =	vor.u32 v34, v39;
	v39 =	vor.u32 v19, v45;
	v45 =	vld.idx.msk [tilespmem:v29+s18+$0x0], $0xffff  }
0x16d: {  	v16 =	vor.u32 v35, v2;
	v2 =	vand.u32 $0x1FF8, v51;
	v51 =	vor.u32 v32, v41;
	v10 =	vld.idx.msk [tilespmem:v10+s18+$0x0], $0xffff  }
0x16e: {  	v17 =	vand.u32 $0x17F8, v17;
	v52 =	vor.u32 v6, v11;
	v21 =	vor.u32 v7, v42;
	[tilespmem:v46+s19+$0x0] =	vst.idx.msk $0xffff, v37  }
0x16f: {  	v37 =	vor.u32 v23, v17;
	v23 =	vor.u32 v62, v42;
	v36 =	vld.idx.msk [tilespmem:v36+s18+$0x0], $0xffff;
	[tilespmem:v0+s19+$0x0] =	vst.idx.msk $0xffff, v44  }
0x170: {  	v1 =	vand.u32 $0x17F8, v1;
	v17 =	vand.u32 $0x1FF8, v38;
	v46 =	vor.u32 v62, v22;
	[tilespmem:v60+s19+$0x0] =	vst.idx.msk $0xffff, v53;
	v60 =	vld.idx.msk [tilespmem:v57+s18+$0x0], $0xffff  }
0x171: {  	v29 =	vor.u32 v6, v61;
	v17 =	vor.u32 v35, v17;
	[tilespmem:v39+s19+$0x0] =	vst.idx.msk $0xffff, v45;
	v45 =	vld.idx.msk [tilespmem:v12+s18+$0x0], $0xffff  }
0x172: {  	v44 =	vor.u32 v5, v58;
	v15 =	vand.u32 $0x1FF8, v15;
	[tilespmem:v51+s19+$0x0] =	vst.idx.msk $0xffff, v10;
	v51 =	vor.u32 v5, v1  }
0x173: {  	v15 =	vor.u32 v49, v15;
	v53 =	vand.u32 $0xFF8, v33;
	v33 =	vor.u32 v7, v54  }
0x174: {  	v57 =	vor.u32 v63, v59;
	v63 =	vor.u32 v7, v20;
	[tilespmem:v48+s19+$0x0] =	vst.idx.msk $0xffff, v36  }
0x175: {  	v31 =	vand.u32 $0x1FF8, v31;
	v36 =	vor.u32 v32, v9;
	v39 =	vor.u32 v56, v53;
	[tilespmem:v50+s19+$0x0] =	vst.idx.msk $0xffff, v60  }
0x176: {  	v60 =	vand.u32 $0x7F8, v43;
	v50 =	vand.u32 $0xFF8, v57;
	[tilespmem:v40+s19+$0x0] =	vst.idx.msk $0xffff, v45;
	v57 =	vor.u32 v8, v25  }
0x177: {  	v43 =	vor.u32 v7, v61;
	v25 =	vor.u32 v62, v54;
	v54 =	vor.u32 v7, v11  }
0x178: {  	v45 =	vor.u32 v47, v31;
	v40 =	vor.u32 v6, v22;
	v53 =	vor.u32 v35, v60  }
0x179: {  	v49 =	vld.idx.msk [tilespmem:v27+s18+$0x0], $0xffff;
	v35 =	vor.u32 v8, v59;
	v41 =	vor.u32 v19, v50;
	v58 =	vand.u32 $0x17F8, v57  }
0x17a: {  	v60 =	vor.u32 v34, v59;
	v50 =	vor.u32 v62, v28;
	v28 =	vld.idx.msk [tilespmem:v63+s18+$0x0], $0xffff;
	v63 =	vand.u32 $0x17F8, v26  }
0x17b: {  	v26 =	vor.u32 v62, v20;
	v22 =	vld.idx.msk [tilespmem:v52+s18+$0x0], $0xffff;
	v52 =	vor.u32 v62, v61;
	v20 =	vand.u32 $0x1FF8, v24  }
0x17c: {  	v42 =	vor.u32 v32, v58;
	v27 =	vand.u32 $0x17F8, v35;
	v35 =	vld.idx.msk [tilespmem:v55+s18+$0x0], $0xffff;
	v47 =	vor.u32 v56, v63  }
0x17d: {  	s14 =	simm.s32 $0x8;
	s5 =	sor.u32 $0x1, s1;
	v55 =	vld.idx.msk [tilespmem:v3+s18+$0x0], $0xffff;
	v24 =	vand.u32 $0x1FF8, v60;
	v48 =	vor.u32 v19, v27;
	v27 =	vor.u32 v5, v2  }
.LBB2_5:
0x17e: {  	_ = 	snop  }
0x17f: {  	v1 =	vld [tilespmem:$0x1FED0]  }
0x180: {  	s23 =	sadd.s32 $0x3, s14;
	v5 =	vld [tilespmem:$0x1FF80]  }
0x181: {  	s25 =	sadd.s32 $0x1, s14;
	[tilespmem:v53+s19+$0x0] =	vst.idx.msk $0xffff, v49;
	s15 =	smov.u32 s14;
	v29 =	vld.idx.msk [tilespmem:v29+s18+$0x0], $0xffff;
	v57 =	vadd.s32 s23, v30;
	s23 =	sadd.s32 $0x5, s14  }
0x182: {  	v19 =	vor.u32 v19, v24;
	[tilespmem:v37+s19+$0x0] =	vst.idx.msk $0xffff, v28;
	v21 =	vld.idx.msk [tilespmem:v21+s18+$0x0], $0xffff;
	v2 =	vadd.s32 s25, v30;
	v24 =	vadd.s32 s23, v30;
	s23 =	sadd.s32 $0x7, s15  }
0x183: {  	v49 =	vor.u32 v56, v20;
	[tilespmem:v44+s19+$0x0] =	vst.idx.msk $0xffff, v35;
	v60 =	vld.idx.msk [tilespmem:v26+s18+$0x0], $0xffff;
	v56 =	vand.u32 $0x7, v2;
	v31 =	vadd.s32 s23, v30  }
0x184: {  	v26 =	vand.u32 $0x7F, v2;
	v2 =	vld.idx.msk [tilespmem:v33+s18+$0x0], $0xffff;
	v4 =	vand.u32 $0x7F, v24;
	v53 =	vand.u32 $0x7F, v31;
	[tilespmem:v39+s19+$0x0] =	vst.idx.msk $0xffff, v22  }
0x185: {  	v44 =	vor.u32 v5, v4;
	v39 =	vor.u32 v5, v26;
	v33 =	vor.u32 v5, v53;
	v5 =	vld [tilespmem:$0x1FEE0]  }
0x186: {  	v7 =	vld [tilespmem:$0x1FFC0]  }
0x187: {  	v9 =	vld [tilespmem:$0x1FF90]  }
0x188: {  	v10 =	vld.idx.msk [tilespmem:v40+s18+$0x0], $0xffff;
	v3 =	vor.u32 v34, v26  }
0x189: {  	s16 =	sadd.s32 $0x2, s14;
	[tilespmem:$0x1FEB0] =	vst v3;
	v3 =	vld [tilespmem:$0x1FFD0]  }
0x18a: {  	v0 =	vor.u32 v62, v11;
	v11 =	vadd.s32 s16, v30;
	v12 =	vld.idx.msk [tilespmem:v54+s18+$0x0], $0xffff;
	[tilespmem:v41+s19+$0x0] =	vst.idx.msk $0xffff, v29  }
0x18b: {  	v40 =	vand.u32 $0x7F, v11;
	[tilespmem:v14+s19+$0x0] =	vst.idx.msk $0xffff, v21;
	v41 =	vld.idx.msk [tilespmem:v43+s18+$0x0], $0xffff  }
0x18c: {  	s16 =	sadd.s32 $0x4, s14;
	v32 =	vand.u32 $0x7F, v57;
	v37 =	vshll.u32 v40, $0x6;
	[tilespmem:v51+s19+$0x0] =	vst.idx.msk $0xffff, v2;
	v1 =	vld.idx.msk [tilespmem:v1+s18+$0x0], $0xffff  }
0x18d: {  	v58 =	vadd.s32 s16, v30;
	v54 =	vshll.u32 v32, $0x6;
	v2 =	vld.idx.msk [tilespmem:v23+s18+$0x0], $0xffff;
	[tilespmem:v5+s19+$0x0] =	vst.idx.msk $0xffff, v10;
	v5 =	vor.u32 v7, v37  }
0x18e: {  	v38 =	vand.u32 $0x7, v11;
	v28 =	vand.u32 $0x7, v24;
	[tilespmem:$0x1FED0] =	vst v5;
	v5 =	vor.u32 v9, v54;
	v9 =	vld [tilespmem:$0x1FF80]  }
0x18f: {  	v8 =	vld [tilespmem:$0x1FFF0];
	v63 =	vor.u32 v34, v40;
	v20 =	vshll.u32 v4, $0x6;
	v35 =	vor.u32 v34, v4;
	[tilespmem:v47+s19+$0x0] =	vst.idx.msk $0xffff, v12  }
0x190: {  	v31 =	vand.u32 $0x7, v31;
	v59 =	vor.u32 v30, v20;
	v22 =	vshll.u32 v53, $0x6;
	[tilespmem:v48+s19+$0x0] =	vst.idx.msk $0xffff, v41;
	v0 =	vld.idx.msk [tilespmem:v0+s18+$0x0], $0xffff  }
0x191: {  	v24 =	vor.u32 v30, v22;
	[tilespmem:v42+s19+$0x0] =	vst.idx.msk $0xffff, v1;
	v10 =	vor.u32 v3, v40;
	v13 =	vld.idx.msk [tilespmem:v13+s18+$0x0], $0xffff  }
0x192: {  	v29 =	vor.u32 v30, v54;
	[tilespmem:v15+s19+$0x0] =	vst.idx.msk $0xffff, v2;
	v61 =	vand.u32 $0x7F8, v10;
	v14 =	vld.idx.msk [tilespmem:v50+s18+$0x0], $0xffff;
	v10 =	vand.u32 $0x7F, v58  }
0x193: {  	v33 =	vand.u32 $0xFF8, v33;
	[tilespmem:$0x1FEC0] =	vst v5;
	v5 =	vor.u32 v3, v53;
	v12 =	vor.u32 v9, v10;
	v9 =	vld [tilespmem:$0x1FF80]  }
0x194: {  	s25 =	sadd.s32 $0x6, s14;
	v11 =	vshll.u32 v26, $0x6;
	v43 =	vor.u32 v6, v37;
	v41 =	vld.idx.msk [tilespmem:v52+s18+$0x0], $0xffff;
	[tilespmem:$0x1FEA0] =	vst v5;
	v5 =	vor.u32 v31, v33  }
0x195: {  	v21 =	vadd.s32 s25, v30;
	v23 =	vor.u32 v6, v54;
	v25 =	vld.idx.msk [tilespmem:v25+s18+$0x0], $0xffff;
	v62 =	vor.u32 v3, v32;
	[tilespmem:$0x1FEE0] =	vst v5  }
0x196: {  	v47 =	vand.u32 $0x7, v57;
	v57 =	vor.u32 v8, v32;
	v1 =	vor.u32 v30, v37;
	v5 =	vld [tilespmem:$0x1FFA0];
	[tilespmem:v16+s19+$0x0] =	vst.idx.msk $0xffff, v13  }
0x197: {  	v48 =	vand.u32 $0x7, v58;
	v42 =	vor.u32 v34, v53;
	v34 =	vshll.u32 v10, $0x6;
	[tilespmem:v36+s19+$0x0] =	vst.idx.msk $0xffff, v14;
	v14 =	vld.idx.msk [tilespmem:v46+s18+$0x0], $0xffff  }
0x198: {  	v58 =	vadd.s32 s15, v30;
	[tilespmem:v49+s19+$0x0] =	vst.idx.msk $0xffff, v0;
	v13 =	vor.u32 v30, v34;
	v46 =	vor.u32 v9, v32;
	v9 =	vld [tilespmem:$0x1FF80]  }
0x199: {  	v50 =	vor.u32 v3, v26;
	v2 =	vand.u32 $0x7F, v58;
	v49 =	vld [tilespmem:$0x1FFE0];
	[tilespmem:v19+s19+$0x0] =	vst.idx.msk $0xffff, v41;
	v19 =	vand.u32 $0x7F8, v62  }
0x19a: {  	[tilespmem:v27+s19+$0x0] =	vst.idx.msk $0xffff, v25;
	v58 =	vshll.u32 v2, $0x6;
	v41 =	vand.u32 $0x7F8, v50;
	v50 =	vld [tilespmem:$0x1FFE0];
	v25 =	vor.u32 v47, v19  }
0x19b: {  	v19 =	vor.u32 v8, v10;
	v16 =	vor.u32 v3, v10;
	v12 =	vand.u32 $0xFF8, v12;
	v1 =	vld.idx.msk [tilespmem:v1+s18+$0x0], $0xffff  }
0x19c: {  	[tilespmem:v45+s19+$0x0] =	vst.idx.msk $0xffff, v55;
	v16 =	vand.u32 $0x7F8, v16;
	v45 =	vor.u32 v48, v12;
	v10 =	vor.u32 v5, v10;
	v5 =	vld [tilespmem:$0x1FFA0]  }
0x19d: {  	v16 =	vor.u32 v48, v16;
	v12 =	vld.idx.msk [tilespmem:v13+s18+$0x0], $0xffff;
	v13 =	vor.u32 v30, v58;
	v15 =	vor.u32 v9, v2  }
0x19e: {  	[tilespmem:v18+s19+$0x0] =	vst.idx.msk $0xffff, v60;
	v51 =	vor.u32 v6, v20;
	v55 =	vand.u32 $0x17F8, v57;
	v60 =	vand.u32 $0xFF8, v15;
	v15 =	vld.idx.msk [tilespmem:v29+s18+$0x0], $0xffff  }
0x19f: {  	v18 =	vor.u32 v3, v2;
	v62 =	vand.u32 $0x7F, v21;
	v0 =	vor.u32 v49, v11;
	v49 =	vld [tilespmem:$0x1FFE0]  }
0x1a0: {  	v27 =	vor.u32 v30, v11;
	v18 =	vand.u32 $0x7F8, v18;
	v52 =	vshll.u32 v62, $0x6;
	[tilespmem:v17+s19+$0x0] =	vst.idx.msk $0xffff, v14;
	v17 =	vld.idx.msk [tilespmem:v59+s18+$0x0], $0xffff  }
0x1a1: {  	v33 =	vor.u32 v3, v62;
	v36 =	vand.u32 $0x1FF8, v63;
	v50 =	vor.u32 v50, v34;
	v9 =	vld [tilespmem:$0x1FF80]  }
0x1a2: {  	v19 =	vand.u32 $0x17F8, v19;
	v10 =	vand.u32 $0x1FF8, v10;
	v13 =	vld.idx.msk [tilespmem:v13+s18+$0x0], $0xffff;
	[tilespmem:v16+s19+$0x0] =	vst.idx.msk $0xffff, v12;
	v29 =	vor.u32 v3, v4  }
0x1a3: {  	v59 =	vor.u32 v8, v2;
	v2 =	vor.u32 v5, v2;
	v5 =	vld [tilespmem:$0x1FF80];
	[tilespmem:v25+s19+$0x0] =	vst.idx.msk $0xffff, v15;
	v15 =	vand.u32 $0x7F8, v29  }
0x1a4: {  	v3 =	vor.u32 v48, v10;
	v10 =	vand.u32 $0xFF8, v39;
	v14 =	vld.idx.msk [tilespmem:v23+s18+$0x0], $0xffff;
	v23 =	vor.u32 v28, v15  }
0x1a5: {  	v39 =	vor.u32 v56, v10;
	v10 =	vand.u32 $0xFF8, v46;
	v29 =	vor.u32 v49, v52;
	v49 =	vld.idx.msk [tilespmem:v24+s18+$0x0], $0xffff  }
0x1a6: {  	v15 =	vor.u32 v8, v53;
	v53 =	vor.u32 v7, v54;
	v54 =	vor.u32 v38, v61;
	v61 =	vld [tilespmem:$0x1FFB0]  }
0x1a7: {  	v57 =	vor.u32 v9, v40;
	v24 =	vor.u32 v47, v55;
	v55 =	vld.idx.msk [tilespmem:v50+s18+$0x0], $0xffff;
	v12 =	vand.u32 $0x17F8, v15  }
0x1a8: {  	v63 =	vand.u32 $0xFF8, v57;
	v16 =	vor.u32 v31, v12;
	v12 =	vld.idx.msk [tilespmem:v27+s18+$0x0], $0xffff;
	v27 =	vor.u32 v30, v52  }
0x1a9: {  	v57 =	vor.u32 v48, v19;
	v19 =	vand.u32 $0x7, v21;
	v25 =	vand.u32 $0x7F8, v33;
	[tilespmem:v23+s19+$0x0] =	vst.idx.msk $0xffff, v17;
	v23 =	vld [tilespmem:$0x1FF90]  }
0x1aa: {  	v10 =	vor.u32 v47, v10;
	v17 =	vor.u32 v19, v25;
	v25 =	vor.u32 v5, v62;
	v5 =	vld [tilespmem:$0x1FFA0]  }
0x1ab: {  	v9 =	vor.u32 v6, v58;
	v18 =	vor.u32 v61, v18;
	[tilespmem:v54+s19+$0x0] =	vst.idx.msk $0xffff, v1;
	v46 =	vld.idx.msk [tilespmem:v51+s18+$0x0], $0xffff  }
0x1ac: {  	v15 =	vor.u32 v56, v41;
	v41 =	vand.u32 $0xFF8, v44;
	v44 =	vor.u32 v61, v60;
	v60 =	vld.idx.msk [tilespmem:v43+s18+$0x0], $0xffff  }
0x1ad: {  	v36 =	vor.u32 v38, v36;
	v6 =	vor.u32 v7, v22;
	v25 =	vand.u32 $0xFF8, v25;
	v27 =	vld.idx.msk [tilespmem:v27+s18+$0x0], $0xffff  }
0x1ae: {  	v21 =	vor.u32 v7, v34;
	v1 =	vor.u32 v28, v41;
	v41 =	vor.u32 v19, v25;
	v25 =	vld [tilespmem:$0x1FF90]  }
0x1af: {  	v48 =	vor.u32 v8, v62;
	[tilespmem:v10+s19+$0x0] =	vst.idx.msk $0xffff, v14;
	v14 =	vor.u32 v5, v62;
	v62 =	vld [tilespmem:$0x1FF90]  }
0x1b0: {  	v23 =	vor.u32 v23, v34;
	v34 =	vor.u32 v38, v63;
	[tilespmem:v18+s19+$0x0] =	vst.idx.msk $0xffff, v13;
	v13 =	vmov v6;
	v6 =	vld [tilespmem:$0x1FFE0]  }
0x1b1: {  	v40 =	vor.u32 v8, v40;
	v10 =	vand.u32 $0x1FF8, v35;
	v51 =	vor.u32 v7, v20;
	v35 =	vld.idx.msk [tilespmem:v9+s18+$0x0], $0xffff  }
0x1b2: {  	v33 =	vor.u32 v7, v58;
	v54 =	vor.u32 v7, v11;
	v9 =	vor.u32 v8, v4;
	v4 =	vld [tilespmem:$0x1FEA0]  }
0x1b3: {  	v59 =	vand.u32 $0x17F8, v59;
	v63 =	vand.u32 $0x1FF8, v42;
	[tilespmem:v1+s19+$0x0] =	vst.idx.msk $0xffff, v46;
	v25 =	vor.u32 v25, v58;
	v58 =	vld.idx.msk [tilespmem:v53+s18+$0x0], $0xffff  }
0x1b4: {  	v2 =	vand.u32 $0x1FF8, v2;
	v43 =	vor.u32 v7, v52;
	[tilespmem:v17+s19+$0x0] =	vst.idx.msk $0xffff, v27;
	v17 =	vor.u32 v31, v63;
	v63 =	vld [tilespmem:$0x1FEC0]  }
0x1b5: {  	v5 =	vand.u32 $0x17F8, v40;
	v18 =	vor.u32 v28, v10;
	v9 =	vand.u32 $0x17F8, v9;
	[tilespmem:v34+s19+$0x0] =	vst.idx.msk $0xffff, v60;
	v34 =	vld [tilespmem:$0x1FFA0]  }
0x1b6: {  	v42 =	vor.u32 v38, v5;
	v50 =	vor.u32 v62, v37;
	v37 =	vor.u32 v28, v9;
	v28 =	vld.idx.msk [tilespmem:v51+s18+$0x0], $0xffff  }
0x1b7: {  	p2 =	slt.u32 s14, $0x78;
	v27 =	vor.u32 v61, v2;
	v40 =	vor.u32 v6, v22;
	v51 =	vor.u32 v61, v59;
	v61 =	vld [tilespmem:$0x1FEB0]  }
.Ltmp3:
0x1b8: {  	[tilespmem:v45+s19+$0x0] =	vst.idx.msk $0xffff, v55;
	v9 =	vand.u32 $0x17F8, v48;
	v60 =	vor.u32 v8, v26;
	v26 =	vor.u32 v62, v20;
	(pc) =	sbr.rel @p2 .LBB2_5-.Ltmp3, $4  }
0x1b9: {  	v46 =	vor.u32 v62, v22;
	v52 =	vor.u32 v62, v52;
	v48 =	vor.u32 v19, v9  }
0x1ba: {  	[tilespmem:v15+s19+$0x0] =	vst.idx.msk $0xffff, v12;
	v15 =	vmovc v3;
	v9 =	vand.u32 $0x7F8, v4;
	v1 =	vand.u32 $0x17F8, v60;
	v10 =	vor.u32 v34, v32  }
0x1bb: {  	v22 =	vld.idx.msk [tilespmem:v0+s18+$0x0], $0xffff;
	v53 =	vor.u32 v31, v9;
	[tilespmem:v24+s19+$0x0] =	vst.idx.msk $0xffff, v58;
	v24 =	vand.u32 $0x1FF8, v14;
	v45 =	vand.u32 $0x1FF8, v10  }
0x1bc: {  	s14 =	sadd.s32 $0x8, s14;
	v14 =	vmovc v57;
	v20 =	vand.u32 $0x1FF8, v61;
	v55 =	vld.idx.msk [tilespmem:v63+s18+$0x0], $0xffff;
	v45 =	vor.u32 v47, v45;
	v47 =	vor.u32 v56, v1  }
0x1bd: {  	_ =	sdelay $0x3  }
0x1be: {  	v0 =	vld.idx.msk [tilespmem:v29+s18+$0x0], $0xffff  }
0x1bf: {  	[tilespmem:v53+s19+$0x0] =	vst.idx.msk $0xffff, v49  }
0x1c0: {  	v2 =	vld [tilespmem:$0x1FED0];
	[tilespmem:v37+s19+$0x0] =	vst.idx.msk $0xffff, v28  }
0x1c1: {  	[tilespmem:v44+s19+$0x0] =	vst.idx.msk $0xffff, v35  }
0x1c2: {  	[tilespmem:v39+s19+$0x0] =	vst.idx.msk $0xffff, v22  }
0x1c3: {  	[tilespmem:v41+s19+$0x0] =	vst.idx.msk $0xffff, v0  }
0x1c4: {  	v0 =	vld [tilespmem:$0x1FEE0]  }
0x1c5: {  	v9 =	vld.idx.msk [tilespmem:v21+s18+$0x0], $0xffff;
	_ =	sdelay $0x1  }
0x1c6: {  	v1 =	vld.idx.msk [tilespmem:v40+s18+$0x0], $0xffff  }
0x1c7: {  	v10 =	vld.idx.msk [tilespmem:v33+s18+$0x0], $0xffff  }
0x1c8: {  	v12 =	vld.idx.msk [tilespmem:v54+s18+$0x0], $0xffff  }
0x1c9: {  	[tilespmem:v14+s19+$0x0] =	vst.idx.msk $0xffff, v9;
	v2 =	vld.idx.msk [tilespmem:v2+s18+$0x0], $0xffff  }
0x1ca: {  	v43 =	vld.idx.msk [tilespmem:v43+s18+$0x0], $0xffff;
	[tilespmem:v45+s19+$0x0] =	vst.idx.msk $0xffff, v55  }
0x1cb: {  	v9 =	vor.u32 v62, v11;
	v11 =	vld.idx.msk [tilespmem:v26+s18+$0x0], $0xffff;
	[tilespmem:v0+s19+$0x0] =	vst.idx.msk $0xffff, v1  }
0x1cc: {  	[tilespmem:v51+s19+$0x0] =	vst.idx.msk $0xffff, v10;
	v1 =	vld.idx.msk [tilespmem:v13+s18+$0x0], $0xffff  }
0x1cd: {  	v44 =	vld.idx.msk [tilespmem:v23+s18+$0x0], $0xffff;
	[tilespmem:v47+s19+$0x0] =	vst.idx.msk $0xffff, v12  }
0x1ce: {  	v12 =	vld.idx.msk [tilespmem:v25+s18+$0x0], $0xffff;
	[tilespmem:v42+s19+$0x0] =	vst.idx.msk $0xffff, v2  }
0x1cf: {  	[tilespmem:v48+s19+$0x0] =	vst.idx.msk $0xffff, v43;
	v10 =	vld.idx.msk [tilespmem:v50+s18+$0x0], $0xffff  }
0x1d0: {  	v49 =	vor.u32 v19, v24;
	[tilespmem:v18+s19+$0x0] =	vst.idx.msk $0xffff, v11;
	v50 =	vld.idx.msk [tilespmem:v52+s18+$0x0], $0xffff  }
0x1d1: {  	v9 =	vld.idx.msk [tilespmem:v9+s18+$0x0], $0xffff;
	v13 =	vor.u32 v56, v20;
	[tilespmem:v16+s19+$0x0] =	vst.idx.msk $0xffff, v1  }
0x1d2: {  	[tilespmem:v15+s19+$0x0] =	vst.idx.msk $0xffff, v44;
	v51 =	vld.idx.msk [tilespmem:v46+s18+$0x0], $0xffff  }
0x1d3: {  	s5 =	sadd.s32 s6, s5;
	[tilespmem:v27+s19+$0x0] =	vst.idx.msk $0xffff, v12  }
0x1d4: {  	s14 =	sshll.u32 s5, $0xA;
	s5 =	sshll.u32 s5, $0x7;
	[tilespmem:v36+s19+$0x0] =	vst.idx.msk $0xffff, v10  }
0x1d5: {  	s14 =	sand.u32 $0xFFE0000, s14;
	s5 =	sand.u32 $0x3E80, s5;
	[tilespmem:v49+s19+$0x0] =	vst.idx.msk $0xffff, v50  }
0x1d6: {  	s5 =	sor.u32 s5, s14;
	[tilespmem:v13+s19+$0x0] =	vst.idx.msk $0xffff, v9  }
0x1d7: {  	s14 =	sadd.s32 s2, s5;
	[tilespmem:v17+s19+$0x0] =	vst.idx.msk $0xffff, v51  }
0x1d8: {  	[hbm4b:s14+s3] =	stream.linear.scatter [tilespmem:s19], [sflag:$0x6], $0x400, $0x38;
	[tilespmem:$0x16400] =	vst v63  }
0x1d9: {  	s15 =	simm.s32 $0x10800;
	s16 =	sadd.s32 s5, s7  }
0x1da: {  	[hbm4b:s16+s3] =	stream.linear.scatter [tilespmem:s15], [sflag:$0x6], $0x400, $0x38;
	[tilespmem:$0x16400] =	vst v63  }
0x1db: {  	s25 =	simm.s32 $0x10C00;
	s23 =	sadd.s32 s5, s8  }
0x1dc: {  	[hbm4b:s23+s3] =	stream.linear.scatter [tilespmem:s25], [sflag:$0x6], $0x400, $0x38;
	[tilespmem:$0x16400] =	vst v63  }
0x1dd: {  	s15 =	sadd.s32 s5, s9;
	s16 =	simm.s32 $0x11000  }
0x1de: {  	[hbm4b:s15+s3] =	stream.linear.scatter [tilespmem:s16], [sflag:$0x6], $0x400, $0x38;
	[tilespmem:$0x16400] =	vst v63  }
0x1df: {  	s23 =	sadd.s32 s5, s10;
	s25 =	simm.s32 $0x11400  }
0x1e0: {  	[hbm4b:s23+s3] =	stream.linear.scatter [tilespmem:s25], [sflag:$0x6], $0x400, $0x38;
	[tilespmem:$0x16400] =	vst v63  }
0x1e1: {  	s15 =	sadd.s32 s5, s11;
	s16 =	simm.s32 $0x11800  }
0x1e2: {  	[hbm4b:s15+s3] =	stream.linear.scatter [tilespmem:s16], [sflag:$0x6], $0x400, $0x38;
	[tilespmem:$0x16400] =	vst v63  }
0x1e3: {  	s23 =	sadd.s32 s5, s12;
	s25 =	simm.s32 $0x11C00  }
0x1e4: {  	[hbm4b:s23+s3] =	stream.linear.scatter [tilespmem:s25], [sflag:$0x6], $0x400, $0x38;
	[tilespmem:$0x16400] =	vst v63  }
0x1e5: {  	s5 =	sadd.s32 s5, s13;
	s16 =	simm.s32 $0x12000  }
0x1e6: {  	[hbm4b:s5+s3] =	stream.linear.scatter [tilespmem:s16], [sflag:$0x6], $0x400, $0x38;
	[tilespmem:$0x16400] =	vst v63  }
0x1e7: {  	s14 =	simm.s32 @!p1 $0x80;
	s15 =	simm.s32 @!p1 $0x8400;
	s5 =	sadd.s32 @!p1 $0x280, s21  }
0x1e8: {  	[tilespmem:s15], [sflag:$0x2] =	stream.indirect.gather @!p1 [hbm4b:s4+s14], $0x40, s5, s14, $0xb8;
	[tilespmem:$0x16400] =	vst v63  }
0x1e9: {  	_ =	swait.ge [sflag:s29], $0x2000  }
0x1ea: {  	[sflag:s29] =	ssyncset.done $0x0  }
0x1eb: {  	s5 =	simm.s32 @!p0 $0x7;
	[sflag:s29] =	ssyncadd.s32 $0xFFFFE000  }
0x1ec: {  	_ =	swait.ge @!p0 [sflag:s5], $0x400  }
0x1ed: {  	[sflag:s5] =	ssyncset.done @!p0 $0x0  }
0x1ee: {  	[sflag:s5] =	ssyncadd.s32 @!p0 $0xFFFFFC00  }
0x1ef: {  	_ =	swait.ge @!p0 [sflag:s5], $0x400  }
0x1f0: {  	[sflag:s5] =	ssyncset.done @!p0 $0x0  }
0x1f1: {  	[sflag:s5] =	ssyncadd.s32 @!p0 $0xFFFFFC00  }
0x1f2: {  	s23 =	simm.s32 $0x1;
	s25 =	simm.s32 $0x2;
	_ =	swait.ge @!p0 [sflag:s5], $0x400  }
0x1f3: {  	v52 =	vadd.s32 s23, v30;
	v53 =	vadd.s32 s25, v30;
	s23 =	simm.s32 $0x3;
	s25 =	simm.s32 $0x4;
	[sflag:s5] =	ssyncset.done @!p0 $0x0  }
0x1f4: {  	v12 =	vadd.s32 s23, v30;
	v13 =	vadd.s32 s25, v30;
	[sflag:s5] =	ssyncadd.s32 @!p0 $0xFFFFFC00  }
0x1f5: {  	s16 =	simm.s32 $0x5;
	v56 =	vand.u32 $0x7, v52;
	v26 =	vand.u32 $0x7F, v52;
	v25 =	vand.u32 $0x7F, v53;
	v63 =	vld [tilespmem:$0x1FF80];
	_ =	swait.ge @!p0 [sflag:s5], $0x400  }
0x1f6: {  	v32 =	vand.u32 $0x7, v53;
	v60 =	vadd.s32 s16, v30;
	v28 =	vshll.u32 v25, $0x6;
	[sflag:s5] =	ssyncset.done @!p0 $0x0  }
0x1f7: {  	v24 =	vor.u32 v34, v26;
	v31 =	vand.u32 $0x7F, v12;
	v11 =	vshll.u32 v26, $0x6;
	[sflag:s5] =	ssyncadd.s32 @!p0 $0xFFFFFC00  }
0x1f8: {  	s25 =	simm.s32 $0x0;
	v39 =	vand.u32 $0x7F, v13;
	v61 =	vor.u32 v34, v25;
	v47 =	vand.u32 $0x7, v12;
	v4 =	vld [tilespmem:$0x1FFD0];
	_ =	swait.ge @!p0 [sflag:s5], $0x400  }
0x1f9: {  	s16 =	simm.s32 $0x7;
	v49 =	vand.u32 $0x7, v13;
	v13 =	vadd.s32 s25, v30;
	v17 =	vand.u32 $0x7F, v60;
	v7 =	vld [tilespmem:$0x1FFC0]  }
0x1fa: {  	v10 =	vadd.s32 s16, v30;
	v23 =	vand.u32 $0x7, v60;
	v16 =	vor.u32 v30, v28  }
0x1fb: {  	v36 =	vshll.u32 v31, $0x6;
	v42 =	vshll.u32 v39, $0x6;
	v51 =	vand.u32 $0x7F, v13  }
0x1fc: {  	v9 =	vand.u32 $0x1FF8, v61;
	v20 =	vshll.u32 v17, $0x6;
	v2 =	vand.u32 $0x7F, v10  }
0x1fd: {  	v18 =	vor.u32 v34, v17;
	v35 =	vand.u32 $0x7, v10;
	v19 =	vor.u32 v30, v36  }
0x1fe: {  	v37 =	vor.u32 v6, v36;
	v3 =	vor.u32 v62, v36;
	[sflag:s5] =	ssyncset.done @!p0 $0x0;
	v5 =	vor.u32 v7, v28  }
0x1ff: {  	v58 =	vor.u32 v30, v42;
	v54 =	vshll.u32 v51, $0x6;
	v14 =	vor.u32 v30, v20;
	[sflag:s5] =	ssyncadd.s32 @!p0 $0xFFFFFC00;
	[tilespmem:$0x1FE80] =	vst v5  }
0x200: {  	v22 =	vshll.u32 v2, $0x6;
	v38 =	vor.u32 v34, v2;
	v44 =	vor.u32 v6, v20;
	_ =	swait.ge @!p0 [sflag:s5], $0x400  }
0x201: {  	v53 =	vor.u32 v30, v54;
	v55 =	vor.u32 v6, v54;
	v18 =	vand.u32 $0x1FF8, v18;
	[sflag:s5] =	ssyncset.done @!p0 $0x0  }
0x202: {  	v27 =	vor.u32 v30, v22;
	v18 =	vor.u32 v23, v18;
	v0 =	vor.u32 v63, v17;
	[sflag:s5] =	ssyncadd.s32 @!p0 $0xFFFFFC00  }
0x203: {  	v33 =	vor.u32 v63, v26;
	v15 =	vor.u32 v63, v2;
	v57 =	vor.u32 v63, v39;
	_ =	swait.ge @!p0 [sflag:s5], $0x400  }
0x204: {  	v52 =	vor.u32 v63, v31;
	v13 =	vor.u32 v63, v51;
	v12 =	vand.u32 $0xFF8, v57;
	[sflag:s5] =	ssyncset.done @!p0 $0x0  }
0x205: {  	v15 =	vand.u32 $0xFF8, v15;
	v0 =	vand.u32 $0xFF8, v0;
	v50 =	vor.u32 v49, v12;
	v8 =	vld [tilespmem:$0x1FFF0];
	[sflag:s5] =	ssyncadd.s32 @!p0 $0xFFFFFC00  }
0x206: {  	v12 =	vor.u32 v30, v11;
	v0 =	vor.u32 v23, v0;
	v10 =	vor.u32 v4, v25;
	_ =	swait.ge @!p0 [sflag:s5], $0x400  }
0x207: {  	v29 =	vor.u32 v4, v31;
	v59 =	vor.u32 v4, v39;
	v5 =	vor.u32 v35, v15;
	[sflag:s5] =	ssyncset.done @!p0 $0x0  }
0x208: {  	v61 =	vor.u32 v4, v17;
	v46 =	vand.u32 $0x7F8, v59;
	v29 =	vand.u32 $0x7F8, v29;
	[tilespmem:$0x1FE90] =	vst v5;
	[sflag:s5] =	ssyncadd.s32 @!p0 $0xFFFFFC00  }
0x209: {  	v29 =	vor.u32 v47, v29;
	v46 =	vor.u32 v49, v46;
	v15 =	vor.u32 v63, v25;
	v19 =	vld.idx.msk [tilespmem:v19+s20+$0x0], $0xffff  }
0x20a: {  	v60 =	vor.u32 v8, v31;
	v45 =	vld.idx.msk [tilespmem:v58+s20+$0x0], $0xffff;
	v58 =	vand.u32 $0xFF8, v13;
	v13 =	vand.u32 $0x7F8, v61  }
0x20b: {  	v41 =	vand.u32 $0xFF8, v15;
	v15 =	vld.idx.msk [tilespmem:v14+s20+$0x0], $0xffff;
	v48 =	vand.u32 $0x17F8, v60;
	v60 =	vor.u32 v23, v13  }
0x20c: {  	v40 =	vor.u32 v4, v26;
	v43 =	vor.u32 v4, v2;
	v57 =	vor.u32 v4, v51  }
0x20d: {  	s23 =	simm.s32 $0x6;
	v21 =	vand.u32 $0x7F8, v10;
	v10 =	vor.u32 v6, v28;
	v40 =	vand.u32 $0x7F8, v40  }
0x20e: {  	v1 =	vadd.s32 s23, v30;
	v21 =	vor.u32 v32, v21;
	v40 =	vor.u32 v56, v40;
	[tilespmem:v29+s30+$0x0] =	vst.idx.msk $0xffff, v19  }
0x20f: {  	v59 =	vand.u32 $0x7F, v1;
	v36 =	vor.u32 v7, v36;
	v14 =	vor.u32 v8, v39;
	[tilespmem:v46+s30+$0x0] =	vst.idx.msk $0xffff, v45  }
0x210: {  	v61 =	vshll.u32 v59, $0x6;
	v2 =	vor.u32 v8, v2;
	v17 =	vor.u32 v8, v17;
	[tilespmem:v60+s30+$0x0] =	vst.idx.msk $0xffff, v15  }
0x211: {  	v31 =	vor.u32 v34, v31;
	v26 =	vor.u32 v8, v26;
	v13 =	vor.u32 v7, v22;
	v5 =	vld [tilespmem:$0x1FFB0]  }
0x212: {  	v16 =	vld.idx.msk [tilespmem:v16+s20+$0x0], $0xffff;
	v14 =	vand.u32 $0x17F8, v14;
	v2 =	vand.u32 $0x17F8, v2;
	v29 =	vor.u32 v30, v61  }
0x213: {  	v14 =	vor.u32 v49, v14;
	v48 =	vor.u32 v47, v48;
	v19 =	vand.u32 $0xFF8, v52  }
0x214: {  	v45 =	vor.u32 v4, v59;
	v37 =	vld.idx.msk [tilespmem:v37+s20+$0x0], $0xffff;
	v46 =	vor.u32 v47, v19;
	v19 =	vand.u32 $0x7, v1  }
0x215: {  	v1 =	vor.u32 v8, v51;
	v15 =	vand.u32 $0x7F8, v57;
	v57 =	vor.u32 v6, v42;
	v44 =	vld.idx.msk [tilespmem:v44+s20+$0x0], $0xffff  }
0x216: {  	v53 =	vld.idx.msk [tilespmem:v53+s20+$0x0], $0xffff;
	v45 =	vand.u32 $0x7F8, v45;
	v51 =	vor.u32 v34, v51;
	v60 =	vor.u32 v5, v15  }
0x217: {  	[tilespmem:v21+s30+$0x0] =	vst.idx.msk $0xffff, v16;
	v15 =	vor.u32 v34, v39;
	v39 =	vor.u32 v19, v45;
	v45 =	vld.idx.msk [tilespmem:v29+s20+$0x0], $0xffff  }
0x218: {  	v16 =	vor.u32 v35, v2;
	v2 =	vand.u32 $0x1FF8, v51;
	v51 =	vor.u32 v32, v41;
	v10 =	vld.idx.msk [tilespmem:v10+s20+$0x0], $0xffff  }
0x219: {  	v17 =	vand.u32 $0x17F8, v17;
	v52 =	vor.u32 v6, v11;
	v21 =	vor.u32 v7, v42;
	[tilespmem:v46+s30+$0x0] =	vst.idx.msk $0xffff, v37  }
0x21a: {  	v37 =	vor.u32 v23, v17;
	v23 =	vor.u32 v62, v42;
	v36 =	vld.idx.msk [tilespmem:v36+s20+$0x0], $0xffff;
	[tilespmem:v0+s30+$0x0] =	vst.idx.msk $0xffff, v44  }
0x21b: {  	v1 =	vand.u32 $0x17F8, v1;
	v17 =	vand.u32 $0x1FF8, v38;
	v46 =	vor.u32 v62, v22;
	[tilespmem:v60+s30+$0x0] =	vst.idx.msk $0xffff, v53;
	v60 =	vld.idx.msk [tilespmem:v57+s20+$0x0], $0xffff  }
0x21c: {  	v29 =	vor.u32 v6, v61;
	v17 =	vor.u32 v35, v17;
	[tilespmem:v39+s30+$0x0] =	vst.idx.msk $0xffff, v45;
	v45 =	vld.idx.msk [tilespmem:v12+s20+$0x0], $0xffff  }
0x21d: {  	v44 =	vor.u32 v5, v58;
	v15 =	vand.u32 $0x1FF8, v15;
	[tilespmem:v51+s30+$0x0] =	vst.idx.msk $0xffff, v10;
	v51 =	vor.u32 v5, v1  }
0x21e: {  	v4 =	vor.u32 v49, v15;
	v53 =	vand.u32 $0xFF8, v33;
	v33 =	vor.u32 v7, v54  }
0x21f: {  	v57 =	vor.u32 v63, v59;
	v63 =	vor.u32 v7, v20;
	[tilespmem:v48+s30+$0x0] =	vst.idx.msk $0xffff, v36  }
0x220: {  	v31 =	vand.u32 $0x1FF8, v31;
	v36 =	vor.u32 v32, v9;
	v39 =	vor.u32 v56, v53;
	[tilespmem:v50+s30+$0x0] =	vst.idx.msk $0xffff, v60  }
0x221: {  	v60 =	vand.u32 $0x7F8, v43;
	v50 =	vand.u32 $0xFF8, v57;
	[tilespmem:v40+s30+$0x0] =	vst.idx.msk $0xffff, v45;
	v57 =	vor.u32 v8, v25  }
0x222: {  	v43 =	vor.u32 v7, v61;
	v25 =	vor.u32 v62, v54;
	v54 =	vor.u32 v7, v11  }
0x223: {  	v45 =	vor.u32 v47, v31;
	v40 =	vor.u32 v6, v22;
	v53 =	vor.u32 v35, v60  }
0x224: {  	v49 =	vld.idx.msk [tilespmem:v27+s20+$0x0], $0xffff;
	v35 =	vor.u32 v8, v59;
	v41 =	vor.u32 v19, v50;
	v58 =	vand.u32 $0x17F8, v57  }
0x225: {  	v60 =	vor.u32 v34, v59;
	v50 =	vor.u32 v62, v28;
	v28 =	vld.idx.msk [tilespmem:v63+s20+$0x0], $0xffff;
	v63 =	vand.u32 $0x17F8, v26  }
0x226: {  	v26 =	vor.u32 v62, v20;
	v22 =	vld.idx.msk [tilespmem:v52+s20+$0x0], $0xffff;
	v52 =	vor.u32 v62, v61;
	v20 =	vand.u32 $0x1FF8, v24  }
0x227: {  	v42 =	vor.u32 v32, v58;
	v27 =	vand.u32 $0x17F8, v35;
	v35 =	vld.idx.msk [tilespmem:v55+s20+$0x0], $0xffff;
	v47 =	vor.u32 v56, v63  }
0x228: {  	s14 =	simm.s32 $0x8;
	s5 =	sor.u32 $0x2, s1;
	v55 =	vld.idx.msk [tilespmem:v3+s20+$0x0], $0xffff;
	v24 =	vand.u32 $0x1FF8, v60;
	v48 =	vor.u32 v19, v27;
	v27 =	vor.u32 v5, v2  }
.LBB2_7:
0x229: {  	s23 =	sadd.s32 $0x2, s14  }
0x22a: {  	v0 =	vor.u32 v62, v11;
	v11 =	vadd.s32 s23, v30;
	s23 =	sadd.s32 $0x5, s14  }
0x22b: {  	v19 =	vor.u32 v19, v24;
	v24 =	vadd.s32 s23, v30  }
0x22c: {  	v3 =	vand.u32 $0x7F, v24  }
0x22d: {  	v5 =	vor.u32 v34, v3  }
0x22e: {  	[tilespmem:$0x1FE40] =	vst v5;
	v5 =	vld [tilespmem:$0x1FF80]  }
0x22f: {  	[tilespmem:v53+s30+$0x0] =	vst.idx.msk $0xffff, v49;
	s15 =	smov.u32 s14  }
0x230: {  	s16 =	sadd.s32 $0x1, s14;
	v1 =	vld [tilespmem:$0x1FE80];
	[tilespmem:v37+s30+$0x0] =	vst.idx.msk $0xffff, v28;
	s23 =	sadd.s32 $0x7, s15  }
0x231: {  	v49 =	vor.u32 v56, v20;
	v2 =	vadd.s32 s16, v30;
	v60 =	vld.idx.msk [tilespmem:v26+s20+$0x0], $0xffff;
	v31 =	vadd.s32 s23, v30;
	[tilespmem:v44+s30+$0x0] =	vst.idx.msk $0xffff, v35  }
0x232: {  	v56 =	vand.u32 $0x7, v2;
	v26 =	vand.u32 $0x7F, v2;
	v53 =	vand.u32 $0x7F, v31;
	[tilespmem:v39+s30+$0x0] =	vst.idx.msk $0xffff, v22;
	v2 =	vld.idx.msk [tilespmem:v33+s20+$0x0], $0xffff  }
0x233: {  	v44 =	vor.u32 v5, v3;
	v39 =	vor.u32 v5, v26;
	v33 =	vor.u32 v5, v53;
	v5 =	vld [tilespmem:$0x1FE90]  }
0x234: {  	v29 =	vld.idx.msk [tilespmem:v29+s20+$0x0], $0xffff  }
0x235: {  	v21 =	vld.idx.msk [tilespmem:v21+s20+$0x0], $0xffff  }
0x236: {  	v10 =	vld.idx.msk [tilespmem:v40+s20+$0x0], $0xffff  }
0x237: {  	v7 =	vld [tilespmem:$0x1FFC0]  }
0x238: {  	v9 =	vld [tilespmem:$0x1FF90];
	[tilespmem:v45+s30+$0x0] =	vst.idx.msk $0xffff, v55  }
0x239: {  	s25 =	sadd.s32 $0x3, s14;
	v15 =	vmov v4;
	v4 =	vld [tilespmem:$0x1FFD0];
	[tilespmem:v41+s30+$0x0] =	vst.idx.msk $0xffff, v29  }
0x23a: {  	v57 =	vadd.s32 s25, v30;
	v40 =	vand.u32 $0x7F, v11;
	v12 =	vld.idx.msk [tilespmem:v54+s20+$0x0], $0xffff;
	[tilespmem:v14+s30+$0x0] =	vst.idx.msk $0xffff, v21  }
0x23b: {  	v32 =	vand.u32 $0x7F, v57;
	v37 =	vshll.u32 v40, $0x6;
	v1 =	vld.idx.msk [tilespmem:v1+s20+$0x0], $0xffff;
	[tilespmem:v5+s30+$0x0] =	vst.idx.msk $0xffff, v10;
	v5 =	vor.u32 v34, v26  }
0x23c: {  	v54 =	vshll.u32 v32, $0x6;
	v41 =	vld.idx.msk [tilespmem:v43+s20+$0x0], $0xffff;
	[tilespmem:$0x1FE60] =	vst v5;
	v5 =	vor.u32 v7, v37  }
0x23d: {  	[tilespmem:$0x1FE80] =	vst v5;
	v5 =	vor.u32 v9, v54;
	v9 =	vld [tilespmem:$0x1FF80]  }
0x23e: {  	v8 =	vld [tilespmem:$0x1FFF0];
	s16 =	sadd.s32 $0x4, s14;
	[tilespmem:v51+s30+$0x0] =	vst.idx.msk $0xffff, v2  }
0x23f: {  	v58 =	vadd.s32 s16, v30;
	v38 =	vand.u32 $0x7, v11;
	v2 =	vld.idx.msk [tilespmem:v23+s20+$0x0], $0xffff;
	[tilespmem:v47+s30+$0x0] =	vst.idx.msk $0xffff, v12  }
0x240: {  	v28 =	vand.u32 $0x7, v24;
	v11 =	vshll.u32 v26, $0x6;
	[tilespmem:v42+s30+$0x0] =	vst.idx.msk $0xffff, v1;
	v10 =	vor.u32 v4, v40;
	v13 =	vld.idx.msk [tilespmem:v13+s20+$0x0], $0xffff  }
0x241: {  	v31 =	vand.u32 $0x7, v31;
	[tilespmem:v48+s30+$0x0] =	vst.idx.msk $0xffff, v41;
	v14 =	vld.idx.msk [tilespmem:v50+s20+$0x0], $0xffff;
	v61 =	vand.u32 $0x7F8, v10;
	v10 =	vand.u32 $0x7F, v58  }
0x242: {  	v33 =	vand.u32 $0xFF8, v33;
	[tilespmem:$0x1FE70] =	vst v5;
	v5 =	vor.u32 v4, v53;
	v12 =	vor.u32 v9, v10;
	v9 =	vld [tilespmem:$0x1FF80]  }
0x243: {  	v63 =	vor.u32 v34, v40;
	v20 =	vshll.u32 v3, $0x6;
	v25 =	vld.idx.msk [tilespmem:v25+s20+$0x0], $0xffff;
	[tilespmem:$0x1FE50] =	vst v5;
	v5 =	vor.u32 v31, v33  }
0x244: {  	s25 =	sadd.s32 $0x6, s14;
	v35 =	vadd.s32 s15, v30;
	v59 =	vor.u32 v30, v20;
	v22 =	vshll.u32 v53, $0x6;
	v41 =	vld.idx.msk [tilespmem:v52+s20+$0x0], $0xffff;
	[tilespmem:$0x1FE90] =	vst v5  }
0x245: {  	v62 =	vor.u32 v4, v32;
	v21 =	vadd.s32 s25, v30;
	v24 =	vor.u32 v30, v22;
	v5 =	vld [tilespmem:$0x1FFA0];
	[tilespmem:v16+s30+$0x0] =	vst.idx.msk $0xffff, v13  }
0x246: {  	v29 =	vor.u32 v30, v54;
	v43 =	vor.u32 v6, v37;
	[tilespmem:v36+s30+$0x0] =	vst.idx.msk $0xffff, v14;
	v14 =	vld.idx.msk [tilespmem:v46+s20+$0x0], $0xffff  }
0x247: {  	v23 =	vor.u32 v6, v54;
	v51 =	vor.u32 v6, v20;
	v46 =	vor.u32 v9, v32;
	v9 =	vld [tilespmem:$0x1FF80]  }
0x248: {  	[tilespmem:v18+s30+$0x0] =	vst.idx.msk $0xffff, v60;
	v47 =	vand.u32 $0x7, v57;
	v57 =	vor.u32 v8, v32;
	v48 =	vand.u32 $0x7, v58  }
0x249: {  	v55 =	vand.u32 $0x17F8, v57;
	v1 =	vor.u32 v30, v37;
	v42 =	vor.u32 v34, v53;
	[tilespmem:v15+s30+$0x0] =	vst.idx.msk $0xffff, v2  }
0x24a: {  	v50 =	vor.u32 v4, v26;
	v2 =	vand.u32 $0x7F, v35;
	[tilespmem:v19+s30+$0x0] =	vst.idx.msk $0xffff, v41;
	v19 =	vand.u32 $0x7F8, v62  }
0x24b: {  	[tilespmem:v27+s30+$0x0] =	vst.idx.msk $0xffff, v25;
	v25 =	vor.u32 v47, v19;
	v34 =	vshll.u32 v10, $0x6;
	v19 =	vor.u32 v8, v10  }
0x24c: {  	v16 =	vor.u32 v4, v10;
	v10 =	vor.u32 v5, v10;
	v5 =	vld [tilespmem:$0x1FFA0];
	v15 =	vor.u32 v9, v2  }
0x24d: {  	v18 =	vor.u32 v4, v2;
	v27 =	vor.u32 v30, v11;
	v60 =	vand.u32 $0xFF8, v15;
	v15 =	vld.idx.msk [tilespmem:v29+s20+$0x0], $0xffff  }
0x24e: {  	v62 =	vand.u32 $0x7F, v21;
	v41 =	vand.u32 $0x7F8, v50;
	v19 =	vand.u32 $0x17F8, v19  }
0x24f: {  	v0 =	vld.idx.msk [tilespmem:v0+s20+$0x0], $0xffff;
	v50 =	vor.u32 v6, v34;
	v57 =	vor.u32 v48, v19;
	v13 =	vor.u32 v30, v34  }
0x250: {  	v58 =	vshll.u32 v2, $0x6;
	v33 =	vor.u32 v4, v62;
	v16 =	vand.u32 $0x7F8, v16;
	[tilespmem:v17+s30+$0x0] =	vst.idx.msk $0xffff, v14;
	v17 =	vld.idx.msk [tilespmem:v59+s20+$0x0], $0xffff  }
0x251: {  	v12 =	vand.u32 $0xFF8, v12;
	v16 =	vor.u32 v48, v16;
	v9 =	vld [tilespmem:$0x1FF80];
	v29 =	vor.u32 v4, v3  }
0x252: {  	v59 =	vor.u32 v8, v2;
	v2 =	vor.u32 v5, v2;
	v5 =	vld [tilespmem:$0x1FF80];
	[tilespmem:v25+s30+$0x0] =	vst.idx.msk $0xffff, v15;
	v15 =	vand.u32 $0x7F8, v29  }
0x253: {  	v45 =	vor.u32 v48, v12;
	v10 =	vand.u32 $0x1FF8, v10;
	v14 =	vld.idx.msk [tilespmem:v23+s20+$0x0], $0xffff;
	v23 =	vor.u32 v28, v15  }
0x254: {  	v12 =	vld.idx.msk [tilespmem:v13+s20+$0x0], $0xffff;
	v13 =	vor.u32 v30, v58;
	v4 =	vor.u32 v48, v10;
	v10 =	vand.u32 $0xFF8, v39  }
0x255: {  	[tilespmem:v49+s30+$0x0] =	vst.idx.msk $0xffff, v0;
	v1 =	vld.idx.msk [tilespmem:v1+s20+$0x0], $0xffff;
	v19 =	vand.u32 $0x7, v21;
	v39 =	vor.u32 v56, v10;
	v10 =	vand.u32 $0xFF8, v46  }
0x256: {  	v49 =	vld.idx.msk [tilespmem:v24+s20+$0x0], $0xffff;
	v10 =	vor.u32 v47, v10;
	v52 =	vor.u32 v9, v40;
	v25 =	vand.u32 $0x7F8, v33  }
0x257: {  	v15 =	vor.u32 v8, v53;
	v53 =	vor.u32 v7, v54;
	v54 =	vor.u32 v38, v61;
	v61 =	vld [tilespmem:$0x1FFB0]  }
0x258: {  	v36 =	vand.u32 $0x1FF8, v63;
	[tilespmem:v23+s30+$0x0] =	vst.idx.msk $0xffff, v17;
	v17 =	vor.u32 v19, v25;
	v25 =	vor.u32 v5, v62;
	v5 =	vld [tilespmem:$0x1FE40]  }
0x259: {  	v13 =	vld.idx.msk [tilespmem:v13+s20+$0x0], $0xffff;
	[tilespmem:v16+s30+$0x0] =	vst.idx.msk $0xffff, v12;
	v63 =	vand.u32 $0xFF8, v52;
	v52 =	vshll.u32 v62, $0x6;
	v12 =	vand.u32 $0x17F8, v15  }
0x25a: {  	v0 =	vor.u32 v6, v11;
	v16 =	vor.u32 v31, v12;
	v12 =	vld.idx.msk [tilespmem:v27+s20+$0x0], $0xffff;
	v27 =	vor.u32 v30, v52  }
0x25b: {  	v18 =	vand.u32 $0x7F8, v18;
	v35 =	vor.u32 v6, v58;
	v36 =	vor.u32 v38, v36;
	v23 =	vld [tilespmem:$0x1FF90]  }
0x25c: {  	v24 =	vor.u32 v47, v55;
	v55 =	vld.idx.msk [tilespmem:v50+s20+$0x0], $0xffff;
	v15 =	vor.u32 v56, v41;
	v41 =	vand.u32 $0xFF8, v44  }
0x25d: {  	v18 =	vor.u32 v61, v18;
	[tilespmem:v10+s30+$0x0] =	vst.idx.msk $0xffff, v14;
	v25 =	vand.u32 $0xFF8, v25;
	v10 =	vand.u32 $0x1FF8, v5;
	v5 =	vld [tilespmem:$0x1FFA0]  }
0x25e: {  	[tilespmem:v54+s30+$0x0] =	vst.idx.msk $0xffff, v1;
	v1 =	vor.u32 v28, v41;
	v41 =	vor.u32 v19, v25;
	v25 =	vld [tilespmem:$0x1FF90]  }
0x25f: {  	v21 =	vor.u32 v7, v34;
	v48 =	vor.u32 v8, v62;
	v9 =	vor.u32 v7, v22;
	v27 =	vld.idx.msk [tilespmem:v27+s20+$0x0], $0xffff  }
0x260: {  	v44 =	vor.u32 v61, v60;
	v60 =	vld.idx.msk [tilespmem:v43+s20+$0x0], $0xffff;
	v23 =	vor.u32 v23, v34;
	v34 =	vor.u32 v38, v63  }
0x261: {  	v40 =	vor.u32 v8, v40;
	[tilespmem:v45+s30+$0x0] =	vst.idx.msk $0xffff, v55;
	v33 =	vor.u32 v7, v58;
	v46 =	vld.idx.msk [tilespmem:v51+s20+$0x0], $0xffff  }
0x262: {  	v29 =	vor.u32 v6, v52;
	v51 =	vor.u32 v7, v20;
	v14 =	vor.u32 v5, v62;
	v62 =	vld [tilespmem:$0x1FF90]  }
0x263: {  	v59 =	vand.u32 $0x17F8, v59;
	[tilespmem:v18+s30+$0x0] =	vst.idx.msk $0xffff, v13;
	v63 =	vand.u32 $0x1FF8, v42;
	v25 =	vor.u32 v25, v58;
	v58 =	vld.idx.msk [tilespmem:v53+s20+$0x0], $0xffff  }
0x264: {  	v2 =	vand.u32 $0x1FF8, v2;
	v54 =	vor.u32 v7, v11;
	[tilespmem:v17+s30+$0x0] =	vst.idx.msk $0xffff, v27;
	v17 =	vor.u32 v31, v63;
	v63 =	vld [tilespmem:$0x1FE70]  }
0x265: {  	v43 =	vor.u32 v7, v52;
	v13 =	vmov v9;
	v9 =	vor.u32 v8, v3;
	[tilespmem:v34+s30+$0x0] =	vst.idx.msk $0xffff, v60;
	v34 =	vld [tilespmem:$0x1FFA0]  }
0x266: {  	v3 =	vld [tilespmem:$0x1FE50];
	v9 =	vand.u32 $0x17F8, v9;
	v18 =	vor.u32 v28, v10;
	[tilespmem:v1+s30+$0x0] =	vst.idx.msk $0xffff, v46;
	v27 =	vor.u32 v61, v2  }
0x267: {  	v5 =	vand.u32 $0x17F8, v40;
	v50 =	vor.u32 v62, v37;
	v37 =	vor.u32 v28, v9;
	v28 =	vld.idx.msk [tilespmem:v51+s20+$0x0], $0xffff  }
0x268: {  	p2 =	slt.u32 s14, $0x78;
	v40 =	vor.u32 v6, v22;
	v60 =	vor.u32 v8, v26;
	v51 =	vor.u32 v61, v59;
	v61 =	vld [tilespmem:$0x1FE60]  }
.Ltmp4:
0x269: {  	v42 =	vor.u32 v38, v5;
	v1 =	vand.u32 $0x17F8, v60;
	[tilespmem:v24+s30+$0x0] =	vst.idx.msk $0xffff, v58;
	v24 =	vand.u32 $0x1FF8, v14;
	(pc) =	sbr.rel @p2 .LBB2_7-.Ltmp4, $4  }
0x26a: {  	[tilespmem:v15+s30+$0x0] =	vst.idx.msk $0xffff, v12;
	v9 =	vand.u32 $0x17F8, v48;
	v10 =	vor.u32 v34, v32;
	v26 =	vor.u32 v62, v20  }
0x26b: {  	v35 =	vld.idx.msk [tilespmem:v35+s20+$0x0], $0xffff;
	v46 =	vor.u32 v62, v22;
	v48 =	vor.u32 v19, v9;
	v9 =	vand.u32 $0x7F8, v3  }
0x26c: {  	v22 =	vld.idx.msk [tilespmem:v0+s20+$0x0], $0xffff;
	v52 =	vor.u32 v62, v52;
	v45 =	vand.u32 $0x1FF8, v10;
	v53 =	vor.u32 v31, v9  }
0x26d: {  	s14 =	sadd.s32 $0x8, s14;
	v14 =	vmovc v57;
	v55 =	vld.idx.msk [tilespmem:v63+s20+$0x0], $0xffff;
	v45 =	vor.u32 v47, v45;
	v47 =	vor.u32 v56, v1;
	v20 =	vand.u32 $0x1FF8, v61  }
0x26e: {  	_ =	sdelay $0x3  }
0x26f: {  	v0 =	vld.idx.msk [tilespmem:v29+s20+$0x0], $0xffff  }
0x270: {  	[tilespmem:v53+s30+$0x0] =	vst.idx.msk $0xffff, v49  }
0x271: {  	v2 =	vld [tilespmem:$0x1FE80];
	[tilespmem:v37+s30+$0x0] =	vst.idx.msk $0xffff, v28  }
0x272: {  	[tilespmem:v44+s30+$0x0] =	vst.idx.msk $0xffff, v35  }
0x273: {  	[tilespmem:v39+s30+$0x0] =	vst.idx.msk $0xffff, v22  }
0x274: {  	[tilespmem:v41+s30+$0x0] =	vst.idx.msk $0xffff, v0  }
0x275: {  	v0 =	vld [tilespmem:$0x1FE90]  }
0x276: {  	v9 =	vld.idx.msk [tilespmem:v21+s20+$0x0], $0xffff;
	_ =	sdelay $0x1  }
0x277: {  	v1 =	vld.idx.msk [tilespmem:v40+s20+$0x0], $0xffff  }
0x278: {  	v10 =	vld.idx.msk [tilespmem:v33+s20+$0x0], $0xffff  }
0x279: {  	v12 =	vld.idx.msk [tilespmem:v54+s20+$0x0], $0xffff  }
0x27a: {  	[tilespmem:v14+s30+$0x0] =	vst.idx.msk $0xffff, v9;
	v2 =	vld.idx.msk [tilespmem:v2+s20+$0x0], $0xffff  }
0x27b: {  	v44 =	vld.idx.msk [tilespmem:v43+s20+$0x0], $0xffff;
	[tilespmem:v45+s30+$0x0] =	vst.idx.msk $0xffff, v55  }
0x27c: {  	v9 =	vor.u32 v62, v11;
	v11 =	vld.idx.msk [tilespmem:v26+s20+$0x0], $0xffff;
	[tilespmem:v0+s30+$0x0] =	vst.idx.msk $0xffff, v1  }
0x27d: {  	[tilespmem:v51+s30+$0x0] =	vst.idx.msk $0xffff, v10;
	v1 =	vld.idx.msk [tilespmem:v13+s20+$0x0], $0xffff  }
0x27e: {  	v49 =	vld.idx.msk [tilespmem:v23+s20+$0x0], $0xffff;
	[tilespmem:v47+s30+$0x0] =	vst.idx.msk $0xffff, v12  }
0x27f: {  	v12 =	vld.idx.msk [tilespmem:v25+s20+$0x0], $0xffff;
	[tilespmem:v42+s30+$0x0] =	vst.idx.msk $0xffff, v2  }
0x280: {  	[tilespmem:v48+s30+$0x0] =	vst.idx.msk $0xffff, v44;
	v10 =	vld.idx.msk [tilespmem:v50+s20+$0x0], $0xffff  }
0x281: {  	[tilespmem:v18+s30+$0x0] =	vst.idx.msk $0xffff, v11;
	v51 =	vld.idx.msk [tilespmem:v52+s20+$0x0], $0xffff;
	v50 =	vor.u32 v19, v24  }
0x282: {  	v9 =	vld.idx.msk [tilespmem:v9+s20+$0x0], $0xffff;
	v13 =	vor.u32 v56, v20;
	[tilespmem:v16+s30+$0x0] =	vst.idx.msk $0xffff, v1  }
0x283: {  	[tilespmem:v4+s30+$0x0] =	vst.idx.msk $0xffff, v49;
	v52 =	vld.idx.msk [tilespmem:v46+s20+$0x0], $0xffff  }
0x284: {  	s5 =	sadd.s32 s6, s5;
	[tilespmem:v27+s30+$0x0] =	vst.idx.msk $0xffff, v12  }
0x285: {  	s14 =	sshll.u32 s5, $0xA;
	s5 =	sshll.u32 s5, $0x7;
	[tilespmem:v36+s30+$0x0] =	vst.idx.msk $0xffff, v10  }
0x286: {  	s14 =	sand.u32 $0xFFE0000, s14;
	s5 =	sand.u32 $0x3F00, s5;
	[tilespmem:v50+s30+$0x0] =	vst.idx.msk $0xffff, v51  }
0x287: {  	s5 =	sor.u32 s5, s14;
	[tilespmem:v13+s30+$0x0] =	vst.idx.msk $0xffff, v9  }
0x288: {  	s14 =	sadd.s32 s2, s5;
	[tilespmem:v17+s30+$0x0] =	vst.idx.msk $0xffff, v52  }
0x289: {  	[hbm4b:s14+s3] =	stream.linear.scatter [tilespmem:s30], [sflag:$0x7], $0x400, $0x38;
	[tilespmem:$0x16400] =	vst v63  }
0x28a: {  	s15 =	simm.s32 $0x12800;
	s16 =	sadd.s32 s5, s7  }
0x28b: {  	[hbm4b:s16+s3] =	stream.linear.scatter [tilespmem:s15], [sflag:$0x7], $0x400, $0x38;
	[tilespmem:$0x16400] =	vst v63  }
0x28c: {  	s25 =	simm.s32 $0x12C00;
	s23 =	sadd.s32 s5, s8  }
0x28d: {  	[hbm4b:s23+s3] =	stream.linear.scatter [tilespmem:s25], [sflag:$0x7], $0x400, $0x38;
	[tilespmem:$0x16400] =	vst v63  }
0x28e: {  	s15 =	sadd.s32 s5, s9;
	s16 =	simm.s32 $0x13000  }
0x28f: {  	[hbm4b:s15+s3] =	stream.linear.scatter [tilespmem:s16], [sflag:$0x7], $0x400, $0x38;
	[tilespmem:$0x16400] =	vst v63  }
0x290: {  	s23 =	sadd.s32 s5, s10;
	s25 =	simm.s32 $0x13400  }
0x291: {  	[hbm4b:s23+s3] =	stream.linear.scatter [tilespmem:s25], [sflag:$0x7], $0x400, $0x38;
	[tilespmem:$0x16400] =	vst v63  }
0x292: {  	s15 =	sadd.s32 s5, s11;
	s16 =	simm.s32 $0x13800  }
0x293: {  	[hbm4b:s15+s3] =	stream.linear.scatter [tilespmem:s16], [sflag:$0x7], $0x400, $0x38;
	[tilespmem:$0x16400] =	vst v63  }
0x294: {  	s23 =	sadd.s32 s5, s12;
	s25 =	simm.s32 $0x13C00  }
0x295: {  	[hbm4b:s23+s3] =	stream.linear.scatter [tilespmem:s25], [sflag:$0x7], $0x400, $0x38;
	[tilespmem:$0x16400] =	vst v63  }
0x296: {  	s5 =	sadd.s32 s5, s13;
	s16 =	simm.s32 $0x14000  }
0x297: {  	[hbm4b:s5+s3] =	stream.linear.scatter [tilespmem:s16], [sflag:$0x7], $0x400, $0x38;
	[tilespmem:$0x16400] =	vst v63  }
0x298: {  	s14 =	simm.s32 @!p1 $0x80;
	s15 =	simm.s32 @!p1 $0xA400;
	s5 =	sadd.s32 @!p1 $0x300, s21  }
0x299: {  	[tilespmem:s15], [sflag:$0x3] =	stream.indirect.gather @!p1 [hbm4b:s4+s14], $0x40, s5, s14, $0xb8;
	[tilespmem:$0x16400] =	vst v63  }
0x29a: {  	_ =	swait.ge [sflag:s26], $0x2000  }
0x29b: {  	[sflag:s26] =	ssyncset.done $0x0  }
0x29c: {  	s5 =	simm.s32 @!p0 $0x8;
	[sflag:s26] =	ssyncadd.s32 $0xFFFFE000  }
0x29d: {  	_ =	swait.ge @!p0 [sflag:s5], $0x400  }
0x29e: {  	[sflag:s5] =	ssyncset.done @!p0 $0x0  }
0x29f: {  	[sflag:s5] =	ssyncadd.s32 @!p0 $0xFFFFFC00  }
0x2a0: {  	_ =	swait.ge @!p0 [sflag:s5], $0x400  }
0x2a1: {  	[sflag:s5] =	ssyncset.done @!p0 $0x0  }
0x2a2: {  	[sflag:s5] =	ssyncadd.s32 @!p0 $0xFFFFFC00  }
0x2a3: {  	_ =	swait.ge @!p0 [sflag:s5], $0x400  }
0x2a4: {  	[sflag:s5] =	ssyncset.done @!p0 $0x0  }
0x2a5: {  	s25 =	simm.s32 $0x2;
	[sflag:s5] =	ssyncadd.s32 @!p0 $0xFFFFFC00  }
0x2a6: {  	s23 =	simm.s32 $0x1;
	v54 =	vadd.s32 s25, v30;
	s25 =	simm.s32 $0x6;
	v63 =	vld [tilespmem:$0x1FF80];
	_ =	swait.ge @!p0 [sflag:s5], $0x400  }
0x2a7: {  	v53 =	vadd.s32 s23, v30;
	s23 =	simm.s32 $0x0;
	v15 =	vadd.s32 s25, v30;
	[sflag:s5] =	ssyncset.done @!p0 $0x0  }
0x2a8: {  	s16 =	simm.s32 $0x3;
	v13 =	vadd.s32 s23, v30;
	v8 =	vand.u32 $0x7, v53;
	v26 =	vand.u32 $0x7F, v53;
	[sflag:s5] =	ssyncadd.s32 @!p0 $0xFFFFFC00  }
0x2a9: {  	s21 =	simm.s32 $0x7;
	v25 =	vand.u32 $0x7F, v54;
	v32 =	vand.u32 $0x7, v54;
	v55 =	vadd.s32 s16, v30;
	_ =	swait.ge @!p0 [sflag:s5], $0x400  }
0x2aa: {  	v11 =	vadd.s32 s21, v30;
	v28 =	vshll.u32 v25, $0x6;
	v24 =	vor.u32 v34, v26;
	v7 =	vld [tilespmem:$0x1FFC0]  }
0x2ab: {  	s16 =	simm.s32 $0x5;
	v9 =	vshll.u32 v26, $0x6;
	v61 =	vor.u32 v34, v25;
	v51 =	vand.u32 $0x7F, v13  }
0x2ac: {  	v10 =	vadd.s32 s16, v30;
	v16 =	vand.u32 $0x7F, v11;
	v31 =	vand.u32 $0x7F, v55  }
0x2ad: {  	s15 =	simm.s32 $0x4;
	v21 =	vor.u32 v30, v28;
	v36 =	vand.u32 $0x7, v11;
	v2 =	vand.u32 $0x7, v55  }
0x2ae: {  	v53 =	vshll.u32 v51, $0x6;
	v12 =	vadd.s32 s15, v30;
	v18 =	vand.u32 $0x7F, v10  }
0x2af: {  	v17 =	vand.u32 $0x7, v10;
	v22 =	vshll.u32 v16, $0x6;
	[sflag:s5] =	ssyncset.done @!p0 $0x0;
	v5 =	vor.u32 v7, v28  }
0x2b0: {  	v35 =	vshll.u32 v31, $0x6;
	v37 =	vor.u32 v34, v16;
	v54 =	vor.u32 v30, v53;
	[sflag:s5] =	ssyncadd.s32 @!p0 $0xFFFFFC00;
	[tilespmem:$0x1FE10] =	vst v5  }
0x2b1: {  	v20 =	vshll.u32 v18, $0x6;
	v23 =	vor.u32 v34, v18;
	v27 =	vor.u32 v30, v22;
	v4 =	vld [tilespmem:$0x1FFD0];
	_ =	swait.ge @!p0 [sflag:s5], $0x400  }
0x2b2: {  	v29 =	vor.u32 v30, v35;
	v1 =	vor.u32 v6, v35;
	v42 =	vand.u32 $0x7F, v12;
	[sflag:s5] =	ssyncset.done @!p0 $0x0  }
0x2b3: {  	v50 =	vand.u32 $0x7, v12;
	v14 =	vor.u32 v30, v20;
	v43 =	vshll.u32 v42, $0x6;
	v3 =	vld [tilespmem:$0x1FFE0];
	[sflag:s5] =	ssyncadd.s32 @!p0 $0xFFFFFC00  }
0x2b4: {  	v58 =	vor.u32 v30, v43;
	v0 =	vor.u32 v63, v18;
	v33 =	vor.u32 v63, v26;
	_ =	swait.ge @!p0 [sflag:s5], $0x400  }
0x2b5: {  	v19 =	vor.u32 v63, v16;
	v57 =	vor.u32 v63, v42;
	v52 =	vor.u32 v63, v31;
	[sflag:s5] =	ssyncset.done @!p0 $0x0  }
0x2b6: {  	v13 =	vor.u32 v63, v51;
	v44 =	vand.u32 $0xFF8, v57;
	v0 =	vand.u32 $0xFF8, v0;
	[sflag:s5] =	ssyncadd.s32 @!p0 $0xFFFFFC00  }
0x2b7: {  	v19 =	vand.u32 $0xFF8, v19;
	v44 =	vor.u32 v50, v44;
	v0 =	vor.u32 v17, v0;
	v11 =	vld [tilespmem:$0x1FFF0];
	_ =	swait.ge @!p0 [sflag:s5], $0x400  }
0x2b8: {  	v56 =	vor.u32 v4, v31;
	v5 =	vor.u32 v36, v19;
	v45 =	vor.u32 v3, v20;
	[sflag:s5] =	ssyncset.done @!p0 $0x0;
	v3 =	vld [tilespmem:$0x1FFE0]  }
0x2b9: {  	v10 =	vor.u32 v4, v25;
	v59 =	vor.u32 v4, v42;
	v39 =	vand.u32 $0x7F8, v56;
	[tilespmem:$0x1FE20] =	vst v5;
	[sflag:s5] =	ssyncadd.s32 @!p0 $0xFFFFFC00  }
0x2ba: {  	v40 =	vor.u32 v4, v26;
	v47 =	vand.u32 $0x7F8, v59;
	v39 =	vor.u32 v2, v39;
	v29 =	vld.idx.msk [tilespmem:v29+s22+$0x0], $0xffff  }
0x2bb: {  	v48 =	vor.u32 v4, v16;
	v57 =	vor.u32 v4, v51;
	v47 =	vor.u32 v50, v47;
	v46 =	vld.idx.msk [tilespmem:v58+s22+$0x0], $0xffff  }
0x2bc: {  	v38 =	vand.u32 $0x7F8, v10;
	v10 =	vor.u32 v6, v28;
	v6 =	vor.u32 v62, v35  }
0x2bd: {  	v60 =	vor.u32 v11, v31;
	v21 =	vld.idx.msk [tilespmem:v21+s22+$0x0], $0xffff;
	v55 =	vor.u32 v3, v53;
	v3 =	vor.u32 v7, v22  }
0x2be: {  	v56 =	vand.u32 $0x1FF8, v61;
	v61 =	vor.u32 v4, v18;
	v49 =	vand.u32 $0x17F8, v60;
	v60 =	vld.idx.msk [tilespmem:v14+s22+$0x0], $0xffff;
	[tilespmem:$0x1FE30] =	vst v3  }
0x2bf: {  	v19 =	vor.u32 v63, v25;
	v12 =	vld [tilespmem:$0x1FFB0];
	v58 =	vand.u32 $0xFF8, v13;
	v13 =	vand.u32 $0x7F8, v61;
	[tilespmem:v39+s28+$0x0] =	vst.idx.msk $0xffff, v29  }
0x2c0: {  	v59 =	vand.u32 $0x7F, v15;
	v41 =	vand.u32 $0xFF8, v19;
	v61 =	vor.u32 v17, v13;
	[tilespmem:v47+s28+$0x0] =	vst.idx.msk $0xffff, v46  }
0x2c1: {  	v19 =	vand.u32 $0xFF8, v52;
	v5 =	vlaneseq.u32;
	v3 =	vshll.u32 v59, $0x6;
	v13 =	vld [tilespmem:$0x1FFE0]  }
0x2c2: {  	v38 =	vor.u32 v32, v38;
	v52 =	vor.u32 v2, v19;
	v29 =	vor.u32 v5, v3  }
0x2c3: {  	v19 =	vand.u32 $0x7, v15;
	v15 =	vand.u32 $0x7F8, v57;
	v16 =	vor.u32 v11, v16  }
0x2c4: {  	v18 =	vor.u32 v11, v18;
	v14 =	vor.u32 v11, v42;
	v46 =	vor.u32 v4, v59  }
0x2c5: {  	v31 =	vor.u32 v34, v31;
	v14 =	vand.u32 $0x17F8, v14;
	v1 =	vld.idx.msk [tilespmem:v1+s22+$0x0], $0xffff;
	[tilespmem:v61+s28+$0x0] =	vst.idx.msk $0xffff, v60;
	v46 =	vand.u32 $0x7F8, v46  }
0x2c6: {  	v61 =	vor.u32 v12, v15;
	v15 =	vor.u32 v34, v42;
	v47 =	vor.u32 v13, v9;
	v13 =	vld [tilespmem:$0x1FFE0]  }
0x2c7: {  	v14 =	vor.u32 v50, v14;
	v42 =	vor.u32 v19, v46;
	v15 =	vand.u32 $0x1FF8, v15;
	v46 =	vld.idx.msk [tilespmem:v29+s22+$0x0], $0xffff  }
0x2c8: {  	v39 =	vor.u32 v5, v9;
	v54 =	vld.idx.msk [tilespmem:v54+s22+$0x0], $0xffff;
	v15 =	vor.u32 v50, v15;
	v50 =	vand.u32 $0x17F8, v16  }
0x2c9: {  	v40 =	vand.u32 $0x7F8, v40;
	v60 =	vor.u32 v11, v51;
	v16 =	vor.u32 v36, v50;
	[tilespmem:v38+s28+$0x0] =	vst.idx.msk $0xffff, v21  }
0x2ca: {  	v23 =	vand.u32 $0x1FF8, v23;
	[tilespmem:v52+s28+$0x0] =	vst.idx.msk $0xffff, v1;
	v38 =	vor.u32 v8, v40;
	v40 =	vor.u32 v7, v35  }
0x2cb: {  	v50 =	vand.u32 $0xFF8, v33;
	v33 =	vor.u32 v7, v53;
	v1 =	vld [tilespmem:$0x1FFE0];
	v57 =	vor.u32 v13, v43  }
0x2cc: {  	v21 =	vor.u32 v7, v43;
	v52 =	vor.u32 v34, v51;
	[tilespmem:v42+s28+$0x0] =	vst.idx.msk $0xffff, v46;
	v42 =	vld.idx.msk [tilespmem:v45+s22+$0x0], $0xffff  }
0x2cd: {  	v31 =	vand.u32 $0x1FF8, v31;
	[tilespmem:v61+s28+$0x0] =	vst.idx.msk $0xffff, v54;
	v61 =	vand.u32 $0x17F8, v18;
	v18 =	vor.u32 v17, v23;
	v45 =	vld.idx.msk [tilespmem:v39+s22+$0x0], $0xffff  }
0x2ce: {  	v23 =	vor.u32 v62, v43;
	v10 =	vld.idx.msk [tilespmem:v10+s22+$0x0], $0xffff;
	v35 =	vor.u32 v17, v61;
	v17 =	vand.u32 $0x1FF8, v37  }
0x2cf: {  	v61 =	vor.u32 v11, v59;
	v39 =	vor.u32 v8, v50;
	v50 =	vor.u32 v2, v49;
	v40 =	vld.idx.msk [tilespmem:v40+s22+$0x0], $0xffff  }
0x2d0: {  	v17 =	vor.u32 v36, v17;
	v46 =	vor.u32 v62, v22;
	v43 =	vor.u32 v7, v3;
	v54 =	vld.idx.msk [tilespmem:v57+s22+$0x0], $0xffff  }
0x2d1: {  	v49 =	vld.idx.msk [tilespmem:v27+s22+$0x0], $0xffff;
	v29 =	vor.u32 v1, v3;
	v1 =	vand.u32 $0x1FF8, v52;
	v52 =	vor.u32 v63, v59  }
0x2d2: {  	v63 =	vor.u32 v7, v20;
	v27 =	vor.u32 v12, v1;
	[tilespmem:v38+s28+$0x0] =	vst.idx.msk $0xffff, v45;
	v38 =	vand.u32 $0x17F8, v60  }
0x2d3: {  	[tilespmem:v0+s28+$0x0] =	vst.idx.msk $0xffff, v42;
	v45 =	vor.u32 v2, v31;
	v60 =	vand.u32 $0x17F8, v61;
	v61 =	vor.u32 v11, v26  }
0x2d4: {  	v26 =	vor.u32 v62, v20;
	v20 =	vand.u32 $0x1FF8, v24;
	v57 =	vor.u32 v32, v41;
	[tilespmem:v50+s28+$0x0] =	vst.idx.msk $0xffff, v40  }
0x2d5: {  	[tilespmem:v44+s28+$0x0] =	vst.idx.msk $0xffff, v54;
	v54 =	vand.u32 $0x7F8, v48;
	v44 =	vor.u32 v12, v58;
	v58 =	vor.u32 v11, v25  }
0x2d6: {  	v37 =	vor.u32 v36, v54;
	v36 =	vand.u32 $0x17F8, v58;
	v58 =	vor.u32 v34, v59;
	v59 =	vld [tilespmem:$0x1FFE0]  }
0x2d7: {  	v50 =	vor.u32 v62, v28;
	v51 =	vor.u32 v12, v38;
	v28 =	vld.idx.msk [tilespmem:v63+s22+$0x0], $0xffff;
	v63 =	vand.u32 $0x17F8, v61  }
0x2d8: {  	v40 =	vld.idx.msk [tilespmem:v55+s22+$0x0], $0xffff;
	v25 =	vor.u32 v62, v53;
	v48 =	vor.u32 v19, v60;
	v54 =	vand.u32 $0xFF8, v52  }
0x2d9: {  	v55 =	vld.idx.msk [tilespmem:v6+s22+$0x0], $0xffff;
	v52 =	vor.u32 v62, v3;
	[tilespmem:v57+s28+$0x0] =	vst.idx.msk $0xffff, v10;
	v41 =	vor.u32 v19, v54  }
0x2da: {  	v42 =	vor.u32 v32, v36;
	v36 =	vor.u32 v32, v56;
	v54 =	vor.u32 v7, v9;
	v6 =	vld [tilespmem:$0x1FFE0]  }
0x2db: {  	s1 =	sor.u32 $0x3, s1;
	s5 =	simm.s32 $0x8;
	v7 =	vmovc v8;
	v24 =	vand.u32 $0x1FF8, v58;
	v53 =	vor.u32 v59, v22;
	v22 =	vld.idx.msk [tilespmem:v47+s22+$0x0], $0xffff;
	v47 =	vor.u32 v8, v63  }
.LBB2_9:
0x2dc: {  	_ = 	snop  }
0x2dd: {  	s21 =	sadd.s32 $0x3, s5;
	v3 =	vld [tilespmem:$0x1FF80]  }
0x2de: {  	s15 =	sadd.s32 $0x1, s5;
	s14 =	smov.u32 s5;
	[tilespmem:v35+s28+$0x0] =	vst.idx.msk $0xffff, v28;
	v57 =	vadd.s32 s21, v5;
	s21 =	sadd.s32 $0x5, s5  }
0x2df: {  	v56 =	vor.u32 v19, v24;
	[tilespmem:v44+s28+$0x0] =	vst.idx.msk $0xffff, v40;
	v2 =	vadd.s32 s15, v5;
	s25 =	sadd.s32 $0x7, s14;
	v60 =	vld.idx.msk [tilespmem:v26+s22+$0x0], $0xffff;
	v24 =	vadd.s32 s21, v5  }
0x2e0: {  	v8 =	vand.u32 $0x7, v2;
	v31 =	vadd.s32 s25, v5;
	v26 =	vand.u32 $0x7F, v2;
	v2 =	vld.idx.msk [tilespmem:v33+s22+$0x0], $0xffff;
	[tilespmem:v37+s28+$0x0] =	vst.idx.msk $0xffff, v49  }
0x2e1: {  	v30 =	vand.u32 $0x7F, v24;
	[tilespmem:v39+s28+$0x0] =	vst.idx.msk $0xffff, v22;
	v10 =	vld.idx.msk [tilespmem:v53+s22+$0x0], $0xffff;
	v53 =	vand.u32 $0x7F, v31  }
0x2e2: {  	v44 =	vor.u32 v3, v30;
	v39 =	vor.u32 v3, v26;
	v33 =	vor.u32 v3, v53;
	v3 =	vld [tilespmem:$0x1FE20];
	_ =	sdelay $0x7  }
0x2e3: {  	[tilespmem:v3+s28+$0x0] =	vst.idx.msk $0xffff, v10;
	v3 =	vor.u32 v34, v26  }
0x2e4: {  	[tilespmem:$0x1FDF0] =	vst v3;
	v3 =	vld [tilespmem:$0x1FE30];
	_ =	sdelay $0x2  }
0x2e5: {  	v19 =	vor.u32 v7, v20;
	v7 =	vld [tilespmem:$0x1FFC0]  }
0x2e6: {  	s16 =	sadd.s32 $0x2, s5  }
0x2e7: {  	v11 =	vadd.s32 s16, v5  }
0x2e8: {  	v1 =	vld [tilespmem:$0x1FE10];
	v40 =	vand.u32 $0x7F, v11  }
0x2e9: {  	v37 =	vshll.u32 v40, $0x6  }
0x2ea: {  	v13 =	vld.idx.msk [tilespmem:v3+s22+$0x0], $0xffff;
	v3 =	vor.u32 v7, v37  }
0x2eb: {  	[tilespmem:$0x1FE10] =	vst v3;
	v3 =	vld [tilespmem:$0x1FF90];
	_ =	sdelay $0x2  }
0x2ec: {  	v21 =	vld.idx.msk [tilespmem:v21+s22+$0x0], $0xffff;
	v32 =	vand.u32 $0x7F, v57  }
0x2ed: {  	v12 =	vld.idx.msk [tilespmem:v54+s22+$0x0], $0xffff;
	v54 =	vshll.u32 v32, $0x6  }
0x2ee: {  	v1 =	vld.idx.msk [tilespmem:v1+s22+$0x0], $0xffff;
	v3 =	vor.u32 v3, v54  }
0x2ef: {  	[tilespmem:$0x1FE00] =	vst v3;
	v3 =	vld [tilespmem:$0x1FF80];
	_ =	sdelay $0x1  }
0x2f0: {  	s16 =	sadd.s32 $0x4, s5  }
0x2f1: {  	v29 =	vld.idx.msk [tilespmem:v29+s22+$0x0], $0xffff;
	v58 =	vadd.s32 s16, v5;
	[tilespmem:v14+s28+$0x0] =	vst.idx.msk $0xffff, v21;
	v10 =	vor.u32 v4, v40  }
0x2f2: {  	[tilespmem:v42+s28+$0x0] =	vst.idx.msk $0xffff, v1;
	v61 =	vand.u32 $0x7F8, v10;
	v10 =	vand.u32 $0x7F, v58  }
0x2f3: {  	[tilespmem:v47+s28+$0x0] =	vst.idx.msk $0xffff, v12;
	v14 =	vld.idx.msk [tilespmem:v50+s22+$0x0], $0xffff;
	v12 =	vor.u32 v3, v10;
	v3 =	vor.u32 v4, v53  }
0x2f4: {  	[tilespmem:$0x1FDE0] =	vst v3;
	v3 =	vld [tilespmem:$0x1FF80];
	_ =	sdelay $0x1  }
0x2f5: {  	v0 =	vor.u32 v62, v9;
	v63 =	vor.u32 v34, v40;
	[tilespmem:v41+s28+$0x0] =	vst.idx.msk $0xffff, v29  }
0x2f6: {  	v35 =	vor.u32 v34, v30;
	v31 =	vand.u32 $0x7, v31;
	v41 =	vld.idx.msk [tilespmem:v43+s22+$0x0], $0xffff;
	[tilespmem:v51+s28+$0x0] =	vst.idx.msk $0xffff, v2  }
0x2f7: {  	v2 =	vld.idx.msk [tilespmem:v23+s22+$0x0], $0xffff;
	v33 =	vand.u32 $0xFF8, v33;
	v42 =	vor.u32 v34, v53;
	v34 =	vshll.u32 v10, $0x6;
	[tilespmem:v16+s28+$0x0] =	vst.idx.msk $0xffff, v13  }
0x2f8: {  	[tilespmem:v36+s28+$0x0] =	vst.idx.msk $0xffff, v14;
	v14 =	vld.idx.msk [tilespmem:v46+s22+$0x0], $0xffff;
	v46 =	vor.u32 v3, v32;
	v3 =	vor.u32 v31, v33  }
0x2f9: {  	v13 =	vor.u32 v5, v34;
	[tilespmem:$0x1FE20] =	vst v3;
	v3 =	vld [tilespmem:$0x1FF80]  }
0x2fa: {  	v29 =	vor.u32 v5, v54  }
0x2fb: {  	v38 =	vand.u32 $0x7, v11;
	v62 =	vor.u32 v4, v32;
	v20 =	vshll.u32 v30, $0x6;
	[tilespmem:v45+s28+$0x0] =	vst.idx.msk $0xffff, v55;
	v25 =	vld.idx.msk [tilespmem:v25+s22+$0x0], $0xffff  }
0x2fc: {  	v11 =	vld [tilespmem:$0x1FFF0];
	v47 =	vand.u32 $0x7, v57;
	[tilespmem:v48+s28+$0x0] =	vst.idx.msk $0xffff, v41;
	v48 =	vand.u32 $0x7, v58;
	v58 =	vadd.s32 s14, v5  }
0x2fd: {  	v0 =	vld.idx.msk [tilespmem:v0+s22+$0x0], $0xffff;
	[tilespmem:v15+s28+$0x0] =	vst.idx.msk $0xffff, v2;
	v2 =	vand.u32 $0x7F, v58;
	v16 =	vor.u32 v4, v10;
	v12 =	vand.u32 $0xFF8, v12  }
0x2fe: {  	v16 =	vand.u32 $0x7F8, v16;
	v45 =	vor.u32 v48, v12;
	v12 =	vld.idx.msk [tilespmem:v13+s22+$0x0], $0xffff;
	v15 =	vor.u32 v3, v2  }
0x2ff: {  	[tilespmem:v18+s28+$0x0] =	vst.idx.msk $0xffff, v60;
	v16 =	vor.u32 v48, v16;
	v60 =	vand.u32 $0xFF8, v15;
	v15 =	vld.idx.msk [tilespmem:v29+s22+$0x0], $0xffff;
	v29 =	vand.u32 $0x7F8, v62  }
0x300: {  	v59 =	vor.u32 v5, v20;
	[tilespmem:v27+s28+$0x0] =	vst.idx.msk $0xffff, v25;
	v25 =	vor.u32 v47, v29  }
0x301: {  	v23 =	vor.u32 v6, v54  }
0x302: {  	s23 =	sadd.s32 $0x6, s5;
	v28 =	vand.u32 $0x7, v24;
	v9 =	vshll.u32 v26, $0x6;
	v57 =	vor.u32 v11, v32;
	v41 =	vld.idx.msk [tilespmem:v52+s22+$0x0], $0xffff;
	[tilespmem:v19+s28+$0x0] =	vst.idx.msk $0xffff, v0  }
0x303: {  	v21 =	vadd.s32 s23, v5;
	v55 =	vand.u32 $0x17F8, v57;
	v50 =	vor.u32 v4, v26;
	[tilespmem:v17+s28+$0x0] =	vst.idx.msk $0xffff, v14  }
0x304: {  	v1 =	vor.u32 v5, v37;
	v50 =	vand.u32 $0x7F8, v50;
	v33 =	vor.u32 v4, v30;
	[tilespmem:v16+s28+$0x0] =	vst.idx.msk $0xffff, v12;
	v12 =	vld [tilespmem:$0x1FFA0]  }
0x305: {  	v27 =	vor.u32 v11, v10;
	v19 =	vand.u32 $0x7, v21;
	v17 =	vld.idx.msk [tilespmem:v59+s22+$0x0], $0xffff;
	[tilespmem:v25+s28+$0x0] =	vst.idx.msk $0xffff, v15;
	v15 =	vand.u32 $0x7F8, v33  }
0x306: {  	v0 =	vor.u32 v8, v50;
	v50 =	vor.u32 v38, v61;
	v14 =	vld.idx.msk [tilespmem:v23+s22+$0x0], $0xffff;
	v23 =	vor.u32 v28, v15  }
0x307: {  	v58 =	vshll.u32 v2, $0x6;
	v18 =	vor.u32 v4, v2;
	[tilespmem:v56+s28+$0x0] =	vst.idx.msk $0xffff, v41;
	v56 =	vand.u32 $0x7F, v21  }
0x308: {  	v41 =	vor.u32 v5, v9;
	v27 =	vand.u32 $0x17F8, v27;
	v3 =	vld [tilespmem:$0x1FF80];
	v15 =	vor.u32 v11, v53  }
0x309: {  	v21 =	vor.u32 v7, v34;
	v10 =	vor.u32 v12, v10;
	v12 =	vand.u32 $0x17F8, v15  }
0x30a: {  	v57 =	vor.u32 v48, v27;
	v27 =	vor.u32 v4, v56;
	v16 =	vor.u32 v31, v12;
	v12 =	vld [tilespmem:$0x1FFA0]  }
0x30b: {  	v36 =	vand.u32 $0x1FF8, v63;
	v59 =	vor.u32 v11, v2;
	v10 =	vand.u32 $0x1FF8, v10;
	[tilespmem:v23+s28+$0x0] =	vst.idx.msk $0xffff, v17;
	v23 =	vld [tilespmem:$0x1FF90]  }
0x30c: {  	v13 =	vor.u32 v5, v58;
	v15 =	vor.u32 v48, v10;
	v10 =	vand.u32 $0xFF8, v39  }
0x30d: {  	v52 =	vor.u32 v3, v40;
	v39 =	vor.u32 v8, v10;
	v10 =	vand.u32 $0xFF8, v46  }
0x30e: {  	v1 =	vld.idx.msk [tilespmem:v1+s22+$0x0], $0xffff;
	v63 =	vand.u32 $0xFF8, v52;
	v52 =	vshll.u32 v56, $0x6;
	v10 =	vor.u32 v47, v10  }
0x30f: {  	v62 =	vor.u32 v6, v34;
	v2 =	vor.u32 v12, v2;
	v12 =	vld.idx.msk [tilespmem:v41+s22+$0x0], $0xffff;
	v41 =	vor.u32 v5, v52  }
0x310: {  	v25 =	vand.u32 $0x7F8, v27;
	v23 =	vor.u32 v23, v34;
	v34 =	vor.u32 v38, v63;
	v63 =	vld [tilespmem:$0x1FFB0]  }
0x311: {  	v43 =	vor.u32 v6, v37;
	v17 =	vor.u32 v19, v25;
	v25 =	vld [tilespmem:$0x1FF80]  }
0x312: {  	v51 =	vor.u32 v6, v20;
	v13 =	vld.idx.msk [tilespmem:v13+s22+$0x0], $0xffff  }
0x313: {  	[tilespmem:v10+s28+$0x0] =	vst.idx.msk $0xffff, v14;
	v14 =	vld [tilespmem:$0x1FFA0]  }
0x314: {  	v18 =	vand.u32 $0x7F8, v18;
	[tilespmem:v50+s28+$0x0] =	vst.idx.msk $0xffff, v1;
	v27 =	vor.u32 v7, v54;
	v61 =	vld.idx.msk [tilespmem:v41+s22+$0x0], $0xffff  }
0x315: {  	v54 =	vand.u32 $0xFF8, v44;
	v18 =	vor.u32 v63, v18;
	v44 =	vor.u32 v63, v60;
	v60 =	vld.idx.msk [tilespmem:v62+s22+$0x0], $0xffff  }
0x316: {  	v24 =	vor.u32 v6, v9;
	v25 =	vor.u32 v25, v56;
	v62 =	vld.idx.msk [tilespmem:v43+s22+$0x0], $0xffff  }
0x317: {  	v22 =	vshll.u32 v53, $0x6;
	v3 =	vor.u32 v6, v58;
	v46 =	vld.idx.msk [tilespmem:v51+s22+$0x0], $0xffff;
	v25 =	vand.u32 $0xFF8, v25  }
0x318: {  	v1 =	vor.u32 v28, v54;
	v48 =	vor.u32 v11, v56;
	v41 =	vor.u32 v19, v25;
	v25 =	vld [tilespmem:$0x1FF90]  }
0x319: {  	v51 =	vor.u32 v7, v20;
	v14 =	vor.u32 v14, v56;
	v56 =	vld.idx.msk [tilespmem:v27+s22+$0x0], $0xffff;
	[tilespmem:v17+s28+$0x0] =	vst.idx.msk $0xffff, v61  }
0x31a: {  	v49 =	vor.u32 v5, v22;
	v55 =	vor.u32 v47, v55;
	v61 =	vld [tilespmem:$0x1FDF0];
	[tilespmem:v18+s28+$0x0] =	vst.idx.msk $0xffff, v13  }
0x31b: {  	v36 =	vor.u32 v38, v36;
	v59 =	vand.u32 $0x17F8, v59;
	v40 =	vor.u32 v11, v40;
	[tilespmem:v34+s28+$0x0] =	vst.idx.msk $0xffff, v62;
	v34 =	vld [tilespmem:$0x1FFA0]  }
0x31c: {  	v29 =	vor.u32 v7, v22;
	v13 =	vand.u32 $0x17F8, v40;
	v40 =	vld.idx.msk [tilespmem:v3+s22+$0x0], $0xffff;
	v3 =	vor.u32 v11, v30  }
0x31d: {  	v2 =	vand.u32 $0x1FF8, v2;
	v10 =	vand.u32 $0x1FF8, v35;
	[tilespmem:v1+s28+$0x0] =	vst.idx.msk $0xffff, v46;
	v62 =	vld [tilespmem:$0x1FF90];
	v3 =	vand.u32 $0x17F8, v3  }
0x31e: {  	v27 =	vand.u32 $0x1FF8, v42;
	v18 =	vor.u32 v28, v10;
	v35 =	vor.u32 v28, v3;
	v28 =	vld.idx.msk [tilespmem:v51+s22+$0x0], $0xffff  }
0x31f: {  	v17 =	vor.u32 v31, v27;
	v27 =	vor.u32 v63, v2;
	v51 =	vor.u32 v63, v59;
	v63 =	vld [tilespmem:$0x1FE00]  }
0x320: {  	[tilespmem:$0x1FE30] =	vst v29;
	v29 =	vor.u32 v6, v52;
	v42 =	vor.u32 v38, v13;
	v13 =	vld [tilespmem:$0x1FF90];
	v3 =	vand.u32 $0x17F8, v48  }
0x321: {  	v33 =	vor.u32 v7, v58;
	v54 =	vor.u32 v7, v9;
	v48 =	vor.u32 v19, v3;
	v3 =	vld [tilespmem:$0x1FDE0]  }
0x322: {  	p0 =	slt.u32 s5, $0x78;
	v53 =	vor.u32 v6, v22;
	[tilespmem:v45+s28+$0x0] =	vst.idx.msk $0xffff, v60;
	v60 =	vor.u32 v11, v26  }
.Ltmp5:
0x323: {  	[tilespmem:v0+s28+$0x0] =	vst.idx.msk $0xffff, v12;
	v43 =	vor.u32 v7, v52;
	v25 =	vor.u32 v25, v58;
	v1 =	vand.u32 $0x17F8, v60;
	(pc) =	sbr.rel @p0 .LBB2_9-.Ltmp5, $4  }
0x324: {  	v49 =	vld.idx.msk [tilespmem:v49+s22+$0x0], $0xffff;
	v10 =	vor.u32 v34, v32;
	v26 =	vor.u32 v62, v20;
	v46 =	vor.u32 v62, v22  }
0x325: {  	v7 =	vmovc v8;
	v22 =	vld.idx.msk [tilespmem:v24+s22+$0x0], $0xffff;
	v52 =	vor.u32 v62, v52;
	v20 =	vand.u32 $0x1FF8, v61;
	v24 =	vand.u32 $0x1FF8, v14  }
0x326: {  	[tilespmem:v55+s28+$0x0] =	vst.idx.msk $0xffff, v56;
	v14 =	vmovc v57;
	v50 =	vor.u32 v13, v37;
	v58 =	vand.u32 $0x1FF8, v10;
	v3 =	vand.u32 $0x7F8, v3  }
0x327: {  	s5 =	sadd.s32 $0x8, s5;
	v45 =	vor.u32 v47, v58;
	v47 =	vor.u32 v8, v1;
	v37 =	vor.u32 v31, v3;
	v55 =	vld.idx.msk [tilespmem:v63+s22+$0x0], $0xffff  }
0x328: {  	_ =	sdelay $0x2  }
0x329: {  	v8 =	vld [tilespmem:$0x1FFF0]  }
0x32a: {  	v0 =	vld.idx.msk [tilespmem:v29+s22+$0x0], $0xffff  }
0x32b: {  	v13 =	vld [tilespmem:$0x1FFC0];
	[tilespmem:v37+s28+$0x0] =	vst.idx.msk $0xffff, v49  }
0x32c: {  	v2 =	vld [tilespmem:$0x1FE10];
	[tilespmem:v35+s28+$0x0] =	vst.idx.msk $0xffff, v28  }
0x32d: {  	[tilespmem:v44+s28+$0x0] =	vst.idx.msk $0xffff, v40  }
0x32e: {  	[tilespmem:v39+s28+$0x0] =	vst.idx.msk $0xffff, v22  }
0x32f: {  	[tilespmem:v41+s28+$0x0] =	vst.idx.msk $0xffff, v0  }
0x330: {  	v0 =	vld [tilespmem:$0x1FE20];
	_ =	sdelay $0x2  }
0x331: {  	v1 =	vld.idx.msk [tilespmem:v53+s22+$0x0], $0xffff  }
0x332: {  	v2 =	vld.idx.msk [tilespmem:v2+s22+$0x0], $0xffff;
	_ =	sdelay $0x3  }
0x333: {  	[tilespmem:v0+s28+$0x0] =	vst.idx.msk $0xffff, v1  }
0x334: {  	[tilespmem:v42+s28+$0x0] =	vst.idx.msk $0xffff, v2  }
0x335: {  	v1 =	vld [tilespmem:$0x1FE30];
	_ =	sdelay $0x1  }
0x336: {  	v3 =	vld.idx.msk [tilespmem:v21+s22+$0x0], $0xffff  }
0x337: {  	v10 =	vld.idx.msk [tilespmem:v33+s22+$0x0], $0xffff  }
0x338: {  	v12 =	vld.idx.msk [tilespmem:v54+s22+$0x0], $0xffff  }
0x339: {  	v58 =	vld.idx.msk [tilespmem:v43+s22+$0x0], $0xffff;
	_ =	sdelay $0x1  }
0x33a: {  	v11 =	vld.idx.msk [tilespmem:v26+s22+$0x0], $0xffff;
	[tilespmem:v14+s28+$0x0] =	vst.idx.msk $0xffff, v3  }
0x33b: {  	[tilespmem:v51+s28+$0x0] =	vst.idx.msk $0xffff, v10;
	v3 =	vor.u32 v62, v9;
	v1 =	vld.idx.msk [tilespmem:v1+s22+$0x0], $0xffff  }
0x33c: {  	v10 =	vld.idx.msk [tilespmem:v50+s22+$0x0], $0xffff;
	[tilespmem:v47+s28+$0x0] =	vst.idx.msk $0xffff, v12  }
0x33d: {  	[tilespmem:v48+s28+$0x0] =	vst.idx.msk $0xffff, v58;
	v59 =	vld.idx.msk [tilespmem:v23+s22+$0x0], $0xffff  }
0x33e: {  	v60 =	vor.u32 v19, v24;
	[tilespmem:v45+s28+$0x0] =	vst.idx.msk $0xffff, v55;
	v61 =	vld.idx.msk [tilespmem:v52+s22+$0x0], $0xffff  }
0x33f: {  	[tilespmem:v18+s28+$0x0] =	vst.idx.msk $0xffff, v11;
	v12 =	vld.idx.msk [tilespmem:v25+s22+$0x0], $0xffff  }
0x340: {  	v9 =	vor.u32 v7, v20;
	v3 =	vld.idx.msk [tilespmem:v3+s22+$0x0], $0xffff;
	[tilespmem:v16+s28+$0x0] =	vst.idx.msk $0xffff, v1  }
0x341: {  	[tilespmem:v36+s28+$0x0] =	vst.idx.msk $0xffff, v10;
	v63 =	vld.idx.msk [tilespmem:v46+s22+$0x0], $0xffff  }
0x342: {  	s1 =	sadd.s32 s6, s1;
	[tilespmem:v15+s28+$0x0] =	vst.idx.msk $0xffff, v59  }
0x343: {  	s5 =	sshll.u32 s1, $0xA;
	s1 =	sshll.u32 s1, $0x7;
	[tilespmem:v60+s28+$0x0] =	vst.idx.msk $0xffff, v61  }
0x344: {  	s5 =	sand.u32 $0xFFE0000, s5;
	s1 =	sand.u32 $0x3F80, s1;
	[tilespmem:v27+s28+$0x0] =	vst.idx.msk $0xffff, v12  }
0x345: {  	s1 =	sor.u32 s1, s5;
	[tilespmem:v9+s28+$0x0] =	vst.idx.msk $0xffff, v3  }
0x346: {  	s5 =	sadd.s32 s2, s1;
	[tilespmem:v17+s28+$0x0] =	vst.idx.msk $0xffff, v63  }
0x347: {  	[hbm4b:s5+s3] =	stream.linear.scatter [tilespmem:s28], [sflag:$0x8], $0x400, $0x38;
	[tilespmem:$0x16400] =	vst v63  }
0x348: {  	s14 =	simm.s32 $0x14800;
	s25 =	sadd.s32 s1, s7  }
0x349: {  	[hbm4b:s25+s3] =	stream.linear.scatter [tilespmem:s14], [sflag:$0x8], $0x400, $0x38;
	[tilespmem:$0x16400] =	vst v63  }
0x34a: {  	s15 =	simm.s32 $0x14C00;
	s14 =	sadd.s32 s1, s8  }
0x34b: {  	[hbm4b:s14+s3] =	stream.linear.scatter [tilespmem:s15], [sflag:$0x8], $0x400, $0x38;
	[tilespmem:$0x16400] =	vst v63  }
0x34c: {  	s21 =	simm.s32 $0x15000;
	s16 =	sadd.s32 s1, s9  }
0x34d: {  	[hbm4b:s16+s3] =	stream.linear.scatter [tilespmem:s21], [sflag:$0x8], $0x400, $0x38;
	[tilespmem:$0x16400] =	vst v63  }
0x34e: {  	s23 =	sadd.s32 s1, s10;
	s25 =	simm.s32 $0x15400  }
0x34f: {  	[hbm4b:s23+s3] =	stream.linear.scatter [tilespmem:s25], [sflag:$0x8], $0x400, $0x38;
	[tilespmem:$0x16400] =	vst v63  }
0x350: {  	s15 =	sadd.s32 s1, s11;
	s16 =	simm.s32 $0x15800  }
0x351: {  	[hbm4b:s15+s3] =	stream.linear.scatter [tilespmem:s16], [sflag:$0x8], $0x400, $0x38;
	[tilespmem:$0x16400] =	vst v63  }
.Ltmp6:
0x352: {  	_ = 	snop;
	(pc) =	sbr.rel @p1 .LBB2_12-.Ltmp6, $4  }
0x353: {  	s21 =	sadd.s32 s1, s12;
	s23 =	simm.s32 $0x15C00  }
0x354: {  	[hbm4b:s21+s3] =	stream.linear.scatter [tilespmem:s23], [sflag:$0x8], $0x400, $0x38;
	[tilespmem:$0x16400] =	vst v63  }
0x355: {  	s1 =	sadd.s32 s1, s13;
	s25 =	simm.s32 $0x16000  }
0x356: {  	[hbm4b:s1+s3] =	stream.linear.scatter [tilespmem:s25], [sflag:$0x8], $0x400, $0x38;
	[tilespmem:$0x16400] =	vst v63  }
.Ltmp7:
0x357: {  	(pc) =	sbr.rel .LBB2_2-.Ltmp7, $4  }
0x358: {  	s1 =	sshll.u32 s31, $0x9  }
0x359: {  	s1 =	sand.u32 $0x3FFFFE00, s1  }
0x35a: {  	s5 =	simm.s32 $0x80;
	s31 =	sadd.s32 $0x1, s31;
	s1 =	sadd.s32 $0x380, s1  }
0x35b: {  	v30 =	vlaneseq.u32;
	v0 =	vmov v13;
	[tilespmem:s22], [sflag:$0x4] =	stream.indirect.gather [hbm4b:s4+s5], $0x40, s1, s5, $0xb8;
	[tilespmem:$0x16400] =	vst v63  }
.LBB2_13:
0x35c: {  	_ =	sfence.sel $0x180000  }
0x35d: {  	[bflag:$0x0] =	sbarrier.arrive $0xFFFF  }
0x35e: {  	_ =	strace $0x90000047  }
0x35f: {  	s0 =	stileid.u32;
	[bflag:$0x2] =	sbarrier.arrive $0xFFFF  }
0x360: {  	p0 =	sne.s32 s0, $0x0;
	s0 =	rddreg [dreg:$0x2]  }
0x361: {  	s0 =	sadd.s32 @!p0 $0x100000, s0  }
0x362: {  	[sflag:s0] =	ssyncadd.tile.s32 @!p0 $0x1;
	_ =	shalt  }
.Lfunc_end2:
_tile_overlayer_lowered:
.L_overlay_start_2:
0x363: {  	(tag) =	ssettag $0x2  }
0x364: {  	s0 =	rddreg [dreg:$0x0];
	s2 =	stileid.u32  }
0x365: {  	s1 =	rddreg [dreg:$0x1];
	p0 =	sne.s32 s2, $0x0  }
0x366: {  	s3 =	rddreg [dreg:$0x2];
	[bflag:$0x3] =	sbarrier.arrive $0xFFFF;
	s2 =	simm.s32 @!p0 $0x1C09  }
0x367: {  	[timem:s3], [sflag:s2] =	dma.local @!p0 [hbm:s0], s1  }
0x368: {  	s0 =	simm.s32 @!p0 $0x9  }
0x369: {  	_ =	swait.ge @!p0 [sflag:s0], s1  }
0x36a: {  	s1 =	ssub.s32 @!p0 $0x0, s1;
	[sflag:s0] =	ssyncset.done @!p0 $0x0  }
0x36b: {  	[sflag:s0] =	ssyncadd.s32 @!p0 s1  }
0x36c: {  	[bflag:$0x3] =	sbarrier.arrive $0xFFFF  }
0x36d: {  	_ =	shalt  }

</sc_bundles>
